<compile_context>
chip_gen: v7x
topology: tpu7x:2x2x1
jax: 0.10.2.dev20260603
libtpu: 0.0.44.dev20260713+nightly
codegen_flags: <defaults>
</compile_context>

<pallas_src>
import functools

import jax
import jax.numpy as jnp
from jax import lax
from jax.experimental import pallas as pl
from jax.experimental.pallas import tpu as pltpu
from jax.experimental.pallas import tpu_sc as plsc

F32 = jnp.float32



def _expand_col(xw, u, v):
    y2 = jnp.dot(u, xw, preferred_element_type=F32)
    return jnp.sum(y2 * v, axis=1, keepdims=True)


def _pack_lanes(ycol, ut, v):
    return jnp.dot(ut, ycol * v, preferred_element_type=F32)


def _enc_body(el_ref, et_ref, u_ref, v_ref,
              wga_ref, bga_ref, wgb_ref, bgb_ref, embg_ref,
              wla_ref, bla_ref, wlb_ref, blb_ref, embl_ref,
              outg_ref, outl_ref):
    elw = el_ref[0]
    etw = et_ref[0].astype(F32)
    k = elw.shape[0]
    eb = k * 128
    ncls = embg_ref.shape[0]
    u = u_ref[...]
    v = v_ref[...]
    el = _expand_col(elw, u, v)
    et = _expand_col(etw, u, v)
    ioc = lax.broadcasted_iota(jnp.int32, (eb, ncls), 1).astype(F32)
    oh = (et == ioc).astype(F32)

    def enc(wa, ba, wb, bb, emb):
        h = jnp.maximum(el * wa + ba, 0.0)
        d = jnp.dot(h, wb, preferred_element_type=F32) + bb
        return d * jnp.dot(oh, emb, preferred_element_type=F32)

    outg_ref[...] = enc(wga_ref[...], bga_ref[...], wgb_ref[...],
                        bgb_ref[...], embg_ref[...])
    outl_ref[...] = enc(wla_ref[...], bla_ref[...], wlb_ref[...],
                        blb_ref[...], embl_ref[...])


def _edge_encode(el_l, et_l, u, v, Wg_a, bg_a, Wg_b, bg_b, emb_g,
                 Wl_a, bl_a, Wl_b, bl_b, emb_l):
    G, k, L = el_l.shape
    E = G * k * L
    eb = k * L
    H = emb_g.shape[1]
    C = emb_g.shape[0]
    full = lambda s: pl.BlockSpec(s, lambda i: (0, 0))
    return pl.pallas_call(
        _enc_body,
        grid=(G,),
        in_specs=[
            pl.BlockSpec((1, k, L), lambda i: (i, 0, 0)),
            pl.BlockSpec((1, k, L), lambda i: (i, 0, 0)),
            full((eb, k)), full((eb, L)),
            full((1, H)), full((1, H)), full((H, H)), full((1, H)),
            full((C, H)),
            full((1, H)), full((1, H)), full((H, H)), full((1, H)),
            full((C, H)),
        ],
        out_specs=[pl.BlockSpec((eb, H), lambda i: (i, 0))] * 2,
        out_shape=[jax.ShapeDtypeStruct((E, H), F32)] * 2,
    )(el_l, et_l, u, v, Wg_a, bg_a, Wg_b, bg_b, emb_g,
      Wl_a, bl_a, Wl_b, bl_b, emb_l)



def _sc_scatter(attr_g, attr_l, col, N):
    E, H = attr_g.shape
    ch = 80
    info = plsc.get_sparse_core_info()
    ns = info.num_subcores
    ept = E // ns
    nch = ept // ch
    npair = nch // 2
    rpb = (N // (8 * ns)) * 8
    tail = N - rpb * ns
    nz = rpb // ch
    zrem = rpb - nz * ch
    mesh = plsc.VectorSubcoreMesh(core_axis_name="c", subcore_axis_name="s")

    @functools.partial(
        pl.kernel,
        out_type=(jax.ShapeDtypeStruct((N, H), F32),
                  jax.ShapeDtypeStruct((N, H), F32)),
        mesh=mesh,
        scratch_types=[
            pltpu.VMEM((ch,), jnp.int32),
            pltpu.VMEM((ch,), jnp.int32),
            pltpu.VMEM((2, ch, H), F32),
            pltpu.VMEM_SHARED((N, H), F32),
            pltpu.SemaphoreType.DMA,
            pltpu.SemaphoreType.DMA,
            pltpu.SemaphoreType.DMA,
        ],
    )
    def scat(attrg_h, attrl_h, col_h, outg_h, outl_h,
             idx0, idx1, rows_v, tab_s, rsem, isem, ssem):
        cid = lax.axis_index("c")
        sid = lax.axis_index("s")

        def zrow(r, carry):
            for j in range(H // 16):
                rows_v[0, r, pl.ds(j * 16, 16)] = jnp.zeros((16,), F32)
            return carry
        lax.fori_loop(0, ch, zrow, 0)

        def zcp(k, carry):
            pltpu.sync_copy(rows_v.at[0],
                            tab_s.at[pl.ds(sid * rpb + k * ch, ch)])
            return carry
        lax.fori_loop(0, nz, zcp, 0)
        if zrem:
            pltpu.sync_copy(rows_v.at[0, pl.ds(0, zrem)],
                            tab_s.at[pl.ds(sid * rpb + nz * ch, zrem)])
        if tail:
            @pl.when(sid == ns - 1)
            def _():
                pltpu.sync_copy(rows_v.at[0, pl.ds(0, tail)],
                                tab_s.at[pl.ds(ns * rpb, tail)])
        plsc.subcore_barrier()

        def run(attr_h):
            base = sid * ept
            pltpu.async_copy(col_h.at[pl.ds(base, ch)], idx0, isem)
            pltpu.async_copy(attr_h.at[pl.ds(base, ch)], rows_v.at[0], rsem)

            def wait_rows(b):
                pltpu.make_async_copy(attr_h.at[pl.ds(0, ch)],
                                      rows_v.at[b], rsem).wait()

            def wait_idx(b):
                pltpu.make_async_copy(col_h.at[pl.ds(0, ch)],
                                      idx0 if b == 0 else idx1, isem).wait()

            def drain_scat():
                pltpu.make_async_copy(attr_h.at[pl.ds(0, ch)],
                                      rows_v.at[0], ssem).wait()

            def pair(i, carry):
                for b in range(2):
                    j = 2 * i + b
                    off = base + j * ch

                    @pl.when(j >= 1)
                    def _():
                        drain_scat()

                    @pl.when(j + 1 < nch)
                    def _():
                        pltpu.async_copy(col_h.at[pl.ds(off + ch, ch)],
                                         idx1 if b == 0 else idx0, isem)
                        pltpu.async_copy(attr_h.at[pl.ds(off + ch, ch)],
                                         rows_v.at[1 - b], rsem)
                    wait_idx(b)
                    wait_rows(b)
                    pltpu.async_copy(rows_v.at[b],
                                     tab_s.at[idx0 if b == 0 else idx1],
                                     ssem, add=True)
                return carry
            lax.fori_loop(0, npair, pair, 0)
            drain_scat()

        @pl.when(cid == 0)
        def _():
            run(attrg_h)

        @pl.when(cid == 1)
        def _():
            run(attrl_h)

        plsc.subcore_barrier()

        def writeout(out_h):
            pltpu.sync_copy(tab_s.at[pl.ds(sid * rpb, rpb)],
                            out_h.at[pl.ds(sid * rpb, rpb)])
            if tail:
                @pl.when(sid == ns - 1)
                def _():
                    pltpu.sync_copy(tab_s.at[pl.ds(ns * rpb, tail)],
                                    out_h.at[pl.ds(ns * rpb, tail)])

        @pl.when(cid == 0)
        def _():
            writeout(outg_h)

        @pl.when(cid == 1)
        def _():
            writeout(outl_h)

    return scat(attr_g, attr_l, col)



def _nt_body(ng_ref, nl_ref, wgt_ref, wgbo_ref, bg1_ref,
             wlt_ref, wlbo_ref, bl1_ref, batch_ref, ts_ref, al_ref,
             gt_ref, gb_ref, lt_ref, lb_ref, cnt_ref, sa_ref):
    ng = ng_ref[...]
    nl = nl_ref[...]
    gt_ref[...] = jnp.dot(ng, wgt_ref[...], preferred_element_type=F32) + bg1_ref[...]
    gb_ref[...] = jnp.dot(ng, wgbo_ref[...], preferred_element_type=F32)
    lt_ref[...] = jnp.dot(nl, wlt_ref[...], preferred_element_type=F32) + bl1_ref[...]
    lb_ref[...] = jnp.dot(nl, wlbo_ref[...], preferred_element_type=F32)

    @pl.when(pl.program_id(0) == 0)
    def _():
        batch = batch_ref[...]
        n = batch.shape[0]
        b = cnt_ref.shape[1]
        lt = (batch < lax.broadcasted_iota(jnp.int32, (n, b), 1)).astype(F32)
        cnt_ref[...] = jnp.sum(lt, axis=0, keepdims=True)
        ts = ts_ref[...]
        t = al_ref.shape[0]
        oh = (ts == lax.broadcasted_iota(jnp.int32, (b, t), 1)).astype(F32)
        a = jnp.dot(oh, al_ref[...], preferred_element_type=F32)
        sa = jnp.sqrt(a) / jnp.sqrt(1.0 - a)
        dsa = sa - jnp.concatenate([jnp.zeros((1, 1), F32), sa[:-1]], axis=0)
        sa_ref[...] = dsa


def _node_transform(node_g, node_l, wgt, wgb, bg1, wlt, wlb, bl1,
                    batch2, ts2, al2, nb=2000):
    N, H = node_g.shape
    B = ts2.shape[0]
    T = al2.shape[0]
    full = lambda s: pl.BlockSpec(s, lambda i: (0, 0))
    return pl.pallas_call(
        _nt_body,
        grid=(N // nb,),
        in_specs=[
            pl.BlockSpec((nb, H), lambda i: (i, 0)),
            pl.BlockSpec((nb, H), lambda i: (i, 0)),
            full((H, H)), full((H, H)), full((1, H)),
            full((H, H)), full((H, H)), full((1, H)),
            full((N, 1)), full((B, 1)), full((T, 1)),
        ],
        out_specs=[pl.BlockSpec((nb, H), lambda i: (i, 0))] * 4 + [
            full((1, B)), full((B, 1))],
        out_shape=[jax.ShapeDtypeStruct((N, H), F32)] * 4 + [
            jax.ShapeDtypeStruct((1, B), F32),
            jax.ShapeDtypeStruct((B, 1), F32)],
    )(node_g, node_l, wgt, wgb, bg1, wlt, wlb, bl1, batch2, ts2, al2)



def _sc_gather(gt, gb, ltab, lbot, row3, col3, E):
    N, H = gt.shape
    ch = row3.shape[2]
    nch = row3.shape[1]
    info = plsc.get_sparse_core_info()
    ns = info.num_subcores
    ept = E // ns
    npair = nch // 2
    mesh = plsc.VectorSubcoreMesh(core_axis_name="c", subcore_axis_name="s")

    @functools.partial(
        pl.kernel,
        out_type=(jax.ShapeDtypeStruct((E, H), F32),
                  jax.ShapeDtypeStruct((E, H), F32)),
        mesh=mesh,
        scratch_types=[
            pltpu.VMEM((nch, ch), jnp.int32),
            pltpu.VMEM((nch, ch), jnp.int32),
            pltpu.VMEM((2, ch, H), F32),
            pltpu.VMEM((2, ch, H), F32),
            pltpu.SemaphoreType.DMA,
            pltpu.SemaphoreType.DMA,
        ],
    )
    def gat(gt_h, gb_h, lt_h, lb_h, row_h, col_h, outg_h, outl_h,
            rowv, colv, av, bv, gsem, wsem):
        cid = lax.axis_index("c")
        sid = lax.axis_index("s")

        def run(t1, t2, out_h):
            pltpu.sync_copy(row_h.at[sid], rowv)
            pltpu.sync_copy(col_h.at[sid], colv)
            pltpu.async_copy(t1.at[rowv.at[0]], av.at[0], gsem)
            pltpu.async_copy(t2.at[colv.at[0]], bv.at[0], gsem)

            def wait_g(b):
                pltpu.make_async_copy(out_h.at[pl.ds(0, ch)],
                                      av.at[b], gsem).wait()
                pltpu.make_async_copy(out_h.at[pl.ds(0, ch)],
                                      bv.at[b], gsem).wait()

            def drain_w():
                pltpu.make_async_copy(out_h.at[pl.ds(0, ch)],
                                      av.at[0], wsem).wait()

            def pair(i, carry):
                for b in range(2):
                    j = 2 * i + b
                    off = sid * ept + j * ch
                    wait_g(b)

                    @pl.when(j + 1 < nch)
                    def _():
                        @pl.when(j >= 1)
                        def _():
                            drain_w()
                        pltpu.async_copy(t1.at[rowv.at[j + 1]],
                                         av.at[1 - b], gsem)
                        pltpu.async_copy(t2.at[colv.at[j + 1]],
                                         bv.at[1 - b], gsem)

                    ab = av.at[b]
                    bb = bv.at[b]

                    @plsc.parallel_loop(0, ch, unroll=4)
                    def _(r):
                        for jj in range(H // 16):
                            sl = pl.ds(jj * 16, 16)
                            ab[r, sl] = ab[r, sl] + bb[r, sl]
                    pltpu.async_copy(ab, out_h.at[pl.ds(off, ch)], wsem)
                return carry
            lax.fori_loop(0, npair, pair, 0)
            drain_w()
            drain_w()

        @pl.when(cid == 0)
        def _():
            run(gt_h, gb_h, outg_h)

        @pl.when(cid == 1)
        def _():
            run(lt_h, lb_h, outl_h)

    return gat(gt, gb, ltab, lbot, row3, col3)



def _mlp_body(h1g_ref, h1l_ref, roww_ref, etw_ref, u_ref, ut_ref, v_ref,
              cnt_ref, dsa_ref,
              wg2_ref, bg2_ref, wl2_ref, bl2_ref, w3_ref, b3_ref,
              og_ref, ol_ref):
    hg = jnp.maximum(jnp.dot(jnp.maximum(h1g_ref[...], 0.0), wg2_ref[...],
                             preferred_element_type=F32) + bg2_ref[...], 0.0)
    hl = jnp.maximum(jnp.dot(jnp.maximum(h1l_ref[...], 0.0), wl2_ref[...],
                             preferred_element_type=F32) + bl2_ref[...], 0.0)
    h2 = jnp.concatenate([hg, hl], axis=1)
    out2 = jnp.dot(h2, w3_ref[...], preferred_element_type=F32) + b3_ref[...]
    og = out2[:, 0:1]
    ol = out2[:, 1:2]
    roww = roww_ref[0].astype(F32)
    etw = etw_ref[0]
    u = u_ref[...]
    ut = ut_ref[...]
    v = v_ref[...]
    row = _expand_col(roww, u, v)
    cnt = cnt_ref[...]
    ge = (row >= cnt).astype(F32)
    scale = jnp.dot(ge, dsa_ref[...], preferred_element_type=F32)
    maskw = (etw > 0).astype(F32)
    og_ref[0] = _pack_lanes(og * scale, ut, v)
    ol_ref[0] = _pack_lanes(ol, ut, v) * maskw


def _edge_mlp(h1g, h1l, row_l, et_l, u, ut, v, cnt, dsa,
              Wg2, bg2, Wl2, bl2, w3cat, b3cat):
    E, H = h1g.shape
    G, k, L = row_l.shape
    eb = k * L
    B = cnt.shape[1]
    K = Wg2.shape[1]
    full = lambda s: pl.BlockSpec(s, lambda i: (0, 0))
    return pl.pallas_call(
        _mlp_body,
        grid=(G,),
        in_specs=[
            pl.BlockSpec((eb, H), lambda i: (i, 0)),
            pl.BlockSpec((eb, H), lambda i: (i, 0)),
            pl.BlockSpec((1, k, L), lambda i: (i, 0, 0)),
            pl.BlockSpec((1, k, L), lambda i: (i, 0, 0)),
            full((eb, k)), full((k, eb)), full((eb, L)),
            full((1, B)), full((B, 1)),
            full((H, K)), full((1, K)),
            full((H, K)), full((1, K)),
            full((2 * K, 2)), full((1, 2)),
        ],
        out_specs=[pl.BlockSpec((1, k, L), lambda i: (i, 0, 0))] * 2,
        out_shape=[jax.ShapeDtypeStruct((G, k, L), F32)] * 2,
    )(h1g, h1l, row_l, et_l, u, ut, v, cnt, dsa,
      Wg2, bg2, Wl2, bl2, w3cat, b3cat)



def kernel(atom_type, pos, bond_index, bond_type, batch, time_step,
           edge_index, edge_type, edge_length, alphas,
           emb_g, Wg_a, bg_a, Wg_b, bg_b, emb_l, Wl_a, bl_a, Wl_b, bl_b,
           Wg1, bg1, Wg2, bg2, Wg3, bg3, Wl1, bl1, Wl2, bl2, Wl3, bl3):
    E = edge_index.shape[1]
    N = batch.shape[0]
    H = emb_g.shape[1]
    ch = 80
    L = 128
    row = edge_index[0].astype(jnp.int32)
    col = edge_index[1].astype(jnp.int32)
    kk = 50
    g = E // (kk * L)
    eb = kk * L
    u = (jnp.arange(eb)[:, None] // L ==
         jnp.arange(kk)[None, :]).astype(F32)
    v = (jnp.arange(eb)[:, None] % L ==
         jnp.arange(L)[None, :]).astype(F32)
    ut = u.T
    row_l = row.reshape(g, kk, L)
    et_l = edge_type.astype(jnp.int32).reshape(g, kk, L)
    el_l = edge_length.astype(F32).reshape(g, kk, L)
    rowc = row.reshape(16, E // (16 * ch), ch)
    colc = col.reshape(16, E // (16 * ch), ch)

    attr_g, attr_l = _edge_encode(
        el_l, et_l, u, v, Wg_a, bg_a.reshape(1, H), Wg_b, bg_b.reshape(1, H), emb_g,
        Wl_a, bl_a.reshape(1, H), Wl_b, bl_b.reshape(1, H), emb_l)

    node_g, node_l = _sc_scatter(attr_g, attr_l, col, N)

    gt, gb, ltab, lbot, cnt, sa = _node_transform(
        node_g, node_l, Wg1[:H], Wg1[H:], bg1.reshape(1, H),
        Wl1[:H], Wl1[H:], bl1.reshape(1, H),
        batch.astype(jnp.int32).reshape(N, 1),
        time_step.astype(jnp.int32).reshape(-1, 1),
        alphas.astype(F32).reshape(-1, 1))

    h1g, h1l = _sc_gather(gt, gb, ltab, lbot, rowc, colc, E)

    z3 = jnp.zeros_like(Wg3)
    w3cat = jnp.concatenate(
        [jnp.concatenate([Wg3, z3], axis=1),
         jnp.concatenate([z3, Wl3], axis=1)], axis=0)
    b3cat = jnp.stack([bg3[0], bl3[0]]).reshape(1, 2)
    og, ol = _edge_mlp(h1g, h1l, row_l, et_l, u, ut, v, cnt, sa,
                       Wg2, bg2.reshape(1, -1), Wl2, bl2.reshape(1, -1),
                       w3cat, b3cat)
    return jnp.stack([og.reshape(E), ol.reshape(E)], axis=1)

# --- scband reference (transcript-rebuilt; emitter-appended) ---
"""Pipeline reference for scband-dual-encoder-eps-network-12309376270690 (READ-ONLY COPY).

The authoritative reference and input builder live on the scoring server;
editing this copy changes nothing except your own understanding.
"""

import jax, jax.numpy as jnp
import numpy as np

N = 10000
E = 320000
H = 128
B = 64
T = 5000

def _alphas():
    betas = 1.0 / (np.exp(-np.linspace(-6.0, 6.0, T)) + 1.0) * (2e-3 - 1e-7) + 1e-7
    return jnp.asarray(np.cumprod(1.0 - betas).astype(np.float32))

def setup_inputs(seed: int = 0):
    key = jax.random.key(seed)
    ks = jax.random.split(key, 32)
    inp = {}
    inp["atom_type"] = jax.random.randint(ks[0], (N,), 0, 100)
    inp["pos"] = jax.random.normal(ks[1], (N, 3), dtype=jnp.float32)
    inp["bond_index"] = jax.random.randint(ks[2], (2, E), 0, N)
    inp["bond_type"] = jax.random.randint(ks[3], (E,), 0, 100)
    inp["batch"] = jnp.sort(jax.random.randint(ks[4], (N,), 0, B))
    inp["time_step"] = jax.random.randint(ks[5], (B,), 0, T)
    inp["edge_index"] = jax.random.randint(ks[6], (2, E), 0, N)
    inp["edge_type"] = jax.random.randint(ks[7], (E,), 0, 100)
    inp["edge_length"] = jax.random.uniform(ks[8], (E, 1), dtype=jnp.float32) * 10.0
    inp["alphas"] = _alphas()
    def w(k, shape):
        return 0.1 * jax.random.normal(k, shape, dtype=jnp.float32)
    inp["emb_g"] = w(ks[9], (100, H))
    inp["Wg_a"] = w(ks[10], (1, H)); inp["bg_a"] = jnp.zeros((H,), jnp.float32)
    inp["Wg_b"] = w(ks[11], (H, H)); inp["bg_b"] = jnp.zeros((H,), jnp.float32)
    inp["emb_l"] = w(ks[12], (100, H))
    inp["Wl_a"] = w(ks[13], (1, H)); inp["bl_a"] = jnp.zeros((H,), jnp.float32)
    inp["Wl_b"] = w(ks[14], (H, H)); inp["bl_b"] = jnp.zeros((H,), jnp.float32)
    inp["Wg1"] = w(ks[15], (2 * H, H)); inp["bg1"] = jnp.zeros((H,), jnp.float32)
    inp["Wg2"] = w(ks[16], (H, H // 2)); inp["bg2"] = jnp.zeros((H // 2,), jnp.float32)
    inp["Wg3"] = w(ks[17], (H // 2, 1)); inp["bg3"] = jnp.zeros((1,), jnp.float32)
    inp["Wl1"] = w(ks[18], (2 * H, H)); inp["bl1"] = jnp.zeros((H,), jnp.float32)
    inp["Wl2"] = w(ks[19], (H, H // 2)); inp["bl2"] = jnp.zeros((H // 2,), jnp.float32)
    inp["Wl3"] = w(ks[20], (H // 2, 1)); inp["bl3"] = jnp.zeros((1,), jnp.float32)
    return inp

def _edge_enc(el, et, Wa, ba, Wb, bb, emb):
    h = jnp.maximum(el @ Wa + ba, 0.0)
    d = h @ Wb + bb
    return d * emb[et]

def _mlp3(x, W1, b1, W2, b2, W3, b3):
    h = jnp.maximum(x @ W1 + b1, 0.0)
    h = jnp.maximum(h @ W2 + b2, 0.0)
    return h @ W3 + b3

def reference(atom_type, pos, bond_index, bond_type, batch, time_step, edge_index, edge_type, edge_length, alphas, emb_g, Wg_a, bg_a, Wg_b, bg_b, emb_l, Wl_a, bl_a, Wl_b, bl_b, Wg1, bg1, Wg2, bg2, Wg3, bg3, Wl1, bl1, Wl2, bl2, Wl3, bl3):
    row, col = edge_index[0], edge_index[1]
    edge2graph = batch[row]
    a = alphas[time_step]
    a_edge = a[edge2graph][:, None]
    sigma_t_edge = jnp.sqrt(1.0 - a_edge) / jnp.sqrt(a_edge)
    attr_g = _edge_enc(edge_length, edge_type, Wg_a, bg_a, Wg_b, bg_b, emb_g)
    attr_l = _edge_enc(edge_length, edge_type, Wl_a, bl_a, Wl_b, bl_b, emb_l)
    node_g = jax.ops.segment_sum(attr_g, col, num_segments=N)
    node_l = jax.ops.segment_sum(attr_l, col, num_segments=N)
    h_pair_g = jnp.concatenate([node_g[row], node_g[col]], axis=-1)
    h_pair_l = jnp.concatenate([node_l[row], node_l[col]], axis=-1)
    edge_inv_global = _mlp3(h_pair_g, Wg1, bg1, Wg2, bg2, Wg3, bg3) * (1.0 / sigma_t_edge)
    local_mask = (edge_type > 0).astype(jnp.float32)[:, None]
    edge_inv_local = _mlp3(h_pair_l, Wl1, bl1, Wl2, bl2, Wl3, bl3) * local_mask
    return jnp.concatenate([edge_inv_global, edge_inv_local], axis=-1)

if __name__ == "__main__":
    import jax
    _d = setup_inputs()
    print(jax.jit(kernel)(*tuple(_d.values())))

</pallas_src>

<mosaic_0001>
#map = affine_map<(d0, d1) -> (0, 0)>
#map1 = affine_map<(d0, d1) -> (0)>
module attributes {stable_mosaic.version = 14 : i64} {
  func.func @scat(%arg0: i32, %arg1: i32, %arg2: memref<320000x128xf32, #tpu.memory_space<hbm>>, %arg3: memref<320000x128xf32, #tpu.memory_space<hbm>>, %arg4: memref<320000xi32, #tpu.memory_space<hbm>>, %arg5: memref<10000x128xf32, #tpu.memory_space<hbm>>, %arg6: memref<10000x128xf32, #tpu.memory_space<hbm>>, %arg7: memref<80xi32, #tpu.memory_space<vmem>>, %arg8: memref<80xi32, #tpu.memory_space<vmem>>, %arg9: memref<2x80x128xf32, #tpu.memory_space<vmem>>, %arg10: memref<10000x128xf32, #tpu.memory_space<vmem_shared>>, %arg11: memref<!tpu.dma_semaphore, #tpu.memory_space<semaphore_mem>>, %arg12: memref<!tpu.dma_semaphore, #tpu.memory_space<semaphore_mem>>, %arg13: memref<!tpu.dma_semaphore, #tpu.memory_space<semaphore_mem>>) attributes {dimension_semantics = [#tpu.dimension_semantics<core_parallel>, #tpu.dimension_semantics<subcore_parallel>], iteration_bounds = array<i64: 2, 16>, scalar_prefetch = 0 : i64, scratch_operands = 7 : i64, tpu.core_type = #tpu.core_type<sc_vector_subcore>, window_params = [{transform_indices = #map}, {transform_indices = #map}, {transform_indices = #map1}, {transform_indices = #map}, {transform_indices = #map}]} {
    %scan3A = arith.constant 0 : i32
    %scan3A_0 = arith.constant 0 : i32
    %scan3A_1 = arith.constant 80 : i32
    %scan3A_2 = arith.addi %scan3A_0, %scan3A_1 : i32
    %scan3A_3 = arith.constant 1 : i32
    scf.for %scan3A_36 = %scan3A_0 to %scan3A_2 step %scan3A_3  : i32 {
      %broadcast_in_dim3A = arith.constant 0.000000e+00 : f32
      %broadcast_in_dim3A_37 = vector.broadcast %broadcast_in_dim3A : f32 to vector<16xf32>
      %swap3A = arith.constant 0 : i32
      %swap3A_38 = arith.index_cast %swap3A : i32 to index
      %swap3A_39 = arith.index_cast %scan3A_36 : i32 to index
      %swap3A_40 = arith.constant 0 : index
      %swap3A_41 = tpu.vector_load %arg9[%swap3A_38, %swap3A_39, %swap3A_40] {strides = array<i32>} : memref<2x80x128xf32, #tpu.memory_space<vmem>>, vector<1x1x16xf32>,
      %swap3A_42 = vector.shape_cast %swap3A_41 : vector<1x1x16xf32> to vector<16xf32>
      %swap3A_43 = vector.shape_cast %broadcast_in_dim3A_37 : vector<16xf32> to vector<1x1x16xf32>
      tpu.vector_store %arg9[%swap3A_38, %swap3A_39, %swap3A_40], %swap3A_43 {strides = array<i32>} : memref<2x80x128xf32, #tpu.memory_space<vmem>>, vector<1x1x16xf32>,
      %broadcast_in_dim3A_44 = arith.constant 0.000000e+00 : f32
      %broadcast_in_dim3A_45 = vector.broadcast %broadcast_in_dim3A_44 : f32 to vector<16xf32>
      %swap3A_46 = arith.constant 0 : i32
      %swap3A_47 = arith.index_cast %swap3A_46 : i32 to index
      %swap3A_48 = arith.index_cast %scan3A_36 : i32 to index
      %swap3A_49 = arith.constant 16 : index
      %swap3A_50 = tpu.vector_load %arg9[%swap3A_47, %swap3A_48, %swap3A_49] {strides = array<i32>} : memref<2x80x128xf32, #tpu.memory_space<vmem>>, vector<1x1x16xf32>,
      %swap3A_51 = vector.shape_cast %swap3A_50 : vector<1x1x16xf32> to vector<16xf32>
      %swap3A_52 = vector.shape_cast %broadcast_in_dim3A_45 : vector<16xf32> to vector<1x1x16xf32>
      tpu.vector_store %arg9[%swap3A_47, %swap3A_48, %swap3A_49], %swap3A_52 {strides = array<i32>} : memref<2x80x128xf32, #tpu.memory_space<vmem>>, vector<1x1x16xf32>,
      %broadcast_in_dim3A_53 = arith.constant 0.000000e+00 : f32
      %broadcast_in_dim3A_54 = vector.broadcast %broadcast_in_dim3A_53 : f32 to vector<16xf32>
      %swap3A_55 = arith.constant 0 : i32
      %swap3A_56 = arith.index_cast %swap3A_55 : i32 to index
      %swap3A_57 = arith.index_cast %scan3A_36 : i32 to index
      %swap3A_58 = arith.constant 32 : index
      %swap3A_59 = tpu.vector_load %arg9[%swap3A_56, %swap3A_57, %swap3A_58] {strides = array<i32>} : memref<2x80x128xf32, #tpu.memory_space<vmem>>, vector<1x1x16xf32>,
      %swap3A_60 = vector.shape_cast %swap3A_59 : vector<1x1x16xf32> to vector<16xf32>
      %swap3A_61 = vector.shape_cast %broadcast_in_dim3A_54 : vector<16xf32> to vector<1x1x16xf32>
      tpu.vector_store %arg9[%swap3A_56, %swap3A_57, %swap3A_58], %swap3A_61 {strides = array<i32>} : memref<2x80x128xf32, #tpu.memory_space<vmem>>, vector<1x1x16xf32>,
      %broadcast_in_dim3A_62 = arith.constant 0.000000e+00 : f32
      %broadcast_in_dim3A_63 = vector.broadcast %broadcast_in_dim3A_62 : f32 to vector<16xf32>
      %swap3A_64 = arith.constant 0 : i32
      %swap3A_65 = arith.index_cast %swap3A_64 : i32 to index
      %swap3A_66 = arith.index_cast %scan3A_36 : i32 to index
      %swap3A_67 = arith.constant 48 : index
      %swap3A_68 = tpu.vector_load %arg9[%swap3A_65, %swap3A_66, %swap3A_67] {strides = array<i32>} : memref<2x80x128xf32, #tpu.memory_space<vmem>>, vector<1x1x16xf32>,
      %swap3A_69 = vector.shape_cast %swap3A_68 : vector<1x1x16xf32> to vector<16xf32>
      %swap3A_70 = vector.shape_cast %broadcast_in_dim3A_63 : vector<16xf32> to vector<1x1x16xf32>
      tpu.vector_store %arg9[%swap3A_65, %swap3A_66, %swap3A_67], %swap3A_70 {strides = array<i32>} : memref<2x80x128xf32, #tpu.memory_space<vmem>>, vector<1x1x16xf32>,
      %broadcast_in_dim3A_71 = arith.constant 0.000000e+00 : f32
      %broadcast_in_dim3A_72 = vector.broadcast %broadcast_in_dim3A_71 : f32 to vector<16xf32>
      %swap3A_73 = arith.constant 0 : i32
      %swap3A_74 = arith.index_cast %swap3A_73 : i32 to index
      %swap3A_75 = arith.index_cast %scan3A_36 : i32 to index
      %swap3A_76 = arith.constant 64 : index
      %swap3A_77 = tpu.vector_load %arg9[%swap3A_74, %swap3A_75, %swap3A_76] {strides = array<i32>} : memref<2x80x128xf32, #tpu.memory_space<vmem>>, vector<1x1x16xf32>,
      %swap3A_78 = vector.shape_cast %swap3A_77 : vector<1x1x16xf32> to vector<16xf32>
      %swap3A_79 = vector.shape_cast %broadcast_in_dim3A_72 : vector<16xf32> to vector<1x1x16xf32>
      tpu.vector_store %arg9[%swap3A_74, %swap3A_75, %swap3A_76], %swap3A_79 {strides = array<i32>} : memref<2x80x128xf32, #tpu.memory_space<vmem>>, vector<1x1x16xf32>,
      %broadcast_in_dim3A_80 = arith.constant 0.000000e+00 : f32
      %broadcast_in_dim3A_81 = vector.broadcast %broadcast_in_dim3A_80 : f32 to vector<16xf32>
      %swap3A_82 = arith.constant 0 : i32
      %swap3A_83 = arith.index_cast %swap3A_82 : i32 to index
      %swap3A_84 = arith.index_cast %scan3A_36 : i32 to index
      %swap3A_85 = arith.constant 80 : index
      %swap3A_86 = tpu.vector_load %arg9[%swap3A_83, %swap3A_84, %swap3A_85] {strides = array<i32>} : memref<2x80x128xf32, #tpu.memory_space<vmem>>, vector<1x1x16xf32>,
      %swap3A_87 = vector.shape_cast %swap3A_86 : vector<1x1x16xf32> to vector<16xf32>
      %swap3A_88 = vector.shape_cast %broadcast_in_dim3A_81 : vector<16xf32> to vector<1x1x16xf32>
      tpu.vector_store %arg9[%swap3A_83, %swap3A_84, %swap3A_85], %swap3A_88 {strides = array<i32>} : memref<2x80x128xf32, #tpu.memory_space<vmem>>, vector<1x1x16xf32>,
      %broadcast_in_dim3A_89 = arith.constant 0.000000e+00 : f32
      %broadcast_in_dim3A_90 = vector.broadcast %broadcast_in_dim3A_89 : f32 to vector<16xf32>
      %swap3A_91 = arith.constant 0 : i32
      %swap3A_92 = arith.index_cast %swap3A_91 : i32 to index
      %swap3A_93 = arith.index_cast %scan3A_36 : i32 to index
      %swap3A_94 = arith.constant 96 : index
      %swap3A_95 = tpu.vector_load %arg9[%swap3A_92, %swap3A_93, %swap3A_94] {strides = array<i32>} : memref<2x80x128xf32, #tpu.memory_space<vmem>>, vector<1x1x16xf32>,
      %swap3A_96 = vector.shape_cast %swap3A_95 : vector<1x1x16xf32> to vector<16xf32>
      %swap3A_97 = vector.shape_cast %broadcast_in_dim3A_90 : vector<16xf32> to vector<1x1x16xf32>
      tpu.vector_store %arg9[%swap3A_92, %swap3A_93, %swap3A_94], %swap3A_97 {strides = array<i32>} : memref<2x80x128xf32, #tpu.memory_space<vmem>>, vector<1x1x16xf32>,
      %broadcast_in_dim3A_98 = arith.constant 0.000000e+00 : f32
      %broadcast_in_dim3A_99 = vector.broadcast %broadcast_in_dim3A_98 : f32 to vector<16xf32>
      %swap3A_100 = arith.constant 0 : i32
      %swap3A_101 = arith.index_cast %swap3A_100 : i32 to index
      %swap3A_102 = arith.index_cast %scan3A_36 : i32 to index
      %swap3A_103 = arith.constant 112 : index
      %swap3A_104 = tpu.vector_load %arg9[%swap3A_101, %swap3A_102, %swap3A_103] {strides = array<i32>} : memref<2x80x128xf32, #tpu.memory_space<vmem>>, vector<1x1x16xf32>,
      %swap3A_105 = vector.shape_cast %swap3A_104 : vector<1x1x16xf32> to vector<16xf32>
      %swap3A_106 = vector.shape_cast %broadcast_in_dim3A_99 : vector<16xf32> to vector<1x1x16xf32>
      tpu.vector_store %arg9[%swap3A_101, %swap3A_102, %swap3A_103], %swap3A_106 {strides = array<i32>} : memref<2x80x128xf32, #tpu.memory_space<vmem>>, vector<1x1x16xf32>,
    }
    %scan3A_4 = arith.constant 80 : i32
    %scan3A_5 = arith.constant 0 : i32
    %scan3A_6 = arith.constant 0 : i32
    %scan3A_7 = arith.constant 7 : i32
    %scan3A_8 = arith.addi %scan3A_6, %scan3A_7 : i32
    %scan3A_9 = arith.constant 1 : i32
    scf.for %scan3A_36 = %scan3A_6 to %scan3A_8 step %scan3A_9  : i32 {
      %mul3A_37 = arith.constant 624 : i32
      %mul3A_38 = arith.muli %arg1, %mul3A_37 : i32
      %mul3A_39 = arith.constant 80 : i32
      %mul3A_40 = arith.muli %scan3A_36, %mul3A_39 : i32
      %add3A_41 = arith.addi %mul3A_38, %mul3A_40 : i32
      %run_scoped3A_42 = arith.constant 0 : i32
      "tpu.region"() ({
        %run_scoped3A_43 = tpu.sem_alloc : memref<!tpu.dma_semaphore, #tpu.memory_space<semaphore_mem>>
        %dma_start3A = arith.constant 0 : i32
        %dma_start3A_44 = arith.constant 0 : i32
        %dma_start3A_45 = tpu.memref_slice %arg9[%run_scoped3A_42, %dma_start3A, %dma_start3A_44] : memref<2x80x128xf32, #tpu.memory_space<vmem>> -> memref<1x80x128xf32, #tpu.memory_space<vmem>>
        %dma_start3A_46 = tpu.memref_squeeze %dma_start3A_45 : memref<1x80x128xf32, #tpu.memory_space<vmem>> -> memref<80x128xf32, #tpu.memory_space<vmem>>
        %dma_start3A_47 = arith.constant 0 : i32
        %dma_start3A_48 = tpu.memref_slice %arg10[%add3A_41, %dma_start3A_47] : memref<10000x128xf32, #tpu.memory_space<vmem_shared>> -> memref<80x128xf32, #tpu.memory_space<vmem_shared>>
        %dma_start3A_49 = arith.constant 0 : i32
        %dma_start3A_50 = tpu.memref_slice %arg10[%add3A_41, %dma_start3A_49] : memref<10000x128xf32, #tpu.memory_space<vmem_shared>> -> memref<80x128xf32, #tpu.memory_space<vmem_shared>>
        %dma_start3A_51 = arith.constant 0 : i32
        %dma_start3A_52 = arith.constant 0 : i32
        %dma_start3A_53 = tpu.memref_slice %arg9[%run_scoped3A_42, %dma_start3A_51, %dma_start3A_52] : memref<2x80x128xf32, #tpu.memory_space<vmem>> -> memref<1x80x128xf32, #tpu.memory_space<vmem>>
        %dma_start3A_54 = tpu.memref_squeeze %dma_start3A_53 : memref<1x80x128xf32, #tpu.memory_space<vmem>> -> memref<80x128xf32, #tpu.memory_space<vmem>>
        tpu.enqueue_dma source(%dma_start3A_54 : memref<80x128xf32, #tpu.memory_space<vmem>>) target(%dma_start3A_50 : memref<80x128xf32, #tpu.memory_space<vmem_shared>>) target_semaphore(%run_scoped3A_43 : memref<!tpu.dma_semaphore, #tpu.memory_space<semaphore_mem>>)
        %dma_wait3A = arith.constant 0 : i32
        %dma_wait3A_55 = arith.constant 0 : i32
        %dma_wait3A_56 = tpu.memref_slice %arg9[%run_scoped3A_42, %dma_wait3A, %dma_wait3A_55] : memref<2x80x128xf32, #tpu.memory_space<vmem>> -> memref<1x80x128xf32, #tpu.memory_space<vmem>>
        %dma_wait3A_57 = tpu.memref_squeeze %dma_wait3A_56 : memref<1x80x128xf32, #tpu.memory_space<vmem>> -> memref<80x128xf32, #tpu.memory_space<vmem>>
        %dma_wait3A_58 = arith.constant 0 : i32
        %dma_wait3A_59 = tpu.memref_slice %arg10[%add3A_41, %dma_wait3A_58] : memref<10000x128xf32, #tpu.memory_space<vmem_shared>> -> memref<80x128xf32, #tpu.memory_space<vmem_shared>>
        %dma_wait3A_60 = arith.constant 0 : i32
        %dma_wait3A_61 = tpu.memref_slice %arg10[%add3A_41, %dma_wait3A_60] : memref<10000x128xf32, #tpu.memory_space<vmem_shared>> -> memref<80x128xf32, #tpu.memory_space<vmem_shared>>
        %dma_wait3A_62 = arith.constant 0 : i32
        %dma_wait3A_63 = arith.constant 0 : i32
        %dma_wait3A_64 = tpu.memref_slice %arg9[%run_scoped3A_42, %dma_wait3A_62, %dma_wait3A_63] : memref<2x80x128xf32, #tpu.memory_space<vmem>> -> memref<1x80x128xf32, #tpu.memory_space<vmem>>
        %dma_wait3A_65 = tpu.memref_squeeze %dma_wait3A_64 : memref<1x80x128xf32, #tpu.memory_space<vmem>> -> memref<80x128xf32, #tpu.memory_space<vmem>>
        tpu.wait_dma2 semaphore(%run_scoped3A_43 : memref<!tpu.dma_semaphore, #tpu.memory_space<semaphore_mem>>) src(%dma_wait3A_65 : memref<80x128xf32, #tpu.memory_space<vmem>>) dst(%dma_wait3A_61 : memref<80x128xf32, #tpu.memory_space<vmem_shared>>)
        tpu.yield
      }) : () -> ()
    }
    %scan3A_10 = arith.constant 7 : i32
    %mul3A = arith.constant 624 : i32
    %mul3A_11 = arith.muli %arg1, %mul3A : i32
    %add3A = arith.constant 560 : i32
    %add3A_12 = arith.addi %mul3A_11, %add3A : i32
    %run_scoped3A = arith.constant 0 : i32
    "tpu.region"() ({
      %run_scoped3A_36 = tpu.sem_alloc : memref<!tpu.dma_semaphore, #tpu.memory_space<semaphore_mem>>
      %dma_start3A = arith.constant 0 : i32
      %dma_start3A_37 = arith.constant 0 : i32
      %dma_start3A_38 = tpu.memref_slice %arg9[%run_scoped3A, %dma_start3A, %dma_start3A_37] : memref<2x80x128xf32, #tpu.memory_space<vmem>> -> memref<1x64x128xf32, #tpu.memory_space<vmem>>
      %dma_start3A_39 = tpu.memref_squeeze %dma_start3A_38 : memref<1x64x128xf32, #tpu.memory_space<vmem>> -> memref<64x128xf32, #tpu.memory_space<vmem>>
      %dma_start3A_40 = arith.constant 0 : i32
      %dma_start3A_41 = tpu.memref_slice %arg10[%add3A_12, %dma_start3A_40] : memref<10000x128xf32, #tpu.memory_space<vmem_shared>> -> memref<64x128xf32, #tpu.memory_space<vmem_shared>>
      %dma_start3A_42 = arith.constant 0 : i32
      %dma_start3A_43 = tpu.memref_slice %arg10[%add3A_12, %dma_start3A_42] : memref<10000x128xf32, #tpu.memory_space<vmem_shared>> -> memref<64x128xf32, #tpu.memory_space<vmem_shared>>
      %dma_start3A_44 = arith.constant 0 : i32
      %dma_start3A_45 = arith.constant 0 : i32
      %dma_start3A_46 = tpu.memref_slice %arg9[%run_scoped3A, %dma_start3A_44, %dma_start3A_45] : memref<2x80x128xf32, #tpu.memory_space<vmem>> -> memref<1x64x128xf32, #tpu.memory_space<vmem>>
      %dma_start3A_47 = tpu.memref_squeeze %dma_start3A_46 : memref<1x64x128xf32, #tpu.memory_space<vmem>> -> memref<64x128xf32, #tpu.memory_space<vmem>>
      tpu.enqueue_dma source(%dma_start3A_47 : memref<64x128xf32, #tpu.memory_space<vmem>>) target(%dma_start3A_43 : memref<64x128xf32, #tpu.memory_space<vmem_shared>>) target_semaphore(%run_scoped3A_36 : memref<!tpu.dma_semaphore, #tpu.memory_space<semaphore_mem>>)
      %dma_wait3A = arith.constant 0 : i32
      %dma_wait3A_48 = arith.constant 0 : i32
      %dma_wait3A_49 = tpu.memref_slice %arg9[%run_scoped3A, %dma_wait3A, %dma_wait3A_48] : memref<2x80x128xf32, #tpu.memory_space<vmem>> -> memref<1x64x128xf32, #tpu.memory_space<vmem>>
      %dma_wait3A_50 = tpu.memref_squeeze %dma_wait3A_49 : memref<1x64x128xf32, #tpu.memory_space<vmem>> -> memref<64x128xf32, #tpu.memory_space<vmem>>
      %dma_wait3A_51 = arith.constant 0 : i32
      %dma_wait3A_52 = tpu.memref_slice %arg10[%add3A_12, %dma_wait3A_51] : memref<10000x128xf32, #tpu.memory_space<vmem_shared>> -> memref<64x128xf32, #tpu.memory_space<vmem_shared>>
      %dma_wait3A_53 = arith.constant 0 : i32
      %dma_wait3A_54 = tpu.memref_slice %arg10[%add3A_12, %dma_wait3A_53] : memref<10000x128xf32, #tpu.memory_space<vmem_shared>> -> memref<64x128xf32, #tpu.memory_space<vmem_shared>>
      %dma_wait3A_55 = arith.constant 0 : i32
      %dma_wait3A_56 = arith.constant 0 : i32
      %dma_wait3A_57 = tpu.memref_slice %arg9[%run_scoped3A, %dma_wait3A_55, %dma_wait3A_56] : memref<2x80x128xf32, #tpu.memory_space<vmem>> -> memref<1x64x128xf32, #tpu.memory_space<vmem>>
      %dma_wait3A_58 = tpu.memref_squeeze %dma_wait3A_57 : memref<1x64x128xf32, #tpu.memory_space<vmem>> -> memref<64x128xf32, #tpu.memory_space<vmem>>
      tpu.wait_dma2 semaphore(%run_scoped3A_36 : memref<!tpu.dma_semaphore, #tpu.memory_space<semaphore_mem>>) src(%dma_wait3A_58 : memref<64x128xf32, #tpu.memory_space<vmem>>) dst(%dma_wait3A_54 : memref<64x128xf32, #tpu.memory_space<vmem_shared>>)
      tpu.yield
    }) : () -> ()
    %eq3A = arith.constant 15 : i32
    %eq3A_13 = arith.cmpi eq, %arg1, %eq3A : i32
    %convert_element_type3A = arith.extui %eq3A_13 : i1 to i32
    %cond3A = arith.constant 0 : i32
    %cond3A_14 = arith.cmpi ne, %convert_element_type3A, %cond3A : i32
    scf.if %cond3A_14 {
      %run_scoped3A_36 = arith.constant 0 : i32
      "tpu.region"() ({
        %run_scoped3A_37 = tpu.sem_alloc : memref<!tpu.dma_semaphore, #tpu.memory_space<semaphore_mem>>
        %dma_start3A = arith.constant 0 : i32
        %dma_start3A_38 = arith.constant 0 : i32
        %dma_start3A_39 = tpu.memref_slice %arg9[%run_scoped3A_36, %dma_start3A, %dma_start3A_38] : memref<2x80x128xf32, #tpu.memory_space<vmem>> -> memref<1x16x128xf32, #tpu.memory_space<vmem>>
        %dma_start3A_40 = tpu.memref_squeeze %dma_start3A_39 : memref<1x16x128xf32, #tpu.memory_space<vmem>> -> memref<16x128xf32, #tpu.memory_space<vmem>>
        %dma_start3A_41 = arith.constant 9984 : i32
        %dma_start3A_42 = arith.constant 0 : i32
        %dma_start3A_43 = tpu.memref_slice %arg10[%dma_start3A_41, %dma_start3A_42] : memref<10000x128xf32, #tpu.memory_space<vmem_shared>> -> memref<16x128xf32, #tpu.memory_space<vmem_shared>>
        %dma_start3A_44 = arith.constant 9984 : i32
        %dma_start3A_45 = arith.constant 0 : i32
        %dma_start3A_46 = tpu.memref_slice %arg10[%dma_start3A_44, %dma_start3A_45] : memref<10000x128xf32, #tpu.memory_space<vmem_shared>> -> memref<16x128xf32, #tpu.memory_space<vmem_shared>>
        %dma_start3A_47 = arith.constant 0 : i32
        %dma_start3A_48 = arith.constant 0 : i32
        %dma_start3A_49 = tpu.memref_slice %arg9[%run_scoped3A_36, %dma_start3A_47, %dma_start3A_48] : memref<2x80x128xf32, #tpu.memory_space<vmem>> -> memref<1x16x128xf32, #tpu.memory_space<vmem>>
        %dma_start3A_50 = tpu.memref_squeeze %dma_start3A_49 : memref<1x16x128xf32, #tpu.memory_space<vmem>> -> memref<16x128xf32, #tpu.memory_space<vmem>>
        tpu.enqueue_dma source(%dma_start3A_50 : memref<16x128xf32, #tpu.memory_space<vmem>>) target(%dma_start3A_46 : memref<16x128xf32, #tpu.memory_space<vmem_shared>>) target_semaphore(%run_scoped3A_37 : memref<!tpu.dma_semaphore, #tpu.memory_space<semaphore_mem>>)
        %dma_wait3A = arith.constant 0 : i32
        %dma_wait3A_51 = arith.constant 0 : i32
        %dma_wait3A_52 = tpu.memref_slice %arg9[%run_scoped3A_36, %dma_wait3A, %dma_wait3A_51] : memref<2x80x128xf32, #tpu.memory_space<vmem>> -> memref<1x16x128xf32, #tpu.memory_space<vmem>>
        %dma_wait3A_53 = tpu.memref_squeeze %dma_wait3A_52 : memref<1x16x128xf32, #tpu.memory_space<vmem>> -> memref<16x128xf32, #tpu.memory_space<vmem>>
        %dma_wait3A_54 = arith.constant 9984 : i32
        %dma_wait3A_55 = arith.constant 0 : i32
        %dma_wait3A_56 = tpu.memref_slice %arg10[%dma_wait3A_54, %dma_wait3A_55] : memref<10000x128xf32, #tpu.memory_space<vmem_shared>> -> memref<16x128xf32, #tpu.memory_space<vmem_shared>>
        %dma_wait3A_57 = arith.constant 9984 : i32
        %dma_wait3A_58 = arith.constant 0 : i32
        %dma_wait3A_59 = tpu.memref_slice %arg10[%dma_wait3A_57, %dma_wait3A_58] : memref<10000x128xf32, #tpu.memory_space<vmem_shared>> -> memref<16x128xf32, #tpu.memory_space<vmem_shared>>
        %dma_wait3A_60 = arith.constant 0 : i32
        %dma_wait3A_61 = arith.constant 0 : i32
        %dma_wait3A_62 = tpu.memref_slice %arg9[%run_scoped3A_36, %dma_wait3A_60, %dma_wait3A_61] : memref<2x80x128xf32, #tpu.memory_space<vmem>> -> memref<1x16x128xf32, #tpu.memory_space<vmem>>
        %dma_wait3A_63 = tpu.memref_squeeze %dma_wait3A_62 : memref<1x16x128xf32, #tpu.memory_space<vmem>> -> memref<16x128xf32, #tpu.memory_space<vmem>>
        tpu.wait_dma2 semaphore(%run_scoped3A_37 : memref<!tpu.dma_semaphore, #tpu.memory_space<semaphore_mem>>) src(%dma_wait3A_63 : memref<16x128xf32, #tpu.memory_space<vmem>>) dst(%dma_wait3A_59 : memref<16x128xf32, #tpu.memory_space<vmem_shared>>)
        tpu.yield
      }) : () -> ()
    } else {
    }
    %barrier3A = arith.constant 0 : index
    tpu.barrier barrier_id(%barrier3A)
    %eq3A_15 = arith.constant 0 : i32
    %eq3A_16 = arith.cmpi eq, %arg0, %eq3A_15 : i32
    %convert_element_type3A_17 = arith.extui %eq3A_16 : i1 to i32
    %cond3A_18 = arith.constant 0 : i32
    %cond3A_19 = arith.cmpi ne, %convert_element_type3A_17, %cond3A_18 : i32
    scf.if %cond3A_19 {
      %mul3A_36 = arith.constant 20000 : i32
      %mul3A_37 = arith.muli %arg1, %mul3A_36 : i32
      %dma_start3A = tpu.memref_slice %arg4[%mul3A_37] : memref<320000xi32, #tpu.memory_space<hbm>> -> memref<80xi32, #tpu.memory_space<hbm>>
      %dma_start3A_38 = tpu.memref_slice %arg4[%mul3A_37] : memref<320000xi32, #tpu.memory_space<hbm>> -> memref<80xi32, #tpu.memory_space<hbm>>
      tpu.enqueue_dma source(%dma_start3A_38 : memref<80xi32, #tpu.memory_space<hbm>>) target(%arg7 : memref<80xi32, #tpu.memory_space<vmem>>) target_semaphore(%arg12 : memref<!tpu.dma_semaphore, #tpu.memory_space<semaphore_mem>>)
      %dma_start3A_39 = arith.constant 0 : i32
      %dma_start3A_40 = arith.constant 0 : i32
      %dma_start3A_41 = arith.constant 0 : i32
      %dma_start3A_42 = tpu.memref_slice %arg9[%dma_start3A_39, %dma_start3A_40, %dma_start3A_41] : memref<2x80x128xf32, #tpu.memory_space<vmem>> -> memref<1x80x128xf32, #tpu.memory_space<vmem>>
      %dma_start3A_43 = tpu.memref_squeeze %dma_start3A_42 : memref<1x80x128xf32, #tpu.memory_space<vmem>> -> memref<80x128xf32, #tpu.memory_space<vmem>>
      %dma_start3A_44 = arith.constant 0 : i32
      %dma_start3A_45 = tpu.memref_slice %arg2[%mul3A_37, %dma_start3A_44] : memref<320000x128xf32, #tpu.memory_space<hbm>> -> memref<80x128xf32, #tpu.memory_space<hbm>>
      %dma_start3A_46 = arith.constant 0 : i32
      %dma_start3A_47 = arith.constant 0 : i32
      %dma_start3A_48 = tpu.memref_slice %arg9[%dma_start3A_39, %dma_start3A_46, %dma_start3A_47] : memref<2x80x128xf32, #tpu.memory_space<vmem>> -> memref<1x80x128xf32, #tpu.memory_space<vmem>>
      %dma_start3A_49 = tpu.memref_squeeze %dma_start3A_48 : memref<1x80x128xf32, #tpu.memory_space<vmem>> -> memref<80x128xf32, #tpu.memory_space<vmem>>
      %dma_start3A_50 = arith.constant 0 : i32
      %dma_start3A_51 = tpu.memref_slice %arg2[%mul3A_37, %dma_start3A_50] : memref<320000x128xf32, #tpu.memory_space<hbm>> -> memref<80x128xf32, #tpu.memory_space<hbm>>
      tpu.enqueue_dma source(%dma_start3A_51 : memref<80x128xf32, #tpu.memory_space<hbm>>) target(%dma_start3A_49 : memref<80x128xf32, #tpu.memory_space<vmem>>) target_semaphore(%arg11 : memref<!tpu.dma_semaphore, #tpu.memory_space<semaphore_mem>>)
      %scan3A_52 = arith.constant 0 : i32
      %scan3A_53 = arith.constant 0 : i32
      %scan3A_54 = arith.constant 125 : i32
      %scan3A_55 = arith.addi %scan3A_53, %scan3A_54 : i32
      %scan3A_56 = arith.constant 1 : i32
      scf.for %scan3A_72 = %scan3A_53 to %scan3A_55 step %scan3A_56  : i32 {
        %mul3A_73 = arith.constant 2 : i32
        %mul3A_74 = arith.muli %mul3A_73, %scan3A_72 : i32
        %add3A_75 = arith.constant 0 : i32
        %add3A_76 = arith.addi %mul3A_74, %add3A_75 : i32
        %mul3A_77 = arith.constant 80 : i32
        %mul3A_78 = arith.muli %add3A_76, %mul3A_77 : i32
        %add3A_79 = arith.addi %mul3A_37, %mul3A_78 : i32
        %ge3A = arith.constant 1 : i32
        %ge3A_80 = arith.cmpi sge, %add3A_76, %ge3A : i32
        %convert_element_type3A_81 = arith.extui %ge3A_80 : i1 to i32
        %cond3A_82 = arith.constant 0 : i32
        %cond3A_83 = arith.cmpi ne, %convert_element_type3A_81, %cond3A_82 : i32
        scf.if %cond3A_83 {
          %dma_wait3A_163 = arith.constant 0 : i32
          %dma_wait3A_164 = arith.constant 0 : i32
          %dma_wait3A_165 = arith.constant 0 : i32
          %dma_wait3A_166 = tpu.memref_slice %arg9[%dma_wait3A_163, %dma_wait3A_164, %dma_wait3A_165] : memref<2x80x128xf32, #tpu.memory_space<vmem>> -> memref<1x80x128xf32, #tpu.memory_space<vmem>>
          %dma_wait3A_167 = tpu.memref_squeeze %dma_wait3A_166 : memref<1x80x128xf32, #tpu.memory_space<vmem>> -> memref<80x128xf32, #tpu.memory_space<vmem>>
          %dma_wait3A_168 = arith.constant 0 : i32
          %dma_wait3A_169 = arith.constant 0 : i32
          %dma_wait3A_170 = tpu.memref_slice %arg2[%dma_wait3A_168, %dma_wait3A_169] : memref<320000x128xf32, #tpu.memory_space<hbm>> -> memref<80x128xf32, #tpu.memory_space<hbm>>
          %dma_wait3A_171 = arith.constant 0 : i32
          %dma_wait3A_172 = arith.constant 0 : i32
          %dma_wait3A_173 = tpu.memref_slice %arg9[%dma_wait3A_163, %dma_wait3A_171, %dma_wait3A_172] : memref<2x80x128xf32, #tpu.memory_space<vmem>> -> memref<1x80x128xf32, #tpu.memory_space<vmem>>
          %dma_wait3A_174 = tpu.memref_squeeze %dma_wait3A_173 : memref<1x80x128xf32, #tpu.memory_space<vmem>> -> memref<80x128xf32, #tpu.memory_space<vmem>>
          %dma_wait3A_175 = arith.constant 0 : i32
          %dma_wait3A_176 = arith.constant 0 : i32
          %dma_wait3A_177 = tpu.memref_slice %arg2[%dma_wait3A_175, %dma_wait3A_176] : memref<320000x128xf32, #tpu.memory_space<hbm>> -> memref<80x128xf32, #tpu.memory_space<hbm>>
          tpu.wait_dma2 semaphore(%arg13 : memref<!tpu.dma_semaphore, #tpu.memory_space<semaphore_mem>>) src(%dma_wait3A_177 : memref<80x128xf32, #tpu.memory_space<hbm>>) dst(%dma_wait3A_174 : memref<80x128xf32, #tpu.memory_space<vmem>>)
        } else {
        }
        %add3A_84 = arith.constant 1 : i32
        %add3A_85 = arith.addi %add3A_76, %add3A_84 : i32
        %lt3A = arith.constant 250 : i32
        %lt3A_86 = arith.cmpi slt, %add3A_85, %lt3A : i32
        %convert_element_type3A_87 = arith.extui %lt3A_86 : i1 to i32
        %cond3A_88 = arith.constant 0 : i32
        %cond3A_89 = arith.cmpi ne, %convert_element_type3A_87, %cond3A_88 : i32
        scf.if %cond3A_89 {
          %add3A_163 = arith.constant 80 : i32
          %add3A_164 = arith.addi %add3A_79, %add3A_163 : i32
          %dma_start3A_165 = tpu.memref_slice %arg4[%add3A_164] : memref<320000xi32, #tpu.memory_space<hbm>> -> memref<80xi32, #tpu.memory_space<hbm>>
          %dma_start3A_166 = tpu.memref_slice %arg4[%add3A_164] : memref<320000xi32, #tpu.memory_space<hbm>> -> memref<80xi32, #tpu.memory_space<hbm>>
          tpu.enqueue_dma source(%dma_start3A_166 : memref<80xi32, #tpu.memory_space<hbm>>) target(%arg8 : memref<80xi32, #tpu.memory_space<vmem>>) target_semaphore(%arg12 : memref<!tpu.dma_semaphore, #tpu.memory_space<semaphore_mem>>)
          %add3A_167 = arith.constant 80 : i32
          %add3A_168 = arith.addi %add3A_79, %add3A_167 : i32
          %dma_start3A_169 = arith.constant 1 : i32
          %dma_start3A_170 = arith.constant 0 : i32
          %dma_start3A_171 = arith.constant 0 : i32
          %dma_start3A_172 = tpu.memref_slice %arg9[%dma_start3A_169, %dma_start3A_170, %dma_start3A_171] : memref<2x80x128xf32, #tpu.memory_space<vmem>> -> memref<1x80x128xf32, #tpu.memory_space<vmem>>
          %dma_start3A_173 = tpu.memref_squeeze %dma_start3A_172 : memref<1x80x128xf32, #tpu.memory_space<vmem>> -> memref<80x128xf32, #tpu.memory_space<vmem>>
          %dma_start3A_174 = arith.constant 0 : i32
          %dma_start3A_175 = tpu.memref_slice %arg2[%add3A_168, %dma_start3A_174] : memref<320000x128xf32, #tpu.memory_space<hbm>> -> memref<80x128xf32, #tpu.memory_space<hbm>>
          %dma_start3A_176 = arith.constant 0 : i32
          %dma_start3A_177 = arith.constant 0 : i32
          %dma_start3A_178 = tpu.memref_slice %arg9[%dma_start3A_169, %dma_start3A_176, %dma_start3A_177] : memref<2x80x128xf32, #tpu.memory_space<vmem>> -> memref<1x80x128xf32, #tpu.memory_space<vmem>>
          %dma_start3A_179 = tpu.memref_squeeze %dma_start3A_178 : memref<1x80x128xf32, #tpu.memory_space<vmem>> -> memref<80x128xf32, #tpu.memory_space<vmem>>
          %dma_start3A_180 = arith.constant 0 : i32
          %dma_start3A_181 = tpu.memref_slice %arg2[%add3A_168, %dma_start3A_180] : memref<320000x128xf32, #tpu.memory_space<hbm>> -> memref<80x128xf32, #tpu.memory_space<hbm>>
          tpu.enqueue_dma source(%dma_start3A_181 : memref<80x128xf32, #tpu.memory_space<hbm>>) target(%dma_start3A_179 : memref<80x128xf32, #tpu.memory_space<vmem>>) target_semaphore(%arg11 : memref<!tpu.dma_semaphore, #tpu.memory_space<semaphore_mem>>)
        } else {
        }
        %dma_wait3A_90 = arith.constant 0 : i32
        %dma_wait3A_91 = tpu.memref_slice %arg4[%dma_wait3A_90] : memref<320000xi32, #tpu.memory_space<hbm>> -> memref<80xi32, #tpu.memory_space<hbm>>
        %dma_wait3A_92 = arith.constant 0 : i32
        %dma_wait3A_93 = tpu.memref_slice %arg4[%dma_wait3A_92] : memref<320000xi32, #tpu.memory_space<hbm>> -> memref<80xi32, #tpu.memory_space<hbm>>
        tpu.wait_dma2 semaphore(%arg12 : memref<!tpu.dma_semaphore, #tpu.memory_space<semaphore_mem>>) src(%dma_wait3A_93 : memref<80xi32, #tpu.memory_space<hbm>>) dst(%arg7 : memref<80xi32, #tpu.memory_space<vmem>>)
        %dma_wait3A_94 = arith.constant 0 : i32
        %dma_wait3A_95 = arith.constant 0 : i32
        %dma_wait3A_96 = arith.constant 0 : i32
        %dma_wait3A_97 = tpu.memref_slice %arg9[%dma_wait3A_94, %dma_wait3A_95, %dma_wait3A_96] : memref<2x80x128xf32, #tpu.memory_space<vmem>> -> memref<1x80x128xf32, #tpu.memory_space<vmem>>
        %dma_wait3A_98 = tpu.memref_squeeze %dma_wait3A_97 : memref<1x80x128xf32, #tpu.memory_space<vmem>> -> memref<80x128xf32, #tpu.memory_space<vmem>>
        %dma_wait3A_99 = arith.constant 0 : i32
        %dma_wait3A_100 = arith.constant 0 : i32
        %dma_wait3A_101 = tpu.memref_slice %arg2[%dma_wait3A_99, %dma_wait3A_100] : memref<320000x128xf32, #tpu.memory_space<hbm>> -> memref<80x128xf32, #tpu.memory_space<hbm>>
        %dma_wait3A_102 = arith.constant 0 : i32
        %dma_wait3A_103 = arith.constant 0 : i32
        %dma_wait3A_104 = tpu.memref_slice %arg9[%dma_wait3A_94, %dma_wait3A_102, %dma_wait3A_103] : memref<2x80x128xf32, #tpu.memory_space<vmem>> -> memref<1x80x128xf32, #tpu.memory_space<vmem>>
        %dma_wait3A_105 = tpu.memref_squeeze %dma_wait3A_104 : memref<1x80x128xf32, #tpu.memory_space<vmem>> -> memref<80x128xf32, #tpu.memory_space<vmem>>
        %dma_wait3A_106 = arith.constant 0 : i32
        %dma_wait3A_107 = arith.constant 0 : i32
        %dma_wait3A_108 = tpu.memref_slice %arg2[%dma_wait3A_106, %dma_wait3A_107] : memref<320000x128xf32, #tpu.memory_space<hbm>> -> memref<80x128xf32, #tpu.memory_space<hbm>>
        tpu.wait_dma2 semaphore(%arg11 : memref<!tpu.dma_semaphore, #tpu.memory_space<semaphore_mem>>) src(%dma_wait3A_108 : memref<80x128xf32, #tpu.memory_space<hbm>>) dst(%dma_wait3A_105 : memref<80x128xf32, #tpu.memory_space<vmem>>)
        %dma_start3A_109 = arith.constant 0 : i32
        %dma_start3A_110 = arith.constant 0 : i32
        %dma_start3A_111 = arith.constant 0 : i32
        %dma_start3A_112 = tpu.memref_slice %arg9[%dma_start3A_109, %dma_start3A_110, %dma_start3A_111] : memref<2x80x128xf32, #tpu.memory_space<vmem>> -> memref<1x80x128xf32, #tpu.memory_space<vmem>>
        %dma_start3A_113 = tpu.memref_squeeze %dma_start3A_112 : memref<1x80x128xf32, #tpu.memory_space<vmem>> -> memref<80x128xf32, #tpu.memory_space<vmem>>
        %dma_start3A_114 = arith.constant 0 : i32
        %dma_start3A_115 = arith.constant 0 : i32
        %dma_start3A_116 = tpu.memref_slice %arg10[%dma_start3A_114, %dma_start3A_115] : memref<10000x128xf32, #tpu.memory_space<vmem_shared>> -> memref<10000x128xf32, #tpu.memory_space<vmem_shared>>
        tpu.enqueue_indirect_dma source(%dma_start3A_113 : memref<80x128xf32, #tpu.memory_space<vmem>>) target(%dma_start3A_116 : memref<10000x128xf32, #tpu.memory_space<vmem_shared>>) offsets(%arg7 : memref<80xi32, #tpu.memory_space<vmem>>) semaphore(%arg13 : memref<!tpu.dma_semaphore, #tpu.memory_space<semaphore_mem>>) {add = true}
        %mul3A_117 = arith.constant 2 : i32
        %mul3A_118 = arith.muli %mul3A_117, %scan3A_72 : i32
        %add3A_119 = arith.constant 1 : i32
        %add3A_120 = arith.addi %mul3A_118, %add3A_119 : i32
        %mul3A_121 = arith.constant 80 : i32
        %mul3A_122 = arith.muli %add3A_120, %mul3A_121 : i32
        %add3A_123 = arith.addi %mul3A_37, %mul3A_122 : i32
        %ge3A_124 = arith.constant 1 : i32
        %ge3A_125 = arith.cmpi sge, %add3A_120, %ge3A_124 : i32
        %convert_element_type3A_126 = arith.extui %ge3A_125 : i1 to i32
        %cond3A_127 = arith.constant 0 : i32
        %cond3A_128 = arith.cmpi ne, %convert_element_type3A_126, %cond3A_127 : i32
        scf.if %cond3A_128 {
          %dma_wait3A_163 = arith.constant 0 : i32
          %dma_wait3A_164 = arith.constant 0 : i32
          %dma_wait3A_165 = arith.constant 0 : i32
          %dma_wait3A_166 = tpu.memref_slice %arg9[%dma_wait3A_163, %dma_wait3A_164, %dma_wait3A_165] : memref<2x80x128xf32, #tpu.memory_space<vmem>> -> memref<1x80x128xf32, #tpu.memory_space<vmem>>
          %dma_wait3A_167 = tpu.memref_squeeze %dma_wait3A_166 : memref<1x80x128xf32, #tpu.memory_space<vmem>> -> memref<80x128xf32, #tpu.memory_space<vmem>>
          %dma_wait3A_168 = arith.constant 0 : i32
          %dma_wait3A_169 = arith.constant 0 : i32
          %dma_wait3A_170 = tpu.memref_slice %arg2[%dma_wait3A_168, %dma_wait3A_169] : memref<320000x128xf32, #tpu.memory_space<hbm>> -> memref<80x128xf32, #tpu.memory_space<hbm>>
          %dma_wait3A_171 = arith.constant 0 : i32
          %dma_wait3A_172 = arith.constant 0 : i32
          %dma_wait3A_173 = tpu.memref_slice %arg9[%dma_wait3A_163, %dma_wait3A_171, %dma_wait3A_172] : memref<2x80x128xf32, #tpu.memory_space<vmem>> -> memref<1x80x128xf32, #tpu.memory_space<vmem>>
          %dma_wait3A_174 = tpu.memref_squeeze %dma_wait3A_173 : memref<1x80x128xf32, #tpu.memory_space<vmem>> -> memref<80x128xf32, #tpu.memory_space<vmem>>
          %dma_wait3A_175 = arith.constant 0 : i32
          %dma_wait3A_176 = arith.constant 0 : i32
          %dma_wait3A_177 = tpu.memref_slice %arg2[%dma_wait3A_175, %dma_wait3A_176] : memref<320000x128xf32, #tpu.memory_space<hbm>> -> memref<80x128xf32, #tpu.memory_space<hbm>>
          tpu.wait_dma2 semaphore(%arg13 : memref<!tpu.dma_semaphore, #tpu.memory_space<semaphore_mem>>) src(%dma_wait3A_177 : memref<80x128xf32, #tpu.memory_space<hbm>>) dst(%dma_wait3A_174 : memref<80x128xf32, #tpu.memory_space<vmem>>)
        } else {
        }
        %add3A_129 = arith.constant 1 : i32
        %add3A_130 = arith.addi %add3A_120, %add3A_129 : i32
        %lt3A_131 = arith.constant 250 : i32
        %lt3A_132 = arith.cmpi slt, %add3A_130, %lt3A_131 : i32
        %convert_element_type3A_133 = arith.extui %lt3A_132 : i1 to i32
        %cond3A_134 = arith.constant 0 : i32
        %cond3A_135 = arith.cmpi ne, %convert_element_type3A_133, %cond3A_134 : i32
        scf.if %cond3A_135 {
          %add3A_163 = arith.constant 80 : i32
          %add3A_164 = arith.addi %add3A_123, %add3A_163 : i32
          %dma_start3A_165 = tpu.memref_slice %arg4[%add3A_164] : memref<320000xi32, #tpu.memory_space<hbm>> -> memref<80xi32, #tpu.memory_space<hbm>>
          %dma_start3A_166 = tpu.memref_slice %arg4[%add3A_164] : memref<320000xi32, #tpu.memory_space<hbm>> -> memref<80xi32, #tpu.memory_space<hbm>>
          tpu.enqueue_dma source(%dma_start3A_166 : memref<80xi32, #tpu.memory_space<hbm>>) target(%arg7 : memref<80xi32, #tpu.memory_space<vmem>>) target_semaphore(%arg12 : memref<!tpu.dma_semaphore, #tpu.memory_space<semaphore_mem>>)
          %add3A_167 = arith.constant 80 : i32
          %add3A_168 = arith.addi %add3A_123, %add3A_167 : i32
          %dma_start3A_169 = arith.constant 0 : i32
          %dma_start3A_170 = arith.constant 0 : i32
          %dma_start3A_171 = arith.constant 0 : i32
          %dma_start3A_172 = tpu.memref_slice %arg9[%dma_start3A_169, %dma_start3A_170, %dma_start3A_171] : memref<2x80x128xf32, #tpu.memory_space<vmem>> -> memref<1x80x128xf32, #tpu.memory_space<vmem>>
          %dma_start3A_173 = tpu.memref_squeeze %dma_start3A_172 : memref<1x80x128xf32, #tpu.memory_space<vmem>> -> memref<80x128xf32, #tpu.memory_space<vmem>>
          %dma_start3A_174 = arith.constant 0 : i32
          %dma_start3A_175 = tpu.memref_slice %arg2[%add3A_168, %dma_start3A_174] : memref<320000x128xf32, #tpu.memory_space<hbm>> -> memref<80x128xf32, #tpu.memory_space<hbm>>
          %dma_start3A_176 = arith.constant 0 : i32
          %dma_start3A_177 = arith.constant 0 : i32
          %dma_start3A_178 = tpu.memref_slice %arg9[%dma_start3A_169, %dma_start3A_176, %dma_start3A_177] : memref<2x80x128xf32, #tpu.memory_space<vmem>> -> memref<1x80x128xf32, #tpu.memory_space<vmem>>
          %dma_start3A_179 = tpu.memref_squeeze %dma_start3A_178 : memref<1x80x128xf32, #tpu.memory_space<vmem>> -> memref<80x128xf32, #tpu.memory_space<vmem>>
          %dma_start3A_180 = arith.constant 0 : i32
          %dma_start3A_181 = tpu.memref_slice %arg2[%add3A_168, %dma_start3A_180] : memref<320000x128xf32, #tpu.memory_space<hbm>> -> memref<80x128xf32, #tpu.memory_space<hbm>>
          tpu.enqueue_dma source(%dma_start3A_181 : memref<80x128xf32, #tpu.memory_space<hbm>>) target(%dma_start3A_179 : memref<80x128xf32, #tpu.memory_space<vmem>>) target_semaphore(%arg11 : memref<!tpu.dma_semaphore, #tpu.memory_space<semaphore_mem>>)
        } else {
        }
        %dma_wait3A_136 = arith.constant 0 : i32
        %dma_wait3A_137 = tpu.memref_slice %arg4[%dma_wait3A_136] : memref<320000xi32, #tpu.memory_space<hbm>> -> memref<80xi32, #tpu.memory_space<hbm>>
        %dma_wait3A_138 = arith.constant 0 : i32
        %dma_wait3A_139 = tpu.memref_slice %arg4[%dma_wait3A_138] : memref<320000xi32, #tpu.memory_space<hbm>> -> memref<80xi32, #tpu.memory_space<hbm>>
        tpu.wait_dma2 semaphore(%arg12 : memref<!tpu.dma_semaphore, #tpu.memory_space<semaphore_mem>>) src(%dma_wait3A_139 : memref<80xi32, #tpu.memory_space<hbm>>) dst(%arg8 : memref<80xi32, #tpu.memory_space<vmem>>)
        %dma_wait3A_140 = arith.constant 1 : i32
        %dma_wait3A_141 = arith.constant 0 : i32
        %dma_wait3A_142 = arith.constant 0 : i32
        %dma_wait3A_143 = tpu.memref_slice %arg9[%dma_wait3A_140, %dma_wait3A_141, %dma_wait3A_142] : memref<2x80x128xf32, #tpu.memory_space<vmem>> -> memref<1x80x128xf32, #tpu.memory_space<vmem>>
        %dma_wait3A_144 = tpu.memref_squeeze %dma_wait3A_143 : memref<1x80x128xf32, #tpu.memory_space<vmem>> -> memref<80x128xf32, #tpu.memory_space<vmem>>
        %dma_wait3A_145 = arith.constant 0 : i32
        %dma_wait3A_146 = arith.constant 0 : i32
        %dma_wait3A_147 = tpu.memref_slice %arg2[%dma_wait3A_145, %dma_wait3A_146] : memref<320000x128xf32, #tpu.memory_space<hbm>> -> memref<80x128xf32, #tpu.memory_space<hbm>>
        %dma_wait3A_148 = arith.constant 0 : i32
        %dma_wait3A_149 = arith.constant 0 : i32
        %dma_wait3A_150 = tpu.memref_slice %arg9[%dma_wait3A_140, %dma_wait3A_148, %dma_wait3A_149] : memref<2x80x128xf32, #tpu.memory_space<vmem>> -> memref<1x80x128xf32, #tpu.memory_space<vmem>>
        %dma_wait3A_151 = tpu.memref_squeeze %dma_wait3A_150 : memref<1x80x128xf32, #tpu.memory_space<vmem>> -> memref<80x128xf32, #tpu.memory_space<vmem>>
        %dma_wait3A_152 = arith.constant 0 : i32
        %dma_wait3A_153 = arith.constant 0 : i32
        %dma_wait3A_154 = tpu.memref_slice %arg2[%dma_wait3A_152, %dma_wait3A_153] : memref<320000x128xf32, #tpu.memory_space<hbm>> -> memref<80x128xf32, #tpu.memory_space<hbm>>
        tpu.wait_dma2 semaphore(%arg11 : memref<!tpu.dma_semaphore, #tpu.memory_space<semaphore_mem>>) src(%dma_wait3A_154 : memref<80x128xf32, #tpu.memory_space<hbm>>) dst(%dma_wait3A_151 : memref<80x128xf32, #tpu.memory_space<vmem>>)
        %dma_start3A_155 = arith.constant 1 : i32
        %dma_start3A_156 = arith.constant 0 : i32
        %dma_start3A_157 = arith.constant 0 : i32
        %dma_start3A_158 = tpu.memref_slice %arg9[%dma_start3A_155, %dma_start3A_156, %dma_start3A_157] : memref<2x80x128xf32, #tpu.memory_space<vmem>> -> memref<1x80x128xf32, #tpu.memory_space<vmem>>
        %dma_start3A_159 = tpu.memref_squeeze %dma_start3A_158 : memref<1x80x128xf32, #tpu.memory_space<vmem>> -> memref<80x128xf32, #tpu.memory_space<vmem>>
        %dma_start3A_160 = arith.constant 0 : i32
        %dma_start3A_161 = arith.constant 0 : i32
        %dma_start3A_162 = tpu.memref_slice %arg10[%dma_start3A_160, %dma_start3A_161] : memref<10000x128xf32, #tpu.memory_space<vmem_shared>> -> memref<10000x128xf32, #tpu.memory_space<vmem_shared>>
        tpu.enqueue_indirect_dma source(%dma_start3A_159 : memref<80x128xf32, #tpu.memory_space<vmem>>) target(%dma_start3A_162 : memref<10000x128xf32, #tpu.memory_space<vmem_shared>>) offsets(%arg8 : memref<80xi32, #tpu.memory_space<vmem>>) semaphore(%arg13 : memref<!tpu.dma_semaphore, #tpu.memory_space<semaphore_mem>>) {add = true}
      }
      %scan3A_57 = arith.constant 125 : i32
      %dma_wait3A = arith.constant 0 : i32
      %dma_wait3A_58 = arith.constant 0 : i32
      %dma_wait3A_59 = arith.constant 0 : i32
      %dma_wait3A_60 = tpu.memref_slice %arg9[%dma_wait3A, %dma_wait3A_58, %dma_wait3A_59] : memref<2x80x128xf32, #tpu.memory_space<vmem>> -> memref<1x80x128xf32, #tpu.memory_space<vmem>>
      %dma_wait3A_61 = tpu.memref_squeeze %dma_wait3A_60 : memref<1x80x128xf32, #tpu.memory_space<vmem>> -> memref<80x128xf32, #tpu.memory_space<vmem>>
      %dma_wait3A_62 = arith.constant 0 : i32
      %dma_wait3A_63 = arith.constant 0 : i32
      %dma_wait3A_64 = tpu.memref_slice %arg2[%dma_wait3A_62, %dma_wait3A_63] : memref<320000x128xf32, #tpu.memory_space<hbm>> -> memref<80x128xf32, #tpu.memory_space<hbm>>
      %dma_wait3A_65 = arith.constant 0 : i32
      %dma_wait3A_66 = arith.constant 0 : i32
      %dma_wait3A_67 = tpu.memref_slice %arg9[%dma_wait3A, %dma_wait3A_65, %dma_wait3A_66] : memref<2x80x128xf32, #tpu.memory_space<vmem>> -> memref<1x80x128xf32, #tpu.memory_space<vmem>>
      %dma_wait3A_68 = tpu.memref_squeeze %dma_wait3A_67 : memref<1x80x128xf32, #tpu.memory_space<vmem>> -> memref<80x128xf32, #tpu.memory_space<vmem>>
      %dma_wait3A_69 = arith.constant 0 : i32
      %dma_wait3A_70 = arith.constant 0 : i32
      %dma_wait3A_71 = tpu.memref_slice %arg2[%dma_wait3A_69, %dma_wait3A_70] : memref<320000x128xf32, #tpu.memory_space<hbm>> -> memref<80x128xf32, #tpu.memory_space<hbm>>
      tpu.wait_dma2 semaphore(%arg13 : memref<!tpu.dma_semaphore, #tpu.memory_space<semaphore_mem>>) src(%dma_wait3A_71 : memref<80x128xf32, #tpu.memory_space<hbm>>) dst(%dma_wait3A_68 : memref<80x128xf32, #tpu.memory_space<vmem>>)
    } else {
    }
    %eq3A_20 = arith.constant 1 : i32
    %eq3A_21 = arith.cmpi eq, %arg0, %eq3A_20 : i32
    %convert_element_type3A_22 = arith.extui %eq3A_21 : i1 to i32
    %cond3A_23 = arith.constant 0 : i32
    %cond3A_24 = arith.cmpi ne, %convert_element_type3A_22, %cond3A_23 : i32
    scf.if %cond3A_24 {
      %mul3A_36 = arith.constant 20000 : i32
      %mul3A_37 = arith.muli %arg1, %mul3A_36 : i32
      %dma_start3A = tpu.memref_slice %arg4[%mul3A_37] : memref<320000xi32, #tpu.memory_space<hbm>> -> memref<80xi32, #tpu.memory_space<hbm>>
      %dma_start3A_38 = tpu.memref_slice %arg4[%mul3A_37] : memref<320000xi32, #tpu.memory_space<hbm>> -> memref<80xi32, #tpu.memory_space<hbm>>
      tpu.enqueue_dma source(%dma_start3A_38 : memref<80xi32, #tpu.memory_space<hbm>>) target(%arg7 : memref<80xi32, #tpu.memory_space<vmem>>) target_semaphore(%arg12 : memref<!tpu.dma_semaphore, #tpu.memory_space<semaphore_mem>>)
      %dma_start3A_39 = arith.constant 0 : i32
      %dma_start3A_40 = arith.constant 0 : i32
      %dma_start3A_41 = arith.constant 0 : i32
      %dma_start3A_42 = tpu.memref_slice %arg9[%dma_start3A_39, %dma_start3A_40, %dma_start3A_41] : memref<2x80x128xf32, #tpu.memory_space<vmem>> -> memref<1x80x128xf32, #tpu.memory_space<vmem>>
      %dma_start3A_43 = tpu.memref_squeeze %dma_start3A_42 : memref<1x80x128xf32, #tpu.memory_space<vmem>> -> memref<80x128xf32, #tpu.memory_space<vmem>>
      %dma_start3A_44 = arith.constant 0 : i32
      %dma_start3A_45 = tpu.memref_slice %arg3[%mul3A_37, %dma_start3A_44] : memref<320000x128xf32, #tpu.memory_space<hbm>> -> memref<80x128xf32, #tpu.memory_space<hbm>>
      %dma_start3A_46 = arith.constant 0 : i32
      %dma_start3A_47 = arith.constant 0 : i32
      %dma_start3A_48 = tpu.memref_slice %arg9[%dma_start3A_39, %dma_start3A_46, %dma_start3A_47] : memref<2x80x128xf32, #tpu.memory_space<vmem>> -> memref<1x80x128xf32, #tpu.memory_space<vmem>>
      %dma_start3A_49 = tpu.memref_squeeze %dma_start3A_48 : memref<1x80x128xf32, #tpu.memory_space<vmem>> -> memref<80x128xf32, #tpu.memory_space<vmem>>
      %dma_start3A_50 = arith.constant 0 : i32
      %dma_start3A_51 = tpu.memref_slice %arg3[%mul3A_37, %dma_start3A_50] : memref<320000x128xf32, #tpu.memory_space<hbm>> -> memref<80x128xf32, #tpu.memory_space<hbm>>
      tpu.enqueue_dma source(%dma_start3A_51 : memref<80x128xf32, #tpu.memory_space<hbm>>) target(%dma_start3A_49 : memref<80x128xf32, #tpu.memory_space<vmem>>) target_semaphore(%arg11 : memref<!tpu.dma_semaphore, #tpu.memory_space<semaphore_mem>>)
      %scan3A_52 = arith.constant 0 : i32
      %scan3A_53 = arith.constant 0 : i32
      %scan3A_54 = arith.constant 125 : i32
      %scan3A_55 = arith.addi %scan3A_53, %scan3A_54 : i32
      %scan3A_56 = arith.constant 1 : i32
      scf.for %scan3A_72 = %scan3A_53 to %scan3A_55 step %scan3A_56  : i32 {
        %mul3A_73 = arith.constant 2 : i32
        %mul3A_74 = arith.muli %mul3A_73, %scan3A_72 : i32
        %add3A_75 = arith.constant 0 : i32
        %add3A_76 = arith.addi %mul3A_74, %add3A_75 : i32
        %mul3A_77 = arith.constant 80 : i32
        %mul3A_78 = arith.muli %add3A_76, %mul3A_77 : i32
        %add3A_79 = arith.addi %mul3A_37, %mul3A_78 : i32
        %ge3A = arith.constant 1 : i32
        %ge3A_80 = arith.cmpi sge, %add3A_76, %ge3A : i32
        %convert_element_type3A_81 = arith.extui %ge3A_80 : i1 to i32
        %cond3A_82 = arith.constant 0 : i32
        %cond3A_83 = arith.cmpi ne, %convert_element_type3A_81, %cond3A_82 : i32
        scf.if %cond3A_83 {
          %dma_wait3A_163 = arith.constant 0 : i32
          %dma_wait3A_164 = arith.constant 0 : i32
          %dma_wait3A_165 = arith.constant 0 : i32
          %dma_wait3A_166 = tpu.memref_slice %arg9[%dma_wait3A_163, %dma_wait3A_164, %dma_wait3A_165] : memref<2x80x128xf32, #tpu.memory_space<vmem>> -> memref<1x80x128xf32, #tpu.memory_space<vmem>>
          %dma_wait3A_167 = tpu.memref_squeeze %dma_wait3A_166 : memref<1x80x128xf32, #tpu.memory_space<vmem>> -> memref<80x128xf32, #tpu.memory_space<vmem>>
          %dma_wait3A_168 = arith.constant 0 : i32
          %dma_wait3A_169 = arith.constant 0 : i32
          %dma_wait3A_170 = tpu.memref_slice %arg3[%dma_wait3A_168, %dma_wait3A_169] : memref<320000x128xf32, #tpu.memory_space<hbm>> -> memref<80x128xf32, #tpu.memory_space<hbm>>
          %dma_wait3A_171 = arith.constant 0 : i32
          %dma_wait3A_172 = arith.constant 0 : i32
          %dma_wait3A_173 = tpu.memref_slice %arg9[%dma_wait3A_163, %dma_wait3A_171, %dma_wait3A_172] : memref<2x80x128xf32, #tpu.memory_space<vmem>> -> memref<1x80x128xf32, #tpu.memory_space<vmem>>
          %dma_wait3A_174 = tpu.memref_squeeze %dma_wait3A_173 : memref<1x80x128xf32, #tpu.memory_space<vmem>> -> memref<80x128xf32, #tpu.memory_space<vmem>>
          %dma_wait3A_175 = arith.constant 0 : i32
          %dma_wait3A_176 = arith.constant 0 : i32
          %dma_wait3A_177 = tpu.memref_slice %arg3[%dma_wait3A_175, %dma_wait3A_176] : memref<320000x128xf32, #tpu.memory_space<hbm>> -> memref<80x128xf32, #tpu.memory_space<hbm>>
          tpu.wait_dma2 semaphore(%arg13 : memref<!tpu.dma_semaphore, #tpu.memory_space<semaphore_mem>>) src(%dma_wait3A_177 : memref<80x128xf32, #tpu.memory_space<hbm>>) dst(%dma_wait3A_174 : memref<80x128xf32, #tpu.memory_space<vmem>>)
        } else {
        }
        %add3A_84 = arith.constant 1 : i32
        %add3A_85 = arith.addi %add3A_76, %add3A_84 : i32
        %lt3A = arith.constant 250 : i32
        %lt3A_86 = arith.cmpi slt, %add3A_85, %lt3A : i32
        %convert_element_type3A_87 = arith.extui %lt3A_86 : i1 to i32
        %cond3A_88 = arith.constant 0 : i32
        %cond3A_89 = arith.cmpi ne, %convert_element_type3A_87, %cond3A_88 : i32
        scf.if %cond3A_89 {
          %add3A_163 = arith.constant 80 : i32
          %add3A_164 = arith.addi %add3A_79, %add3A_163 : i32
          %dma_start3A_165 = tpu.memref_slice %arg4[%add3A_164] : memref<320000xi32, #tpu.memory_space<hbm>> -> memref<80xi32, #tpu.memory_space<hbm>>
          %dma_start3A_166 = tpu.memref_slice %arg4[%add3A_164] : memref<320000xi32, #tpu.memory_space<hbm>> -> memref<80xi32, #tpu.memory_space<hbm>>
          tpu.enqueue_dma source(%dma_start3A_166 : memref<80xi32, #tpu.memory_space<hbm>>) target(%arg8 : memref<80xi32, #tpu.memory_space<vmem>>) target_semaphore(%arg12 : memref<!tpu.dma_semaphore, #tpu.memory_space<semaphore_mem>>)
          %add3A_167 = arith.constant 80 : i32
          %add3A_168 = arith.addi %add3A_79, %add3A_167 : i32
          %dma_start3A_169 = arith.constant 1 : i32
          %dma_start3A_170 = arith.constant 0 : i32
          %dma_start3A_171 = arith.constant 0 : i32
          %dma_start3A_172 = tpu.memref_slice %arg9[%dma_start3A_169, %dma_start3A_170, %dma_start3A_171] : memref<2x80x128xf32, #tpu.memory_space<vmem>> -> memref<1x80x128xf32, #tpu.memory_space<vmem>>
          %dma_start3A_173 = tpu.memref_squeeze %dma_start3A_172 : memref<1x80x128xf32, #tpu.memory_space<vmem>> -> memref<80x128xf32, #tpu.memory_space<vmem>>
          %dma_start3A_174 = arith.constant 0 : i32
          %dma_start3A_175 = tpu.memref_slice %arg3[%add3A_168, %dma_start3A_174] : memref<320000x128xf32, #tpu.memory_space<hbm>> -> memref<80x128xf32, #tpu.memory_space<hbm>>
          %dma_start3A_176 = arith.constant 0 : i32
          %dma_start3A_177 = arith.constant 0 : i32
          %dma_start3A_178 = tpu.memref_slice %arg9[%dma_start3A_169, %dma_start3A_176, %dma_start3A_177] : memref<2x80x128xf32, #tpu.memory_space<vmem>> -> memref<1x80x128xf32, #tpu.memory_space<vmem>>
          %dma_start3A_179 = tpu.memref_squeeze %dma_start3A_178 : memref<1x80x128xf32, #tpu.memory_space<vmem>> -> memref<80x128xf32, #tpu.memory_space<vmem>>
          %dma_start3A_180 = arith.constant 0 : i32
          %dma_start3A_181 = tpu.memref_slice %arg3[%add3A_168, %dma_start3A_180] : memref<320000x128xf32, #tpu.memory_space<hbm>> -> memref<80x128xf32, #tpu.memory_space<hbm>>
          tpu.enqueue_dma source(%dma_start3A_181 : memref<80x128xf32, #tpu.memory_space<hbm>>) target(%dma_start3A_179 : memref<80x128xf32, #tpu.memory_space<vmem>>) target_semaphore(%arg11 : memref<!tpu.dma_semaphore, #tpu.memory_space<semaphore_mem>>)
        } else {
        }
        %dma_wait3A_90 = arith.constant 0 : i32
        %dma_wait3A_91 = tpu.memref_slice %arg4[%dma_wait3A_90] : memref<320000xi32, #tpu.memory_space<hbm>> -> memref<80xi32, #tpu.memory_space<hbm>>
        %dma_wait3A_92 = arith.constant 0 : i32
        %dma_wait3A_93 = tpu.memref_slice %arg4[%dma_wait3A_92] : memref<320000xi32, #tpu.memory_space<hbm>> -> memref<80xi32, #tpu.memory_space<hbm>>
        tpu.wait_dma2 semaphore(%arg12 : memref<!tpu.dma_semaphore, #tpu.memory_space<semaphore_mem>>) src(%dma_wait3A_93 : memref<80xi32, #tpu.memory_space<hbm>>) dst(%arg7 : memref<80xi32, #tpu.memory_space<vmem>>)
        %dma_wait3A_94 = arith.constant 0 : i32
        %dma_wait3A_95 = arith.constant 0 : i32
        %dma_wait3A_96 = arith.constant 0 : i32
        %dma_wait3A_97 = tpu.memref_slice %arg9[%dma_wait3A_94, %dma_wait3A_95, %dma_wait3A_96] : memref<2x80x128xf32, #tpu.memory_space<vmem>> -> memref<1x80x128xf32, #tpu.memory_space<vmem>>
        %dma_wait3A_98 = tpu.memref_squeeze %dma_wait3A_97 : memref<1x80x128xf32, #tpu.memory_space<vmem>> -> memref<80x128xf32, #tpu.memory_space<vmem>>
        %dma_wait3A_99 = arith.constant 0 : i32
        %dma_wait3A_100 = arith.constant 0 : i32
        %dma_wait3A_101 = tpu.memref_slice %arg3[%dma_wait3A_99, %dma_wait3A_100] : memref<320000x128xf32, #tpu.memory_space<hbm>> -> memref<80x128xf32, #tpu.memory_space<hbm>>
        %dma_wait3A_102 = arith.constant 0 : i32
        %dma_wait3A_103 = arith.constant 0 : i32
        %dma_wait3A_104 = tpu.memref_slice %arg9[%dma_wait3A_94, %dma_wait3A_102, %dma_wait3A_103] : memref<2x80x128xf32, #tpu.memory_space<vmem>> -> memref<1x80x128xf32, #tpu.memory_space<vmem>>
        %dma_wait3A_105 = tpu.memref_squeeze %dma_wait3A_104 : memref<1x80x128xf32, #tpu.memory_space<vmem>> -> memref<80x128xf32, #tpu.memory_space<vmem>>
        %dma_wait3A_106 = arith.constant 0 : i32
        %dma_wait3A_107 = arith.constant 0 : i32
        %dma_wait3A_108 = tpu.memref_slice %arg3[%dma_wait3A_106, %dma_wait3A_107] : memref<320000x128xf32, #tpu.memory_space<hbm>> -> memref<80x128xf32, #tpu.memory_space<hbm>>
        tpu.wait_dma2 semaphore(%arg11 : memref<!tpu.dma_semaphore, #tpu.memory_space<semaphore_mem>>) src(%dma_wait3A_108 : memref<80x128xf32, #tpu.memory_space<hbm>>) dst(%dma_wait3A_105 : memref<80x128xf32, #tpu.memory_space<vmem>>)
        %dma_start3A_109 = arith.constant 0 : i32
        %dma_start3A_110 = arith.constant 0 : i32
        %dma_start3A_111 = arith.constant 0 : i32
        %dma_start3A_112 = tpu.memref_slice %arg9[%dma_start3A_109, %dma_start3A_110, %dma_start3A_111] : memref<2x80x128xf32, #tpu.memory_space<vmem>> -> memref<1x80x128xf32, #tpu.memory_space<vmem>>
        %dma_start3A_113 = tpu.memref_squeeze %dma_start3A_112 : memref<1x80x128xf32, #tpu.memory_space<vmem>> -> memref<80x128xf32, #tpu.memory_space<vmem>>
        %dma_start3A_114 = arith.constant 0 : i32
        %dma_start3A_115 = arith.constant 0 : i32
        %dma_start3A_116 = tpu.memref_slice %arg10[%dma_start3A_114, %dma_start3A_115] : memref<10000x128xf32, #tpu.memory_space<vmem_shared>> -> memref<10000x128xf32, #tpu.memory_space<vmem_shared>>
        tpu.enqueue_indirect_dma source(%dma_start3A_113 : memref<80x128xf32, #tpu.memory_space<vmem>>) target(%dma_start3A_116 : memref<10000x128xf32, #tpu.memory_space<vmem_shared>>) offsets(%arg7 : memref<80xi32, #tpu.memory_space<vmem>>) semaphore(%arg13 : memref<!tpu.dma_semaphore, #tpu.memory_space<semaphore_mem>>) {add = true}
        %mul3A_117 = arith.constant 2 : i32
        %mul3A_118 = arith.muli %mul3A_117, %scan3A_72 : i32
        %add3A_119 = arith.constant 1 : i32
        %add3A_120 = arith.addi %mul3A_118, %add3A_119 : i32
        %mul3A_121 = arith.constant 80 : i32
        %mul3A_122 = arith.muli %add3A_120, %mul3A_121 : i32
        %add3A_123 = arith.addi %mul3A_37, %mul3A_122 : i32
        %ge3A_124 = arith.constant 1 : i32
        %ge3A_125 = arith.cmpi sge, %add3A_120, %ge3A_124 : i32
        %convert_element_type3A_126 = arith.extui %ge3A_125 : i1 to i32
        %cond3A_127 = arith.constant 0 : i32
        %cond3A_128 = arith.cmpi ne, %convert_element_type3A_126, %cond3A_127 : i32
        scf.if %cond3A_128 {
          %dma_wait3A_163 = arith.constant 0 : i32
          %dma_wait3A_164 = arith.constant 0 : i32
          %dma_wait3A_165 = arith.constant 0 : i32
          %dma_wait3A_166 = tpu.memref_slice %arg9[%dma_wait3A_163, %dma_wait3A_164, %dma_wait3A_165] : memref<2x80x128xf32, #tpu.memory_space<vmem>> -> memref<1x80x128xf32, #tpu.memory_space<vmem>>
          %dma_wait3A_167 = tpu.memref_squeeze %dma_wait3A_166 : memref<1x80x128xf32, #tpu.memory_space<vmem>> -> memref<80x128xf32, #tpu.memory_space<vmem>>
          %dma_wait3A_168 = arith.constant 0 : i32
          %dma_wait3A_169 = arith.constant 0 : i32
          %dma_wait3A_170 = tpu.memref_slice %arg3[%dma_wait3A_168, %dma_wait3A_169] : memref<320000x128xf32, #tpu.memory_space<hbm>> -> memref<80x128xf32, #tpu.memory_space<hbm>>
          %dma_wait3A_171 = arith.constant 0 : i32
          %dma_wait3A_172 = arith.constant 0 : i32
          %dma_wait3A_173 = tpu.memref_slice %arg9[%dma_wait3A_163, %dma_wait3A_171, %dma_wait3A_172] : memref<2x80x128xf32, #tpu.memory_space<vmem>> -> memref<1x80x128xf32, #tpu.memory_space<vmem>>
          %dma_wait3A_174 = tpu.memref_squeeze %dma_wait3A_173 : memref<1x80x128xf32, #tpu.memory_space<vmem>> -> memref<80x128xf32, #tpu.memory_space<vmem>>
          %dma_wait3A_175 = arith.constant 0 : i32
          %dma_wait3A_176 = arith.constant 0 : i32
          %dma_wait3A_177 = tpu.memref_slice %arg3[%dma_wait3A_175, %dma_wait3A_176] : memref<320000x128xf32, #tpu.memory_space<hbm>> -> memref<80x128xf32, #tpu.memory_space<hbm>>
          tpu.wait_dma2 semaphore(%arg13 : memref<!tpu.dma_semaphore, #tpu.memory_space<semaphore_mem>>) src(%dma_wait3A_177 : memref<80x128xf32, #tpu.memory_space<hbm>>) dst(%dma_wait3A_174 : memref<80x128xf32, #tpu.memory_space<vmem>>)
        } else {
        }
        %add3A_129 = arith.constant 1 : i32
        %add3A_130 = arith.addi %add3A_120, %add3A_129 : i32
        %lt3A_131 = arith.constant 250 : i32
        %lt3A_132 = arith.cmpi slt, %add3A_130, %lt3A_131 : i32
        %convert_element_type3A_133 = arith.extui %lt3A_132 : i1 to i32
        %cond3A_134 = arith.constant 0 : i32
        %cond3A_135 = arith.cmpi ne, %convert_element_type3A_133, %cond3A_134 : i32
        scf.if %cond3A_135 {
          %add3A_163 = arith.constant 80 : i32
          %add3A_164 = arith.addi %add3A_123, %add3A_163 : i32
          %dma_start3A_165 = tpu.memref_slice %arg4[%add3A_164] : memref<320000xi32, #tpu.memory_space<hbm>> -> memref<80xi32, #tpu.memory_space<hbm>>
          %dma_start3A_166 = tpu.memref_slice %arg4[%add3A_164] : memref<320000xi32, #tpu.memory_space<hbm>> -> memref<80xi32, #tpu.memory_space<hbm>>
          tpu.enqueue_dma source(%dma_start3A_166 : memref<80xi32, #tpu.memory_space<hbm>>) target(%arg7 : memref<80xi32, #tpu.memory_space<vmem>>) target_semaphore(%arg12 : memref<!tpu.dma_semaphore, #tpu.memory_space<semaphore_mem>>)
          %add3A_167 = arith.constant 80 : i32
          %add3A_168 = arith.addi %add3A_123, %add3A_167 : i32
          %dma_start3A_169 = arith.constant 0 : i32
          %dma_start3A_170 = arith.constant 0 : i32
          %dma_start3A_171 = arith.constant 0 : i32
          %dma_start3A_172 = tpu.memref_slice %arg9[%dma_start3A_169, %dma_start3A_170, %dma_start3A_171] : memref<2x80x128xf32, #tpu.memory_space<vmem>> -> memref<1x80x128xf32, #tpu.memory_space<vmem>>
          %dma_start3A_173 = tpu.memref_squeeze %dma_start3A_172 : memref<1x80x128xf32, #tpu.memory_space<vmem>> -> memref<80x128xf32, #tpu.memory_space<vmem>>
          %dma_start3A_174 = arith.constant 0 : i32
          %dma_start3A_175 = tpu.memref_slice %arg3[%add3A_168, %dma_start3A_174] : memref<320000x128xf32, #tpu.memory_space<hbm>> -> memref<80x128xf32, #tpu.memory_space<hbm>>
          %dma_start3A_176 = arith.constant 0 : i32
          %dma_start3A_177 = arith.constant 0 : i32
          %dma_start3A_178 = tpu.memref_slice %arg9[%dma_start3A_169, %dma_start3A_176, %dma_start3A_177] : memref<2x80x128xf32, #tpu.memory_space<vmem>> -> memref<1x80x128xf32, #tpu.memory_space<vmem>>
          %dma_start3A_179 = tpu.memref_squeeze %dma_start3A_178 : memref<1x80x128xf32, #tpu.memory_space<vmem>> -> memref<80x128xf32, #tpu.memory_space<vmem>>
          %dma_start3A_180 = arith.constant 0 : i32
          %dma_start3A_181 = tpu.memref_slice %arg3[%add3A_168, %dma_start3A_180] : memref<320000x128xf32, #tpu.memory_space<hbm>> -> memref<80x128xf32, #tpu.memory_space<hbm>>
          tpu.enqueue_dma source(%dma_start3A_181 : memref<80x128xf32, #tpu.memory_space<hbm>>) target(%dma_start3A_179 : memref<80x128xf32, #tpu.memory_space<vmem>>) target_semaphore(%arg11 : memref<!tpu.dma_semaphore, #tpu.memory_space<semaphore_mem>>)
        } else {
        }
        %dma_wait3A_136 = arith.constant 0 : i32
        %dma_wait3A_137 = tpu.memref_slice %arg4[%dma_wait3A_136] : memref<320000xi32, #tpu.memory_space<hbm>> -> memref<80xi32, #tpu.memory_space<hbm>>
        %dma_wait3A_138 = arith.constant 0 : i32
        %dma_wait3A_139 = tpu.memref_slice %arg4[%dma_wait3A_138] : memref<320000xi32, #tpu.memory_space<hbm>> -> memref<80xi32, #tpu.memory_space<hbm>>
        tpu.wait_dma2 semaphore(%arg12 : memref<!tpu.dma_semaphore, #tpu.memory_space<semaphore_mem>>) src(%dma_wait3A_139 : memref<80xi32, #tpu.memory_space<hbm>>) dst(%arg8 : memref<80xi32, #tpu.memory_space<vmem>>)
        %dma_wait3A_140 = arith.constant 1 : i32
        %dma_wait3A_141 = arith.constant 0 : i32
        %dma_wait3A_142 = arith.constant 0 : i32
        %dma_wait3A_143 = tpu.memref_slice %arg9[%dma_wait3A_140, %dma_wait3A_141, %dma_wait3A_142] : memref<2x80x128xf32, #tpu.memory_space<vmem>> -> memref<1x80x128xf32, #tpu.memory_space<vmem>>
        %dma_wait3A_144 = tpu.memref_squeeze %dma_wait3A_143 : memref<1x80x128xf32, #tpu.memory_space<vmem>> -> memref<80x128xf32, #tpu.memory_space<vmem>>
        %dma_wait3A_145 = arith.constant 0 : i32
        %dma_wait3A_146 = arith.constant 0 : i32
        %dma_wait3A_147 = tpu.memref_slice %arg3[%dma_wait3A_145, %dma_wait3A_146] : memref<320000x128xf32, #tpu.memory_space<hbm>> -> memref<80x128xf32, #tpu.memory_space<hbm>>
        %dma_wait3A_148 = arith.constant 0 : i32
        %dma_wait3A_149 = arith.constant 0 : i32
        %dma_wait3A_150 = tpu.memref_slice %arg9[%dma_wait3A_140, %dma_wait3A_148, %dma_wait3A_149] : memref<2x80x128xf32, #tpu.memory_space<vmem>> -> memref<1x80x128xf32, #tpu.memory_space<vmem>>
        %dma_wait3A_151 = tpu.memref_squeeze %dma_wait3A_150 : memref<1x80x128xf32, #tpu.memory_space<vmem>> -> memref<80x128xf32, #tpu.memory_space<vmem>>
        %dma_wait3A_152 = arith.constant 0 : i32
        %dma_wait3A_153 = arith.constant 0 : i32
        %dma_wait3A_154 = tpu.memref_slice %arg3[%dma_wait3A_152, %dma_wait3A_153] : memref<320000x128xf32, #tpu.memory_space<hbm>> -> memref<80x128xf32, #tpu.memory_space<hbm>>
        tpu.wait_dma2 semaphore(%arg11 : memref<!tpu.dma_semaphore, #tpu.memory_space<semaphore_mem>>) src(%dma_wait3A_154 : memref<80x128xf32, #tpu.memory_space<hbm>>) dst(%dma_wait3A_151 : memref<80x128xf32, #tpu.memory_space<vmem>>)
        %dma_start3A_155 = arith.constant 1 : i32
        %dma_start3A_156 = arith.constant 0 : i32
        %dma_start3A_157 = arith.constant 0 : i32
        %dma_start3A_158 = tpu.memref_slice %arg9[%dma_start3A_155, %dma_start3A_156, %dma_start3A_157] : memref<2x80x128xf32, #tpu.memory_space<vmem>> -> memref<1x80x128xf32, #tpu.memory_space<vmem>>
        %dma_start3A_159 = tpu.memref_squeeze %dma_start3A_158 : memref<1x80x128xf32, #tpu.memory_space<vmem>> -> memref<80x128xf32, #tpu.memory_space<vmem>>
        %dma_start3A_160 = arith.constant 0 : i32
        %dma_start3A_161 = arith.constant 0 : i32
        %dma_start3A_162 = tpu.memref_slice %arg10[%dma_start3A_160, %dma_start3A_161] : memref<10000x128xf32, #tpu.memory_space<vmem_shared>> -> memref<10000x128xf32, #tpu.memory_space<vmem_shared>>
        tpu.enqueue_indirect_dma source(%dma_start3A_159 : memref<80x128xf32, #tpu.memory_space<vmem>>) target(%dma_start3A_162 : memref<10000x128xf32, #tpu.memory_space<vmem_shared>>) offsets(%arg8 : memref<80xi32, #tpu.memory_space<vmem>>) semaphore(%arg13 : memref<!tpu.dma_semaphore, #tpu.memory_space<semaphore_mem>>) {add = true}
      }
      %scan3A_57 = arith.constant 125 : i32
      %dma_wait3A = arith.constant 0 : i32
      %dma_wait3A_58 = arith.constant 0 : i32
      %dma_wait3A_59 = arith.constant 0 : i32
      %dma_wait3A_60 = tpu.memref_slice %arg9[%dma_wait3A, %dma_wait3A_58, %dma_wait3A_59] : memref<2x80x128xf32, #tpu.memory_space<vmem>> -> memref<1x80x128xf32, #tpu.memory_space<vmem>>
      %dma_wait3A_61 = tpu.memref_squeeze %dma_wait3A_60 : memref<1x80x128xf32, #tpu.memory_space<vmem>> -> memref<80x128xf32, #tpu.memory_space<vmem>>
      %dma_wait3A_62 = arith.constant 0 : i32
      %dma_wait3A_63 = arith.constant 0 : i32
      %dma_wait3A_64 = tpu.memref_slice %arg3[%dma_wait3A_62, %dma_wait3A_63] : memref<320000x128xf32, #tpu.memory_space<hbm>> -> memref<80x128xf32, #tpu.memory_space<hbm>>
      %dma_wait3A_65 = arith.constant 0 : i32
      %dma_wait3A_66 = arith.constant 0 : i32
      %dma_wait3A_67 = tpu.memref_slice %arg9[%dma_wait3A, %dma_wait3A_65, %dma_wait3A_66] : memref<2x80x128xf32, #tpu.memory_space<vmem>> -> memref<1x80x128xf32, #tpu.memory_space<vmem>>
      %dma_wait3A_68 = tpu.memref_squeeze %dma_wait3A_67 : memref<1x80x128xf32, #tpu.memory_space<vmem>> -> memref<80x128xf32, #tpu.memory_space<vmem>>
      %dma_wait3A_69 = arith.constant 0 : i32
      %dma_wait3A_70 = arith.constant 0 : i32
      %dma_wait3A_71 = tpu.memref_slice %arg3[%dma_wait3A_69, %dma_wait3A_70] : memref<320000x128xf32, #tpu.memory_space<hbm>> -> memref<80x128xf32, #tpu.memory_space<hbm>>
      tpu.wait_dma2 semaphore(%arg13 : memref<!tpu.dma_semaphore, #tpu.memory_space<semaphore_mem>>) src(%dma_wait3A_71 : memref<80x128xf32, #tpu.memory_space<hbm>>) dst(%dma_wait3A_68 : memref<80x128xf32, #tpu.memory_space<vmem>>)
    } else {
    }
    %barrier3A_25 = arith.constant 0 : index
    tpu.barrier barrier_id(%barrier3A_25)
    %eq3A_26 = arith.constant 0 : i32
    %eq3A_27 = arith.cmpi eq, %arg0, %eq3A_26 : i32
    %convert_element_type3A_28 = arith.extui %eq3A_27 : i1 to i32
    %cond3A_29 = arith.constant 0 : i32
    %cond3A_30 = arith.cmpi ne, %convert_element_type3A_28, %cond3A_29 : i32
    scf.if %cond3A_30 {
      %mul3A_36 = arith.constant 624 : i32
      %mul3A_37 = arith.muli %arg1, %mul3A_36 : i32
      %mul3A_38 = arith.constant 624 : i32
      %mul3A_39 = arith.muli %arg1, %mul3A_38 : i32
      "tpu.region"() ({
        %run_scoped3A_45 = tpu.sem_alloc : memref<!tpu.dma_semaphore, #tpu.memory_space<semaphore_mem>>
        %dma_start3A = arith.constant 0 : i32
        %dma_start3A_46 = tpu.memref_slice %arg5[%mul3A_39, %dma_start3A] : memref<10000x128xf32, #tpu.memory_space<hbm>> -> memref<624x128xf32, #tpu.memory_space<hbm>>
        %dma_start3A_47 = arith.constant 0 : i32
        %dma_start3A_48 = tpu.memref_slice %arg10[%mul3A_37, %dma_start3A_47] : memref<10000x128xf32, #tpu.memory_space<vmem_shared>> -> memref<624x128xf32, #tpu.memory_space<vmem_shared>>
        tpu.enqueue_dma source(%dma_start3A_48 : memref<624x128xf32, #tpu.memory_space<vmem_shared>>) target(%dma_start3A_46 : memref<624x128xf32, #tpu.memory_space<hbm>>) target_semaphore(%run_scoped3A_45 : memref<!tpu.dma_semaphore, #tpu.memory_space<semaphore_mem>>)
        %dma_wait3A = arith.constant 0 : i32
        %dma_wait3A_49 = tpu.memref_slice %arg5[%mul3A_39, %dma_wait3A] : memref<10000x128xf32, #tpu.memory_space<hbm>> -> memref<624x128xf32, #tpu.memory_space<hbm>>
        %dma_wait3A_50 = arith.constant 0 : i32
        %dma_wait3A_51 = tpu.memref_slice %arg10[%mul3A_37, %dma_wait3A_50] : memref<10000x128xf32, #tpu.memory_space<vmem_shared>> -> memref<624x128xf32, #tpu.memory_space<vmem_shared>>
        tpu.wait_dma2 semaphore(%run_scoped3A_45 : memref<!tpu.dma_semaphore, #tpu.memory_space<semaphore_mem>>) src(%dma_wait3A_51 : memref<624x128xf32, #tpu.memory_space<vmem_shared>>) dst(%dma_wait3A_49 : memref<624x128xf32, #tpu.memory_space<hbm>>)
        tpu.yield
      }) : () -> ()
      %eq3A_40 = arith.constant 15 : i32
      %eq3A_41 = arith.cmpi eq, %arg1, %eq3A_40 : i32
      %convert_element_type3A_42 = arith.extui %eq3A_41 : i1 to i32
      %cond3A_43 = arith.constant 0 : i32
      %cond3A_44 = arith.cmpi ne, %convert_element_type3A_42, %cond3A_43 : i32
      scf.if %cond3A_44 {
        "tpu.region"() ({
          %run_scoped3A_45 = tpu.sem_alloc : memref<!tpu.dma_semaphore, #tpu.memory_space<semaphore_mem>>
          %dma_start3A = arith.constant 9984 : i32
          %dma_start3A_46 = arith.constant 0 : i32
          %dma_start3A_47 = tpu.memref_slice %arg5[%dma_start3A, %dma_start3A_46] : memref<10000x128xf32, #tpu.memory_space<hbm>> -> memref<16x128xf32, #tpu.memory_space<hbm>>
          %dma_start3A_48 = arith.constant 9984 : i32
          %dma_start3A_49 = arith.constant 0 : i32
          %dma_start3A_50 = tpu.memref_slice %arg10[%dma_start3A_48, %dma_start3A_49] : memref<10000x128xf32, #tpu.memory_space<vmem_shared>> -> memref<16x128xf32, #tpu.memory_space<vmem_shared>>
          tpu.enqueue_dma source(%dma_start3A_50 : memref<16x128xf32, #tpu.memory_space<vmem_shared>>) target(%dma_start3A_47 : memref<16x128xf32, #tpu.memory_space<hbm>>) target_semaphore(%run_scoped3A_45 : memref<!tpu.dma_semaphore, #tpu.memory_space<semaphore_mem>>)
          %dma_wait3A = arith.constant 9984 : i32
          %dma_wait3A_51 = arith.constant 0 : i32
          %dma_wait3A_52 = tpu.memref_slice %arg5[%dma_wait3A, %dma_wait3A_51] : memref<10000x128xf32, #tpu.memory_space<hbm>> -> memref<16x128xf32, #tpu.memory_space<hbm>>
          %dma_wait3A_53 = arith.constant 9984 : i32
          %dma_wait3A_54 = arith.constant 0 : i32
          %dma_wait3A_55 = tpu.memref_slice %arg10[%dma_wait3A_53, %dma_wait3A_54] : memref<10000x128xf32, #tpu.memory_space<vmem_shared>> -> memref<16x128xf32, #tpu.memory_space<vmem_shared>>
          tpu.wait_dma2 semaphore(%run_scoped3A_45 : memref<!tpu.dma_semaphore, #tpu.memory_space<semaphore_mem>>) src(%dma_wait3A_55 : memref<16x128xf32, #tpu.memory_space<vmem_shared>>) dst(%dma_wait3A_52 : memref<16x128xf32, #tpu.memory_space<hbm>>)
          tpu.yield
        }) : () -> ()
      } else {
      }
    } else {
    }
    %eq3A_31 = arith.constant 1 : i32
    %eq3A_32 = arith.cmpi eq, %arg0, %eq3A_31 : i32
    %convert_element_type3A_33 = arith.extui %eq3A_32 : i1 to i32
    %cond3A_34 = arith.constant 0 : i32
    %cond3A_35 = arith.cmpi ne, %convert_element_type3A_33, %cond3A_34 : i32
    scf.if %cond3A_35 {
      %mul3A_36 = arith.constant 624 : i32
      %mul3A_37 = arith.muli %arg1, %mul3A_36 : i32
      %mul3A_38 = arith.constant 624 : i32
      %mul3A_39 = arith.muli %arg1, %mul3A_38 : i32
      "tpu.region"() ({
        %run_scoped3A_45 = tpu.sem_alloc : memref<!tpu.dma_semaphore, #tpu.memory_space<semaphore_mem>>
        %dma_start3A = arith.constant 0 : i32
        %dma_start3A_46 = tpu.memref_slice %arg6[%mul3A_39, %dma_start3A] : memref<10000x128xf32, #tpu.memory_space<hbm>> -> memref<624x128xf32, #tpu.memory_space<hbm>>
        %dma_start3A_47 = arith.constant 0 : i32
        %dma_start3A_48 = tpu.memref_slice %arg10[%mul3A_37, %dma_start3A_47] : memref<10000x128xf32, #tpu.memory_space<vmem_shared>> -> memref<624x128xf32, #tpu.memory_space<vmem_shared>>
        tpu.enqueue_dma source(%dma_start3A_48 : memref<624x128xf32, #tpu.memory_space<vmem_shared>>) target(%dma_start3A_46 : memref<624x128xf32, #tpu.memory_space<hbm>>) target_semaphore(%run_scoped3A_45 : memref<!tpu.dma_semaphore, #tpu.memory_space<semaphore_mem>>)
        %dma_wait3A = arith.constant 0 : i32
        %dma_wait3A_49 = tpu.memref_slice %arg6[%mul3A_39, %dma_wait3A] : memref<10000x128xf32, #tpu.memory_space<hbm>> -> memref<624x128xf32, #tpu.memory_space<hbm>>
        %dma_wait3A_50 = arith.constant 0 : i32
        %dma_wait3A_51 = tpu.memref_slice %arg10[%mul3A_37, %dma_wait3A_50] : memref<10000x128xf32, #tpu.memory_space<vmem_shared>> -> memref<624x128xf32, #tpu.memory_space<vmem_shared>>
        tpu.wait_dma2 semaphore(%run_scoped3A_45 : memref<!tpu.dma_semaphore, #tpu.memory_space<semaphore_mem>>) src(%dma_wait3A_51 : memref<624x128xf32, #tpu.memory_space<vmem_shared>>) dst(%dma_wait3A_49 : memref<624x128xf32, #tpu.memory_space<hbm>>)
        tpu.yield
      }) : () -> ()
      %eq3A_40 = arith.constant 15 : i32
      %eq3A_41 = arith.cmpi eq, %arg1, %eq3A_40 : i32
      %convert_element_type3A_42 = arith.extui %eq3A_41 : i1 to i32
      %cond3A_43 = arith.constant 0 : i32
      %cond3A_44 = arith.cmpi ne, %convert_element_type3A_42, %cond3A_43 : i32
      scf.if %cond3A_44 {
        "tpu.region"() ({
          %run_scoped3A_45 = tpu.sem_alloc : memref<!tpu.dma_semaphore, #tpu.memory_space<semaphore_mem>>
          %dma_start3A = arith.constant 9984 : i32
          %dma_start3A_46 = arith.constant 0 : i32
          %dma_start3A_47 = tpu.memref_slice %arg6[%dma_start3A, %dma_start3A_46] : memref<10000x128xf32, #tpu.memory_space<hbm>> -> memref<16x128xf32, #tpu.memory_space<hbm>>
          %dma_start3A_48 = arith.constant 9984 : i32
          %dma_start3A_49 = arith.constant 0 : i32
          %dma_start3A_50 = tpu.memref_slice %arg10[%dma_start3A_48, %dma_start3A_49] : memref<10000x128xf32, #tpu.memory_space<vmem_shared>> -> memref<16x128xf32, #tpu.memory_space<vmem_shared>>
          tpu.enqueue_dma source(%dma_start3A_50 : memref<16x128xf32, #tpu.memory_space<vmem_shared>>) target(%dma_start3A_47 : memref<16x128xf32, #tpu.memory_space<hbm>>) target_semaphore(%run_scoped3A_45 : memref<!tpu.dma_semaphore, #tpu.memory_space<semaphore_mem>>)
          %dma_wait3A = arith.constant 9984 : i32
          %dma_wait3A_51 = arith.constant 0 : i32
          %dma_wait3A_52 = tpu.memref_slice %arg6[%dma_wait3A, %dma_wait3A_51] : memref<10000x128xf32, #tpu.memory_space<hbm>> -> memref<16x128xf32, #tpu.memory_space<hbm>>
          %dma_wait3A_53 = arith.constant 9984 : i32
          %dma_wait3A_54 = arith.constant 0 : i32
          %dma_wait3A_55 = tpu.memref_slice %arg10[%dma_wait3A_53, %dma_wait3A_54] : memref<10000x128xf32, #tpu.memory_space<vmem_shared>> -> memref<16x128xf32, #tpu.memory_space<vmem_shared>>
          tpu.wait_dma2 semaphore(%run_scoped3A_45 : memref<!tpu.dma_semaphore, #tpu.memory_space<semaphore_mem>>) src(%dma_wait3A_55 : memref<16x128xf32, #tpu.memory_space<vmem_shared>>) dst(%dma_wait3A_52 : memref<16x128xf32, #tpu.memory_space<hbm>>)
          tpu.yield
        }) : () -> ()
      } else {
      }
    } else {
    }
    return
  }
}

#map = affine_map<(d0, d1) -> (0, 0)>
#map1 = affine_map<(d0, d1) -> (0, 0, 0)>
module attributes {stable_mosaic.version = 14 : i64} {
  func.func @gat(%arg0: i32, %arg1: i32, %arg2: memref<10000x128xf32, #tpu.memory_space<hbm>>, %arg3: memref<10000x128xf32, #tpu.memory_space<hbm>>, %arg4: memref<10000x128xf32, #tpu.memory_space<hbm>>, %arg5: memref<10000x128xf32, #tpu.memory_space<hbm>>, %arg6: memref<16x250x80xi32, #tpu.memory_space<hbm>>, %arg7: memref<16x250x80xi32, #tpu.memory_space<hbm>>, %arg8: memref<320000x128xf32, #tpu.memory_space<hbm>>, %arg9: memref<320000x128xf32, #tpu.memory_space<hbm>>, %arg10: memref<250x80xi32, #tpu.memory_space<vmem>>, %arg11: memref<250x80xi32, #tpu.memory_space<vmem>>, %arg12: memref<2x80x128xf32, #tpu.memory_space<vmem>>, %arg13: memref<2x80x128xf32, #tpu.memory_space<vmem>>, %arg14: memref<!tpu.dma_semaphore, #tpu.memory_space<semaphore_mem>>, %arg15: memref<!tpu.dma_semaphore, #tpu.memory_space<semaphore_mem>>) attributes {dimension_semantics = [#tpu.dimension_semantics<core_parallel>, #tpu.dimension_semantics<subcore_parallel>], iteration_bounds = array<i64: 2, 16>, scalar_prefetch = 0 : i64, scratch_operands = 6 : i64, tpu.core_type = #tpu.core_type<sc_vector_subcore>, window_params = [{transform_indices = #map}, {transform_indices = #map}, {transform_indices = #map}, {transform_indices = #map}, {transform_indices = #map1}, {transform_indices = #map1}, {transform_indices = #map}, {transform_indices = #map}]} {
    %eq3A = arith.constant 0 : i32
    %eq3A_0 = arith.cmpi eq, %arg0, %eq3A : i32
    %convert_element_type3A = arith.extui %eq3A_0 : i1 to i32
    %cond3A = arith.constant 0 : i32
    %cond3A_1 = arith.cmpi ne, %convert_element_type3A, %cond3A : i32
    scf.if %cond3A_1 {
      "tpu.region"() ({
        %run_scoped3A = tpu.sem_alloc : memref<!tpu.dma_semaphore, #tpu.memory_space<semaphore_mem>>
        %dma_start3A_64 = arith.constant 0 : i32
        %dma_start3A_65 = arith.constant 0 : i32
        %dma_start3A_66 = tpu.memref_slice %arg6[%arg1, %dma_start3A_64, %dma_start3A_65] : memref<16x250x80xi32, #tpu.memory_space<hbm>> -> memref<1x250x80xi32, #tpu.memory_space<hbm>>
        %dma_start3A_67 = tpu.memref_squeeze %dma_start3A_66 : memref<1x250x80xi32, #tpu.memory_space<hbm>> -> memref<250x80xi32, #tpu.memory_space<hbm>>
        %dma_start3A_68 = arith.constant 0 : i32
        %dma_start3A_69 = arith.constant 0 : i32
        %dma_start3A_70 = tpu.memref_slice %arg6[%arg1, %dma_start3A_68, %dma_start3A_69] : memref<16x250x80xi32, #tpu.memory_space<hbm>> -> memref<1x250x80xi32, #tpu.memory_space<hbm>>
        %dma_start3A_71 = tpu.memref_squeeze %dma_start3A_70 : memref<1x250x80xi32, #tpu.memory_space<hbm>> -> memref<250x80xi32, #tpu.memory_space<hbm>>
        tpu.enqueue_dma source(%dma_start3A_71 : memref<250x80xi32, #tpu.memory_space<hbm>>) target(%arg10 : memref<250x80xi32, #tpu.memory_space<vmem>>) target_semaphore(%run_scoped3A : memref<!tpu.dma_semaphore, #tpu.memory_space<semaphore_mem>>)
        %dma_wait3A_72 = arith.constant 0 : i32
        %dma_wait3A_73 = arith.constant 0 : i32
        %dma_wait3A_74 = tpu.memref_slice %arg6[%arg1, %dma_wait3A_72, %dma_wait3A_73] : memref<16x250x80xi32, #tpu.memory_space<hbm>> -> memref<1x250x80xi32, #tpu.memory_space<hbm>>
        %dma_wait3A_75 = tpu.memref_squeeze %dma_wait3A_74 : memref<1x250x80xi32, #tpu.memory_space<hbm>> -> memref<250x80xi32, #tpu.memory_space<hbm>>
        %dma_wait3A_76 = arith.constant 0 : i32
        %dma_wait3A_77 = arith.constant 0 : i32
        %dma_wait3A_78 = tpu.memref_slice %arg6[%arg1, %dma_wait3A_76, %dma_wait3A_77] : memref<16x250x80xi32, #tpu.memory_space<hbm>> -> memref<1x250x80xi32, #tpu.memory_space<hbm>>
        %dma_wait3A_79 = tpu.memref_squeeze %dma_wait3A_78 : memref<1x250x80xi32, #tpu.memory_space<hbm>> -> memref<250x80xi32, #tpu.memory_space<hbm>>
        tpu.wait_dma2 semaphore(%run_scoped3A : memref<!tpu.dma_semaphore, #tpu.memory_space<semaphore_mem>>) src(%dma_wait3A_79 : memref<250x80xi32, #tpu.memory_space<hbm>>) dst(%arg10 : memref<250x80xi32, #tpu.memory_space<vmem>>)
        tpu.yield
      }) : () -> ()
      "tpu.region"() ({
        %run_scoped3A = tpu.sem_alloc : memref<!tpu.dma_semaphore, #tpu.memory_space<semaphore_mem>>
        %dma_start3A_64 = arith.constant 0 : i32
        %dma_start3A_65 = arith.constant 0 : i32
        %dma_start3A_66 = tpu.memref_slice %arg7[%arg1, %dma_start3A_64, %dma_start3A_65] : memref<16x250x80xi32, #tpu.memory_space<hbm>> -> memref<1x250x80xi32, #tpu.memory_space<hbm>>
        %dma_start3A_67 = tpu.memref_squeeze %dma_start3A_66 : memref<1x250x80xi32, #tpu.memory_space<hbm>> -> memref<250x80xi32, #tpu.memory_space<hbm>>
        %dma_start3A_68 = arith.constant 0 : i32
        %dma_start3A_69 = arith.constant 0 : i32
        %dma_start3A_70 = tpu.memref_slice %arg7[%arg1, %dma_start3A_68, %dma_start3A_69] : memref<16x250x80xi32, #tpu.memory_space<hbm>> -> memref<1x250x80xi32, #tpu.memory_space<hbm>>
        %dma_start3A_71 = tpu.memref_squeeze %dma_start3A_70 : memref<1x250x80xi32, #tpu.memory_space<hbm>> -> memref<250x80xi32, #tpu.memory_space<hbm>>
        tpu.enqueue_dma source(%dma_start3A_71 : memref<250x80xi32, #tpu.memory_space<hbm>>) target(%arg11 : memref<250x80xi32, #tpu.memory_space<vmem>>) target_semaphore(%run_scoped3A : memref<!tpu.dma_semaphore, #tpu.memory_space<semaphore_mem>>)
        %dma_wait3A_72 = arith.constant 0 : i32
        %dma_wait3A_73 = arith.constant 0 : i32
        %dma_wait3A_74 = tpu.memref_slice %arg7[%arg1, %dma_wait3A_72, %dma_wait3A_73] : memref<16x250x80xi32, #tpu.memory_space<hbm>> -> memref<1x250x80xi32, #tpu.memory_space<hbm>>
        %dma_wait3A_75 = tpu.memref_squeeze %dma_wait3A_74 : memref<1x250x80xi32, #tpu.memory_space<hbm>> -> memref<250x80xi32, #tpu.memory_space<hbm>>
        %dma_wait3A_76 = arith.constant 0 : i32
        %dma_wait3A_77 = arith.constant 0 : i32
        %dma_wait3A_78 = tpu.memref_slice %arg7[%arg1, %dma_wait3A_76, %dma_wait3A_77] : memref<16x250x80xi32, #tpu.memory_space<hbm>> -> memref<1x250x80xi32, #tpu.memory_space<hbm>>
        %dma_wait3A_79 = tpu.memref_squeeze %dma_wait3A_78 : memref<1x250x80xi32, #tpu.memory_space<hbm>> -> memref<250x80xi32, #tpu.memory_space<hbm>>
        tpu.wait_dma2 semaphore(%run_scoped3A : memref<!tpu.dma_semaphore, #tpu.memory_space<semaphore_mem>>) src(%dma_wait3A_79 : memref<250x80xi32, #tpu.memory_space<hbm>>) dst(%arg11 : memref<250x80xi32, #tpu.memory_space<vmem>>)
        tpu.yield
      }) : () -> ()
      %dma_start3A = arith.constant 0 : i32
      %dma_start3A_7 = arith.constant 0 : i32
      %dma_start3A_8 = arith.constant 0 : i32
      %dma_start3A_9 = arith.constant 0 : i32
      %dma_start3A_10 = tpu.memref_slice %arg12[%dma_start3A_7, %dma_start3A_8, %dma_start3A_9] : memref<2x80x128xf32, #tpu.memory_space<vmem>> -> memref<1x80x128xf32, #tpu.memory_space<vmem>>
      %dma_start3A_11 = tpu.memref_squeeze %dma_start3A_10 : memref<1x80x128xf32, #tpu.memory_space<vmem>> -> memref<80x128xf32, #tpu.memory_space<vmem>>
      %dma_start3A_12 = arith.constant 0 : i32
      %dma_start3A_13 = tpu.memref_slice %arg10[%dma_start3A, %dma_start3A_12] : memref<250x80xi32, #tpu.memory_space<vmem>> -> memref<1x80xi32, #tpu.memory_space<vmem>>
      %dma_start3A_14 = tpu.memref_squeeze %dma_start3A_13 : memref<1x80xi32, #tpu.memory_space<vmem>> -> memref<80xi32, #tpu.memory_space<vmem>>
      %dma_start3A_15 = arith.constant 0 : i32
      %dma_start3A_16 = arith.constant 0 : i32
      %dma_start3A_17 = tpu.memref_slice %arg2[%dma_start3A_15, %dma_start3A_16] : memref<10000x128xf32, #tpu.memory_space<hbm>> -> memref<10000x128xf32, #tpu.memory_space<hbm>>
      tpu.enqueue_indirect_dma source(%dma_start3A_17 : memref<10000x128xf32, #tpu.memory_space<hbm>>) target(%dma_start3A_11 : memref<80x128xf32, #tpu.memory_space<vmem>>) offsets(%dma_start3A_14 : memref<80xi32, #tpu.memory_space<vmem>>) semaphore(%arg14 : memref<!tpu.dma_semaphore, #tpu.memory_space<semaphore_mem>>)
      %dma_start3A_18 = arith.constant 0 : i32
      %dma_start3A_19 = arith.constant 0 : i32
      %dma_start3A_20 = arith.constant 0 : i32
      %dma_start3A_21 = arith.constant 0 : i32
      %dma_start3A_22 = tpu.memref_slice %arg13[%dma_start3A_19, %dma_start3A_20, %dma_start3A_21] : memref<2x80x128xf32, #tpu.memory_space<vmem>> -> memref<1x80x128xf32, #tpu.memory_space<vmem>>
      %dma_start3A_23 = tpu.memref_squeeze %dma_start3A_22 : memref<1x80x128xf32, #tpu.memory_space<vmem>> -> memref<80x128xf32, #tpu.memory_space<vmem>>
      %dma_start3A_24 = arith.constant 0 : i32
      %dma_start3A_25 = tpu.memref_slice %arg11[%dma_start3A_18, %dma_start3A_24] : memref<250x80xi32, #tpu.memory_space<vmem>> -> memref<1x80xi32, #tpu.memory_space<vmem>>
      %dma_start3A_26 = tpu.memref_squeeze %dma_start3A_25 : memref<1x80xi32, #tpu.memory_space<vmem>> -> memref<80xi32, #tpu.memory_space<vmem>>
      %dma_start3A_27 = arith.constant 0 : i32
      %dma_start3A_28 = arith.constant 0 : i32
      %dma_start3A_29 = tpu.memref_slice %arg3[%dma_start3A_27, %dma_start3A_28] : memref<10000x128xf32, #tpu.memory_space<hbm>> -> memref<10000x128xf32, #tpu.memory_space<hbm>>
      tpu.enqueue_indirect_dma source(%dma_start3A_29 : memref<10000x128xf32, #tpu.memory_space<hbm>>) target(%dma_start3A_23 : memref<80x128xf32, #tpu.memory_space<vmem>>) offsets(%dma_start3A_26 : memref<80xi32, #tpu.memory_space<vmem>>) semaphore(%arg14 : memref<!tpu.dma_semaphore, #tpu.memory_space<semaphore_mem>>)
      %scan3A = arith.constant 0 : i32
      %scan3A_30 = arith.constant 0 : i32
      %scan3A_31 = arith.constant 125 : i32
      %scan3A_32 = arith.addi %scan3A_30, %scan3A_31 : i32
      %scan3A_33 = arith.constant 1 : i32
      scf.for %scan3A_64 = %scan3A_30 to %scan3A_32 step %scan3A_33  : i32 {
        %mul3A = arith.constant 2 : i32
        %mul3A_65 = arith.muli %mul3A, %scan3A_64 : i32
        %add3A = arith.constant 0 : i32
        %add3A_66 = arith.addi %mul3A_65, %add3A : i32
        %mul3A_67 = arith.constant 20000 : i32
        %mul3A_68 = arith.muli %arg1, %mul3A_67 : i32
        %mul3A_69 = arith.constant 80 : i32
        %mul3A_70 = arith.muli %add3A_66, %mul3A_69 : i32
        %add3A_71 = arith.addi %mul3A_68, %mul3A_70 : i32
        %dma_wait3A_72 = arith.constant 0 : i32
        %dma_wait3A_73 = arith.constant 0 : i32
        %dma_wait3A_74 = arith.constant 0 : i32
        %dma_wait3A_75 = tpu.memref_slice %arg12[%dma_wait3A_72, %dma_wait3A_73, %dma_wait3A_74] : memref<2x80x128xf32, #tpu.memory_space<vmem>> -> memref<1x80x128xf32, #tpu.memory_space<vmem>>
        %dma_wait3A_76 = tpu.memref_squeeze %dma_wait3A_75 : memref<1x80x128xf32, #tpu.memory_space<vmem>> -> memref<80x128xf32, #tpu.memory_space<vmem>>
        %dma_wait3A_77 = arith.constant 0 : i32
        %dma_wait3A_78 = arith.constant 0 : i32
        %dma_wait3A_79 = tpu.memref_slice %arg8[%dma_wait3A_77, %dma_wait3A_78] : memref<320000x128xf32, #tpu.memory_space<hbm>> -> memref<80x128xf32, #tpu.memory_space<hbm>>
        %dma_wait3A_80 = arith.constant 0 : i32
        %dma_wait3A_81 = arith.constant 0 : i32
        %dma_wait3A_82 = tpu.memref_slice %arg12[%dma_wait3A_72, %dma_wait3A_80, %dma_wait3A_81] : memref<2x80x128xf32, #tpu.memory_space<vmem>> -> memref<1x80x128xf32, #tpu.memory_space<vmem>>
        %dma_wait3A_83 = tpu.memref_squeeze %dma_wait3A_82 : memref<1x80x128xf32, #tpu.memory_space<vmem>> -> memref<80x128xf32, #tpu.memory_space<vmem>>
        %dma_wait3A_84 = arith.constant 0 : i32
        %dma_wait3A_85 = arith.constant 0 : i32
        %dma_wait3A_86 = tpu.memref_slice %arg8[%dma_wait3A_84, %dma_wait3A_85] : memref<320000x128xf32, #tpu.memory_space<hbm>> -> memref<80x128xf32, #tpu.memory_space<hbm>>
        tpu.wait_dma2 semaphore(%arg14 : memref<!tpu.dma_semaphore, #tpu.memory_space<semaphore_mem>>) src(%dma_wait3A_86 : memref<80x128xf32, #tpu.memory_space<hbm>>) dst(%dma_wait3A_83 : memref<80x128xf32, #tpu.memory_space<vmem>>)
        %dma_wait3A_87 = arith.constant 0 : i32
        %dma_wait3A_88 = arith.constant 0 : i32
        %dma_wait3A_89 = arith.constant 0 : i32
        %dma_wait3A_90 = tpu.memref_slice %arg13[%dma_wait3A_87, %dma_wait3A_88, %dma_wait3A_89] : memref<2x80x128xf32, #tpu.memory_space<vmem>> -> memref<1x80x128xf32, #tpu.memory_space<vmem>>
        %dma_wait3A_91 = tpu.memref_squeeze %dma_wait3A_90 : memref<1x80x128xf32, #tpu.memory_space<vmem>> -> memref<80x128xf32, #tpu.memory_space<vmem>>
        %dma_wait3A_92 = arith.constant 0 : i32
        %dma_wait3A_93 = arith.constant 0 : i32
        %dma_wait3A_94 = tpu.memref_slice %arg8[%dma_wait3A_92, %dma_wait3A_93] : memref<320000x128xf32, #tpu.memory_space<hbm>> -> memref<80x128xf32, #tpu.memory_space<hbm>>
        %dma_wait3A_95 = arith.constant 0 : i32
        %dma_wait3A_96 = arith.constant 0 : i32
        %dma_wait3A_97 = tpu.memref_slice %arg13[%dma_wait3A_87, %dma_wait3A_95, %dma_wait3A_96] : memref<2x80x128xf32, #tpu.memory_space<vmem>> -> memref<1x80x128xf32, #tpu.memory_space<vmem>>
        %dma_wait3A_98 = tpu.memref_squeeze %dma_wait3A_97 : memref<1x80x128xf32, #tpu.memory_space<vmem>> -> memref<80x128xf32, #tpu.memory_space<vmem>>
        %dma_wait3A_99 = arith.constant 0 : i32
        %dma_wait3A_100 = arith.constant 0 : i32
        %dma_wait3A_101 = tpu.memref_slice %arg8[%dma_wait3A_99, %dma_wait3A_100] : memref<320000x128xf32, #tpu.memory_space<hbm>> -> memref<80x128xf32, #tpu.memory_space<hbm>>
        tpu.wait_dma2 semaphore(%arg14 : memref<!tpu.dma_semaphore, #tpu.memory_space<semaphore_mem>>) src(%dma_wait3A_101 : memref<80x128xf32, #tpu.memory_space<hbm>>) dst(%dma_wait3A_98 : memref<80x128xf32, #tpu.memory_space<vmem>>)
        %add3A_102 = arith.constant 1 : i32
        %add3A_103 = arith.addi %add3A_66, %add3A_102 : i32
        %lt3A = arith.constant 250 : i32
        %lt3A_104 = arith.cmpi slt, %add3A_103, %lt3A : i32
        %convert_element_type3A_105 = arith.extui %lt3A_104 : i1 to i32
        %cond3A_106 = arith.constant 0 : i32
        %cond3A_107 = arith.cmpi ne, %convert_element_type3A_105, %cond3A_106 : i32
        scf.if %cond3A_107 {
          %ge3A = arith.constant 1 : i32
          %ge3A_189 = arith.cmpi sge, %add3A_66, %ge3A : i32
          %convert_element_type3A_190 = arith.extui %ge3A_189 : i1 to i32
          %cond3A_191 = arith.constant 0 : i32
          %cond3A_192 = arith.cmpi ne, %convert_element_type3A_190, %cond3A_191 : i32
          scf.if %cond3A_192 {
            %dma_wait3A_219 = arith.constant 0 : i32
            %dma_wait3A_220 = arith.constant 0 : i32
            %dma_wait3A_221 = arith.constant 0 : i32
            %dma_wait3A_222 = tpu.memref_slice %arg12[%dma_wait3A_219, %dma_wait3A_220, %dma_wait3A_221] : memref<2x80x128xf32, #tpu.memory_space<vmem>> -> memref<1x80x128xf32, #tpu.memory_space<vmem>>
            %dma_wait3A_223 = tpu.memref_squeeze %dma_wait3A_222 : memref<1x80x128xf32, #tpu.memory_space<vmem>> -> memref<80x128xf32, #tpu.memory_space<vmem>>
            %dma_wait3A_224 = arith.constant 0 : i32
            %dma_wait3A_225 = arith.constant 0 : i32
            %dma_wait3A_226 = tpu.memref_slice %arg8[%dma_wait3A_224, %dma_wait3A_225] : memref<320000x128xf32, #tpu.memory_space<hbm>> -> memref<80x128xf32, #tpu.memory_space<hbm>>
            %dma_wait3A_227 = arith.constant 0 : i32
            %dma_wait3A_228 = arith.constant 0 : i32
            %dma_wait3A_229 = tpu.memref_slice %arg12[%dma_wait3A_219, %dma_wait3A_227, %dma_wait3A_228] : memref<2x80x128xf32, #tpu.memory_space<vmem>> -> memref<1x80x128xf32, #tpu.memory_space<vmem>>
            %dma_wait3A_230 = tpu.memref_squeeze %dma_wait3A_229 : memref<1x80x128xf32, #tpu.memory_space<vmem>> -> memref<80x128xf32, #tpu.memory_space<vmem>>
            %dma_wait3A_231 = arith.constant 0 : i32
            %dma_wait3A_232 = arith.constant 0 : i32
            %dma_wait3A_233 = tpu.memref_slice %arg8[%dma_wait3A_231, %dma_wait3A_232] : memref<320000x128xf32, #tpu.memory_space<hbm>> -> memref<80x128xf32, #tpu.memory_space<hbm>>
            tpu.wait_dma2 semaphore(%arg15 : memref<!tpu.dma_semaphore, #tpu.memory_space<semaphore_mem>>) src(%dma_wait3A_233 : memref<80x128xf32, #tpu.memory_space<hbm>>) dst(%dma_wait3A_230 : memref<80x128xf32, #tpu.memory_space<vmem>>)
          } else {
          }
          %add3A_193 = arith.constant 1 : i32
          %add3A_194 = arith.addi %add3A_66, %add3A_193 : i32
          %dma_start3A_195 = arith.constant 1 : i32
          %dma_start3A_196 = arith.constant 0 : i32
          %dma_start3A_197 = arith.constant 0 : i32
          %dma_start3A_198 = tpu.memref_slice %arg12[%dma_start3A_195, %dma_start3A_196, %dma_start3A_197] : memref<2x80x128xf32, #tpu.memory_space<vmem>> -> memref<1x80x128xf32, #tpu.memory_space<vmem>>
          %dma_start3A_199 = tpu.memref_squeeze %dma_start3A_198 : memref<1x80x128xf32, #tpu.memory_space<vmem>> -> memref<80x128xf32, #tpu.memory_space<vmem>>
          %dma_start3A_200 = arith.constant 0 : i32
          %dma_start3A_201 = tpu.memref_slice %arg10[%add3A_194, %dma_start3A_200] : memref<250x80xi32, #tpu.memory_space<vmem>> -> memref<1x80xi32, #tpu.memory_space<vmem>>
          %dma_start3A_202 = tpu.memref_squeeze %dma_start3A_201 : memref<1x80xi32, #tpu.memory_space<vmem>> -> memref<80xi32, #tpu.memory_space<vmem>>
          %dma_start3A_203 = arith.constant 0 : i32
          %dma_start3A_204 = arith.constant 0 : i32
          %dma_start3A_205 = tpu.memref_slice %arg2[%dma_start3A_203, %dma_start3A_204] : memref<10000x128xf32, #tpu.memory_space<hbm>> -> memref<10000x128xf32, #tpu.memory_space<hbm>>
          tpu.enqueue_indirect_dma source(%dma_start3A_205 : memref<10000x128xf32, #tpu.memory_space<hbm>>) target(%dma_start3A_199 : memref<80x128xf32, #tpu.memory_space<vmem>>) offsets(%dma_start3A_202 : memref<80xi32, #tpu.memory_space<vmem>>) semaphore(%arg14 : memref<!tpu.dma_semaphore, #tpu.memory_space<semaphore_mem>>)
          %add3A_206 = arith.constant 1 : i32
          %add3A_207 = arith.addi %add3A_66, %add3A_206 : i32
          %dma_start3A_208 = arith.constant 1 : i32
          %dma_start3A_209 = arith.constant 0 : i32
          %dma_start3A_210 = arith.constant 0 : i32
          %dma_start3A_211 = tpu.memref_slice %arg13[%dma_start3A_208, %dma_start3A_209, %dma_start3A_210] : memref<2x80x128xf32, #tpu.memory_space<vmem>> -> memref<1x80x128xf32, #tpu.memory_space<vmem>>
          %dma_start3A_212 = tpu.memref_squeeze %dma_start3A_211 : memref<1x80x128xf32, #tpu.memory_space<vmem>> -> memref<80x128xf32, #tpu.memory_space<vmem>>
          %dma_start3A_213 = arith.constant 0 : i32
          %dma_start3A_214 = tpu.memref_slice %arg11[%add3A_207, %dma_start3A_213] : memref<250x80xi32, #tpu.memory_space<vmem>> -> memref<1x80xi32, #tpu.memory_space<vmem>>
          %dma_start3A_215 = tpu.memref_squeeze %dma_start3A_214 : memref<1x80xi32, #tpu.memory_space<vmem>> -> memref<80xi32, #tpu.memory_space<vmem>>
          %dma_start3A_216 = arith.constant 0 : i32
          %dma_start3A_217 = arith.constant 0 : i32
          %dma_start3A_218 = tpu.memref_slice %arg3[%dma_start3A_216, %dma_start3A_217] : memref<10000x128xf32, #tpu.memory_space<hbm>> -> memref<10000x128xf32, #tpu.memory_space<hbm>>
          tpu.enqueue_indirect_dma source(%dma_start3A_218 : memref<10000x128xf32, #tpu.memory_space<hbm>>) target(%dma_start3A_212 : memref<80x128xf32, #tpu.memory_space<vmem>>) offsets(%dma_start3A_215 : memref<80xi32, #tpu.memory_space<vmem>>) semaphore(%arg14 : memref<!tpu.dma_semaphore, #tpu.memory_space<semaphore_mem>>)
        } else {
        }
        %parallel_loop3A = arith.constant 0 : i32
        %parallel_loop3A_108 = arith.constant 80 : i32
        %parallel_loop3A_109 = arith.constant 1 : i32
        %parallel_loop3A_110 = arith.constant 0 : i32
        %parallel_loop3A_111 = arith.constant 0 : i32
        scf.for %parallel_loop3A_189 = %parallel_loop3A to %parallel_loop3A_108 step %parallel_loop3A_109  : i32 {
          %parallel_loop3A_190 = arith.constant 0 : i32
          %parallel_loop3A_191 = arith.constant 0 : i32
          %parallel_loop3A_192 = tpu.memref_slice %arg12[%parallel_loop3A_110, %parallel_loop3A_190, %parallel_loop3A_191] : memref<2x80x128xf32, #tpu.memory_space<vmem>> -> memref<1x80x128xf32, #tpu.memory_space<vmem>>
          %parallel_loop3A_193 = tpu.memref_squeeze %parallel_loop3A_192 : memref<1x80x128xf32, #tpu.memory_space<vmem>> -> memref<80x128xf32, #tpu.memory_space<vmem>>
          %parallel_loop3A_194 = arith.index_cast %parallel_loop3A_189 : i32 to index
          %parallel_loop3A_195 = arith.constant 0 : index
          %parallel_loop3A_196 = tpu.vector_load %parallel_loop3A_193[%parallel_loop3A_194, %parallel_loop3A_195] {strides = array<i32>} : memref<80x128xf32, #tpu.memory_space<vmem>>, vector<1x16xf32>,
          %parallel_loop3A_197 = vector.shape_cast %parallel_loop3A_196 : vector<1x16xf32> to vector<16xf32>
          %parallel_loop3A_198 = arith.constant 0 : i32
          %parallel_loop3A_199 = arith.constant 0 : i32
          %parallel_loop3A_200 = tpu.memref_slice %arg13[%parallel_loop3A_111, %parallel_loop3A_198, %parallel_loop3A_199] : memref<2x80x128xf32, #tpu.memory_space<vmem>> -> memref<1x80x128xf32, #tpu.memory_space<vmem>>
          %parallel_loop3A_201 = tpu.memref_squeeze %parallel_loop3A_200 : memref<1x80x128xf32, #tpu.memory_space<vmem>> -> memref<80x128xf32, #tpu.memory_space<vmem>>
          %parallel_loop3A_202 = arith.index_cast %parallel_loop3A_189 : i32 to index
          %parallel_loop3A_203 = arith.constant 0 : index
          %parallel_loop3A_204 = tpu.vector_load %parallel_loop3A_201[%parallel_loop3A_202, %parallel_loop3A_203] {strides = array<i32>} : memref<80x128xf32, #tpu.memory_space<vmem>>, vector<1x16xf32>,
          %parallel_loop3A_205 = vector.shape_cast %parallel_loop3A_204 : vector<1x16xf32> to vector<16xf32>
          %parallel_loop3A_206 = arith.addf %parallel_loop3A_197, %parallel_loop3A_205 : vector<16xf32>
          %parallel_loop3A_207 = arith.constant 0 : i32
          %parallel_loop3A_208 = arith.constant 0 : i32
          %parallel_loop3A_209 = tpu.memref_slice %arg12[%parallel_loop3A_110, %parallel_loop3A_207, %parallel_loop3A_208] : memref<2x80x128xf32, #tpu.memory_space<vmem>> -> memref<1x80x128xf32, #tpu.memory_space<vmem>>
          %parallel_loop3A_210 = tpu.memref_squeeze %parallel_loop3A_209 : memref<1x80x128xf32, #tpu.memory_space<vmem>> -> memref<80x128xf32, #tpu.memory_space<vmem>>
          %parallel_loop3A_211 = arith.index_cast %parallel_loop3A_189 : i32 to index
          %parallel_loop3A_212 = arith.constant 0 : index
          %parallel_loop3A_213 = tpu.vector_load %parallel_loop3A_210[%parallel_loop3A_211, %parallel_loop3A_212] {strides = array<i32>} : memref<80x128xf32, #tpu.memory_space<vmem>>, vector<1x16xf32>,
          %parallel_loop3A_214 = vector.shape_cast %parallel_loop3A_213 : vector<1x16xf32> to vector<16xf32>
          %parallel_loop3A_215 = vector.shape_cast %parallel_loop3A_206 : vector<16xf32> to vector<1x16xf32>
          tpu.vector_store %parallel_loop3A_210[%parallel_loop3A_211, %parallel_loop3A_212], %parallel_loop3A_215 {strides = array<i32>} : memref<80x128xf32, #tpu.memory_space<vmem>>, vector<1x16xf32>,
          %parallel_loop3A_216 = arith.constant 0 : i32
          %parallel_loop3A_217 = arith.constant 0 : i32
          %parallel_loop3A_218 = tpu.memref_slice %arg12[%parallel_loop3A_110, %parallel_loop3A_216, %parallel_loop3A_217] : memref<2x80x128xf32, #tpu.memory_space<vmem>> -> memref<1x80x128xf32, #tpu.memory_space<vmem>>
          %parallel_loop3A_219 = tpu.memref_squeeze %parallel_loop3A_218 : memref<1x80x128xf32, #tpu.memory_space<vmem>> -> memref<80x128xf32, #tpu.memory_space<vmem>>
          %parallel_loop3A_220 = arith.index_cast %parallel_loop3A_189 : i32 to index
          %parallel_loop3A_221 = arith.constant 16 : index
          %parallel_loop3A_222 = tpu.vector_load %parallel_loop3A_219[%parallel_loop3A_220, %parallel_loop3A_221] {strides = array<i32>} : memref<80x128xf32, #tpu.memory_space<vmem>>, vector<1x16xf32>,
          %parallel_loop3A_223 = vector.shape_cast %parallel_loop3A_222 : vector<1x16xf32> to vector<16xf32>
          %parallel_loop3A_224 = arith.constant 0 : i32
          %parallel_loop3A_225 = arith.constant 0 : i32
          %parallel_loop3A_226 = tpu.memref_slice %arg13[%parallel_loop3A_111, %parallel_loop3A_224, %parallel_loop3A_225] : memref<2x80x128xf32, #tpu.memory_space<vmem>> -> memref<1x80x128xf32, #tpu.memory_space<vmem>>
          %parallel_loop3A_227 = tpu.memref_squeeze %parallel_loop3A_226 : memref<1x80x128xf32, #tpu.memory_space<vmem>> -> memref<80x128xf32, #tpu.memory_space<vmem>>
          %parallel_loop3A_228 = arith.index_cast %parallel_loop3A_189 : i32 to index
          %parallel_loop3A_229 = arith.constant 16 : index
          %parallel_loop3A_230 = tpu.vector_load %parallel_loop3A_227[%parallel_loop3A_228, %parallel_loop3A_229] {strides = array<i32>} : memref<80x128xf32, #tpu.memory_space<vmem>>, vector<1x16xf32>,
          %parallel_loop3A_231 = vector.shape_cast %parallel_loop3A_230 : vector<1x16xf32> to vector<16xf32>
          %parallel_loop3A_232 = arith.addf %parallel_loop3A_223, %parallel_loop3A_231 : vector<16xf32>
          %parallel_loop3A_233 = arith.constant 0 : i32
          %parallel_loop3A_234 = arith.constant 0 : i32
          %parallel_loop3A_235 = tpu.memref_slice %arg12[%parallel_loop3A_110, %parallel_loop3A_233, %parallel_loop3A_234] : memref<2x80x128xf32, #tpu.memory_space<vmem>> -> memref<1x80x128xf32, #tpu.memory_space<vmem>>
          %parallel_loop3A_236 = tpu.memref_squeeze %parallel_loop3A_235 : memref<1x80x128xf32, #tpu.memory_space<vmem>> -> memref<80x128xf32, #tpu.memory_space<vmem>>
          %parallel_loop3A_237 = arith.index_cast %parallel_loop3A_189 : i32 to index
          %parallel_loop3A_238 = arith.constant 16 : index
          %parallel_loop3A_239 = tpu.vector_load %parallel_loop3A_236[%parallel_loop3A_237, %parallel_loop3A_238] {strides = array<i32>} : memref<80x128xf32, #tpu.memory_space<vmem>>, vector<1x16xf32>,
          %parallel_loop3A_240 = vector.shape_cast %parallel_loop3A_239 : vector<1x16xf32> to vector<16xf32>
          %parallel_loop3A_241 = vector.shape_cast %parallel_loop3A_232 : vector<16xf32> to vector<1x16xf32>
          tpu.vector_store %parallel_loop3A_236[%parallel_loop3A_237, %parallel_loop3A_238], %parallel_loop3A_241 {strides = array<i32>} : memref<80x128xf32, #tpu.memory_space<vmem>>, vector<1x16xf32>,
          %parallel_loop3A_242 = arith.constant 0 : i32
          %parallel_loop3A_243 = arith.constant 0 : i32
          %parallel_loop3A_244 = tpu.memref_slice %arg12[%parallel_loop3A_110, %parallel_loop3A_242, %parallel_loop3A_243] : memref<2x80x128xf32, #tpu.memory_space<vmem>> -> memref<1x80x128xf32, #tpu.memory_space<vmem>>
          %parallel_loop3A_245 = tpu.memref_squeeze %parallel_loop3A_244 : memref<1x80x128xf32, #tpu.memory_space<vmem>> -> memref<80x128xf32, #tpu.memory_space<vmem>>
          %parallel_loop3A_246 = arith.index_cast %parallel_loop3A_189 : i32 to index
          %parallel_loop3A_247 = arith.constant 32 : index
          %parallel_loop3A_248 = tpu.vector_load %parallel_loop3A_245[%parallel_loop3A_246, %parallel_loop3A_247] {strides = array<i32>} : memref<80x128xf32, #tpu.memory_space<vmem>>, vector<1x16xf32>,
          %parallel_loop3A_249 = vector.shape_cast %parallel_loop3A_248 : vector<1x16xf32> to vector<16xf32>
          %parallel_loop3A_250 = arith.constant 0 : i32
          %parallel_loop3A_251 = arith.constant 0 : i32
          %parallel_loop3A_252 = tpu.memref_slice %arg13[%parallel_loop3A_111, %parallel_loop3A_250, %parallel_loop3A_251] : memref<2x80x128xf32, #tpu.memory_space<vmem>> -> memref<1x80x128xf32, #tpu.memory_space<vmem>>
          %parallel_loop3A_253 = tpu.memref_squeeze %parallel_loop3A_252 : memref<1x80x128xf32, #tpu.memory_space<vmem>> -> memref<80x128xf32, #tpu.memory_space<vmem>>
          %parallel_loop3A_254 = arith.index_cast %parallel_loop3A_189 : i32 to index
          %parallel_loop3A_255 = arith.constant 32 : index
          %parallel_loop3A_256 = tpu.vector_load %parallel_loop3A_253[%parallel_loop3A_254, %parallel_loop3A_255] {strides = array<i32>} : memref<80x128xf32, #tpu.memory_space<vmem>>, vector<1x16xf32>,
          %parallel_loop3A_257 = vector.shape_cast %parallel_loop3A_256 : vector<1x16xf32> to vector<16xf32>
          %parallel_loop3A_258 = arith.addf %parallel_loop3A_249, %parallel_loop3A_257 : vector<16xf32>
          %parallel_loop3A_259 = arith.constant 0 : i32
          %parallel_loop3A_260 = arith.constant 0 : i32
          %parallel_loop3A_261 = tpu.memref_slice %arg12[%parallel_loop3A_110, %parallel_loop3A_259, %parallel_loop3A_260] : memref<2x80x128xf32, #tpu.memory_space<vmem>> -> memref<1x80x128xf32, #tpu.memory_space<vmem>>
          %parallel_loop3A_262 = tpu.memref_squeeze %parallel_loop3A_261 : memref<1x80x128xf32, #tpu.memory_space<vmem>> -> memref<80x128xf32, #tpu.memory_space<vmem>>
          %parallel_loop3A_263 = arith.index_cast %parallel_loop3A_189 : i32 to index
          %parallel_loop3A_264 = arith.constant 32 : index
          %parallel_loop3A_265 = tpu.vector_load %parallel_loop3A_262[%parallel_loop3A_263, %parallel_loop3A_264] {strides = array<i32>} : memref<80x128xf32, #tpu.memory_space<vmem>>, vector<1x16xf32>,
          %parallel_loop3A_266 = vector.shape_cast %parallel_loop3A_265 : vector<1x16xf32> to vector<16xf32>
          %parallel_loop3A_267 = vector.shape_cast %parallel_loop3A_258 : vector<16xf32> to vector<1x16xf32>
          tpu.vector_store %parallel_loop3A_262[%parallel_loop3A_263, %parallel_loop3A_264], %parallel_loop3A_267 {strides = array<i32>} : memref<80x128xf32, #tpu.memory_space<vmem>>, vector<1x16xf32>,
          %parallel_loop3A_268 = arith.constant 0 : i32
          %parallel_loop3A_269 = arith.constant 0 : i32
          %parallel_loop3A_270 = tpu.memref_slice %arg12[%parallel_loop3A_110, %parallel_loop3A_268, %parallel_loop3A_269] : memref<2x80x128xf32, #tpu.memory_space<vmem>> -> memref<1x80x128xf32, #tpu.memory_space<vmem>>
          %parallel_loop3A_271 = tpu.memref_squeeze %parallel_loop3A_270 : memref<1x80x128xf32, #tpu.memory_space<vmem>> -> memref<80x128xf32, #tpu.memory_space<vmem>>
          %parallel_loop3A_272 = arith.index_cast %parallel_loop3A_189 : i32 to index
          %parallel_loop3A_273 = arith.constant 48 : index
          %parallel_loop3A_274 = tpu.vector_load %parallel_loop3A_271[%parallel_loop3A_272, %parallel_loop3A_273] {strides = array<i32>} : memref<80x128xf32, #tpu.memory_space<vmem>>, vector<1x16xf32>,
          %parallel_loop3A_275 = vector.shape_cast %parallel_loop3A_274 : vector<1x16xf32> to vector<16xf32>
          %parallel_loop3A_276 = arith.constant 0 : i32
          %parallel_loop3A_277 = arith.constant 0 : i32
          %parallel_loop3A_278 = tpu.memref_slice %arg13[%parallel_loop3A_111, %parallel_loop3A_276, %parallel_loop3A_277] : memref<2x80x128xf32, #tpu.memory_space<vmem>> -> memref<1x80x128xf32, #tpu.memory_space<vmem>>
          %parallel_loop3A_279 = tpu.memref_squeeze %parallel_loop3A_278 : memref<1x80x128xf32, #tpu.memory_space<vmem>> -> memref<80x128xf32, #tpu.memory_space<vmem>>
          %parallel_loop3A_280 = arith.index_cast %parallel_loop3A_189 : i32 to index
          %parallel_loop3A_281 = arith.constant 48 : index
          %parallel_loop3A_282 = tpu.vector_load %parallel_loop3A_279[%parallel_loop3A_280, %parallel_loop3A_281] {strides = array<i32>} : memref<80x128xf32, #tpu.memory_space<vmem>>, vector<1x16xf32>,
          %parallel_loop3A_283 = vector.shape_cast %parallel_loop3A_282 : vector<1x16xf32> to vector<16xf32>
          %parallel_loop3A_284 = arith.addf %parallel_loop3A_275, %parallel_loop3A_283 : vector<16xf32>
          %parallel_loop3A_285 = arith.constant 0 : i32
          %parallel_loop3A_286 = arith.constant 0 : i32
          %parallel_loop3A_287 = tpu.memref_slice %arg12[%parallel_loop3A_110, %parallel_loop3A_285, %parallel_loop3A_286] : memref<2x80x128xf32, #tpu.memory_space<vmem>> -> memref<1x80x128xf32, #tpu.memory_space<vmem>>
          %parallel_loop3A_288 = tpu.memref_squeeze %parallel_loop3A_287 : memref<1x80x128xf32, #tpu.memory_space<vmem>> -> memref<80x128xf32, #tpu.memory_space<vmem>>
          %parallel_loop3A_289 = arith.index_cast %parallel_loop3A_189 : i32 to index
          %parallel_loop3A_290 = arith.constant 48 : index
          %parallel_loop3A_291 = tpu.vector_load %parallel_loop3A_288[%parallel_loop3A_289, %parallel_loop3A_290] {strides = array<i32>} : memref<80x128xf32, #tpu.memory_space<vmem>>, vector<1x16xf32>,
          %parallel_loop3A_292 = vector.shape_cast %parallel_loop3A_291 : vector<1x16xf32> to vector<16xf32>
          %parallel_loop3A_293 = vector.shape_cast %parallel_loop3A_284 : vector<16xf32> to vector<1x16xf32>
          tpu.vector_store %parallel_loop3A_288[%parallel_loop3A_289, %parallel_loop3A_290], %parallel_loop3A_293 {strides = array<i32>} : memref<80x128xf32, #tpu.memory_space<vmem>>, vector<1x16xf32>,
          %parallel_loop3A_294 = arith.constant 0 : i32
          %parallel_loop3A_295 = arith.constant 0 : i32
          %parallel_loop3A_296 = tpu.memref_slice %arg12[%parallel_loop3A_110, %parallel_loop3A_294, %parallel_loop3A_295] : memref<2x80x128xf32, #tpu.memory_space<vmem>> -> memref<1x80x128xf32, #tpu.memory_space<vmem>>
          %parallel_loop3A_297 = tpu.memref_squeeze %parallel_loop3A_296 : memref<1x80x128xf32, #tpu.memory_space<vmem>> -> memref<80x128xf32, #tpu.memory_space<vmem>>
          %parallel_loop3A_298 = arith.index_cast %parallel_loop3A_189 : i32 to index
          %parallel_loop3A_299 = arith.constant 64 : index
          %parallel_loop3A_300 = tpu.vector_load %parallel_loop3A_297[%parallel_loop3A_298, %parallel_loop3A_299] {strides = array<i32>} : memref<80x128xf32, #tpu.memory_space<vmem>>, vector<1x16xf32>,
          %parallel_loop3A_301 = vector.shape_cast %parallel_loop3A_300 : vector<1x16xf32> to vector<16xf32>
          %parallel_loop3A_302 = arith.constant 0 : i32
          %parallel_loop3A_303 = arith.constant 0 : i32
          %parallel_loop3A_304 = tpu.memref_slice %arg13[%parallel_loop3A_111, %parallel_loop3A_302, %parallel_loop3A_303] : memref<2x80x128xf32, #tpu.memory_space<vmem>> -> memref<1x80x128xf32, #tpu.memory_space<vmem>>
          %parallel_loop3A_305 = tpu.memref_squeeze %parallel_loop3A_304 : memref<1x80x128xf32, #tpu.memory_space<vmem>> -> memref<80x128xf32, #tpu.memory_space<vmem>>
          %parallel_loop3A_306 = arith.index_cast %parallel_loop3A_189 : i32 to index
          %parallel_loop3A_307 = arith.constant 64 : index
          %parallel_loop3A_308 = tpu.vector_load %parallel_loop3A_305[%parallel_loop3A_306, %parallel_loop3A_307] {strides = array<i32>} : memref<80x128xf32, #tpu.memory_space<vmem>>, vector<1x16xf32>,
          %parallel_loop3A_309 = vector.shape_cast %parallel_loop3A_308 : vector<1x16xf32> to vector<16xf32>
          %parallel_loop3A_310 = arith.addf %parallel_loop3A_301, %parallel_loop3A_309 : vector<16xf32>
          %parallel_loop3A_311 = arith.constant 0 : i32
          %parallel_loop3A_312 = arith.constant 0 : i32
          %parallel_loop3A_313 = tpu.memref_slice %arg12[%parallel_loop3A_110, %parallel_loop3A_311, %parallel_loop3A_312] : memref<2x80x128xf32, #tpu.memory_space<vmem>> -> memref<1x80x128xf32, #tpu.memory_space<vmem>>
          %parallel_loop3A_314 = tpu.memref_squeeze %parallel_loop3A_313 : memref<1x80x128xf32, #tpu.memory_space<vmem>> -> memref<80x128xf32, #tpu.memory_space<vmem>>
          %parallel_loop3A_315 = arith.index_cast %parallel_loop3A_189 : i32 to index
          %parallel_loop3A_316 = arith.constant 64 : index
          %parallel_loop3A_317 = tpu.vector_load %parallel_loop3A_314[%parallel_loop3A_315, %parallel_loop3A_316] {strides = array<i32>} : memref<80x128xf32, #tpu.memory_space<vmem>>, vector<1x16xf32>,
          %parallel_loop3A_318 = vector.shape_cast %parallel_loop3A_317 : vector<1x16xf32> to vector<16xf32>
          %parallel_loop3A_319 = vector.shape_cast %parallel_loop3A_310 : vector<16xf32> to vector<1x16xf32>
          tpu.vector_store %parallel_loop3A_314[%parallel_loop3A_315, %parallel_loop3A_316], %parallel_loop3A_319 {strides = array<i32>} : memref<80x128xf32, #tpu.memory_space<vmem>>, vector<1x16xf32>,
          %parallel_loop3A_320 = arith.constant 0 : i32
          %parallel_loop3A_321 = arith.constant 0 : i32
          %parallel_loop3A_322 = tpu.memref_slice %arg12[%parallel_loop3A_110, %parallel_loop3A_320, %parallel_loop3A_321] : memref<2x80x128xf32, #tpu.memory_space<vmem>> -> memref<1x80x128xf32, #tpu.memory_space<vmem>>
          %parallel_loop3A_323 = tpu.memref_squeeze %parallel_loop3A_322 : memref<1x80x128xf32, #tpu.memory_space<vmem>> -> memref<80x128xf32, #tpu.memory_space<vmem>>
          %parallel_loop3A_324 = arith.index_cast %parallel_loop3A_189 : i32 to index
          %parallel_loop3A_325 = arith.constant 80 : index
          %parallel_loop3A_326 = tpu.vector_load %parallel_loop3A_323[%parallel_loop3A_324, %parallel_loop3A_325] {strides = array<i32>} : memref<80x128xf32, #tpu.memory_space<vmem>>, vector<1x16xf32>,
          %parallel_loop3A_327 = vector.shape_cast %parallel_loop3A_326 : vector<1x16xf32> to vector<16xf32>
          %parallel_loop3A_328 = arith.constant 0 : i32
          %parallel_loop3A_329 = arith.constant 0 : i32
          %parallel_loop3A_330 = tpu.memref_slice %arg13[%parallel_loop3A_111, %parallel_loop3A_328, %parallel_loop3A_329] : memref<2x80x128xf32, #tpu.memory_space<vmem>> -> memref<1x80x128xf32, #tpu.memory_space<vmem>>
          %parallel_loop3A_331 = tpu.memref_squeeze %parallel_loop3A_330 : memref<1x80x128xf32, #tpu.memory_space<vmem>> -> memref<80x128xf32, #tpu.memory_space<vmem>>
          %parallel_loop3A_332 = arith.index_cast %parallel_loop3A_189 : i32 to index
          %parallel_loop3A_333 = arith.constant 80 : index
          %parallel_loop3A_334 = tpu.vector_load %parallel_loop3A_331[%parallel_loop3A_332, %parallel_loop3A_333] {strides = array<i32>} : memref<80x128xf32, #tpu.memory_space<vmem>>, vector<1x16xf32>,
          %parallel_loop3A_335 = vector.shape_cast %parallel_loop3A_334 : vector<1x16xf32> to vector<16xf32>
          %parallel_loop3A_336 = arith.addf %parallel_loop3A_327, %parallel_loop3A_335 : vector<16xf32>
          %parallel_loop3A_337 = arith.constant 0 : i32
          %parallel_loop3A_338 = arith.constant 0 : i32
          %parallel_loop3A_339 = tpu.memref_slice %arg12[%parallel_loop3A_110, %parallel_loop3A_337, %parallel_loop3A_338] : memref<2x80x128xf32, #tpu.memory_space<vmem>> -> memref<1x80x128xf32, #tpu.memory_space<vmem>>
          %parallel_loop3A_340 = tpu.memref_squeeze %parallel_loop3A_339 : memref<1x80x128xf32, #tpu.memory_space<vmem>> -> memref<80x128xf32, #tpu.memory_space<vmem>>
          %parallel_loop3A_341 = arith.index_cast %parallel_loop3A_189 : i32 to index
          %parallel_loop3A_342 = arith.constant 80 : index
          %parallel_loop3A_343 = tpu.vector_load %parallel_loop3A_340[%parallel_loop3A_341, %parallel_loop3A_342] {strides = array<i32>} : memref<80x128xf32, #tpu.memory_space<vmem>>, vector<1x16xf32>,
          %parallel_loop3A_344 = vector.shape_cast %parallel_loop3A_343 : vector<1x16xf32> to vector<16xf32>
          %parallel_loop3A_345 = vector.shape_cast %parallel_loop3A_336 : vector<16xf32> to vector<1x16xf32>
          tpu.vector_store %parallel_loop3A_340[%parallel_loop3A_341, %parallel_loop3A_342], %parallel_loop3A_345 {strides = array<i32>} : memref<80x128xf32, #tpu.memory_space<vmem>>, vector<1x16xf32>,
          %parallel_loop3A_346 = arith.constant 0 : i32
          %parallel_loop3A_347 = arith.constant 0 : i32
          %parallel_loop3A_348 = tpu.memref_slice %arg12[%parallel_loop3A_110, %parallel_loop3A_346, %parallel_loop3A_347] : memref<2x80x128xf32, #tpu.memory_space<vmem>> -> memref<1x80x128xf32, #tpu.memory_space<vmem>>
          %parallel_loop3A_349 = tpu.memref_squeeze %parallel_loop3A_348 : memref<1x80x128xf32, #tpu.memory_space<vmem>> -> memref<80x128xf32, #tpu.memory_space<vmem>>
          %parallel_loop3A_350 = arith.index_cast %parallel_loop3A_189 : i32 to index
          %parallel_loop3A_351 = arith.constant 96 : index
          %parallel_loop3A_352 = tpu.vector_load %parallel_loop3A_349[%parallel_loop3A_350, %parallel_loop3A_351] {strides = array<i32>} : memref<80x128xf32, #tpu.memory_space<vmem>>, vector<1x16xf32>,
          %parallel_loop3A_353 = vector.shape_cast %parallel_loop3A_352 : vector<1x16xf32> to vector<16xf32>
          %parallel_loop3A_354 = arith.constant 0 : i32
          %parallel_loop3A_355 = arith.constant 0 : i32
          %parallel_loop3A_356 = tpu.memref_slice %arg13[%parallel_loop3A_111, %parallel_loop3A_354, %parallel_loop3A_355] : memref<2x80x128xf32, #tpu.memory_space<vmem>> -> memref<1x80x128xf32, #tpu.memory_space<vmem>>
          %parallel_loop3A_357 = tpu.memref_squeeze %parallel_loop3A_356 : memref<1x80x128xf32, #tpu.memory_space<vmem>> -> memref<80x128xf32, #tpu.memory_space<vmem>>
          %parallel_loop3A_358 = arith.index_cast %parallel_loop3A_189 : i32 to index
          %parallel_loop3A_359 = arith.constant 96 : index
          %parallel_loop3A_360 = tpu.vector_load %parallel_loop3A_357[%parallel_loop3A_358, %parallel_loop3A_359] {strides = array<i32>} : memref<80x128xf32, #tpu.memory_space<vmem>>, vector<1x16xf32>,
          %parallel_loop3A_361 = vector.shape_cast %parallel_loop3A_360 : vector<1x16xf32> to vector<16xf32>
          %parallel_loop3A_362 = arith.addf %parallel_loop3A_353, %parallel_loop3A_361 : vector<16xf32>
          %parallel_loop3A_363 = arith.constant 0 : i32
          %parallel_loop3A_364 = arith.constant 0 : i32
          %parallel_loop3A_365 = tpu.memref_slice %arg12[%parallel_loop3A_110, %parallel_loop3A_363, %parallel_loop3A_364] : memref<2x80x128xf32, #tpu.memory_space<vmem>> -> memref<1x80x128xf32, #tpu.memory_space<vmem>>
          %parallel_loop3A_366 = tpu.memref_squeeze %parallel_loop3A_365 : memref<1x80x128xf32, #tpu.memory_space<vmem>> -> memref<80x128xf32, #tpu.memory_space<vmem>>
          %parallel_loop3A_367 = arith.index_cast %parallel_loop3A_189 : i32 to index
          %parallel_loop3A_368 = arith.constant 96 : index
          %parallel_loop3A_369 = tpu.vector_load %parallel_loop3A_366[%parallel_loop3A_367, %parallel_loop3A_368] {strides = array<i32>} : memref<80x128xf32, #tpu.memory_space<vmem>>, vector<1x16xf32>,
          %parallel_loop3A_370 = vector.shape_cast %parallel_loop3A_369 : vector<1x16xf32> to vector<16xf32>
          %parallel_loop3A_371 = vector.shape_cast %parallel_loop3A_362 : vector<16xf32> to vector<1x16xf32>
          tpu.vector_store %parallel_loop3A_366[%parallel_loop3A_367, %parallel_loop3A_368], %parallel_loop3A_371 {strides = array<i32>} : memref<80x128xf32, #tpu.memory_space<vmem>>, vector<1x16xf32>,
          %parallel_loop3A_372 = arith.constant 0 : i32
          %parallel_loop3A_373 = arith.constant 0 : i32
          %parallel_loop3A_374 = tpu.memref_slice %arg12[%parallel_loop3A_110, %parallel_loop3A_372, %parallel_loop3A_373] : memref<2x80x128xf32, #tpu.memory_space<vmem>> -> memref<1x80x128xf32, #tpu.memory_space<vmem>>
          %parallel_loop3A_375 = tpu.memref_squeeze %parallel_loop3A_374 : memref<1x80x128xf32, #tpu.memory_space<vmem>> -> memref<80x128xf32, #tpu.memory_space<vmem>>
          %parallel_loop3A_376 = arith.index_cast %parallel_loop3A_189 : i32 to index
          %parallel_loop3A_377 = arith.constant 112 : index
          %parallel_loop3A_378 = tpu.vector_load %parallel_loop3A_375[%parallel_loop3A_376, %parallel_loop3A_377] {strides = array<i32>} : memref<80x128xf32, #tpu.memory_space<vmem>>, vector<1x16xf32>,
          %parallel_loop3A_379 = vector.shape_cast %parallel_loop3A_378 : vector<1x16xf32> to vector<16xf32>
          %parallel_loop3A_380 = arith.constant 0 : i32
          %parallel_loop3A_381 = arith.constant 0 : i32
          %parallel_loop3A_382 = tpu.memref_slice %arg13[%parallel_loop3A_111, %parallel_loop3A_380, %parallel_loop3A_381] : memref<2x80x128xf32, #tpu.memory_space<vmem>> -> memref<1x80x128xf32, #tpu.memory_space<vmem>>
          %parallel_loop3A_383 = tpu.memref_squeeze %parallel_loop3A_382 : memref<1x80x128xf32, #tpu.memory_space<vmem>> -> memref<80x128xf32, #tpu.memory_space<vmem>>
          %parallel_loop3A_384 = arith.index_cast %parallel_loop3A_189 : i32 to index
          %parallel_loop3A_385 = arith.constant 112 : index
          %parallel_loop3A_386 = tpu.vector_load %parallel_loop3A_383[%parallel_loop3A_384, %parallel_loop3A_385] {strides = array<i32>} : memref<80x128xf32, #tpu.memory_space<vmem>>, vector<1x16xf32>,
          %parallel_loop3A_387 = vector.shape_cast %parallel_loop3A_386 : vector<1x16xf32> to vector<16xf32>
          %parallel_loop3A_388 = arith.addf %parallel_loop3A_379, %parallel_loop3A_387 : vector<16xf32>
          %parallel_loop3A_389 = arith.constant 0 : i32
          %parallel_loop3A_390 = arith.constant 0 : i32
          %parallel_loop3A_391 = tpu.memref_slice %arg12[%parallel_loop3A_110, %parallel_loop3A_389, %parallel_loop3A_390] : memref<2x80x128xf32, #tpu.memory_space<vmem>> -> memref<1x80x128xf32, #tpu.memory_space<vmem>>
          %parallel_loop3A_392 = tpu.memref_squeeze %parallel_loop3A_391 : memref<1x80x128xf32, #tpu.memory_space<vmem>> -> memref<80x128xf32, #tpu.memory_space<vmem>>
          %parallel_loop3A_393 = arith.index_cast %parallel_loop3A_189 : i32 to index
          %parallel_loop3A_394 = arith.constant 112 : index
          %parallel_loop3A_395 = tpu.vector_load %parallel_loop3A_392[%parallel_loop3A_393, %parallel_loop3A_394] {strides = array<i32>} : memref<80x128xf32, #tpu.memory_space<vmem>>, vector<1x16xf32>,
          %parallel_loop3A_396 = vector.shape_cast %parallel_loop3A_395 : vector<1x16xf32> to vector<16xf32>
          %parallel_loop3A_397 = vector.shape_cast %parallel_loop3A_388 : vector<16xf32> to vector<1x16xf32>
          tpu.vector_store %parallel_loop3A_392[%parallel_loop3A_393, %parallel_loop3A_394], %parallel_loop3A_397 {strides = array<i32>} : memref<80x128xf32, #tpu.memory_space<vmem>>, vector<1x16xf32>,
        } {sc.loop_unroll_factor = 4 : i64, sc.parallel_access}
        %dma_start3A_112 = arith.constant 0 : i32
        %dma_start3A_113 = arith.constant 0 : i32
        %dma_start3A_114 = arith.constant 0 : i32
        %dma_start3A_115 = tpu.memref_slice %arg12[%dma_start3A_112, %dma_start3A_113, %dma_start3A_114] : memref<2x80x128xf32, #tpu.memory_space<vmem>> -> memref<1x80x128xf32, #tpu.memory_space<vmem>>
        %dma_start3A_116 = tpu.memref_squeeze %dma_start3A_115 : memref<1x80x128xf32, #tpu.memory_space<vmem>> -> memref<80x128xf32, #tpu.memory_space<vmem>>
        %dma_start3A_117 = arith.constant 0 : i32
        %dma_start3A_118 = tpu.memref_slice %arg8[%add3A_71, %dma_start3A_117] : memref<320000x128xf32, #tpu.memory_space<hbm>> -> memref<80x128xf32, #tpu.memory_space<hbm>>
        %dma_start3A_119 = arith.constant 0 : i32
        %dma_start3A_120 = tpu.memref_slice %arg8[%add3A_71, %dma_start3A_119] : memref<320000x128xf32, #tpu.memory_space<hbm>> -> memref<80x128xf32, #tpu.memory_space<hbm>>
        %dma_start3A_121 = arith.constant 0 : i32
        %dma_start3A_122 = arith.constant 0 : i32
        %dma_start3A_123 = tpu.memref_slice %arg12[%dma_start3A_112, %dma_start3A_121, %dma_start3A_122] : memref<2x80x128xf32, #tpu.memory_space<vmem>> -> memref<1x80x128xf32, #tpu.memory_space<vmem>>
        %dma_start3A_124 = tpu.memref_squeeze %dma_start3A_123 : memref<1x80x128xf32, #tpu.memory_space<vmem>> -> memref<80x128xf32, #tpu.memory_space<vmem>>
        tpu.enqueue_dma source(%dma_start3A_124 : memref<80x128xf32, #tpu.memory_space<vmem>>) target(%dma_start3A_120 : memref<80x128xf32, #tpu.memory_space<hbm>>) target_semaphore(%arg15 : memref<!tpu.dma_semaphore, #tpu.memory_space<semaphore_mem>>)
        %mul3A_125 = arith.constant 2 : i32
        %mul3A_126 = arith.muli %mul3A_125, %scan3A_64 : i32
        %add3A_127 = arith.constant 1 : i32
        %add3A_128 = arith.addi %mul3A_126, %add3A_127 : i32
        %mul3A_129 = arith.constant 20000 : i32
        %mul3A_130 = arith.muli %arg1, %mul3A_129 : i32
        %mul3A_131 = arith.constant 80 : i32
        %mul3A_132 = arith.muli %add3A_128, %mul3A_131 : i32
        %add3A_133 = arith.addi %mul3A_130, %mul3A_132 : i32
        %dma_wait3A_134 = arith.constant 1 : i32
        %dma_wait3A_135 = arith.constant 0 : i32
        %dma_wait3A_136 = arith.constant 0 : i32
        %dma_wait3A_137 = tpu.memref_slice %arg12[%dma_wait3A_134, %dma_wait3A_135, %dma_wait3A_136] : memref<2x80x128xf32, #tpu.memory_space<vmem>> -> memref<1x80x128xf32, #tpu.memory_space<vmem>>
        %dma_wait3A_138 = tpu.memref_squeeze %dma_wait3A_137 : memref<1x80x128xf32, #tpu.memory_space<vmem>> -> memref<80x128xf32, #tpu.memory_space<vmem>>
        %dma_wait3A_139 = arith.constant 0 : i32
        %dma_wait3A_140 = arith.constant 0 : i32
        %dma_wait3A_141 = tpu.memref_slice %arg8[%dma_wait3A_139, %dma_wait3A_140] : memref<320000x128xf32, #tpu.memory_space<hbm>> -> memref<80x128xf32, #tpu.memory_space<hbm>>
        %dma_wait3A_142 = arith.constant 0 : i32
        %dma_wait3A_143 = arith.constant 0 : i32
        %dma_wait3A_144 = tpu.memref_slice %arg12[%dma_wait3A_134, %dma_wait3A_142, %dma_wait3A_143] : memref<2x80x128xf32, #tpu.memory_space<vmem>> -> memref<1x80x128xf32, #tpu.memory_space<vmem>>
        %dma_wait3A_145 = tpu.memref_squeeze %dma_wait3A_144 : memref<1x80x128xf32, #tpu.memory_space<vmem>> -> memref<80x128xf32, #tpu.memory_space<vmem>>
        %dma_wait3A_146 = arith.constant 0 : i32
        %dma_wait3A_147 = arith.constant 0 : i32
        %dma_wait3A_148 = tpu.memref_slice %arg8[%dma_wait3A_146, %dma_wait3A_147] : memref<320000x128xf32, #tpu.memory_space<hbm>> -> memref<80x128xf32, #tpu.memory_space<hbm>>
        tpu.wait_dma2 semaphore(%arg14 : memref<!tpu.dma_semaphore, #tpu.memory_space<semaphore_mem>>) src(%dma_wait3A_148 : memref<80x128xf32, #tpu.memory_space<hbm>>) dst(%dma_wait3A_145 : memref<80x128xf32, #tpu.memory_space<vmem>>)
        %dma_wait3A_149 = arith.constant 1 : i32
        %dma_wait3A_150 = arith.constant 0 : i32
        %dma_wait3A_151 = arith.constant 0 : i32
        %dma_wait3A_152 = tpu.memref_slice %arg13[%dma_wait3A_149, %dma_wait3A_150, %dma_wait3A_151] : memref<2x80x128xf32, #tpu.memory_space<vmem>> -> memref<1x80x128xf32, #tpu.memory_space<vmem>>
        %dma_wait3A_153 = tpu.memref_squeeze %dma_wait3A_152 : memref<1x80x128xf32, #tpu.memory_space<vmem>> -> memref<80x128xf32, #tpu.memory_space<vmem>>
        %dma_wait3A_154 = arith.constant 0 : i32
        %dma_wait3A_155 = arith.constant 0 : i32
        %dma_wait3A_156 = tpu.memref_slice %arg8[%dma_wait3A_154, %dma_wait3A_155] : memref<320000x128xf32, #tpu.memory_space<hbm>> -> memref<80x128xf32, #tpu.memory_space<hbm>>
        %dma_wait3A_157 = arith.constant 0 : i32
        %dma_wait3A_158 = arith.constant 0 : i32
        %dma_wait3A_159 = tpu.memref_slice %arg13[%dma_wait3A_149, %dma_wait3A_157, %dma_wait3A_158] : memref<2x80x128xf32, #tpu.memory_space<vmem>> -> memref<1x80x128xf32, #tpu.memory_space<vmem>>
        %dma_wait3A_160 = tpu.memref_squeeze %dma_wait3A_159 : memref<1x80x128xf32, #tpu.memory_space<vmem>> -> memref<80x128xf32, #tpu.memory_space<vmem>>
        %dma_wait3A_161 = arith.constant 0 : i32
        %dma_wait3A_162 = arith.constant 0 : i32
        %dma_wait3A_163 = tpu.memref_slice %arg8[%dma_wait3A_161, %dma_wait3A_162] : memref<320000x128xf32, #tpu.memory_space<hbm>> -> memref<80x128xf32, #tpu.memory_space<hbm>>
        tpu.wait_dma2 semaphore(%arg14 : memref<!tpu.dma_semaphore, #tpu.memory_space<semaphore_mem>>) src(%dma_wait3A_163 : memref<80x128xf32, #tpu.memory_space<hbm>>) dst(%dma_wait3A_160 : memref<80x128xf32, #tpu.memory_space<vmem>>)
        %add3A_164 = arith.constant 1 : i32
        %add3A_165 = arith.addi %add3A_128, %add3A_164 : i32
        %lt3A_166 = arith.constant 250 : i32
        %lt3A_167 = arith.cmpi slt, %add3A_165, %lt3A_166 : i32
        %convert_element_type3A_168 = arith.extui %lt3A_167 : i1 to i32
        %cond3A_169 = arith.constant 0 : i32
        %cond3A_170 = arith.cmpi ne, %convert_element_type3A_168, %cond3A_169 : i32
        scf.if %cond3A_170 {
          %ge3A = arith.constant 1 : i32
          %ge3A_189 = arith.cmpi sge, %add3A_128, %ge3A : i32
          %convert_element_type3A_190 = arith.extui %ge3A_189 : i1 to i32
          %cond3A_191 = arith.constant 0 : i32
          %cond3A_192 = arith.cmpi ne, %convert_element_type3A_190, %cond3A_191 : i32
          scf.if %cond3A_192 {
            %dma_wait3A_219 = arith.constant 0 : i32
            %dma_wait3A_220 = arith.constant 0 : i32
            %dma_wait3A_221 = arith.constant 0 : i32
            %dma_wait3A_222 = tpu.memref_slice %arg12[%dma_wait3A_219, %dma_wait3A_220, %dma_wait3A_221] : memref<2x80x128xf32, #tpu.memory_space<vmem>> -> memref<1x80x128xf32, #tpu.memory_space<vmem>>
            %dma_wait3A_223 = tpu.memref_squeeze %dma_wait3A_222 : memref<1x80x128xf32, #tpu.memory_space<vmem>> -> memref<80x128xf32, #tpu.memory_space<vmem>>
            %dma_wait3A_224 = arith.constant 0 : i32
            %dma_wait3A_225 = arith.constant 0 : i32
            %dma_wait3A_226 = tpu.memref_slice %arg8[%dma_wait3A_224, %dma_wait3A_225] : memref<320000x128xf32, #tpu.memory_space<hbm>> -> memref<80x128xf32, #tpu.memory_space<hbm>>
            %dma_wait3A_227 = arith.constant 0 : i32
            %dma_wait3A_228 = arith.constant 0 : i32
            %dma_wait3A_229 = tpu.memref_slice %arg12[%dma_wait3A_219, %dma_wait3A_227, %dma_wait3A_228] : memref<2x80x128xf32, #tpu.memory_space<vmem>> -> memref<1x80x128xf32, #tpu.memory_space<vmem>>
            %dma_wait3A_230 = tpu.memref_squeeze %dma_wait3A_229 : memref<1x80x128xf32, #tpu.memory_space<vmem>> -> memref<80x128xf32, #tpu.memory_space<vmem>>
            %dma_wait3A_231 = arith.constant 0 : i32
            %dma_wait3A_232 = arith.constant 0 : i32
            %dma_wait3A_233 = tpu.memref_slice %arg8[%dma_wait3A_231, %dma_wait3A_232] : memref<320000x128xf32, #tpu.memory_space<hbm>> -> memref<80x128xf32, #tpu.memory_space<hbm>>
            tpu.wait_dma2 semaphore(%arg15 : memref<!tpu.dma_semaphore, #tpu.memory_space<semaphore_mem>>) src(%dma_wait3A_233 : memref<80x128xf32, #tpu.memory_space<hbm>>) dst(%dma_wait3A_230 : memref<80x128xf32, #tpu.memory_space<vmem>>)
          } else {
          }
          %add3A_193 = arith.constant 1 : i32
          %add3A_194 = arith.addi %add3A_128, %add3A_193 : i32
          %dma_start3A_195 = arith.constant 0 : i32
          %dma_start3A_196 = arith.constant 0 : i32
          %dma_start3A_197 = arith.constant 0 : i32
          %dma_start3A_198 = tpu.memref_slice %arg12[%dma_start3A_195, %dma_start3A_196, %dma_start3A_197] : memref<2x80x128xf32, #tpu.memory_space<vmem>> -> memref<1x80x128xf32, #tpu.memory_space<vmem>>
          %dma_start3A_199 = tpu.memref_squeeze %dma_start3A_198 : memref<1x80x128xf32, #tpu.memory_space<vmem>> -> memref<80x128xf32, #tpu.memory_space<vmem>>
          %dma_start3A_200 = arith.constant 0 : i32
          %dma_start3A_201 = tpu.memref_slice %arg10[%add3A_194, %dma_start3A_200] : memref<250x80xi32, #tpu.memory_space<vmem>> -> memref<1x80xi32, #tpu.memory_space<vmem>>
          %dma_start3A_202 = tpu.memref_squeeze %dma_start3A_201 : memref<1x80xi32, #tpu.memory_space<vmem>> -> memref<80xi32, #tpu.memory_space<vmem>>
          %dma_start3A_203 = arith.constant 0 : i32
          %dma_start3A_204 = arith.constant 0 : i32
          %dma_start3A_205 = tpu.memref_slice %arg2[%dma_start3A_203, %dma_start3A_204] : memref<10000x128xf32, #tpu.memory_space<hbm>> -> memref<10000x128xf32, #tpu.memory_space<hbm>>
          tpu.enqueue_indirect_dma source(%dma_start3A_205 : memref<10000x128xf32, #tpu.memory_space<hbm>>) target(%dma_start3A_199 : memref<80x128xf32, #tpu.memory_space<vmem>>) offsets(%dma_start3A_202 : memref<80xi32, #tpu.memory_space<vmem>>) semaphore(%arg14 : memref<!tpu.dma_semaphore, #tpu.memory_space<semaphore_mem>>)
          %add3A_206 = arith.constant 1 : i32
          %add3A_207 = arith.addi %add3A_128, %add3A_206 : i32
          %dma_start3A_208 = arith.constant 0 : i32
          %dma_start3A_209 = arith.constant 0 : i32
          %dma_start3A_210 = arith.constant 0 : i32
          %dma_start3A_211 = tpu.memref_slice %arg13[%dma_start3A_208, %dma_start3A_209, %dma_start3A_210] : memref<2x80x128xf32, #tpu.memory_space<vmem>> -> memref<1x80x128xf32, #tpu.memory_space<vmem>>
          %dma_start3A_212 = tpu.memref_squeeze %dma_start3A_211 : memref<1x80x128xf32, #tpu.memory_space<vmem>> -> memref<80x128xf32, #tpu.memory_space<vmem>>
          %dma_start3A_213 = arith.constant 0 : i32
          %dma_start3A_214 = tpu.memref_slice %arg11[%add3A_207, %dma_start3A_213] : memref<250x80xi32, #tpu.memory_space<vmem>> -> memref<1x80xi32, #tpu.memory_space<vmem>>
          %dma_start3A_215 = tpu.memref_squeeze %dma_start3A_214 : memref<1x80xi32, #tpu.memory_space<vmem>> -> memref<80xi32, #tpu.memory_space<vmem>>
          %dma_start3A_216 = arith.constant 0 : i32
          %dma_start3A_217 = arith.constant 0 : i32
          %dma_start3A_218 = tpu.memref_slice %arg3[%dma_start3A_216, %dma_start3A_217] : memref<10000x128xf32, #tpu.memory_space<hbm>> -> memref<10000x128xf32, #tpu.memory_space<hbm>>
          tpu.enqueue_indirect_dma source(%dma_start3A_218 : memref<10000x128xf32, #tpu.memory_space<hbm>>) target(%dma_start3A_212 : memref<80x128xf32, #tpu.memory_space<vmem>>) offsets(%dma_start3A_215 : memref<80xi32, #tpu.memory_space<vmem>>) semaphore(%arg14 : memref<!tpu.dma_semaphore, #tpu.memory_space<semaphore_mem>>)
        } else {
        }
        %parallel_loop3A_171 = arith.constant 0 : i32
        %parallel_loop3A_172 = arith.constant 80 : i32
        %parallel_loop3A_173 = arith.constant 1 : i32
        %parallel_loop3A_174 = arith.constant 1 : i32
        %parallel_loop3A_175 = arith.constant 1 : i32
        scf.for %parallel_loop3A_189 = %parallel_loop3A_171 to %parallel_loop3A_172 step %parallel_loop3A_173  : i32 {
          %parallel_loop3A_190 = arith.constant 0 : i32
          %parallel_loop3A_191 = arith.constant 0 : i32
          %parallel_loop3A_192 = tpu.memref_slice %arg12[%parallel_loop3A_174, %parallel_loop3A_190, %parallel_loop3A_191] : memref<2x80x128xf32, #tpu.memory_space<vmem>> -> memref<1x80x128xf32, #tpu.memory_space<vmem>>
          %parallel_loop3A_193 = tpu.memref_squeeze %parallel_loop3A_192 : memref<1x80x128xf32, #tpu.memory_space<vmem>> -> memref<80x128xf32, #tpu.memory_space<vmem>>
          %parallel_loop3A_194 = arith.index_cast %parallel_loop3A_189 : i32 to index
          %parallel_loop3A_195 = arith.constant 0 : index
          %parallel_loop3A_196 = tpu.vector_load %parallel_loop3A_193[%parallel_loop3A_194, %parallel_loop3A_195] {strides = array<i32>} : memref<80x128xf32, #tpu.memory_space<vmem>>, vector<1x16xf32>,
          %parallel_loop3A_197 = vector.shape_cast %parallel_loop3A_196 : vector<1x16xf32> to vector<16xf32>
          %parallel_loop3A_198 = arith.constant 0 : i32
          %parallel_loop3A_199 = arith.constant 0 : i32
          %parallel_loop3A_200 = tpu.memref_slice %arg13[%parallel_loop3A_175, %parallel_loop3A_198, %parallel_loop3A_199] : memref<2x80x128xf32, #tpu.memory_space<vmem>> -> memref<1x80x128xf32, #tpu.memory_space<vmem>>
          %parallel_loop3A_201 = tpu.memref_squeeze %parallel_loop3A_200 : memref<1x80x128xf32, #tpu.memory_space<vmem>> -> memref<80x128xf32, #tpu.memory_space<vmem>>
          %parallel_loop3A_202 = arith.index_cast %parallel_loop3A_189 : i32 to index
          %parallel_loop3A_203 = arith.constant 0 : index
          %parallel_loop3A_204 = tpu.vector_load %parallel_loop3A_201[%parallel_loop3A_202, %parallel_loop3A_203] {strides = array<i32>} : memref<80x128xf32, #tpu.memory_space<vmem>>, vector<1x16xf32>,
          %parallel_loop3A_205 = vector.shape_cast %parallel_loop3A_204 : vector<1x16xf32> to vector<16xf32>
          %parallel_loop3A_206 = arith.addf %parallel_loop3A_197, %parallel_loop3A_205 : vector<16xf32>
          %parallel_loop3A_207 = arith.constant 0 : i32
          %parallel_loop3A_208 = arith.constant 0 : i32
          %parallel_loop3A_209 = tpu.memref_slice %arg12[%parallel_loop3A_174, %parallel_loop3A_207, %parallel_loop3A_208] : memref<2x80x128xf32, #tpu.memory_space<vmem>> -> memref<1x80x128xf32, #tpu.memory_space<vmem>>
          %parallel_loop3A_210 = tpu.memref_squeeze %parallel_loop3A_209 : memref<1x80x128xf32, #tpu.memory_space<vmem>> -> memref<80x128xf32, #tpu.memory_space<vmem>>
          %parallel_loop3A_211 = arith.index_cast %parallel_loop3A_189 : i32 to index
          %parallel_loop3A_212 = arith.constant 0 : index
          %parallel_loop3A_213 = tpu.vector_load %parallel_loop3A_210[%parallel_loop3A_211, %parallel_loop3A_212] {strides = array<i32>} : memref<80x128xf32, #tpu.memory_space<vmem>>, vector<1x16xf32>,
          %parallel_loop3A_214 = vector.shape_cast %parallel_loop3A_213 : vector<1x16xf32> to vector<16xf32>
          %parallel_loop3A_215 = vector.shape_cast %parallel_loop3A_206 : vector<16xf32> to vector<1x16xf32>
          tpu.vector_store %parallel_loop3A_210[%parallel_loop3A_211, %parallel_loop3A_212], %parallel_loop3A_215 {strides = array<i32>} : memref<80x128xf32, #tpu.memory_space<vmem>>, vector<1x16xf32>,
          %parallel_loop3A_216 = arith.constant 0 : i32
          %parallel_loop3A_217 = arith.constant 0 : i32
          %parallel_loop3A_218 = tpu.memref_slice %arg12[%parallel_loop3A_174, %parallel_loop3A_216, %parallel_loop3A_217] : memref<2x80x128xf32, #tpu.memory_space<vmem>> -> memref<1x80x128xf32, #tpu.memory_space<vmem>>
          %parallel_loop3A_219 = tpu.memref_squeeze %parallel_loop3A_218 : memref<1x80x128xf32, #tpu.memory_space<vmem>> -> memref<80x128xf32, #tpu.memory_space<vmem>>
          %parallel_loop3A_220 = arith.index_cast %parallel_loop3A_189 : i32 to index
          %parallel_loop3A_221 = arith.constant 16 : index
          %parallel_loop3A_222 = tpu.vector_load %parallel_loop3A_219[%parallel_loop3A_220, %parallel_loop3A_221] {strides = array<i32>} : memref<80x128xf32, #tpu.memory_space<vmem>>, vector<1x16xf32>,
          %parallel_loop3A_223 = vector.shape_cast %parallel_loop3A_222 : vector<1x16xf32> to vector<16xf32>
          %parallel_loop3A_224 = arith.constant 0 : i32
          %parallel_loop3A_225 = arith.constant 0 : i32
          %parallel_loop3A_226 = tpu.memref_slice %arg13[%parallel_loop3A_175, %parallel_loop3A_224, %parallel_loop3A_225] : memref<2x80x128xf32, #tpu.memory_space<vmem>> -> memref<1x80x128xf32, #tpu.memory_space<vmem>>
          %parallel_loop3A_227 = tpu.memref_squeeze %parallel_loop3A_226 : memref<1x80x128xf32, #tpu.memory_space<vmem>> -> memref<80x128xf32, #tpu.memory_space<vmem>>
          %parallel_loop3A_228 = arith.index_cast %parallel_loop3A_189 : i32 to index
          %parallel_loop3A_229 = arith.constant 16 : index
          %parallel_loop3A_230 = tpu.vector_load %parallel_loop3A_227[%parallel_loop3A_228, %parallel_loop3A_229] {strides = array<i32>} : memref<80x128xf32, #tpu.memory_space<vmem>>, vector<1x16xf32>,
          %parallel_loop3A_231 = vector.shape_cast %parallel_loop3A_230 : vector<1x16xf32> to vector<16xf32>
          %parallel_loop3A_232 = arith.addf %parallel_loop3A_223, %parallel_loop3A_231 : vector<16xf32>
          %parallel_loop3A_233 = arith.constant 0 : i32
          %parallel_loop3A_234 = arith.constant 0 : i32
          %parallel_loop3A_235 = tpu.memref_slice %arg12[%parallel_loop3A_174, %parallel_loop3A_233, %parallel_loop3A_234] : memref<2x80x128xf32, #tpu.memory_space<vmem>> -> memref<1x80x128xf32, #tpu.memory_space<vmem>>
          %parallel_loop3A_236 = tpu.memref_squeeze %parallel_loop3A_235 : memref<1x80x128xf32, #tpu.memory_space<vmem>> -> memref<80x128xf32, #tpu.memory_space<vmem>>
          %parallel_loop3A_237 = arith.index_cast %parallel_loop3A_189 : i32 to index
          %parallel_loop3A_238 = arith.constant 16 : index
          %parallel_loop3A_239 = tpu.vector_load %parallel_loop3A_236[%parallel_loop3A_237, %parallel_loop3A_238] {strides = array<i32>} : memref<80x128xf32, #tpu.memory_space<vmem>>, vector<1x16xf32>,
          %parallel_loop3A_240 = vector.shape_cast %parallel_loop3A_239 : vector<1x16xf32> to vector<16xf32>
          %parallel_loop3A_241 = vector.shape_cast %parallel_loop3A_232 : vector<16xf32> to vector<1x16xf32>
          tpu.vector_store %parallel_loop3A_236[%parallel_loop3A_237, %parallel_loop3A_238], %parallel_loop3A_241 {strides = array<i32>} : memref<80x128xf32, #tpu.memory_space<vmem>>, vector<1x16xf32>,
          %parallel_loop3A_242 = arith.constant 0 : i32
          %parallel_loop3A_243 = arith.constant 0 : i32
          %parallel_loop3A_244 = tpu.memref_slice %arg12[%parallel_loop3A_174, %parallel_loop3A_242, %parallel_loop3A_243] : memref<2x80x128xf32, #tpu.memory_space<vmem>> -> memref<1x80x128xf32, #tpu.memory_space<vmem>>
          %parallel_loop3A_245 = tpu.memref_squeeze %parallel_loop3A_244 : memref<1x80x128xf32, #tpu.memory_space<vmem>> -> memref<80x128xf32, #tpu.memory_space<vmem>>
          %parallel_loop3A_246 = arith.index_cast %parallel_loop3A_189 : i32 to index
          %parallel_loop3A_247 = arith.constant 32 : index
          %parallel_loop3A_248 = tpu.vector_load %parallel_loop3A_245[%parallel_loop3A_246, %parallel_loop3A_247] {strides = array<i32>} : memref<80x128xf32, #tpu.memory_space<vmem>>, vector<1x16xf32>,
          %parallel_loop3A_249 = vector.shape_cast %parallel_loop3A_248 : vector<1x16xf32> to vector<16xf32>
          %parallel_loop3A_250 = arith.constant 0 : i32
          %parallel_loop3A_251 = arith.constant 0 : i32
          %parallel_loop3A_252 = tpu.memref_slice %arg13[%parallel_loop3A_175, %parallel_loop3A_250, %parallel_loop3A_251] : memref<2x80x128xf32, #tpu.memory_space<vmem>> -> memref<1x80x128xf32, #tpu.memory_space<vmem>>
          %parallel_loop3A_253 = tpu.memref_squeeze %parallel_loop3A_252 : memref<1x80x128xf32, #tpu.memory_space<vmem>> -> memref<80x128xf32, #tpu.memory_space<vmem>>
          %parallel_loop3A_254 = arith.index_cast %parallel_loop3A_189 : i32 to index
          %parallel_loop3A_255 = arith.constant 32 : index
          %parallel_loop3A_256 = tpu.vector_load %parallel_loop3A_253[%parallel_loop3A_254, %parallel_loop3A_255] {strides = array<i32>} : memref<80x128xf32, #tpu.memory_space<vmem>>, vector<1x16xf32>,
          %parallel_loop3A_257 = vector.shape_cast %parallel_loop3A_256 : vector<1x16xf32> to vector<16xf32>
          %parallel_loop3A_258 = arith.addf %parallel_loop3A_249, %parallel_loop3A_257 : vector<16xf32>
          %parallel_loop3A_259 = arith.constant 0 : i32
          %parallel_loop3A_260 = arith.constant 0 : i32
          %parallel_loop3A_261 = tpu.memref_slice %arg12[%parallel_loop3A_174, %parallel_loop3A_259, %parallel_loop3A_260] : memref<2x80x128xf32, #tpu.memory_space<vmem>> -> memref<1x80x128xf32, #tpu.memory_space<vmem>>
          %parallel_loop3A_262 = tpu.memref_squeeze %parallel_loop3A_261 : memref<1x80x128xf32, #tpu.memory_space<vmem>> -> memref<80x128xf32, #tpu.memory_space<vmem>>
          %parallel_loop3A_263 = arith.index_cast %parallel_loop3A_189 : i32 to index
          %parallel_loop3A_264 = arith.constant 32 : index
          %parallel_loop3A_265 = tpu.vector_load %parallel_loop3A_262[%parallel_loop3A_263, %parallel_loop3A_264] {strides = array<i32>} : memref<80x128xf32, #tpu.memory_space<vmem>>, vector<1x16xf32>,
          %parallel_loop3A_266 = vector.shape_cast %parallel_loop3A_265 : vector<1x16xf32> to vector<16xf32>
          %parallel_loop3A_267 = vector.shape_cast %parallel_loop3A_258 : vector<16xf32> to vector<1x16xf32>
          tpu.vector_store %parallel_loop3A_262[%parallel_loop3A_263, %parallel_loop3A_264], %parallel_loop3A_267 {strides = array<i32>} : memref<80x128xf32, #tpu.memory_space<vmem>>, vector<1x16xf32>,
          %parallel_loop3A_268 = arith.constant 0 : i32
          %parallel_loop3A_269 = arith.constant 0 : i32
          %parallel_loop3A_270 = tpu.memref_slice %arg12[%parallel_loop3A_174, %parallel_loop3A_268, %parallel_loop3A_269] : memref<2x80x128xf32, #tpu.memory_space<vmem>> -> memref<1x80x128xf32, #tpu.memory_space<vmem>>
          %parallel_loop3A_271 = tpu.memref_squeeze %parallel_loop3A_270 : memref<1x80x128xf32, #tpu.memory_space<vmem>> -> memref<80x128xf32, #tpu.memory_space<vmem>>
          %parallel_loop3A_272 = arith.index_cast %parallel_loop3A_189 : i32 to index
          %parallel_loop3A_273 = arith.constant 48 : index
          %parallel_loop3A_274 = tpu.vector_load %parallel_loop3A_271[%parallel_loop3A_272, %parallel_loop3A_273] {strides = array<i32>} : memref<80x128xf32, #tpu.memory_space<vmem>>, vector<1x16xf32>,
          %parallel_loop3A_275 = vector.shape_cast %parallel_loop3A_274 : vector<1x16xf32> to vector<16xf32>
          %parallel_loop3A_276 = arith.constant 0 : i32
          %parallel_loop3A_277 = arith.constant 0 : i32
          %parallel_loop3A_278 = tpu.memref_slice %arg13[%parallel_loop3A_175, %parallel_loop3A_276, %parallel_loop3A_277] : memref<2x80x128xf32, #tpu.memory_space<vmem>> -> memref<1x80x128xf32, #tpu.memory_space<vmem>>
          %parallel_loop3A_279 = tpu.memref_squeeze %parallel_loop3A_278 : memref<1x80x128xf32, #tpu.memory_space<vmem>> -> memref<80x128xf32, #tpu.memory_space<vmem>>
          %parallel_loop3A_280 = arith.index_cast %parallel_loop3A_189 : i32 to index
          %parallel_loop3A_281 = arith.constant 48 : index
          %parallel_loop3A_282 = tpu.vector_load %parallel_loop3A_279[%parallel_loop3A_280, %parallel_loop3A_281] {strides = array<i32>} : memref<80x128xf32, #tpu.memory_space<vmem>>, vector<1x16xf32>,
          %parallel_loop3A_283 = vector.shape_cast %parallel_loop3A_282 : vector<1x16xf32> to vector<16xf32>
          %parallel_loop3A_284 = arith.addf %parallel_loop3A_275, %parallel_loop3A_283 : vector<16xf32>
          %parallel_loop3A_285 = arith.constant 0 : i32
          %parallel_loop3A_286 = arith.constant 0 : i32
          %parallel_loop3A_287 = tpu.memref_slice %arg12[%parallel_loop3A_174, %parallel_loop3A_285, %parallel_loop3A_286] : memref<2x80x128xf32, #tpu.memory_space<vmem>> -> memref<1x80x128xf32, #tpu.memory_space<vmem>>
          %parallel_loop3A_288 = tpu.memref_squeeze %parallel_loop3A_287 : memref<1x80x128xf32, #tpu.memory_space<vmem>> -> memref<80x128xf32, #tpu.memory_space<vmem>>
          %parallel_loop3A_289 = arith.index_cast %parallel_loop3A_189 : i32 to index
          %parallel_loop3A_290 = arith.constant 48 : index
          %parallel_loop3A_291 = tpu.vector_load %parallel_loop3A_288[%parallel_loop3A_289, %parallel_loop3A_290] {strides = array<i32>} : memref<80x128xf32, #tpu.memory_space<vmem>>, vector<1x16xf32>,
          %parallel_loop3A_292 = vector.shape_cast %parallel_loop3A_291 : vector<1x16xf32> to vector<16xf32>
          %parallel_loop3A_293 = vector.shape_cast %parallel_loop3A_284 : vector<16xf32> to vector<1x16xf32>
          tpu.vector_store %parallel_loop3A_288[%parallel_loop3A_289, %parallel_loop3A_290], %parallel_loop3A_293 {strides = array<i32>} : memref<80x128xf32, #tpu.memory_space<vmem>>, vector<1x16xf32>,
          %parallel_loop3A_294 = arith.constant 0 : i32
          %parallel_loop3A_295 = arith.constant 0 : i32
          %parallel_loop3A_296 = tpu.memref_slice %arg12[%parallel_loop3A_174, %parallel_loop3A_294, %parallel_loop3A_295] : memref<2x80x128xf32, #tpu.memory_space<vmem>> -> memref<1x80x128xf32, #tpu.memory_space<vmem>>
          %parallel_loop3A_297 = tpu.memref_squeeze %parallel_loop3A_296 : memref<1x80x128xf32, #tpu.memory_space<vmem>> -> memref<80x128xf32, #tpu.memory_space<vmem>>
          %parallel_loop3A_298 = arith.index_cast %parallel_loop3A_189 : i32 to index
          %parallel_loop3A_299 = arith.constant 64 : index
          %parallel_loop3A_300 = tpu.vector_load %parallel_loop3A_297[%parallel_loop3A_298, %parallel_loop3A_299] {strides = array<i32>} : memref<80x128xf32, #tpu.memory_space<vmem>>, vector<1x16xf32>,
          %parallel_loop3A_301 = vector.shape_cast %parallel_loop3A_300 : vector<1x16xf32> to vector<16xf32>
          %parallel_loop3A_302 = arith.constant 0 : i32
          %parallel_loop3A_303 = arith.constant 0 : i32
          %parallel_loop3A_304 = tpu.memref_slice %arg13[%parallel_loop3A_175, %parallel_loop3A_302, %parallel_loop3A_303] : memref<2x80x128xf32, #tpu.memory_space<vmem>> -> memref<1x80x128xf32, #tpu.memory_space<vmem>>
          %parallel_loop3A_305 = tpu.memref_squeeze %parallel_loop3A_304 : memref<1x80x128xf32, #tpu.memory_space<vmem>> -> memref<80x128xf32, #tpu.memory_space<vmem>>
          %parallel_loop3A_306 = arith.index_cast %parallel_loop3A_189 : i32 to index
          %parallel_loop3A_307 = arith.constant 64 : index
          %parallel_loop3A_308 = tpu.vector_load %parallel_loop3A_305[%parallel_loop3A_306, %parallel_loop3A_307] {strides = array<i32>} : memref<80x128xf32, #tpu.memory_space<vmem>>, vector<1x16xf32>,
          %parallel_loop3A_309 = vector.shape_cast %parallel_loop3A_308 : vector<1x16xf32> to vector<16xf32>
          %parallel_loop3A_310 = arith.addf %parallel_loop3A_301, %parallel_loop3A_309 : vector<16xf32>
          %parallel_loop3A_311 = arith.constant 0 : i32
          %parallel_loop3A_312 = arith.constant 0 : i32
          %parallel_loop3A_313 = tpu.memref_slice %arg12[%parallel_loop3A_174, %parallel_loop3A_311, %parallel_loop3A_312] : memref<2x80x128xf32, #tpu.memory_space<vmem>> -> memref<1x80x128xf32, #tpu.memory_space<vmem>>
          %parallel_loop3A_314 = tpu.memref_squeeze %parallel_loop3A_313 : memref<1x80x128xf32, #tpu.memory_space<vmem>> -> memref<80x128xf32, #tpu.memory_space<vmem>>
          %parallel_loop3A_315 = arith.index_cast %parallel_loop3A_189 : i32 to index
          %parallel_loop3A_316 = arith.constant 64 : index
          %parallel_loop3A_317 = tpu.vector_load %parallel_loop3A_314[%parallel_loop3A_315, %parallel_loop3A_316] {strides = array<i32>} : memref<80x128xf32, #tpu.memory_space<vmem>>, vector<1x16xf32>,
          %parallel_loop3A_318 = vector.shape_cast %parallel_loop3A_317 : vector<1x16xf32> to vector<16xf32>
          %parallel_loop3A_319 = vector.shape_cast %parallel_loop3A_310 : vector<16xf32> to vector<1x16xf32>
          tpu.vector_store %parallel_loop3A_314[%parallel_loop3A_315, %parallel_loop3A_316], %parallel_loop3A_319 {strides = array<i32>} : memref<80x128xf32, #tpu.memory_space<vmem>>, vector<1x16xf32>,
          %parallel_loop3A_320 = arith.constant 0 : i32
          %parallel_loop3A_321 = arith.constant 0 : i32
          %parallel_loop3A_322 = tpu.memref_slice %arg12[%parallel_loop3A_174, %parallel_loop3A_320, %parallel_loop3A_321] : memref<2x80x128xf32, #tpu.memory_space<vmem>> -> memref<1x80x128xf32, #tpu.memory_space<vmem>>
          %parallel_loop3A_323 = tpu.memref_squeeze %parallel_loop3A_322 : memref<1x80x128xf32, #tpu.memory_space<vmem>> -> memref<80x128xf32, #tpu.memory_space<vmem>>
          %parallel_loop3A_324 = arith.index_cast %parallel_loop3A_189 : i32 to index
          %parallel_loop3A_325 = arith.constant 80 : index
          %parallel_loop3A_326 = tpu.vector_load %parallel_loop3A_323[%parallel_loop3A_324, %parallel_loop3A_325] {strides = array<i32>} : memref<80x128xf32, #tpu.memory_space<vmem>>, vector<1x16xf32>,
          %parallel_loop3A_327 = vector.shape_cast %parallel_loop3A_326 : vector<1x16xf32> to vector<16xf32>
          %parallel_loop3A_328 = arith.constant 0 : i32
          %parallel_loop3A_329 = arith.constant 0 : i32
          %parallel_loop3A_330 = tpu.memref_slice %arg13[%parallel_loop3A_175, %parallel_loop3A_328, %parallel_loop3A_329] : memref<2x80x128xf32, #tpu.memory_space<vmem>> -> memref<1x80x128xf32, #tpu.memory_space<vmem>>
          %parallel_loop3A_331 = tpu.memref_squeeze %parallel_loop3A_330 : memref<1x80x128xf32, #tpu.memory_space<vmem>> -> memref<80x128xf32, #tpu.memory_space<vmem>>
          %parallel_loop3A_332 = arith.index_cast %parallel_loop3A_189 : i32 to index
          %parallel_loop3A_333 = arith.constant 80 : index
          %parallel_loop3A_334 = tpu.vector_load %parallel_loop3A_331[%parallel_loop3A_332, %parallel_loop3A_333] {strides = array<i32>} : memref<80x128xf32, #tpu.memory_space<vmem>>, vector<1x16xf32>,
          %parallel_loop3A_335 = vector.shape_cast %parallel_loop3A_334 : vector<1x16xf32> to vector<16xf32>
          %parallel_loop3A_336 = arith.addf %parallel_loop3A_327, %parallel_loop3A_335 : vector<16xf32>
          %parallel_loop3A_337 = arith.constant 0 : i32
          %parallel_loop3A_338 = arith.constant 0 : i32
          %parallel_loop3A_339 = tpu.memref_slice %arg12[%parallel_loop3A_174, %parallel_loop3A_337, %parallel_loop3A_338] : memref<2x80x128xf32, #tpu.memory_space<vmem>> -> memref<1x80x128xf32, #tpu.memory_space<vmem>>
          %parallel_loop3A_340 = tpu.memref_squeeze %parallel_loop3A_339 : memref<1x80x128xf32, #tpu.memory_space<vmem>> -> memref<80x128xf32, #tpu.memory_space<vmem>>
          %parallel_loop3A_341 = arith.index_cast %parallel_loop3A_189 : i32 to index
          %parallel_loop3A_342 = arith.constant 80 : index
          %parallel_loop3A_343 = tpu.vector_load %parallel_loop3A_340[%parallel_loop3A_341, %parallel_loop3A_342] {strides = array<i32>} : memref<80x128xf32, #tpu.memory_space<vmem>>, vector<1x16xf32>,
          %parallel_loop3A_344 = vector.shape_cast %parallel_loop3A_343 : vector<1x16xf32> to vector<16xf32>
          %parallel_loop3A_345 = vector.shape_cast %parallel_loop3A_336 : vector<16xf32> to vector<1x16xf32>
          tpu.vector_store %parallel_loop3A_340[%parallel_loop3A_341, %parallel_loop3A_342], %parallel_loop3A_345 {strides = array<i32>} : memref<80x128xf32, #tpu.memory_space<vmem>>, vector<1x16xf32>,
          %parallel_loop3A_346 = arith.constant 0 : i32
          %parallel_loop3A_347 = arith.constant 0 : i32
          %parallel_loop3A_348 = tpu.memref_slice %arg12[%parallel_loop3A_174, %parallel_loop3A_346, %parallel_loop3A_347] : memref<2x80x128xf32, #tpu.memory_space<vmem>> -> memref<1x80x128xf32, #tpu.memory_space<vmem>>
          %parallel_loop3A_349 = tpu.memref_squeeze %parallel_loop3A_348 : memref<1x80x128xf32, #tpu.memory_space<vmem>> -> memref<80x128xf32, #tpu.memory_space<vmem>>
          %parallel_loop3A_350 = arith.index_cast %parallel_loop3A_189 : i32 to index
          %parallel_loop3A_351 = arith.constant 96 : index
          %parallel_loop3A_352 = tpu.vector_load %parallel_loop3A_349[%parallel_loop3A_350, %parallel_loop3A_351] {strides = array<i32>} : memref<80x128xf32, #tpu.memory_space<vmem>>, vector<1x16xf32>,
          %parallel_loop3A_353 = vector.shape_cast %parallel_loop3A_352 : vector<1x16xf32> to vector<16xf32>
          %parallel_loop3A_354 = arith.constant 0 : i32
          %parallel_loop3A_355 = arith.constant 0 : i32
          %parallel_loop3A_356 = tpu.memref_slice %arg13[%parallel_loop3A_175, %parallel_loop3A_354, %parallel_loop3A_355] : memref<2x80x128xf32, #tpu.memory_space<vmem>> -> memref<1x80x128xf32, #tpu.memory_space<vmem>>
          %parallel_loop3A_357 = tpu.memref_squeeze %parallel_loop3A_356 : memref<1x80x128xf32, #tpu.memory_space<vmem>> -> memref<80x128xf32, #tpu.memory_space<vmem>>
          %parallel_loop3A_358 = arith.index_cast %parallel_loop3A_189 : i32 to index
          %parallel_loop3A_359 = arith.constant 96 : index
          %parallel_loop3A_360 = tpu.vector_load %parallel_loop3A_357[%parallel_loop3A_358, %parallel_loop3A_359] {strides = array<i32>} : memref<80x128xf32, #tpu.memory_space<vmem>>, vector<1x16xf32>,
          %parallel_loop3A_361 = vector.shape_cast %parallel_loop3A_360 : vector<1x16xf32> to vector<16xf32>
          %parallel_loop3A_362 = arith.addf %parallel_loop3A_353, %parallel_loop3A_361 : vector<16xf32>
          %parallel_loop3A_363 = arith.constant 0 : i32
          %parallel_loop3A_364 = arith.constant 0 : i32
          %parallel_loop3A_365 = tpu.memref_slice %arg12[%parallel_loop3A_174, %parallel_loop3A_363, %parallel_loop3A_364] : memref<2x80x128xf32, #tpu.memory_space<vmem>> -> memref<1x80x128xf32, #tpu.memory_space<vmem>>
          %parallel_loop3A_366 = tpu.memref_squeeze %parallel_loop3A_365 : memref<1x80x128xf32, #tpu.memory_space<vmem>> -> memref<80x128xf32, #tpu.memory_space<vmem>>
          %parallel_loop3A_367 = arith.index_cast %parallel_loop3A_189 : i32 to index
          %parallel_loop3A_368 = arith.constant 96 : index
          %parallel_loop3A_369 = tpu.vector_load %parallel_loop3A_366[%parallel_loop3A_367, %parallel_loop3A_368] {strides = array<i32>} : memref<80x128xf32, #tpu.memory_space<vmem>>, vector<1x16xf32>,
          %parallel_loop3A_370 = vector.shape_cast %parallel_loop3A_369 : vector<1x16xf32> to vector<16xf32>
          %parallel_loop3A_371 = vector.shape_cast %parallel_loop3A_362 : vector<16xf32> to vector<1x16xf32>
          tpu.vector_store %parallel_loop3A_366[%parallel_loop3A_367, %parallel_loop3A_368], %parallel_loop3A_371 {strides = array<i32>} : memref<80x128xf32, #tpu.memory_space<vmem>>, vector<1x16xf32>,
          %parallel_loop3A_372 = arith.constant 0 : i32
          %parallel_loop3A_373 = arith.constant 0 : i32
          %parallel_loop3A_374 = tpu.memref_slice %arg12[%parallel_loop3A_174, %parallel_loop3A_372, %parallel_loop3A_373] : memref<2x80x128xf32, #tpu.memory_space<vmem>> -> memref<1x80x128xf32, #tpu.memory_space<vmem>>
          %parallel_loop3A_375 = tpu.memref_squeeze %parallel_loop3A_374 : memref<1x80x128xf32, #tpu.memory_space<vmem>> -> memref<80x128xf32, #tpu.memory_space<vmem>>
          %parallel_loop3A_376 = arith.index_cast %parallel_loop3A_189 : i32 to index
          %parallel_loop3A_377 = arith.constant 112 : index
          %parallel_loop3A_378 = tpu.vector_load %parallel_loop3A_375[%parallel_loop3A_376, %parallel_loop3A_377] {strides = array<i32>} : memref<80x128xf32, #tpu.memory_space<vmem>>, vector<1x16xf32>,
          %parallel_loop3A_379 = vector.shape_cast %parallel_loop3A_378 : vector<1x16xf32> to vector<16xf32>
          %parallel_loop3A_380 = arith.constant 0 : i32
          %parallel_loop3A_381 = arith.constant 0 : i32
          %parallel_loop3A_382 = tpu.memref_slice %arg13[%parallel_loop3A_175, %parallel_loop3A_380, %parallel_loop3A_381] : memref<2x80x128xf32, #tpu.memory_space<vmem>> -> memref<1x80x128xf32, #tpu.memory_space<vmem>>
          %parallel_loop3A_383 = tpu.memref_squeeze %parallel_loop3A_382 : memref<1x80x128xf32, #tpu.memory_space<vmem>> -> memref<80x128xf32, #tpu.memory_space<vmem>>
          %parallel_loop3A_384 = arith.index_cast %parallel_loop3A_189 : i32 to index
          %parallel_loop3A_385 = arith.constant 112 : index
          %parallel_loop3A_386 = tpu.vector_load %parallel_loop3A_383[%parallel_loop3A_384, %parallel_loop3A_385] {strides = array<i32>} : memref<80x128xf32, #tpu.memory_space<vmem>>, vector<1x16xf32>,
          %parallel_loop3A_387 = vector.shape_cast %parallel_loop3A_386 : vector<1x16xf32> to vector<16xf32>
          %parallel_loop3A_388 = arith.addf %parallel_loop3A_379, %parallel_loop3A_387 : vector<16xf32>
          %parallel_loop3A_389 = arith.constant 0 : i32
          %parallel_loop3A_390 = arith.constant 0 : i32
          %parallel_loop3A_391 = tpu.memref_slice %arg12[%parallel_loop3A_174, %parallel_loop3A_389, %parallel_loop3A_390] : memref<2x80x128xf32, #tpu.memory_space<vmem>> -> memref<1x80x128xf32, #tpu.memory_space<vmem>>
          %parallel_loop3A_392 = tpu.memref_squeeze %parallel_loop3A_391 : memref<1x80x128xf32, #tpu.memory_space<vmem>> -> memref<80x128xf32, #tpu.memory_space<vmem>>
          %parallel_loop3A_393 = arith.index_cast %parallel_loop3A_189 : i32 to index
          %parallel_loop3A_394 = arith.constant 112 : index
          %parallel_loop3A_395 = tpu.vector_load %parallel_loop3A_392[%parallel_loop3A_393, %parallel_loop3A_394] {strides = array<i32>} : memref<80x128xf32, #tpu.memory_space<vmem>>, vector<1x16xf32>,
          %parallel_loop3A_396 = vector.shape_cast %parallel_loop3A_395 : vector<1x16xf32> to vector<16xf32>
          %parallel_loop3A_397 = vector.shape_cast %parallel_loop3A_388 : vector<16xf32> to vector<1x16xf32>
          tpu.vector_store %parallel_loop3A_392[%parallel_loop3A_393, %parallel_loop3A_394], %parallel_loop3A_397 {strides = array<i32>} : memref<80x128xf32, #tpu.memory_space<vmem>>, vector<1x16xf32>,
        } {sc.loop_unroll_factor = 4 : i64, sc.parallel_access}
        %dma_start3A_176 = arith.constant 1 : i32
        %dma_start3A_177 = arith.constant 0 : i32
        %dma_start3A_178 = arith.constant 0 : i32
        %dma_start3A_179 = tpu.memref_slice %arg12[%dma_start3A_176, %dma_start3A_177, %dma_start3A_178] : memref<2x80x128xf32, #tpu.memory_space<vmem>> -> memref<1x80x128xf32, #tpu.memory_space<vmem>>
        %dma_start3A_180 = tpu.memref_squeeze %dma_start3A_179 : memref<1x80x128xf32, #tpu.memory_space<vmem>> -> memref<80x128xf32, #tpu.memory_space<vmem>>
        %dma_start3A_181 = arith.constant 0 : i32
        %dma_start3A_182 = tpu.memref_slice %arg8[%add3A_133, %dma_start3A_181] : memref<320000x128xf32, #tpu.memory_space<hbm>> -> memref<80x128xf32, #tpu.memory_space<hbm>>
        %dma_start3A_183 = arith.constant 0 : i32
        %dma_start3A_184 = tpu.memref_slice %arg8[%add3A_133, %dma_start3A_183] : memref<320000x128xf32, #tpu.memory_space<hbm>> -> memref<80x128xf32, #tpu.memory_space<hbm>>
        %dma_start3A_185 = arith.constant 0 : i32
        %dma_start3A_186 = arith.constant 0 : i32
        %dma_start3A_187 = tpu.memref_slice %arg12[%dma_start3A_176, %dma_start3A_185, %dma_start3A_186] : memref<2x80x128xf32, #tpu.memory_space<vmem>> -> memref<1x80x128xf32, #tpu.memory_space<vmem>>
        %dma_start3A_188 = tpu.memref_squeeze %dma_start3A_187 : memref<1x80x128xf32, #tpu.memory_space<vmem>> -> memref<80x128xf32, #tpu.memory_space<vmem>>
        tpu.enqueue_dma source(%dma_start3A_188 : memref<80x128xf32, #tpu.memory_space<vmem>>) target(%dma_start3A_184 : memref<80x128xf32, #tpu.memory_space<hbm>>) target_semaphore(%arg15 : memref<!tpu.dma_semaphore, #tpu.memory_space<semaphore_mem>>)
      }
      %scan3A_34 = arith.constant 125 : i32
      %dma_wait3A = arith.constant 0 : i32
      %dma_wait3A_35 = arith.constant 0 : i32
      %dma_wait3A_36 = arith.constant 0 : i32
      %dma_wait3A_37 = tpu.memref_slice %arg12[%dma_wait3A, %dma_wait3A_35, %dma_wait3A_36] : memref<2x80x128xf32, #tpu.memory_space<vmem>> -> memref<1x80x128xf32, #tpu.memory_space<vmem>>
      %dma_wait3A_38 = tpu.memref_squeeze %dma_wait3A_37 : memref<1x80x128xf32, #tpu.memory_space<vmem>> -> memref<80x128xf32, #tpu.memory_space<vmem>>
      %dma_wait3A_39 = arith.constant 0 : i32
      %dma_wait3A_40 = arith.constant 0 : i32
      %dma_wait3A_41 = tpu.memref_slice %arg8[%dma_wait3A_39, %dma_wait3A_40] : memref<320000x128xf32, #tpu.memory_space<hbm>> -> memref<80x128xf32, #tpu.memory_space<hbm>>
      %dma_wait3A_42 = arith.constant 0 : i32
      %dma_wait3A_43 = arith.constant 0 : i32
      %dma_wait3A_44 = tpu.memref_slice %arg12[%dma_wait3A, %dma_wait3A_42, %dma_wait3A_43] : memref<2x80x128xf32, #tpu.memory_space<vmem>> -> memref<1x80x128xf32, #tpu.memory_space<vmem>>
      %dma_wait3A_45 = tpu.memref_squeeze %dma_wait3A_44 : memref<1x80x128xf32, #tpu.memory_space<vmem>> -> memref<80x128xf32, #tpu.memory_space<vmem>>
      %dma_wait3A_46 = arith.constant 0 : i32
      %dma_wait3A_47 = arith.constant 0 : i32
      %dma_wait3A_48 = tpu.memref_slice %arg8[%dma_wait3A_46, %dma_wait3A_47] : memref<320000x128xf32, #tpu.memory_space<hbm>> -> memref<80x128xf32, #tpu.memory_space<hbm>>
      tpu.wait_dma2 semaphore(%arg15 : memref<!tpu.dma_semaphore, #tpu.memory_space<semaphore_mem>>) src(%dma_wait3A_48 : memref<80x128xf32, #tpu.memory_space<hbm>>) dst(%dma_wait3A_45 : memref<80x128xf32, #tpu.memory_space<vmem>>)
      %dma_wait3A_49 = arith.constant 0 : i32
      %dma_wait3A_50 = arith.constant 0 : i32
      %dma_wait3A_51 = arith.constant 0 : i32
      %dma_wait3A_52 = tpu.memref_slice %arg12[%dma_wait3A_49, %dma_wait3A_50, %dma_wait3A_51] : memref<2x80x128xf32, #tpu.memory_space<vmem>> -> memref<1x80x128xf32, #tpu.memory_space<vmem>>
      %dma_wait3A_53 = tpu.memref_squeeze %dma_wait3A_52 : memref<1x80x128xf32, #tpu.memory_space<vmem>> -> memref<80x128xf32, #tpu.memory_space<vmem>>
      %dma_wait3A_54 = arith.constant 0 : i32
      %dma_wait3A_55 = arith.constant 0 : i32
      %dma_wait3A_56 = tpu.memref_slice %arg8[%dma_wait3A_54, %dma_wait3A_55] : memref<320000x128xf32, #tpu.memory_space<hbm>> -> memref<80x128xf32, #tpu.memory_space<hbm>>
      %dma_wait3A_57 = arith.constant 0 : i32
      %dma_wait3A_58 = arith.constant 0 : i32
      %dma_wait3A_59 = tpu.memref_slice %arg12[%dma_wait3A_49, %dma_wait3A_57, %dma_wait3A_58] : memref<2x80x128xf32, #tpu.memory_space<vmem>> -> memref<1x80x128xf32, #tpu.memory_space<vmem>>
      %dma_wait3A_60 = tpu.memref_squeeze %dma_wait3A_59 : memref<1x80x128xf32, #tpu.memory_space<vmem>> -> memref<80x128xf32, #tpu.memory_space<vmem>>
      %dma_wait3A_61 = arith.constant 0 : i32
      %dma_wait3A_62 = arith.constant 0 : i32
      %dma_wait3A_63 = tpu.memref_slice %arg8[%dma_wait3A_61, %dma_wait3A_62] : memref<320000x128xf32, #tpu.memory_space<hbm>> -> memref<80x128xf32, #tpu.memory_space<hbm>>
      tpu.wait_dma2 semaphore(%arg15 : memref<!tpu.dma_semaphore, #tpu.memory_space<semaphore_mem>>) src(%dma_wait3A_63 : memref<80x128xf32, #tpu.memory_space<hbm>>) dst(%dma_wait3A_60 : memref<80x128xf32, #tpu.memory_space<vmem>>)
    } else {
    }
    %eq3A_2 = arith.constant 1 : i32
    %eq3A_3 = arith.cmpi eq, %arg0, %eq3A_2 : i32
    %convert_element_type3A_4 = arith.extui %eq3A_3 : i1 to i32
    %cond3A_5 = arith.constant 0 : i32
    %cond3A_6 = arith.cmpi ne, %convert_element_type3A_4, %cond3A_5 : i32
    scf.if %cond3A_6 {
      "tpu.region"() ({
        %run_scoped3A = tpu.sem_alloc : memref<!tpu.dma_semaphore, #tpu.memory_space<semaphore_mem>>
        %dma_start3A_64 = arith.constant 0 : i32
        %dma_start3A_65 = arith.constant 0 : i32
        %dma_start3A_66 = tpu.memref_slice %arg6[%arg1, %dma_start3A_64, %dma_start3A_65] : memref<16x250x80xi32, #tpu.memory_space<hbm>> -> memref<1x250x80xi32, #tpu.memory_space<hbm>>
        %dma_start3A_67 = tpu.memref_squeeze %dma_start3A_66 : memref<1x250x80xi32, #tpu.memory_space<hbm>> -> memref<250x80xi32, #tpu.memory_space<hbm>>
        %dma_start3A_68 = arith.constant 0 : i32
        %dma_start3A_69 = arith.constant 0 : i32
        %dma_start3A_70 = tpu.memref_slice %arg6[%arg1, %dma_start3A_68, %dma_start3A_69] : memref<16x250x80xi32, #tpu.memory_space<hbm>> -> memref<1x250x80xi32, #tpu.memory_space<hbm>>
        %dma_start3A_71 = tpu.memref_squeeze %dma_start3A_70 : memref<1x250x80xi32, #tpu.memory_space<hbm>> -> memref<250x80xi32, #tpu.memory_space<hbm>>
        tpu.enqueue_dma source(%dma_start3A_71 : memref<250x80xi32, #tpu.memory_space<hbm>>) target(%arg10 : memref<250x80xi32, #tpu.memory_space<vmem>>) target_semaphore(%run_scoped3A : memref<!tpu.dma_semaphore, #tpu.memory_space<semaphore_mem>>)
        %dma_wait3A_72 = arith.constant 0 : i32
        %dma_wait3A_73 = arith.constant 0 : i32
        %dma_wait3A_74 = tpu.memref_slice %arg6[%arg1, %dma_wait3A_72, %dma_wait3A_73] : memref<16x250x80xi32, #tpu.memory_space<hbm>> -> memref<1x250x80xi32, #tpu.memory_space<hbm>>
        %dma_wait3A_75 = tpu.memref_squeeze %dma_wait3A_74 : memref<1x250x80xi32, #tpu.memory_space<hbm>> -> memref<250x80xi32, #tpu.memory_space<hbm>>
        %dma_wait3A_76 = arith.constant 0 : i32
        %dma_wait3A_77 = arith.constant 0 : i32
        %dma_wait3A_78 = tpu.memref_slice %arg6[%arg1, %dma_wait3A_76, %dma_wait3A_77] : memref<16x250x80xi32, #tpu.memory_space<hbm>> -> memref<1x250x80xi32, #tpu.memory_space<hbm>>
        %dma_wait3A_79 = tpu.memref_squeeze %dma_wait3A_78 : memref<1x250x80xi32, #tpu.memory_space<hbm>> -> memref<250x80xi32, #tpu.memory_space<hbm>>
        tpu.wait_dma2 semaphore(%run_scoped3A : memref<!tpu.dma_semaphore, #tpu.memory_space<semaphore_mem>>) src(%dma_wait3A_79 : memref<250x80xi32, #tpu.memory_space<hbm>>) dst(%arg10 : memref<250x80xi32, #tpu.memory_space<vmem>>)
        tpu.yield
      }) : () -> ()
      "tpu.region"() ({
        %run_scoped3A = tpu.sem_alloc : memref<!tpu.dma_semaphore, #tpu.memory_space<semaphore_mem>>
        %dma_start3A_64 = arith.constant 0 : i32
        %dma_start3A_65 = arith.constant 0 : i32
        %dma_start3A_66 = tpu.memref_slice %arg7[%arg1, %dma_start3A_64, %dma_start3A_65] : memref<16x250x80xi32, #tpu.memory_space<hbm>> -> memref<1x250x80xi32, #tpu.memory_space<hbm>>
        %dma_start3A_67 = tpu.memref_squeeze %dma_start3A_66 : memref<1x250x80xi32, #tpu.memory_space<hbm>> -> memref<250x80xi32, #tpu.memory_space<hbm>>
        %dma_start3A_68 = arith.constant 0 : i32
        %dma_start3A_69 = arith.constant 0 : i32
        %dma_start3A_70 = tpu.memref_slice %arg7[%arg1, %dma_start3A_68, %dma_start3A_69] : memref<16x250x80xi32, #tpu.memory_space<hbm>> -> memref<1x250x80xi32, #tpu.memory_space<hbm>>
        %dma_start3A_71 = tpu.memref_squeeze %dma_start3A_70 : memref<1x250x80xi32, #tpu.memory_space<hbm>> -> memref<250x80xi32, #tpu.memory_space<hbm>>
        tpu.enqueue_dma source(%dma_start3A_71 : memref<250x80xi32, #tpu.memory_space<hbm>>) target(%arg11 : memref<250x80xi32, #tpu.memory_space<vmem>>) target_semaphore(%run_scoped3A : memref<!tpu.dma_semaphore, #tpu.memory_space<semaphore_mem>>)
        %dma_wait3A_72 = arith.constant 0 : i32
        %dma_wait3A_73 = arith.constant 0 : i32
        %dma_wait3A_74 = tpu.memref_slice %arg7[%arg1, %dma_wait3A_72, %dma_wait3A_73] : memref<16x250x80xi32, #tpu.memory_space<hbm>> -> memref<1x250x80xi32, #tpu.memory_space<hbm>>
        %dma_wait3A_75 = tpu.memref_squeeze %dma_wait3A_74 : memref<1x250x80xi32, #tpu.memory_space<hbm>> -> memref<250x80xi32, #tpu.memory_space<hbm>>
        %dma_wait3A_76 = arith.constant 0 : i32
        %dma_wait3A_77 = arith.constant 0 : i32
        %dma_wait3A_78 = tpu.memref_slice %arg7[%arg1, %dma_wait3A_76, %dma_wait3A_77] : memref<16x250x80xi32, #tpu.memory_space<hbm>> -> memref<1x250x80xi32, #tpu.memory_space<hbm>>
        %dma_wait3A_79 = tpu.memref_squeeze %dma_wait3A_78 : memref<1x250x80xi32, #tpu.memory_space<hbm>> -> memref<250x80xi32, #tpu.memory_space<hbm>>
        tpu.wait_dma2 semaphore(%run_scoped3A : memref<!tpu.dma_semaphore, #tpu.memory_space<semaphore_mem>>) src(%dma_wait3A_79 : memref<250x80xi32, #tpu.memory_space<hbm>>) dst(%arg11 : memref<250x80xi32, #tpu.memory_space<vmem>>)
        tpu.yield
      }) : () -> ()
      %dma_start3A = arith.constant 0 : i32
      %dma_start3A_7 = arith.constant 0 : i32
      %dma_start3A_8 = arith.constant 0 : i32
      %dma_start3A_9 = arith.constant 0 : i32
      %dma_start3A_10 = tpu.memref_slice %arg12[%dma_start3A_7, %dma_start3A_8, %dma_start3A_9] : memref<2x80x128xf32, #tpu.memory_space<vmem>> -> memref<1x80x128xf32, #tpu.memory_space<vmem>>
      %dma_start3A_11 = tpu.memref_squeeze %dma_start3A_10 : memref<1x80x128xf32, #tpu.memory_space<vmem>> -> memref<80x128xf32, #tpu.memory_space<vmem>>
      %dma_start3A_12 = arith.constant 0 : i32
      %dma_start3A_13 = tpu.memref_slice %arg10[%dma_start3A, %dma_start3A_12] : memref<250x80xi32, #tpu.memory_space<vmem>> -> memref<1x80xi32, #tpu.memory_space<vmem>>
      %dma_start3A_14 = tpu.memref_squeeze %dma_start3A_13 : memref<1x80xi32, #tpu.memory_space<vmem>> -> memref<80xi32, #tpu.memory_space<vmem>>
      %dma_start3A_15 = arith.constant 0 : i32
      %dma_start3A_16 = arith.constant 0 : i32
      %dma_start3A_17 = tpu.memref_slice %arg4[%dma_start3A_15, %dma_start3A_16] : memref<10000x128xf32, #tpu.memory_space<hbm>> -> memref<10000x128xf32, #tpu.memory_space<hbm>>
      tpu.enqueue_indirect_dma source(%dma_start3A_17 : memref<10000x128xf32, #tpu.memory_space<hbm>>) target(%dma_start3A_11 : memref<80x128xf32, #tpu.memory_space<vmem>>) offsets(%dma_start3A_14 : memref<80xi32, #tpu.memory_space<vmem>>) semaphore(%arg14 : memref<!tpu.dma_semaphore, #tpu.memory_space<semaphore_mem>>)
      %dma_start3A_18 = arith.constant 0 : i32
      %dma_start3A_19 = arith.constant 0 : i32
      %dma_start3A_20 = arith.constant 0 : i32
      %dma_start3A_21 = arith.constant 0 : i32
      %dma_start3A_22 = tpu.memref_slice %arg13[%dma_start3A_19, %dma_start3A_20, %dma_start3A_21] : memref<2x80x128xf32, #tpu.memory_space<vmem>> -> memref<1x80x128xf32, #tpu.memory_space<vmem>>
      %dma_start3A_23 = tpu.memref_squeeze %dma_start3A_22 : memref<1x80x128xf32, #tpu.memory_space<vmem>> -> memref<80x128xf32, #tpu.memory_space<vmem>>
      %dma_start3A_24 = arith.constant 0 : i32
      %dma_start3A_25 = tpu.memref_slice %arg11[%dma_start3A_18, %dma_start3A_24] : memref<250x80xi32, #tpu.memory_space<vmem>> -> memref<1x80xi32, #tpu.memory_space<vmem>>
      %dma_start3A_26 = tpu.memref_squeeze %dma_start3A_25 : memref<1x80xi32, #tpu.memory_space<vmem>> -> memref<80xi32, #tpu.memory_space<vmem>>
      %dma_start3A_27 = arith.constant 0 : i32
      %dma_start3A_28 = arith.constant 0 : i32
      %dma_start3A_29 = tpu.memref_slice %arg5[%dma_start3A_27, %dma_start3A_28] : memref<10000x128xf32, #tpu.memory_space<hbm>> -> memref<10000x128xf32, #tpu.memory_space<hbm>>
      tpu.enqueue_indirect_dma source(%dma_start3A_29 : memref<10000x128xf32, #tpu.memory_space<hbm>>) target(%dma_start3A_23 : memref<80x128xf32, #tpu.memory_space<vmem>>) offsets(%dma_start3A_26 : memref<80xi32, #tpu.memory_space<vmem>>) semaphore(%arg14 : memref<!tpu.dma_semaphore, #tpu.memory_space<semaphore_mem>>)
      %scan3A = arith.constant 0 : i32
      %scan3A_30 = arith.constant 0 : i32
      %scan3A_31 = arith.constant 125 : i32
      %scan3A_32 = arith.addi %scan3A_30, %scan3A_31 : i32
      %scan3A_33 = arith.constant 1 : i32
      scf.for %scan3A_64 = %scan3A_30 to %scan3A_32 step %scan3A_33  : i32 {
        %mul3A = arith.constant 2 : i32
        %mul3A_65 = arith.muli %mul3A, %scan3A_64 : i32
        %add3A = arith.constant 0 : i32
        %add3A_66 = arith.addi %mul3A_65, %add3A : i32
        %mul3A_67 = arith.constant 20000 : i32
        %mul3A_68 = arith.muli %arg1, %mul3A_67 : i32
        %mul3A_69 = arith.constant 80 : i32
        %mul3A_70 = arith.muli %add3A_66, %mul3A_69 : i32
        %add3A_71 = arith.addi %mul3A_68, %mul3A_70 : i32
        %dma_wait3A_72 = arith.constant 0 : i32
        %dma_wait3A_73 = arith.constant 0 : i32
        %dma_wait3A_74 = arith.constant 0 : i32
        %dma_wait3A_75 = tpu.memref_slice %arg12[%dma_wait3A_72, %dma_wait3A_73, %dma_wait3A_74] : memref<2x80x128xf32, #tpu.memory_space<vmem>> -> memref<1x80x128xf32, #tpu.memory_space<vmem>>
        %dma_wait3A_76 = tpu.memref_squeeze %dma_wait3A_75 : memref<1x80x128xf32, #tpu.memory_space<vmem>> -> memref<80x128xf32, #tpu.memory_space<vmem>>
        %dma_wait3A_77 = arith.constant 0 : i32
        %dma_wait3A_78 = arith.constant 0 : i32
        %dma_wait3A_79 = tpu.memref_slice %arg9[%dma_wait3A_77, %dma_wait3A_78] : memref<320000x128xf32, #tpu.memory_space<hbm>> -> memref<80x128xf32, #tpu.memory_space<hbm>>
        %dma_wait3A_80 = arith.constant 0 : i32
        %dma_wait3A_81 = arith.constant 0 : i32
        %dma_wait3A_82 = tpu.memref_slice %arg12[%dma_wait3A_72, %dma_wait3A_80, %dma_wait3A_81] : memref<2x80x128xf32, #tpu.memory_space<vmem>> -> memref<1x80x128xf32, #tpu.memory_space<vmem>>
        %dma_wait3A_83 = tpu.memref_squeeze %dma_wait3A_82 : memref<1x80x128xf32, #tpu.memory_space<vmem>> -> memref<80x128xf32, #tpu.memory_space<vmem>>
        %dma_wait3A_84 = arith.constant 0 : i32
        %dma_wait3A_85 = arith.constant 0 : i32
        %dma_wait3A_86 = tpu.memref_slice %arg9[%dma_wait3A_84, %dma_wait3A_85] : memref<320000x128xf32, #tpu.memory_space<hbm>> -> memref<80x128xf32, #tpu.memory_space<hbm>>
        tpu.wait_dma2 semaphore(%arg14 : memref<!tpu.dma_semaphore, #tpu.memory_space<semaphore_mem>>) src(%dma_wait3A_86 : memref<80x128xf32, #tpu.memory_space<hbm>>) dst(%dma_wait3A_83 : memref<80x128xf32, #tpu.memory_space<vmem>>)
        %dma_wait3A_87 = arith.constant 0 : i32
        %dma_wait3A_88 = arith.constant 0 : i32
        %dma_wait3A_89 = arith.constant 0 : i32
        %dma_wait3A_90 = tpu.memref_slice %arg13[%dma_wait3A_87, %dma_wait3A_88, %dma_wait3A_89] : memref<2x80x128xf32, #tpu.memory_space<vmem>> -> memref<1x80x128xf32, #tpu.memory_space<vmem>>
        %dma_wait3A_91 = tpu.memref_squeeze %dma_wait3A_90 : memref<1x80x128xf32, #tpu.memory_space<vmem>> -> memref<80x128xf32, #tpu.memory_space<vmem>>
        %dma_wait3A_92 = arith.constant 0 : i32
        %dma_wait3A_93 = arith.constant 0 : i32
        %dma_wait3A_94 = tpu.memref_slice %arg9[%dma_wait3A_92, %dma_wait3A_93] : memref<320000x128xf32, #tpu.memory_space<hbm>> -> memref<80x128xf32, #tpu.memory_space<hbm>>
        %dma_wait3A_95 = arith.constant 0 : i32
        %dma_wait3A_96 = arith.constant 0 : i32
        %dma_wait3A_97 = tpu.memref_slice %arg13[%dma_wait3A_87, %dma_wait3A_95, %dma_wait3A_96] : memref<2x80x128xf32, #tpu.memory_space<vmem>> -> memref<1x80x128xf32, #tpu.memory_space<vmem>>
        %dma_wait3A_98 = tpu.memref_squeeze %dma_wait3A_97 : memref<1x80x128xf32, #tpu.memory_space<vmem>> -> memref<80x128xf32, #tpu.memory_space<vmem>>
        %dma_wait3A_99 = arith.constant 0 : i32
        %dma_wait3A_100 = arith.constant 0 : i32
        %dma_wait3A_101 = tpu.memref_slice %arg9[%dma_wait3A_99, %dma_wait3A_100] : memref<320000x128xf32, #tpu.memory_space<hbm>> -> memref<80x128xf32, #tpu.memory_space<hbm>>
        tpu.wait_dma2 semaphore(%arg14 : memref<!tpu.dma_semaphore, #tpu.memory_space<semaphore_mem>>) src(%dma_wait3A_101 : memref<80x128xf32, #tpu.memory_space<hbm>>) dst(%dma_wait3A_98 : memref<80x128xf32, #tpu.memory_space<vmem>>)
        %add3A_102 = arith.constant 1 : i32
        %add3A_103 = arith.addi %add3A_66, %add3A_102 : i32
        %lt3A = arith.constant 250 : i32
        %lt3A_104 = arith.cmpi slt, %add3A_103, %lt3A : i32
        %convert_element_type3A_105 = arith.extui %lt3A_104 : i1 to i32
        %cond3A_106 = arith.constant 0 : i32
        %cond3A_107 = arith.cmpi ne, %convert_element_type3A_105, %cond3A_106 : i32
        scf.if %cond3A_107 {
          %ge3A = arith.constant 1 : i32
          %ge3A_189 = arith.cmpi sge, %add3A_66, %ge3A : i32
          %convert_element_type3A_190 = arith.extui %ge3A_189 : i1 to i32
          %cond3A_191 = arith.constant 0 : i32
          %cond3A_192 = arith.cmpi ne, %convert_element_type3A_190, %cond3A_191 : i32
          scf.if %cond3A_192 {
            %dma_wait3A_219 = arith.constant 0 : i32
            %dma_wait3A_220 = arith.constant 0 : i32
            %dma_wait3A_221 = arith.constant 0 : i32
            %dma_wait3A_222 = tpu.memref_slice %arg12[%dma_wait3A_219, %dma_wait3A_220, %dma_wait3A_221] : memref<2x80x128xf32, #tpu.memory_space<vmem>> -> memref<1x80x128xf32, #tpu.memory_space<vmem>>
            %dma_wait3A_223 = tpu.memref_squeeze %dma_wait3A_222 : memref<1x80x128xf32, #tpu.memory_space<vmem>> -> memref<80x128xf32, #tpu.memory_space<vmem>>
            %dma_wait3A_224 = arith.constant 0 : i32
            %dma_wait3A_225 = arith.constant 0 : i32
            %dma_wait3A_226 = tpu.memref_slice %arg9[%dma_wait3A_224, %dma_wait3A_225] : memref<320000x128xf32, #tpu.memory_space<hbm>> -> memref<80x128xf32, #tpu.memory_space<hbm>>
            %dma_wait3A_227 = arith.constant 0 : i32
            %dma_wait3A_228 = arith.constant 0 : i32
            %dma_wait3A_229 = tpu.memref_slice %arg12[%dma_wait3A_219, %dma_wait3A_227, %dma_wait3A_228] : memref<2x80x128xf32, #tpu.memory_space<vmem>> -> memref<1x80x128xf32, #tpu.memory_space<vmem>>
            %dma_wait3A_230 = tpu.memref_squeeze %dma_wait3A_229 : memref<1x80x128xf32, #tpu.memory_space<vmem>> -> memref<80x128xf32, #tpu.memory_space<vmem>>
            %dma_wait3A_231 = arith.constant 0 : i32
            %dma_wait3A_232 = arith.constant 0 : i32
            %dma_wait3A_233 = tpu.memref_slice %arg9[%dma_wait3A_231, %dma_wait3A_232] : memref<320000x128xf32, #tpu.memory_space<hbm>> -> memref<80x128xf32, #tpu.memory_space<hbm>>
            tpu.wait_dma2 semaphore(%arg15 : memref<!tpu.dma_semaphore, #tpu.memory_space<semaphore_mem>>) src(%dma_wait3A_233 : memref<80x128xf32, #tpu.memory_space<hbm>>) dst(%dma_wait3A_230 : memref<80x128xf32, #tpu.memory_space<vmem>>)
          } else {
          }
          %add3A_193 = arith.constant 1 : i32
          %add3A_194 = arith.addi %add3A_66, %add3A_193 : i32
          %dma_start3A_195 = arith.constant 1 : i32
          %dma_start3A_196 = arith.constant 0 : i32
          %dma_start3A_197 = arith.constant 0 : i32
          %dma_start3A_198 = tpu.memref_slice %arg12[%dma_start3A_195, %dma_start3A_196, %dma_start3A_197] : memref<2x80x128xf32, #tpu.memory_space<vmem>> -> memref<1x80x128xf32, #tpu.memory_space<vmem>>
          %dma_start3A_199 = tpu.memref_squeeze %dma_start3A_198 : memref<1x80x128xf32, #tpu.memory_space<vmem>> -> memref<80x128xf32, #tpu.memory_space<vmem>>
          %dma_start3A_200 = arith.constant 0 : i32
          %dma_start3A_201 = tpu.memref_slice %arg10[%add3A_194, %dma_start3A_200] : memref<250x80xi32, #tpu.memory_space<vmem>> -> memref<1x80xi32, #tpu.memory_space<vmem>>
          %dma_start3A_202 = tpu.memref_squeeze %dma_start3A_201 : memref<1x80xi32, #tpu.memory_space<vmem>> -> memref<80xi32, #tpu.memory_space<vmem>>
          %dma_start3A_203 = arith.constant 0 : i32
          %dma_start3A_204 = arith.constant 0 : i32
          %dma_start3A_205 = tpu.memref_slice %arg4[%dma_start3A_203, %dma_start3A_204] : memref<10000x128xf32, #tpu.memory_space<hbm>> -> memref<10000x128xf32, #tpu.memory_space<hbm>>
          tpu.enqueue_indirect_dma source(%dma_start3A_205 : memref<10000x128xf32, #tpu.memory_space<hbm>>) target(%dma_start3A_199 : memref<80x128xf32, #tpu.memory_space<vmem>>) offsets(%dma_start3A_202 : memref<80xi32, #tpu.memory_space<vmem>>) semaphore(%arg14 : memref<!tpu.dma_semaphore, #tpu.memory_space<semaphore_mem>>)
          %add3A_206 = arith.constant 1 : i32
          %add3A_207 = arith.addi %add3A_66, %add3A_206 : i32
          %dma_start3A_208 = arith.constant 1 : i32
          %dma_start3A_209 = arith.constant 0 : i32
          %dma_start3A_210 = arith.constant 0 : i32
          %dma_start3A_211 = tpu.memref_slice %arg13[%dma_start3A_208, %dma_start3A_209, %dma_start3A_210] : memref<2x80x128xf32, #tpu.memory_space<vmem>> -> memref<1x80x128xf32, #tpu.memory_space<vmem>>
          %dma_start3A_212 = tpu.memref_squeeze %dma_start3A_211 : memref<1x80x128xf32, #tpu.memory_space<vmem>> -> memref<80x128xf32, #tpu.memory_space<vmem>>
          %dma_start3A_213 = arith.constant 0 : i32
          %dma_start3A_214 = tpu.memref_slice %arg11[%add3A_207, %dma_start3A_213] : memref<250x80xi32, #tpu.memory_space<vmem>> -> memref<1x80xi32, #tpu.memory_space<vmem>>
          %dma_start3A_215 = tpu.memref_squeeze %dma_start3A_214 : memref<1x80xi32, #tpu.memory_space<vmem>> -> memref<80xi32, #tpu.memory_space<vmem>>
          %dma_start3A_216 = arith.constant 0 : i32
          %dma_start3A_217 = arith.constant 0 : i32
          %dma_start3A_218 = tpu.memref_slice %arg5[%dma_start3A_216, %dma_start3A_217] : memref<10000x128xf32, #tpu.memory_space<hbm>> -> memref<10000x128xf32, #tpu.memory_space<hbm>>
          tpu.enqueue_indirect_dma source(%dma_start3A_218 : memref<10000x128xf32, #tpu.memory_space<hbm>>) target(%dma_start3A_212 : memref<80x128xf32, #tpu.memory_space<vmem>>) offsets(%dma_start3A_215 : memref<80xi32, #tpu.memory_space<vmem>>) semaphore(%arg14 : memref<!tpu.dma_semaphore, #tpu.memory_space<semaphore_mem>>)
        } else {
        }
        %parallel_loop3A = arith.constant 0 : i32
        %parallel_loop3A_108 = arith.constant 80 : i32
        %parallel_loop3A_109 = arith.constant 1 : i32
        %parallel_loop3A_110 = arith.constant 0 : i32
        %parallel_loop3A_111 = arith.constant 0 : i32
        scf.for %parallel_loop3A_189 = %parallel_loop3A to %parallel_loop3A_108 step %parallel_loop3A_109  : i32 {
          %parallel_loop3A_190 = arith.constant 0 : i32
          %parallel_loop3A_191 = arith.constant 0 : i32
          %parallel_loop3A_192 = tpu.memref_slice %arg12[%parallel_loop3A_110, %parallel_loop3A_190, %parallel_loop3A_191] : memref<2x80x128xf32, #tpu.memory_space<vmem>> -> memref<1x80x128xf32, #tpu.memory_space<vmem>>
          %parallel_loop3A_193 = tpu.memref_squeeze %parallel_loop3A_192 : memref<1x80x128xf32, #tpu.memory_space<vmem>> -> memref<80x128xf32, #tpu.memory_space<vmem>>
          %parallel_loop3A_194 = arith.index_cast %parallel_loop3A_189 : i32 to index
          %parallel_loop3A_195 = arith.constant 0 : index
          %parallel_loop3A_196 = tpu.vector_load %parallel_loop3A_193[%parallel_loop3A_194, %parallel_loop3A_195] {strides = array<i32>} : memref<80x128xf32, #tpu.memory_space<vmem>>, vector<1x16xf32>,
          %parallel_loop3A_197 = vector.shape_cast %parallel_loop3A_196 : vector<1x16xf32> to vector<16xf32>
          %parallel_loop3A_198 = arith.constant 0 : i32
          %parallel_loop3A_199 = arith.constant 0 : i32
          %parallel_loop3A_200 = tpu.memref_slice %arg13[%parallel_loop3A_111, %parallel_loop3A_198, %parallel_loop3A_199] : memref<2x80x128xf32, #tpu.memory_space<vmem>> -> memref<1x80x128xf32, #tpu.memory_space<vmem>>
          %parallel_loop3A_201 = tpu.memref_squeeze %parallel_loop3A_200 : memref<1x80x128xf32, #tpu.memory_space<vmem>> -> memref<80x128xf32, #tpu.memory_space<vmem>>
          %parallel_loop3A_202 = arith.index_cast %parallel_loop3A_189 : i32 to index
          %parallel_loop3A_203 = arith.constant 0 : index
          %parallel_loop3A_204 = tpu.vector_load %parallel_loop3A_201[%parallel_loop3A_202, %parallel_loop3A_203] {strides = array<i32>} : memref<80x128xf32, #tpu.memory_space<vmem>>, vector<1x16xf32>,
          %parallel_loop3A_205 = vector.shape_cast %parallel_loop3A_204 : vector<1x16xf32> to vector<16xf32>
          %parallel_loop3A_206 = arith.addf %parallel_loop3A_197, %parallel_loop3A_205 : vector<16xf32>
          %parallel_loop3A_207 = arith.constant 0 : i32
          %parallel_loop3A_208 = arith.constant 0 : i32
          %parallel_loop3A_209 = tpu.memref_slice %arg12[%parallel_loop3A_110, %parallel_loop3A_207, %parallel_loop3A_208] : memref<2x80x128xf32, #tpu.memory_space<vmem>> -> memref<1x80x128xf32, #tpu.memory_space<vmem>>
          %parallel_loop3A_210 = tpu.memref_squeeze %parallel_loop3A_209 : memref<1x80x128xf32, #tpu.memory_space<vmem>> -> memref<80x128xf32, #tpu.memory_space<vmem>>
          %parallel_loop3A_211 = arith.index_cast %parallel_loop3A_189 : i32 to index
          %parallel_loop3A_212 = arith.constant 0 : index
          %parallel_loop3A_213 = tpu.vector_load %parallel_loop3A_210[%parallel_loop3A_211, %parallel_loop3A_212] {strides = array<i32>} : memref<80x128xf32, #tpu.memory_space<vmem>>, vector<1x16xf32>,
          %parallel_loop3A_214 = vector.shape_cast %parallel_loop3A_213 : vector<1x16xf32> to vector<16xf32>
          %parallel_loop3A_215 = vector.shape_cast %parallel_loop3A_206 : vector<16xf32> to vector<1x16xf32>
          tpu.vector_store %parallel_loop3A_210[%parallel_loop3A_211, %parallel_loop3A_212], %parallel_loop3A_215 {strides = array<i32>} : memref<80x128xf32, #tpu.memory_space<vmem>>, vector<1x16xf32>,
          %parallel_loop3A_216 = arith.constant 0 : i32
          %parallel_loop3A_217 = arith.constant 0 : i32
          %parallel_loop3A_218 = tpu.memref_slice %arg12[%parallel_loop3A_110, %parallel_loop3A_216, %parallel_loop3A_217] : memref<2x80x128xf32, #tpu.memory_space<vmem>> -> memref<1x80x128xf32, #tpu.memory_space<vmem>>
          %parallel_loop3A_219 = tpu.memref_squeeze %parallel_loop3A_218 : memref<1x80x128xf32, #tpu.memory_space<vmem>> -> memref<80x128xf32, #tpu.memory_space<vmem>>
          %parallel_loop3A_220 = arith.index_cast %parallel_loop3A_189 : i32 to index
          %parallel_loop3A_221 = arith.constant 16 : index
          %parallel_loop3A_222 = tpu.vector_load %parallel_loop3A_219[%parallel_loop3A_220, %parallel_loop3A_221] {strides = array<i32>} : memref<80x128xf32, #tpu.memory_space<vmem>>, vector<1x16xf32>,
          %parallel_loop3A_223 = vector.shape_cast %parallel_loop3A_222 : vector<1x16xf32> to vector<16xf32>
          %parallel_loop3A_224 = arith.constant 0 : i32
          %parallel_loop3A_225 = arith.constant 0 : i32
          %parallel_loop3A_226 = tpu.memref_slice %arg13[%parallel_loop3A_111, %parallel_loop3A_224, %parallel_loop3A_225] : memref<2x80x128xf32, #tpu.memory_space<vmem>> -> memref<1x80x128xf32, #tpu.memory_space<vmem>>
          %parallel_loop3A_227 = tpu.memref_squeeze %parallel_loop3A_226 : memref<1x80x128xf32, #tpu.memory_space<vmem>> -> memref<80x128xf32, #tpu.memory_space<vmem>>
          %parallel_loop3A_228 = arith.index_cast %parallel_loop3A_189 : i32 to index
          %parallel_loop3A_229 = arith.constant 16 : index
          %parallel_loop3A_230 = tpu.vector_load %parallel_loop3A_227[%parallel_loop3A_228, %parallel_loop3A_229] {strides = array<i32>} : memref<80x128xf32, #tpu.memory_space<vmem>>, vector<1x16xf32>,
          %parallel_loop3A_231 = vector.shape_cast %parallel_loop3A_230 : vector<1x16xf32> to vector<16xf32>
          %parallel_loop3A_232 = arith.addf %parallel_loop3A_223, %parallel_loop3A_231 : vector<16xf32>
          %parallel_loop3A_233 = arith.constant 0 : i32
          %parallel_loop3A_234 = arith.constant 0 : i32
          %parallel_loop3A_235 = tpu.memref_slice %arg12[%parallel_loop3A_110, %parallel_loop3A_233, %parallel_loop3A_234] : memref<2x80x128xf32, #tpu.memory_space<vmem>> -> memref<1x80x128xf32, #tpu.memory_space<vmem>>
          %parallel_loop3A_236 = tpu.memref_squeeze %parallel_loop3A_235 : memref<1x80x128xf32, #tpu.memory_space<vmem>> -> memref<80x128xf32, #tpu.memory_space<vmem>>
          %parallel_loop3A_237 = arith.index_cast %parallel_loop3A_189 : i32 to index
          %parallel_loop3A_238 = arith.constant 16 : index
          %parallel_loop3A_239 = tpu.vector_load %parallel_loop3A_236[%parallel_loop3A_237, %parallel_loop3A_238] {strides = array<i32>} : memref<80x128xf32, #tpu.memory_space<vmem>>, vector<1x16xf32>,
          %parallel_loop3A_240 = vector.shape_cast %parallel_loop3A_239 : vector<1x16xf32> to vector<16xf32>
          %parallel_loop3A_241 = vector.shape_cast %parallel_loop3A_232 : vector<16xf32> to vector<1x16xf32>
          tpu.vector_store %parallel_loop3A_236[%parallel_loop3A_237, %parallel_loop3A_238], %parallel_loop3A_241 {strides = array<i32>} : memref<80x128xf32, #tpu.memory_space<vmem>>, vector<1x16xf32>,
          %parallel_loop3A_242 = arith.constant 0 : i32
          %parallel_loop3A_243 = arith.constant 0 : i32
          %parallel_loop3A_244 = tpu.memref_slice %arg12[%parallel_loop3A_110, %parallel_loop3A_242, %parallel_loop3A_243] : memref<2x80x128xf32, #tpu.memory_space<vmem>> -> memref<1x80x128xf32, #tpu.memory_space<vmem>>
          %parallel_loop3A_245 = tpu.memref_squeeze %parallel_loop3A_244 : memref<1x80x128xf32, #tpu.memory_space<vmem>> -> memref<80x128xf32, #tpu.memory_space<vmem>>
          %parallel_loop3A_246 = arith.index_cast %parallel_loop3A_189 : i32 to index
          %parallel_loop3A_247 = arith.constant 32 : index
          %parallel_loop3A_248 = tpu.vector_load %parallel_loop3A_245[%parallel_loop3A_246, %parallel_loop3A_247] {strides = array<i32>} : memref<80x128xf32, #tpu.memory_space<vmem>>, vector<1x16xf32>,
          %parallel_loop3A_249 = vector.shape_cast %parallel_loop3A_248 : vector<1x16xf32> to vector<16xf32>
          %parallel_loop3A_250 = arith.constant 0 : i32
          %parallel_loop3A_251 = arith.constant 0 : i32
          %parallel_loop3A_252 = tpu.memref_slice %arg13[%parallel_loop3A_111, %parallel_loop3A_250, %parallel_loop3A_251] : memref<2x80x128xf32, #tpu.memory_space<vmem>> -> memref<1x80x128xf32, #tpu.memory_space<vmem>>
          %parallel_loop3A_253 = tpu.memref_squeeze %parallel_loop3A_252 : memref<1x80x128xf32, #tpu.memory_space<vmem>> -> memref<80x128xf32, #tpu.memory_space<vmem>>
          %parallel_loop3A_254 = arith.index_cast %parallel_loop3A_189 : i32 to index
          %parallel_loop3A_255 = arith.constant 32 : index
          %parallel_loop3A_256 = tpu.vector_load %parallel_loop3A_253[%parallel_loop3A_254, %parallel_loop3A_255] {strides = array<i32>} : memref<80x128xf32, #tpu.memory_space<vmem>>, vector<1x16xf32>,
          %parallel_loop3A_257 = vector.shape_cast %parallel_loop3A_256 : vector<1x16xf32> to vector<16xf32>
          %parallel_loop3A_258 = arith.addf %parallel_loop3A_249, %parallel_loop3A_257 : vector<16xf32>
          %parallel_loop3A_259 = arith.constant 0 : i32
          %parallel_loop3A_260 = arith.constant 0 : i32
          %parallel_loop3A_261 = tpu.memref_slice %arg12[%parallel_loop3A_110, %parallel_loop3A_259, %parallel_loop3A_260] : memref<2x80x128xf32, #tpu.memory_space<vmem>> -> memref<1x80x128xf32, #tpu.memory_space<vmem>>
          %parallel_loop3A_262 = tpu.memref_squeeze %parallel_loop3A_261 : memref<1x80x128xf32, #tpu.memory_space<vmem>> -> memref<80x128xf32, #tpu.memory_space<vmem>>
          %parallel_loop3A_263 = arith.index_cast %parallel_loop3A_189 : i32 to index
          %parallel_loop3A_264 = arith.constant 32 : index
          %parallel_loop3A_265 = tpu.vector_load %parallel_loop3A_262[%parallel_loop3A_263, %parallel_loop3A_264] {strides = array<i32>} : memref<80x128xf32, #tpu.memory_space<vmem>>, vector<1x16xf32>,
          %parallel_loop3A_266 = vector.shape_cast %parallel_loop3A_265 : vector<1x16xf32> to vector<16xf32>
          %parallel_loop3A_267 = vector.shape_cast %parallel_loop3A_258 : vector<16xf32> to vector<1x16xf32>
          tpu.vector_store %parallel_loop3A_262[%parallel_loop3A_263, %parallel_loop3A_264], %parallel_loop3A_267 {strides = array<i32>} : memref<80x128xf32, #tpu.memory_space<vmem>>, vector<1x16xf32>,
          %parallel_loop3A_268 = arith.constant 0 : i32
          %parallel_loop3A_269 = arith.constant 0 : i32
          %parallel_loop3A_270 = tpu.memref_slice %arg12[%parallel_loop3A_110, %parallel_loop3A_268, %parallel_loop3A_269] : memref<2x80x128xf32, #tpu.memory_space<vmem>> -> memref<1x80x128xf32, #tpu.memory_space<vmem>>
          %parallel_loop3A_271 = tpu.memref_squeeze %parallel_loop3A_270 : memref<1x80x128xf32, #tpu.memory_space<vmem>> -> memref<80x128xf32, #tpu.memory_space<vmem>>
          %parallel_loop3A_272 = arith.index_cast %parallel_loop3A_189 : i32 to index
          %parallel_loop3A_273 = arith.constant 48 : index
          %parallel_loop3A_274 = tpu.vector_load %parallel_loop3A_271[%parallel_loop3A_272, %parallel_loop3A_273] {strides = array<i32>} : memref<80x128xf32, #tpu.memory_space<vmem>>, vector<1x16xf32>,
          %parallel_loop3A_275 = vector.shape_cast %parallel_loop3A_274 : vector<1x16xf32> to vector<16xf32>
          %parallel_loop3A_276 = arith.constant 0 : i32
          %parallel_loop3A_277 = arith.constant 0 : i32
          %parallel_loop3A_278 = tpu.memref_slice %arg13[%parallel_loop3A_111, %parallel_loop3A_276, %parallel_loop3A_277] : memref<2x80x128xf32, #tpu.memory_space<vmem>> -> memref<1x80x128xf32, #tpu.memory_space<vmem>>
          %parallel_loop3A_279 = tpu.memref_squeeze %parallel_loop3A_278 : memref<1x80x128xf32, #tpu.memory_space<vmem>> -> memref<80x128xf32, #tpu.memory_space<vmem>>
          %parallel_loop3A_280 = arith.index_cast %parallel_loop3A_189 : i32 to index
          %parallel_loop3A_281 = arith.constant 48 : index
          %parallel_loop3A_282 = tpu.vector_load %parallel_loop3A_279[%parallel_loop3A_280, %parallel_loop3A_281] {strides = array<i32>} : memref<80x128xf32, #tpu.memory_space<vmem>>, vector<1x16xf32>,
          %parallel_loop3A_283 = vector.shape_cast %parallel_loop3A_282 : vector<1x16xf32> to vector<16xf32>
          %parallel_loop3A_284 = arith.addf %parallel_loop3A_275, %parallel_loop3A_283 : vector<16xf32>
          %parallel_loop3A_285 = arith.constant 0 : i32
          %parallel_loop3A_286 = arith.constant 0 : i32
          %parallel_loop3A_287 = tpu.memref_slice %arg12[%parallel_loop3A_110, %parallel_loop3A_285, %parallel_loop3A_286] : memref<2x80x128xf32, #tpu.memory_space<vmem>> -> memref<1x80x128xf32, #tpu.memory_space<vmem>>
          %parallel_loop3A_288 = tpu.memref_squeeze %parallel_loop3A_287 : memref<1x80x128xf32, #tpu.memory_space<vmem>> -> memref<80x128xf32, #tpu.memory_space<vmem>>
          %parallel_loop3A_289 = arith.index_cast %parallel_loop3A_189 : i32 to index
          %parallel_loop3A_290 = arith.constant 48 : index
          %parallel_loop3A_291 = tpu.vector_load %parallel_loop3A_288[%parallel_loop3A_289, %parallel_loop3A_290] {strides = array<i32>} : memref<80x128xf32, #tpu.memory_space<vmem>>, vector<1x16xf32>,
          %parallel_loop3A_292 = vector.shape_cast %parallel_loop3A_291 : vector<1x16xf32> to vector<16xf32>
          %parallel_loop3A_293 = vector.shape_cast %parallel_loop3A_284 : vector<16xf32> to vector<1x16xf32>
          tpu.vector_store %parallel_loop3A_288[%parallel_loop3A_289, %parallel_loop3A_290], %parallel_loop3A_293 {strides = array<i32>} : memref<80x128xf32, #tpu.memory_space<vmem>>, vector<1x16xf32>,
          %parallel_loop3A_294 = arith.constant 0 : i32
          %parallel_loop3A_295 = arith.constant 0 : i32
          %parallel_loop3A_296 = tpu.memref_slice %arg12[%parallel_loop3A_110, %parallel_loop3A_294, %parallel_loop3A_295] : memref<2x80x128xf32, #tpu.memory_space<vmem>> -> memref<1x80x128xf32, #tpu.memory_space<vmem>>
          %parallel_loop3A_297 = tpu.memref_squeeze %parallel_loop3A_296 : memref<1x80x128xf32, #tpu.memory_space<vmem>> -> memref<80x128xf32, #tpu.memory_space<vmem>>
          %parallel_loop3A_298 = arith.index_cast %parallel_loop3A_189 : i32 to index
          %parallel_loop3A_299 = arith.constant 64 : index
          %parallel_loop3A_300 = tpu.vector_load %parallel_loop3A_297[%parallel_loop3A_298, %parallel_loop3A_299] {strides = array<i32>} : memref<80x128xf32, #tpu.memory_space<vmem>>, vector<1x16xf32>,
          %parallel_loop3A_301 = vector.shape_cast %parallel_loop3A_300 : vector<1x16xf32> to vector<16xf32>
          %parallel_loop3A_302 = arith.constant 0 : i32
          %parallel_loop3A_303 = arith.constant 0 : i32
          %parallel_loop3A_304 = tpu.memref_slice %arg13[%parallel_loop3A_111, %parallel_loop3A_302, %parallel_loop3A_303] : memref<2x80x128xf32, #tpu.memory_space<vmem>> -> memref<1x80x128xf32, #tpu.memory_space<vmem>>
          %parallel_loop3A_305 = tpu.memref_squeeze %parallel_loop3A_304 : memref<1x80x128xf32, #tpu.memory_space<vmem>> -> memref<80x128xf32, #tpu.memory_space<vmem>>
          %parallel_loop3A_306 = arith.index_cast %parallel_loop3A_189 : i32 to index
          %parallel_loop3A_307 = arith.constant 64 : index
          %parallel_loop3A_308 = tpu.vector_load %parallel_loop3A_305[%parallel_loop3A_306, %parallel_loop3A_307] {strides = array<i32>} : memref<80x128xf32, #tpu.memory_space<vmem>>, vector<1x16xf32>,
          %parallel_loop3A_309 = vector.shape_cast %parallel_loop3A_308 : vector<1x16xf32> to vector<16xf32>
          %parallel_loop3A_310 = arith.addf %parallel_loop3A_301, %parallel_loop3A_309 : vector<16xf32>
          %parallel_loop3A_311 = arith.constant 0 : i32
          %parallel_loop3A_312 = arith.constant 0 : i32
          %parallel_loop3A_313 = tpu.memref_slice %arg12[%parallel_loop3A_110, %parallel_loop3A_311, %parallel_loop3A_312] : memref<2x80x128xf32, #tpu.memory_space<vmem>> -> memref<1x80x128xf32, #tpu.memory_space<vmem>>
          %parallel_loop3A_314 = tpu.memref_squeeze %parallel_loop3A_313 : memref<1x80x128xf32, #tpu.memory_space<vmem>> -> memref<80x128xf32, #tpu.memory_space<vmem>>
          %parallel_loop3A_315 = arith.index_cast %parallel_loop3A_189 : i32 to index
          %parallel_loop3A_316 = arith.constant 64 : index
          %parallel_loop3A_317 = tpu.vector_load %parallel_loop3A_314[%parallel_loop3A_315, %parallel_loop3A_316] {strides = array<i32>} : memref<80x128xf32, #tpu.memory_space<vmem>>, vector<1x16xf32>,
          %parallel_loop3A_318 = vector.shape_cast %parallel_loop3A_317 : vector<1x16xf32> to vector<16xf32>
          %parallel_loop3A_319 = vector.shape_cast %parallel_loop3A_310 : vector<16xf32> to vector<1x16xf32>
          tpu.vector_store %parallel_loop3A_314[%parallel_loop3A_315, %parallel_loop3A_316], %parallel_loop3A_319 {strides = array<i32>} : memref<80x128xf32, #tpu.memory_space<vmem>>, vector<1x16xf32>,
          %parallel_loop3A_320 = arith.constant 0 : i32
          %parallel_loop3A_321 = arith.constant 0 : i32
          %parallel_loop3A_322 = tpu.memref_slice %arg12[%parallel_loop3A_110, %parallel_loop3A_320, %parallel_loop3A_321] : memref<2x80x128xf32, #tpu.memory_space<vmem>> -> memref<1x80x128xf32, #tpu.memory_space<vmem>>
          %parallel_loop3A_323 = tpu.memref_squeeze %parallel_loop3A_322 : memref<1x80x128xf32, #tpu.memory_space<vmem>> -> memref<80x128xf32, #tpu.memory_space<vmem>>
          %parallel_loop3A_324 = arith.index_cast %parallel_loop3A_189 : i32 to index
          %parallel_loop3A_325 = arith.constant 80 : index
          %parallel_loop3A_326 = tpu.vector_load %parallel_loop3A_323[%parallel_loop3A_324, %parallel_loop3A_325] {strides = array<i32>} : memref<80x128xf32, #tpu.memory_space<vmem>>, vector<1x16xf32>,
          %parallel_loop3A_327 = vector.shape_cast %parallel_loop3A_326 : vector<1x16xf32> to vector<16xf32>
          %parallel_loop3A_328 = arith.constant 0 : i32
          %parallel_loop3A_329 = arith.constant 0 : i32
          %parallel_loop3A_330 = tpu.memref_slice %arg13[%parallel_loop3A_111, %parallel_loop3A_328, %parallel_loop3A_329] : memref<2x80x128xf32, #tpu.memory_space<vmem>> -> memref<1x80x128xf32, #tpu.memory_space<vmem>>
          %parallel_loop3A_331 = tpu.memref_squeeze %parallel_loop3A_330 : memref<1x80x128xf32, #tpu.memory_space<vmem>> -> memref<80x128xf32, #tpu.memory_space<vmem>>
          %parallel_loop3A_332 = arith.index_cast %parallel_loop3A_189 : i32 to index
          %parallel_loop3A_333 = arith.constant 80 : index
          %parallel_loop3A_334 = tpu.vector_load %parallel_loop3A_331[%parallel_loop3A_332, %parallel_loop3A_333] {strides = array<i32>} : memref<80x128xf32, #tpu.memory_space<vmem>>, vector<1x16xf32>,
          %parallel_loop3A_335 = vector.shape_cast %parallel_loop3A_334 : vector<1x16xf32> to vector<16xf32>
          %parallel_loop3A_336 = arith.addf %parallel_loop3A_327, %parallel_loop3A_335 : vector<16xf32>
          %parallel_loop3A_337 = arith.constant 0 : i32
          %parallel_loop3A_338 = arith.constant 0 : i32
          %parallel_loop3A_339 = tpu.memref_slice %arg12[%parallel_loop3A_110, %parallel_loop3A_337, %parallel_loop3A_338] : memref<2x80x128xf32, #tpu.memory_space<vmem>> -> memref<1x80x128xf32, #tpu.memory_space<vmem>>
          %parallel_loop3A_340 = tpu.memref_squeeze %parallel_loop3A_339 : memref<1x80x128xf32, #tpu.memory_space<vmem>> -> memref<80x128xf32, #tpu.memory_space<vmem>>
          %parallel_loop3A_341 = arith.index_cast %parallel_loop3A_189 : i32 to index
          %parallel_loop3A_342 = arith.constant 80 : index
          %parallel_loop3A_343 = tpu.vector_load %parallel_loop3A_340[%parallel_loop3A_341, %parallel_loop3A_342] {strides = array<i32>} : memref<80x128xf32, #tpu.memory_space<vmem>>, vector<1x16xf32>,
          %parallel_loop3A_344 = vector.shape_cast %parallel_loop3A_343 : vector<1x16xf32> to vector<16xf32>
          %parallel_loop3A_345 = vector.shape_cast %parallel_loop3A_336 : vector<16xf32> to vector<1x16xf32>
          tpu.vector_store %parallel_loop3A_340[%parallel_loop3A_341, %parallel_loop3A_342], %parallel_loop3A_345 {strides = array<i32>} : memref<80x128xf32, #tpu.memory_space<vmem>>, vector<1x16xf32>,
          %parallel_loop3A_346 = arith.constant 0 : i32
          %parallel_loop3A_347 = arith.constant 0 : i32
          %parallel_loop3A_348 = tpu.memref_slice %arg12[%parallel_loop3A_110, %parallel_loop3A_346, %parallel_loop3A_347] : memref<2x80x128xf32, #tpu.memory_space<vmem>> -> memref<1x80x128xf32, #tpu.memory_space<vmem>>
          %parallel_loop3A_349 = tpu.memref_squeeze %parallel_loop3A_348 : memref<1x80x128xf32, #tpu.memory_space<vmem>> -> memref<80x128xf32, #tpu.memory_space<vmem>>
          %parallel_loop3A_350 = arith.index_cast %parallel_loop3A_189 : i32 to index
          %parallel_loop3A_351 = arith.constant 96 : index
          %parallel_loop3A_352 = tpu.vector_load %parallel_loop3A_349[%parallel_loop3A_350, %parallel_loop3A_351] {strides = array<i32>} : memref<80x128xf32, #tpu.memory_space<vmem>>, vector<1x16xf32>,
          %parallel_loop3A_353 = vector.shape_cast %parallel_loop3A_352 : vector<1x16xf32> to vector<16xf32>
          %parallel_loop3A_354 = arith.constant 0 : i32
          %parallel_loop3A_355 = arith.constant 0 : i32
          %parallel_loop3A_356 = tpu.memref_slice %arg13[%parallel_loop3A_111, %parallel_loop3A_354, %parallel_loop3A_355] : memref<2x80x128xf32, #tpu.memory_space<vmem>> -> memref<1x80x128xf32, #tpu.memory_space<vmem>>
          %parallel_loop3A_357 = tpu.memref_squeeze %parallel_loop3A_356 : memref<1x80x128xf32, #tpu.memory_space<vmem>> -> memref<80x128xf32, #tpu.memory_space<vmem>>
          %parallel_loop3A_358 = arith.index_cast %parallel_loop3A_189 : i32 to index
          %parallel_loop3A_359 = arith.constant 96 : index
          %parallel_loop3A_360 = tpu.vector_load %parallel_loop3A_357[%parallel_loop3A_358, %parallel_loop3A_359] {strides = array<i32>} : memref<80x128xf32, #tpu.memory_space<vmem>>, vector<1x16xf32>,
          %parallel_loop3A_361 = vector.shape_cast %parallel_loop3A_360 : vector<1x16xf32> to vector<16xf32>
          %parallel_loop3A_362 = arith.addf %parallel_loop3A_353, %parallel_loop3A_361 : vector<16xf32>
          %parallel_loop3A_363 = arith.constant 0 : i32
          %parallel_loop3A_364 = arith.constant 0 : i32
          %parallel_loop3A_365 = tpu.memref_slice %arg12[%parallel_loop3A_110, %parallel_loop3A_363, %parallel_loop3A_364] : memref<2x80x128xf32, #tpu.memory_space<vmem>> -> memref<1x80x128xf32, #tpu.memory_space<vmem>>
          %parallel_loop3A_366 = tpu.memref_squeeze %parallel_loop3A_365 : memref<1x80x128xf32, #tpu.memory_space<vmem>> -> memref<80x128xf32, #tpu.memory_space<vmem>>
          %parallel_loop3A_367 = arith.index_cast %parallel_loop3A_189 : i32 to index
          %parallel_loop3A_368 = arith.constant 96 : index
          %parallel_loop3A_369 = tpu.vector_load %parallel_loop3A_366[%parallel_loop3A_367, %parallel_loop3A_368] {strides = array<i32>} : memref<80x128xf32, #tpu.memory_space<vmem>>, vector<1x16xf32>,
          %parallel_loop3A_370 = vector.shape_cast %parallel_loop3A_369 : vector<1x16xf32> to vector<16xf32>
          %parallel_loop3A_371 = vector.shape_cast %parallel_loop3A_362 : vector<16xf32> to vector<1x16xf32>
          tpu.vector_store %parallel_loop3A_366[%parallel_loop3A_367, %parallel_loop3A_368], %parallel_loop3A_371 {strides = array<i32>} : memref<80x128xf32, #tpu.memory_space<vmem>>, vector<1x16xf32>,
          %parallel_loop3A_372 = arith.constant 0 : i32
          %parallel_loop3A_373 = arith.constant 0 : i32
          %parallel_loop3A_374 = tpu.memref_slice %arg12[%parallel_loop3A_110, %parallel_loop3A_372, %parallel_loop3A_373] : memref<2x80x128xf32, #tpu.memory_space<vmem>> -> memref<1x80x128xf32, #tpu.memory_space<vmem>>
          %parallel_loop3A_375 = tpu.memref_squeeze %parallel_loop3A_374 : memref<1x80x128xf32, #tpu.memory_space<vmem>> -> memref<80x128xf32, #tpu.memory_space<vmem>>
          %parallel_loop3A_376 = arith.index_cast %parallel_loop3A_189 : i32 to index
          %parallel_loop3A_377 = arith.constant 112 : index
          %parallel_loop3A_378 = tpu.vector_load %parallel_loop3A_375[%parallel_loop3A_376, %parallel_loop3A_377] {strides = array<i32>} : memref<80x128xf32, #tpu.memory_space<vmem>>, vector<1x16xf32>,
          %parallel_loop3A_379 = vector.shape_cast %parallel_loop3A_378 : vector<1x16xf32> to vector<16xf32>
          %parallel_loop3A_380 = arith.constant 0 : i32
          %parallel_loop3A_381 = arith.constant 0 : i32
          %parallel_loop3A_382 = tpu.memref_slice %arg13[%parallel_loop3A_111, %parallel_loop3A_380, %parallel_loop3A_381] : memref<2x80x128xf32, #tpu.memory_space<vmem>> -> memref<1x80x128xf32, #tpu.memory_space<vmem>>
          %parallel_loop3A_383 = tpu.memref_squeeze %parallel_loop3A_382 : memref<1x80x128xf32, #tpu.memory_space<vmem>> -> memref<80x128xf32, #tpu.memory_space<vmem>>
          %parallel_loop3A_384 = arith.index_cast %parallel_loop3A_189 : i32 to index
          %parallel_loop3A_385 = arith.constant 112 : index
          %parallel_loop3A_386 = tpu.vector_load %parallel_loop3A_383[%parallel_loop3A_384, %parallel_loop3A_385] {strides = array<i32>} : memref<80x128xf32, #tpu.memory_space<vmem>>, vector<1x16xf32>,
          %parallel_loop3A_387 = vector.shape_cast %parallel_loop3A_386 : vector<1x16xf32> to vector<16xf32>
          %parallel_loop3A_388 = arith.addf %parallel_loop3A_379, %parallel_loop3A_387 : vector<16xf32>
          %parallel_loop3A_389 = arith.constant 0 : i32
          %parallel_loop3A_390 = arith.constant 0 : i32
          %parallel_loop3A_391 = tpu.memref_slice %arg12[%parallel_loop3A_110, %parallel_loop3A_389, %parallel_loop3A_390] : memref<2x80x128xf32, #tpu.memory_space<vmem>> -> memref<1x80x128xf32, #tpu.memory_space<vmem>>
          %parallel_loop3A_392 = tpu.memref_squeeze %parallel_loop3A_391 : memref<1x80x128xf32, #tpu.memory_space<vmem>> -> memref<80x128xf32, #tpu.memory_space<vmem>>
          %parallel_loop3A_393 = arith.index_cast %parallel_loop3A_189 : i32 to index
          %parallel_loop3A_394 = arith.constant 112 : index
          %parallel_loop3A_395 = tpu.vector_load %parallel_loop3A_392[%parallel_loop3A_393, %parallel_loop3A_394] {strides = array<i32>} : memref<80x128xf32, #tpu.memory_space<vmem>>, vector<1x16xf32>,
          %parallel_loop3A_396 = vector.shape_cast %parallel_loop3A_395 : vector<1x16xf32> to vector<16xf32>
          %parallel_loop3A_397 = vector.shape_cast %parallel_loop3A_388 : vector<16xf32> to vector<1x16xf32>
          tpu.vector_store %parallel_loop3A_392[%parallel_loop3A_393, %parallel_loop3A_394], %parallel_loop3A_397 {strides = array<i32>} : memref<80x128xf32, #tpu.memory_space<vmem>>, vector<1x16xf32>,
        } {sc.loop_unroll_factor = 4 : i64, sc.parallel_access}
        %dma_start3A_112 = arith.constant 0 : i32
        %dma_start3A_113 = arith.constant 0 : i32
        %dma_start3A_114 = arith.constant 0 : i32
        %dma_start3A_115 = tpu.memref_slice %arg12[%dma_start3A_112, %dma_start3A_113, %dma_start3A_114] : memref<2x80x128xf32, #tpu.memory_space<vmem>> -> memref<1x80x128xf32, #tpu.memory_space<vmem>>
        %dma_start3A_116 = tpu.memref_squeeze %dma_start3A_115 : memref<1x80x128xf32, #tpu.memory_space<vmem>> -> memref<80x128xf32, #tpu.memory_space<vmem>>
        %dma_start3A_117 = arith.constant 0 : i32
        %dma_start3A_118 = tpu.memref_slice %arg9[%add3A_71, %dma_start3A_117] : memref<320000x128xf32, #tpu.memory_space<hbm>> -> memref<80x128xf32, #tpu.memory_space<hbm>>
        %dma_start3A_119 = arith.constant 0 : i32
        %dma_start3A_120 = tpu.memref_slice %arg9[%add3A_71, %dma_start3A_119] : memref<320000x128xf32, #tpu.memory_space<hbm>> -> memref<80x128xf32, #tpu.memory_space<hbm>>
        %dma_start3A_121 = arith.constant 0 : i32
        %dma_start3A_122 = arith.constant 0 : i32
        %dma_start3A_123 = tpu.memref_slice %arg12[%dma_start3A_112, %dma_start3A_121, %dma_start3A_122] : memref<2x80x128xf32, #tpu.memory_space<vmem>> -> memref<1x80x128xf32, #tpu.memory_space<vmem>>
        %dma_start3A_124 = tpu.memref_squeeze %dma_start3A_123 : memref<1x80x128xf32, #tpu.memory_space<vmem>> -> memref<80x128xf32, #tpu.memory_space<vmem>>
        tpu.enqueue_dma source(%dma_start3A_124 : memref<80x128xf32, #tpu.memory_space<vmem>>) target(%dma_start3A_120 : memref<80x128xf32, #tpu.memory_space<hbm>>) target_semaphore(%arg15 : memref<!tpu.dma_semaphore, #tpu.memory_space<semaphore_mem>>)
        %mul3A_125 = arith.constant 2 : i32
        %mul3A_126 = arith.muli %mul3A_125, %scan3A_64 : i32
        %add3A_127 = arith.constant 1 : i32
        %add3A_128 = arith.addi %mul3A_126, %add3A_127 : i32
        %mul3A_129 = arith.constant 20000 : i32
        %mul3A_130 = arith.muli %arg1, %mul3A_129 : i32
        %mul3A_131 = arith.constant 80 : i32
        %mul3A_132 = arith.muli %add3A_128, %mul3A_131 : i32
        %add3A_133 = arith.addi %mul3A_130, %mul3A_132 : i32
        %dma_wait3A_134 = arith.constant 1 : i32
        %dma_wait3A_135 = arith.constant 0 : i32
        %dma_wait3A_136 = arith.constant 0 : i32
        %dma_wait3A_137 = tpu.memref_slice %arg12[%dma_wait3A_134, %dma_wait3A_135, %dma_wait3A_136] : memref<2x80x128xf32, #tpu.memory_space<vmem>> -> memref<1x80x128xf32, #tpu.memory_space<vmem>>
        %dma_wait3A_138 = tpu.memref_squeeze %dma_wait3A_137 : memref<1x80x128xf32, #tpu.memory_space<vmem>> -> memref<80x128xf32, #tpu.memory_space<vmem>>
        %dma_wait3A_139 = arith.constant 0 : i32
        %dma_wait3A_140 = arith.constant 0 : i32
        %dma_wait3A_141 = tpu.memref_slice %arg9[%dma_wait3A_139, %dma_wait3A_140] : memref<320000x128xf32, #tpu.memory_space<hbm>> -> memref<80x128xf32, #tpu.memory_space<hbm>>
        %dma_wait3A_142 = arith.constant 0 : i32
        %dma_wait3A_143 = arith.constant 0 : i32
        %dma_wait3A_144 = tpu.memref_slice %arg12[%dma_wait3A_134, %dma_wait3A_142, %dma_wait3A_143] : memref<2x80x128xf32, #tpu.memory_space<vmem>> -> memref<1x80x128xf32, #tpu.memory_space<vmem>>
        %dma_wait3A_145 = tpu.memref_squeeze %dma_wait3A_144 : memref<1x80x128xf32, #tpu.memory_space<vmem>> -> memref<80x128xf32, #tpu.memory_space<vmem>>
        %dma_wait3A_146 = arith.constant 0 : i32
        %dma_wait3A_147 = arith.constant 0 : i32
        %dma_wait3A_148 = tpu.memref_slice %arg9[%dma_wait3A_146, %dma_wait3A_147] : memref<320000x128xf32, #tpu.memory_space<hbm>> -> memref<80x128xf32, #tpu.memory_space<hbm>>
        tpu.wait_dma2 semaphore(%arg14 : memref<!tpu.dma_semaphore, #tpu.memory_space<semaphore_mem>>) src(%dma_wait3A_148 : memref<80x128xf32, #tpu.memory_space<hbm>>) dst(%dma_wait3A_145 : memref<80x128xf32, #tpu.memory_space<vmem>>)
        %dma_wait3A_149 = arith.constant 1 : i32
        %dma_wait3A_150 = arith.constant 0 : i32
        %dma_wait3A_151 = arith.constant 0 : i32
        %dma_wait3A_152 = tpu.memref_slice %arg13[%dma_wait3A_149, %dma_wait3A_150, %dma_wait3A_151] : memref<2x80x128xf32, #tpu.memory_space<vmem>> -> memref<1x80x128xf32, #tpu.memory_space<vmem>>
        %dma_wait3A_153 = tpu.memref_squeeze %dma_wait3A_152 : memref<1x80x128xf32, #tpu.memory_space<vmem>> -> memref<80x128xf32, #tpu.memory_space<vmem>>
        %dma_wait3A_154 = arith.constant 0 : i32
        %dma_wait3A_155 = arith.constant 0 : i32
        %dma_wait3A_156 = tpu.memref_slice %arg9[%dma_wait3A_154, %dma_wait3A_155] : memref<320000x128xf32, #tpu.memory_space<hbm>> -> memref<80x128xf32, #tpu.memory_space<hbm>>
        %dma_wait3A_157 = arith.constant 0 : i32
        %dma_wait3A_158 = arith.constant 0 : i32
        %dma_wait3A_159 = tpu.memref_slice %arg13[%dma_wait3A_149, %dma_wait3A_157, %dma_wait3A_158] : memref<2x80x128xf32, #tpu.memory_space<vmem>> -> memref<1x80x128xf32, #tpu.memory_space<vmem>>
        %dma_wait3A_160 = tpu.memref_squeeze %dma_wait3A_159 : memref<1x80x128xf32, #tpu.memory_space<vmem>> -> memref<80x128xf32, #tpu.memory_space<vmem>>
        %dma_wait3A_161 = arith.constant 0 : i32
        %dma_wait3A_162 = arith.constant 0 : i32
        %dma_wait3A_163 = tpu.memref_slice %arg9[%dma_wait3A_161, %dma_wait3A_162] : memref<320000x128xf32, #tpu.memory_space<hbm>> -> memref<80x128xf32, #tpu.memory_space<hbm>>
        tpu.wait_dma2 semaphore(%arg14 : memref<!tpu.dma_semaphore, #tpu.memory_space<semaphore_mem>>) src(%dma_wait3A_163 : memref<80x128xf32, #tpu.memory_space<hbm>>) dst(%dma_wait3A_160 : memref<80x128xf32, #tpu.memory_space<vmem>>)
        %add3A_164 = arith.constant 1 : i32
        %add3A_165 = arith.addi %add3A_128, %add3A_164 : i32
        %lt3A_166 = arith.constant 250 : i32
        %lt3A_167 = arith.cmpi slt, %add3A_165, %lt3A_166 : i32
        %convert_element_type3A_168 = arith.extui %lt3A_167 : i1 to i32
        %cond3A_169 = arith.constant 0 : i32
        %cond3A_170 = arith.cmpi ne, %convert_element_type3A_168, %cond3A_169 : i32
        scf.if %cond3A_170 {
          %ge3A = arith.constant 1 : i32
          %ge3A_189 = arith.cmpi sge, %add3A_128, %ge3A : i32
          %convert_element_type3A_190 = arith.extui %ge3A_189 : i1 to i32
          %cond3A_191 = arith.constant 0 : i32
          %cond3A_192 = arith.cmpi ne, %convert_element_type3A_190, %cond3A_191 : i32
          scf.if %cond3A_192 {
            %dma_wait3A_219 = arith.constant 0 : i32
            %dma_wait3A_220 = arith.constant 0 : i32
            %dma_wait3A_221 = arith.constant 0 : i32
            %dma_wait3A_222 = tpu.memref_slice %arg12[%dma_wait3A_219, %dma_wait3A_220, %dma_wait3A_221] : memref<2x80x128xf32, #tpu.memory_space<vmem>> -> memref<1x80x128xf32, #tpu.memory_space<vmem>>
            %dma_wait3A_223 = tpu.memref_squeeze %dma_wait3A_222 : memref<1x80x128xf32, #tpu.memory_space<vmem>> -> memref<80x128xf32, #tpu.memory_space<vmem>>
            %dma_wait3A_224 = arith.constant 0 : i32
            %dma_wait3A_225 = arith.constant 0 : i32
            %dma_wait3A_226 = tpu.memref_slice %arg9[%dma_wait3A_224, %dma_wait3A_225] : memref<320000x128xf32, #tpu.memory_space<hbm>> -> memref<80x128xf32, #tpu.memory_space<hbm>>
            %dma_wait3A_227 = arith.constant 0 : i32
            %dma_wait3A_228 = arith.constant 0 : i32
            %dma_wait3A_229 = tpu.memref_slice %arg12[%dma_wait3A_219, %dma_wait3A_227, %dma_wait3A_228] : memref<2x80x128xf32, #tpu.memory_space<vmem>> -> memref<1x80x128xf32, #tpu.memory_space<vmem>>
            %dma_wait3A_230 = tpu.memref_squeeze %dma_wait3A_229 : memref<1x80x128xf32, #tpu.memory_space<vmem>> -> memref<80x128xf32, #tpu.memory_space<vmem>>
            %dma_wait3A_231 = arith.constant 0 : i32
            %dma_wait3A_232 = arith.constant 0 : i32
            %dma_wait3A_233 = tpu.memref_slice %arg9[%dma_wait3A_231, %dma_wait3A_232] : memref<320000x128xf32, #tpu.memory_space<hbm>> -> memref<80x128xf32, #tpu.memory_space<hbm>>
            tpu.wait_dma2 semaphore(%arg15 : memref<!tpu.dma_semaphore, #tpu.memory_space<semaphore_mem>>) src(%dma_wait3A_233 : memref<80x128xf32, #tpu.memory_space<hbm>>) dst(%dma_wait3A_230 : memref<80x128xf32, #tpu.memory_space<vmem>>)
          } else {
          }
          %add3A_193 = arith.constant 1 : i32
          %add3A_194 = arith.addi %add3A_128, %add3A_193 : i32
          %dma_start3A_195 = arith.constant 0 : i32
          %dma_start3A_196 = arith.constant 0 : i32
          %dma_start3A_197 = arith.constant 0 : i32
          %dma_start3A_198 = tpu.memref_slice %arg12[%dma_start3A_195, %dma_start3A_196, %dma_start3A_197] : memref<2x80x128xf32, #tpu.memory_space<vmem>> -> memref<1x80x128xf32, #tpu.memory_space<vmem>>
          %dma_start3A_199 = tpu.memref_squeeze %dma_start3A_198 : memref<1x80x128xf32, #tpu.memory_space<vmem>> -> memref<80x128xf32, #tpu.memory_space<vmem>>
          %dma_start3A_200 = arith.constant 0 : i32
          %dma_start3A_201 = tpu.memref_slice %arg10[%add3A_194, %dma_start3A_200] : memref<250x80xi32, #tpu.memory_space<vmem>> -> memref<1x80xi32, #tpu.memory_space<vmem>>
          %dma_start3A_202 = tpu.memref_squeeze %dma_start3A_201 : memref<1x80xi32, #tpu.memory_space<vmem>> -> memref<80xi32, #tpu.memory_space<vmem>>
          %dma_start3A_203 = arith.constant 0 : i32
          %dma_start3A_204 = arith.constant 0 : i32
          %dma_start3A_205 = tpu.memref_slice %arg4[%dma_start3A_203, %dma_start3A_204] : memref<10000x128xf32, #tpu.memory_space<hbm>> -> memref<10000x128xf32, #tpu.memory_space<hbm>>
          tpu.enqueue_indirect_dma source(%dma_start3A_205 : memref<10000x128xf32, #tpu.memory_space<hbm>>) target(%dma_start3A_199 : memref<80x128xf32, #tpu.memory_space<vmem>>) offsets(%dma_start3A_202 : memref<80xi32, #tpu.memory_space<vmem>>) semaphore(%arg14 : memref<!tpu.dma_semaphore, #tpu.memory_space<semaphore_mem>>)
          %add3A_206 = arith.constant 1 : i32
          %add3A_207 = arith.addi %add3A_128, %add3A_206 : i32
          %dma_start3A_208 = arith.constant 0 : i32
          %dma_start3A_209 = arith.constant 0 : i32
          %dma_start3A_210 = arith.constant 0 : i32
          %dma_start3A_211 = tpu.memref_slice %arg13[%dma_start3A_208, %dma_start3A_209, %dma_start3A_210] : memref<2x80x128xf32, #tpu.memory_space<vmem>> -> memref<1x80x128xf32, #tpu.memory_space<vmem>>
          %dma_start3A_212 = tpu.memref_squeeze %dma_start3A_211 : memref<1x80x128xf32, #tpu.memory_space<vmem>> -> memref<80x128xf32, #tpu.memory_space<vmem>>
          %dma_start3A_213 = arith.constant 0 : i32
          %dma_start3A_214 = tpu.memref_slice %arg11[%add3A_207, %dma_start3A_213] : memref<250x80xi32, #tpu.memory_space<vmem>> -> memref<1x80xi32, #tpu.memory_space<vmem>>
          %dma_start3A_215 = tpu.memref_squeeze %dma_start3A_214 : memref<1x80xi32, #tpu.memory_space<vmem>> -> memref<80xi32, #tpu.memory_space<vmem>>
          %dma_start3A_216 = arith.constant 0 : i32
          %dma_start3A_217 = arith.constant 0 : i32
          %dma_start3A_218 = tpu.memref_slice %arg5[%dma_start3A_216, %dma_start3A_217] : memref<10000x128xf32, #tpu.memory_space<hbm>> -> memref<10000x128xf32, #tpu.memory_space<hbm>>
          tpu.enqueue_indirect_dma source(%dma_start3A_218 : memref<10000x128xf32, #tpu.memory_space<hbm>>) target(%dma_start3A_212 : memref<80x128xf32, #tpu.memory_space<vmem>>) offsets(%dma_start3A_215 : memref<80xi32, #tpu.memory_space<vmem>>) semaphore(%arg14 : memref<!tpu.dma_semaphore, #tpu.memory_space<semaphore_mem>>)
        } else {
        }
        %parallel_loop3A_171 = arith.constant 0 : i32
        %parallel_loop3A_172 = arith.constant 80 : i32
        %parallel_loop3A_173 = arith.constant 1 : i32
        %parallel_loop3A_174 = arith.constant 1 : i32
        %parallel_loop3A_175 = arith.constant 1 : i32
        scf.for %parallel_loop3A_189 = %parallel_loop3A_171 to %parallel_loop3A_172 step %parallel_loop3A_173  : i32 {
          %parallel_loop3A_190 = arith.constant 0 : i32
          %parallel_loop3A_191 = arith.constant 0 : i32
          %parallel_loop3A_192 = tpu.memref_slice %arg12[%parallel_loop3A_174, %parallel_loop3A_190, %parallel_loop3A_191] : memref<2x80x128xf32, #tpu.memory_space<vmem>> -> memref<1x80x128xf32, #tpu.memory_space<vmem>>
          %parallel_loop3A_193 = tpu.memref_squeeze %parallel_loop3A_192 : memref<1x80x128xf32, #tpu.memory_space<vmem>> -> memref<80x128xf32, #tpu.memory_space<vmem>>
          %parallel_loop3A_194 = arith.index_cast %parallel_loop3A_189 : i32 to index
          %parallel_loop3A_195 = arith.constant 0 : index
          %parallel_loop3A_196 = tpu.vector_load %parallel_loop3A_193[%parallel_loop3A_194, %parallel_loop3A_195] {strides = array<i32>} : memref<80x128xf32, #tpu.memory_space<vmem>>, vector<1x16xf32>,
          %parallel_loop3A_197 = vector.shape_cast %parallel_loop3A_196 : vector<1x16xf32> to vector<16xf32>
          %parallel_loop3A_198 = arith.constant 0 : i32
          %parallel_loop3A_199 = arith.constant 0 : i32
          %parallel_loop3A_200 = tpu.memref_slice %arg13[%parallel_loop3A_175, %parallel_loop3A_198, %parallel_loop3A_199] : memref<2x80x128xf32, #tpu.memory_space<vmem>> -> memref<1x80x128xf32, #tpu.memory_space<vmem>>
          %parallel_loop3A_201 = tpu.memref_squeeze %parallel_loop3A_200 : memref<1x80x128xf32, #tpu.memory_space<vmem>> -> memref<80x128xf32, #tpu.memory_space<vmem>>
          %parallel_loop3A_202 = arith.index_cast %parallel_loop3A_189 : i32 to index
          %parallel_loop3A_203 = arith.constant 0 : index
          %parallel_loop3A_204 = tpu.vector_load %parallel_loop3A_201[%parallel_loop3A_202, %parallel_loop3A_203] {strides = array<i32>} : memref<80x128xf32, #tpu.memory_space<vmem>>, vector<1x16xf32>,
          %parallel_loop3A_205 = vector.shape_cast %parallel_loop3A_204 : vector<1x16xf32> to vector<16xf32>
          %parallel_loop3A_206 = arith.addf %parallel_loop3A_197, %parallel_loop3A_205 : vector<16xf32>
          %parallel_loop3A_207 = arith.constant 0 : i32
          %parallel_loop3A_208 = arith.constant 0 : i32
          %parallel_loop3A_209 = tpu.memref_slice %arg12[%parallel_loop3A_174, %parallel_loop3A_207, %parallel_loop3A_208] : memref<2x80x128xf32, #tpu.memory_space<vmem>> -> memref<1x80x128xf32, #tpu.memory_space<vmem>>
          %parallel_loop3A_210 = tpu.memref_squeeze %parallel_loop3A_209 : memref<1x80x128xf32, #tpu.memory_space<vmem>> -> memref<80x128xf32, #tpu.memory_space<vmem>>
          %parallel_loop3A_211 = arith.index_cast %parallel_loop3A_189 : i32 to index
          %parallel_loop3A_212 = arith.constant 0 : index
          %parallel_loop3A_213 = tpu.vector_load %parallel_loop3A_210[%parallel_loop3A_211, %parallel_loop3A_212] {strides = array<i32>} : memref<80x128xf32, #tpu.memory_space<vmem>>, vector<1x16xf32>,
          %parallel_loop3A_214 = vector.shape_cast %parallel_loop3A_213 : vector<1x16xf32> to vector<16xf32>
          %parallel_loop3A_215 = vector.shape_cast %parallel_loop3A_206 : vector<16xf32> to vector<1x16xf32>
          tpu.vector_store %parallel_loop3A_210[%parallel_loop3A_211, %parallel_loop3A_212], %parallel_loop3A_215 {strides = array<i32>} : memref<80x128xf32, #tpu.memory_space<vmem>>, vector<1x16xf32>,
          %parallel_loop3A_216 = arith.constant 0 : i32
          %parallel_loop3A_217 = arith.constant 0 : i32
          %parallel_loop3A_218 = tpu.memref_slice %arg12[%parallel_loop3A_174, %parallel_loop3A_216, %parallel_loop3A_217] : memref<2x80x128xf32, #tpu.memory_space<vmem>> -> memref<1x80x128xf32, #tpu.memory_space<vmem>>
          %parallel_loop3A_219 = tpu.memref_squeeze %parallel_loop3A_218 : memref<1x80x128xf32, #tpu.memory_space<vmem>> -> memref<80x128xf32, #tpu.memory_space<vmem>>
          %parallel_loop3A_220 = arith.index_cast %parallel_loop3A_189 : i32 to index
          %parallel_loop3A_221 = arith.constant 16 : index
          %parallel_loop3A_222 = tpu.vector_load %parallel_loop3A_219[%parallel_loop3A_220, %parallel_loop3A_221] {strides = array<i32>} : memref<80x128xf32, #tpu.memory_space<vmem>>, vector<1x16xf32>,
          %parallel_loop3A_223 = vector.shape_cast %parallel_loop3A_222 : vector<1x16xf32> to vector<16xf32>
          %parallel_loop3A_224 = arith.constant 0 : i32
          %parallel_loop3A_225 = arith.constant 0 : i32
          %parallel_loop3A_226 = tpu.memref_slice %arg13[%parallel_loop3A_175, %parallel_loop3A_224, %parallel_loop3A_225] : memref<2x80x128xf32, #tpu.memory_space<vmem>> -> memref<1x80x128xf32, #tpu.memory_space<vmem>>
          %parallel_loop3A_227 = tpu.memref_squeeze %parallel_loop3A_226 : memref<1x80x128xf32, #tpu.memory_space<vmem>> -> memref<80x128xf32, #tpu.memory_space<vmem>>
          %parallel_loop3A_228 = arith.index_cast %parallel_loop3A_189 : i32 to index
          %parallel_loop3A_229 = arith.constant 16 : index
          %parallel_loop3A_230 = tpu.vector_load %parallel_loop3A_227[%parallel_loop3A_228, %parallel_loop3A_229] {strides = array<i32>} : memref<80x128xf32, #tpu.memory_space<vmem>>, vector<1x16xf32>,
          %parallel_loop3A_231 = vector.shape_cast %parallel_loop3A_230 : vector<1x16xf32> to vector<16xf32>
          %parallel_loop3A_232 = arith.addf %parallel_loop3A_223, %parallel_loop3A_231 : vector<16xf32>
          %parallel_loop3A_233 = arith.constant 0 : i32
          %parallel_loop3A_234 = arith.constant 0 : i32
          %parallel_loop3A_235 = tpu.memref_slice %arg12[%parallel_loop3A_174, %parallel_loop3A_233, %parallel_loop3A_234] : memref<2x80x128xf32, #tpu.memory_space<vmem>> -> memref<1x80x128xf32, #tpu.memory_space<vmem>>
          %parallel_loop3A_236 = tpu.memref_squeeze %parallel_loop3A_235 : memref<1x80x128xf32, #tpu.memory_space<vmem>> -> memref<80x128xf32, #tpu.memory_space<vmem>>
          %parallel_loop3A_237 = arith.index_cast %parallel_loop3A_189 : i32 to index
          %parallel_loop3A_238 = arith.constant 16 : index
          %parallel_loop3A_239 = tpu.vector_load %parallel_loop3A_236[%parallel_loop3A_237, %parallel_loop3A_238] {strides = array<i32>} : memref<80x128xf32, #tpu.memory_space<vmem>>, vector<1x16xf32>,
          %parallel_loop3A_240 = vector.shape_cast %parallel_loop3A_239 : vector<1x16xf32> to vector<16xf32>
          %parallel_loop3A_241 = vector.shape_cast %parallel_loop3A_232 : vector<16xf32> to vector<1x16xf32>
          tpu.vector_store %parallel_loop3A_236[%parallel_loop3A_237, %parallel_loop3A_238], %parallel_loop3A_241 {strides = array<i32>} : memref<80x128xf32, #tpu.memory_space<vmem>>, vector<1x16xf32>,
          %parallel_loop3A_242 = arith.constant 0 : i32
          %parallel_loop3A_243 = arith.constant 0 : i32
          %parallel_loop3A_244 = tpu.memref_slice %arg12[%parallel_loop3A_174, %parallel_loop3A_242, %parallel_loop3A_243] : memref<2x80x128xf32, #tpu.memory_space<vmem>> -> memref<1x80x128xf32, #tpu.memory_space<vmem>>
          %parallel_loop3A_245 = tpu.memref_squeeze %parallel_loop3A_244 : memref<1x80x128xf32, #tpu.memory_space<vmem>> -> memref<80x128xf32, #tpu.memory_space<vmem>>
          %parallel_loop3A_246 = arith.index_cast %parallel_loop3A_189 : i32 to index
          %parallel_loop3A_247 = arith.constant 32 : index
          %parallel_loop3A_248 = tpu.vector_load %parallel_loop3A_245[%parallel_loop3A_246, %parallel_loop3A_247] {strides = array<i32>} : memref<80x128xf32, #tpu.memory_space<vmem>>, vector<1x16xf32>,
          %parallel_loop3A_249 = vector.shape_cast %parallel_loop3A_248 : vector<1x16xf32> to vector<16xf32>
          %parallel_loop3A_250 = arith.constant 0 : i32
          %parallel_loop3A_251 = arith.constant 0 : i32
          %parallel_loop3A_252 = tpu.memref_slice %arg13[%parallel_loop3A_175, %parallel_loop3A_250, %parallel_loop3A_251] : memref<2x80x128xf32, #tpu.memory_space<vmem>> -> memref<1x80x128xf32, #tpu.memory_space<vmem>>
          %parallel_loop3A_253 = tpu.memref_squeeze %parallel_loop3A_252 : memref<1x80x128xf32, #tpu.memory_space<vmem>> -> memref<80x128xf32, #tpu.memory_space<vmem>>
          %parallel_loop3A_254 = arith.index_cast %parallel_loop3A_189 : i32 to index
          %parallel_loop3A_255 = arith.constant 32 : index
          %parallel_loop3A_256 = tpu.vector_load %parallel_loop3A_253[%parallel_loop3A_254, %parallel_loop3A_255] {strides = array<i32>} : memref<80x128xf32, #tpu.memory_space<vmem>>, vector<1x16xf32>,
          %parallel_loop3A_257 = vector.shape_cast %parallel_loop3A_256 : vector<1x16xf32> to vector<16xf32>
          %parallel_loop3A_258 = arith.addf %parallel_loop3A_249, %parallel_loop3A_257 : vector<16xf32>
          %parallel_loop3A_259 = arith.constant 0 : i32
          %parallel_loop3A_260 = arith.constant 0 : i32
          %parallel_loop3A_261 = tpu.memref_slice %arg12[%parallel_loop3A_174, %parallel_loop3A_259, %parallel_loop3A_260] : memref<2x80x128xf32, #tpu.memory_space<vmem>> -> memref<1x80x128xf32, #tpu.memory_space<vmem>>
          %parallel_loop3A_262 = tpu.memref_squeeze %parallel_loop3A_261 : memref<1x80x128xf32, #tpu.memory_space<vmem>> -> memref<80x128xf32, #tpu.memory_space<vmem>>
          %parallel_loop3A_263 = arith.index_cast %parallel_loop3A_189 : i32 to index
          %parallel_loop3A_264 = arith.constant 32 : index
          %parallel_loop3A_265 = tpu.vector_load %parallel_loop3A_262[%parallel_loop3A_263, %parallel_loop3A_264] {strides = array<i32>} : memref<80x128xf32, #tpu.memory_space<vmem>>, vector<1x16xf32>,
          %parallel_loop3A_266 = vector.shape_cast %parallel_loop3A_265 : vector<1x16xf32> to vector<16xf32>
          %parallel_loop3A_267 = vector.shape_cast %parallel_loop3A_258 : vector<16xf32> to vector<1x16xf32>
          tpu.vector_store %parallel_loop3A_262[%parallel_loop3A_263, %parallel_loop3A_264], %parallel_loop3A_267 {strides = array<i32>} : memref<80x128xf32, #tpu.memory_space<vmem>>, vector<1x16xf32>,
          %parallel_loop3A_268 = arith.constant 0 : i32
          %parallel_loop3A_269 = arith.constant 0 : i32
          %parallel_loop3A_270 = tpu.memref_slice %arg12[%parallel_loop3A_174, %parallel_loop3A_268, %parallel_loop3A_269] : memref<2x80x128xf32, #tpu.memory_space<vmem>> -> memref<1x80x128xf32, #tpu.memory_space<vmem>>
          %parallel_loop3A_271 = tpu.memref_squeeze %parallel_loop3A_270 : memref<1x80x128xf32, #tpu.memory_space<vmem>> -> memref<80x128xf32, #tpu.memory_space<vmem>>
          %parallel_loop3A_272 = arith.index_cast %parallel_loop3A_189 : i32 to index
          %parallel_loop3A_273 = arith.constant 48 : index
          %parallel_loop3A_274 = tpu.vector_load %parallel_loop3A_271[%parallel_loop3A_272, %parallel_loop3A_273] {strides = array<i32>} : memref<80x128xf32, #tpu.memory_space<vmem>>, vector<1x16xf32>,
          %parallel_loop3A_275 = vector.shape_cast %parallel_loop3A_274 : vector<1x16xf32> to vector<16xf32>
          %parallel_loop3A_276 = arith.constant 0 : i32
          %parallel_loop3A_277 = arith.constant 0 : i32
          %parallel_loop3A_278 = tpu.memref_slice %arg13[%parallel_loop3A_175, %parallel_loop3A_276, %parallel_loop3A_277] : memref<2x80x128xf32, #tpu.memory_space<vmem>> -> memref<1x80x128xf32, #tpu.memory_space<vmem>>
          %parallel_loop3A_279 = tpu.memref_squeeze %parallel_loop3A_278 : memref<1x80x128xf32, #tpu.memory_space<vmem>> -> memref<80x128xf32, #tpu.memory_space<vmem>>
          %parallel_loop3A_280 = arith.index_cast %parallel_loop3A_189 : i32 to index
          %parallel_loop3A_281 = arith.constant 48 : index
          %parallel_loop3A_282 = tpu.vector_load %parallel_loop3A_279[%parallel_loop3A_280, %parallel_loop3A_281] {strides = array<i32>} : memref<80x128xf32, #tpu.memory_space<vmem>>, vector<1x16xf32>,
          %parallel_loop3A_283 = vector.shape_cast %parallel_loop3A_282 : vector<1x16xf32> to vector<16xf32>
          %parallel_loop3A_284 = arith.addf %parallel_loop3A_275, %parallel_loop3A_283 : vector<16xf32>
          %parallel_loop3A_285 = arith.constant 0 : i32
          %parallel_loop3A_286 = arith.constant 0 : i32
          %parallel_loop3A_287 = tpu.memref_slice %arg12[%parallel_loop3A_174, %parallel_loop3A_285, %parallel_loop3A_286] : memref<2x80x128xf32, #tpu.memory_space<vmem>> -> memref<1x80x128xf32, #tpu.memory_space<vmem>>
          %parallel_loop3A_288 = tpu.memref_squeeze %parallel_loop3A_287 : memref<1x80x128xf32, #tpu.memory_space<vmem>> -> memref<80x128xf32, #tpu.memory_space<vmem>>
          %parallel_loop3A_289 = arith.index_cast %parallel_loop3A_189 : i32 to index
          %parallel_loop3A_290 = arith.constant 48 : index
          %parallel_loop3A_291 = tpu.vector_load %parallel_loop3A_288[%parallel_loop3A_289, %parallel_loop3A_290] {strides = array<i32>} : memref<80x128xf32, #tpu.memory_space<vmem>>, vector<1x16xf32>,
          %parallel_loop3A_292 = vector.shape_cast %parallel_loop3A_291 : vector<1x16xf32> to vector<16xf32>
          %parallel_loop3A_293 = vector.shape_cast %parallel_loop3A_284 : vector<16xf32> to vector<1x16xf32>
          tpu.vector_store %parallel_loop3A_288[%parallel_loop3A_289, %parallel_loop3A_290], %parallel_loop3A_293 {strides = array<i32>} : memref<80x128xf32, #tpu.memory_space<vmem>>, vector<1x16xf32>,
          %parallel_loop3A_294 = arith.constant 0 : i32
          %parallel_loop3A_295 = arith.constant 0 : i32
          %parallel_loop3A_296 = tpu.memref_slice %arg12[%parallel_loop3A_174, %parallel_loop3A_294, %parallel_loop3A_295] : memref<2x80x128xf32, #tpu.memory_space<vmem>> -> memref<1x80x128xf32, #tpu.memory_space<vmem>>
          %parallel_loop3A_297 = tpu.memref_squeeze %parallel_loop3A_296 : memref<1x80x128xf32, #tpu.memory_space<vmem>> -> memref<80x128xf32, #tpu.memory_space<vmem>>
          %parallel_loop3A_298 = arith.index_cast %parallel_loop3A_189 : i32 to index
          %parallel_loop3A_299 = arith.constant 64 : index
          %parallel_loop3A_300 = tpu.vector_load %parallel_loop3A_297[%parallel_loop3A_298, %parallel_loop3A_299] {strides = array<i32>} : memref<80x128xf32, #tpu.memory_space<vmem>>, vector<1x16xf32>,
          %parallel_loop3A_301 = vector.shape_cast %parallel_loop3A_300 : vector<1x16xf32> to vector<16xf32>
          %parallel_loop3A_302 = arith.constant 0 : i32
          %parallel_loop3A_303 = arith.constant 0 : i32
          %parallel_loop3A_304 = tpu.memref_slice %arg13[%parallel_loop3A_175, %parallel_loop3A_302, %parallel_loop3A_303] : memref<2x80x128xf32, #tpu.memory_space<vmem>> -> memref<1x80x128xf32, #tpu.memory_space<vmem>>
          %parallel_loop3A_305 = tpu.memref_squeeze %parallel_loop3A_304 : memref<1x80x128xf32, #tpu.memory_space<vmem>> -> memref<80x128xf32, #tpu.memory_space<vmem>>
          %parallel_loop3A_306 = arith.index_cast %parallel_loop3A_189 : i32 to index
          %parallel_loop3A_307 = arith.constant 64 : index
          %parallel_loop3A_308 = tpu.vector_load %parallel_loop3A_305[%parallel_loop3A_306, %parallel_loop3A_307] {strides = array<i32>} : memref<80x128xf32, #tpu.memory_space<vmem>>, vector<1x16xf32>,
          %parallel_loop3A_309 = vector.shape_cast %parallel_loop3A_308 : vector<1x16xf32> to vector<16xf32>
          %parallel_loop3A_310 = arith.addf %parallel_loop3A_301, %parallel_loop3A_309 : vector<16xf32>
          %parallel_loop3A_311 = arith.constant 0 : i32
          %parallel_loop3A_312 = arith.constant 0 : i32
          %parallel_loop3A_313 = tpu.memref_slice %arg12[%parallel_loop3A_174, %parallel_loop3A_311, %parallel_loop3A_312] : memref<2x80x128xf32, #tpu.memory_space<vmem>> -> memref<1x80x128xf32, #tpu.memory_space<vmem>>
          %parallel_loop3A_314 = tpu.memref_squeeze %parallel_loop3A_313 : memref<1x80x128xf32, #tpu.memory_space<vmem>> -> memref<80x128xf32, #tpu.memory_space<vmem>>
          %parallel_loop3A_315 = arith.index_cast %parallel_loop3A_189 : i32 to index
          %parallel_loop3A_316 = arith.constant 64 : index
          %parallel_loop3A_317 = tpu.vector_load %parallel_loop3A_314[%parallel_loop3A_315, %parallel_loop3A_316] {strides = array<i32>} : memref<80x128xf32, #tpu.memory_space<vmem>>, vector<1x16xf32>,
          %parallel_loop3A_318 = vector.shape_cast %parallel_loop3A_317 : vector<1x16xf32> to vector<16xf32>
          %parallel_loop3A_319 = vector.shape_cast %parallel_loop3A_310 : vector<16xf32> to vector<1x16xf32>
          tpu.vector_store %parallel_loop3A_314[%parallel_loop3A_315, %parallel_loop3A_316], %parallel_loop3A_319 {strides = array<i32>} : memref<80x128xf32, #tpu.memory_space<vmem>>, vector<1x16xf32>,
          %parallel_loop3A_320 = arith.constant 0 : i32
          %parallel_loop3A_321 = arith.constant 0 : i32
          %parallel_loop3A_322 = tpu.memref_slice %arg12[%parallel_loop3A_174, %parallel_loop3A_320, %parallel_loop3A_321] : memref<2x80x128xf32, #tpu.memory_space<vmem>> -> memref<1x80x128xf32, #tpu.memory_space<vmem>>
          %parallel_loop3A_323 = tpu.memref_squeeze %parallel_loop3A_322 : memref<1x80x128xf32, #tpu.memory_space<vmem>> -> memref<80x128xf32, #tpu.memory_space<vmem>>
          %parallel_loop3A_324 = arith.index_cast %parallel_loop3A_189 : i32 to index
          %parallel_loop3A_325 = arith.constant 80 : index
          %parallel_loop3A_326 = tpu.vector_load %parallel_loop3A_323[%parallel_loop3A_324, %parallel_loop3A_325] {strides = array<i32>} : memref<80x128xf32, #tpu.memory_space<vmem>>, vector<1x16xf32>,
          %parallel_loop3A_327 = vector.shape_cast %parallel_loop3A_326 : vector<1x16xf32> to vector<16xf32>
          %parallel_loop3A_328 = arith.constant 0 : i32
          %parallel_loop3A_329 = arith.constant 0 : i32
          %parallel_loop3A_330 = tpu.memref_slice %arg13[%parallel_loop3A_175, %parallel_loop3A_328, %parallel_loop3A_329] : memref<2x80x128xf32, #tpu.memory_space<vmem>> -> memref<1x80x128xf32, #tpu.memory_space<vmem>>
          %parallel_loop3A_331 = tpu.memref_squeeze %parallel_loop3A_330 : memref<1x80x128xf32, #tpu.memory_space<vmem>> -> memref<80x128xf32, #tpu.memory_space<vmem>>
          %parallel_loop3A_332 = arith.index_cast %parallel_loop3A_189 : i32 to index
          %parallel_loop3A_333 = arith.constant 80 : index
          %parallel_loop3A_334 = tpu.vector_load %parallel_loop3A_331[%parallel_loop3A_332, %parallel_loop3A_333] {strides = array<i32>} : memref<80x128xf32, #tpu.memory_space<vmem>>, vector<1x16xf32>,
          %parallel_loop3A_335 = vector.shape_cast %parallel_loop3A_334 : vector<1x16xf32> to vector<16xf32>
          %parallel_loop3A_336 = arith.addf %parallel_loop3A_327, %parallel_loop3A_335 : vector<16xf32>
          %parallel_loop3A_337 = arith.constant 0 : i32
          %parallel_loop3A_338 = arith.constant 0 : i32
          %parallel_loop3A_339 = tpu.memref_slice %arg12[%parallel_loop3A_174, %parallel_loop3A_337, %parallel_loop3A_338] : memref<2x80x128xf32, #tpu.memory_space<vmem>> -> memref<1x80x128xf32, #tpu.memory_space<vmem>>
          %parallel_loop3A_340 = tpu.memref_squeeze %parallel_loop3A_339 : memref<1x80x128xf32, #tpu.memory_space<vmem>> -> memref<80x128xf32, #tpu.memory_space<vmem>>
          %parallel_loop3A_341 = arith.index_cast %parallel_loop3A_189 : i32 to index
          %parallel_loop3A_342 = arith.constant 80 : index
          %parallel_loop3A_343 = tpu.vector_load %parallel_loop3A_340[%parallel_loop3A_341, %parallel_loop3A_342] {strides = array<i32>} : memref<80x128xf32, #tpu.memory_space<vmem>>, vector<1x16xf32>,
          %parallel_loop3A_344 = vector.shape_cast %parallel_loop3A_343 : vector<1x16xf32> to vector<16xf32>
          %parallel_loop3A_345 = vector.shape_cast %parallel_loop3A_336 : vector<16xf32> to vector<1x16xf32>
          tpu.vector_store %parallel_loop3A_340[%parallel_loop3A_341, %parallel_loop3A_342], %parallel_loop3A_345 {strides = array<i32>} : memref<80x128xf32, #tpu.memory_space<vmem>>, vector<1x16xf32>,
          %parallel_loop3A_346 = arith.constant 0 : i32
          %parallel_loop3A_347 = arith.constant 0 : i32
          %parallel_loop3A_348 = tpu.memref_slice %arg12[%parallel_loop3A_174, %parallel_loop3A_346, %parallel_loop3A_347] : memref<2x80x128xf32, #tpu.memory_space<vmem>> -> memref<1x80x128xf32, #tpu.memory_space<vmem>>
          %parallel_loop3A_349 = tpu.memref_squeeze %parallel_loop3A_348 : memref<1x80x128xf32, #tpu.memory_space<vmem>> -> memref<80x128xf32, #tpu.memory_space<vmem>>
          %parallel_loop3A_350 = arith.index_cast %parallel_loop3A_189 : i32 to index
          %parallel_loop3A_351 = arith.constant 96 : index
          %parallel_loop3A_352 = tpu.vector_load %parallel_loop3A_349[%parallel_loop3A_350, %parallel_loop3A_351] {strides = array<i32>} : memref<80x128xf32, #tpu.memory_space<vmem>>, vector<1x16xf32>,
          %parallel_loop3A_353 = vector.shape_cast %parallel_loop3A_352 : vector<1x16xf32> to vector<16xf32>
          %parallel_loop3A_354 = arith.constant 0 : i32
          %parallel_loop3A_355 = arith.constant 0 : i32
          %parallel_loop3A_356 = tpu.memref_slice %arg13[%parallel_loop3A_175, %parallel_loop3A_354, %parallel_loop3A_355] : memref<2x80x128xf32, #tpu.memory_space<vmem>> -> memref<1x80x128xf32, #tpu.memory_space<vmem>>
          %parallel_loop3A_357 = tpu.memref_squeeze %parallel_loop3A_356 : memref<1x80x128xf32, #tpu.memory_space<vmem>> -> memref<80x128xf32, #tpu.memory_space<vmem>>
          %parallel_loop3A_358 = arith.index_cast %parallel_loop3A_189 : i32 to index
          %parallel_loop3A_359 = arith.constant 96 : index
          %parallel_loop3A_360 = tpu.vector_load %parallel_loop3A_357[%parallel_loop3A_358, %parallel_loop3A_359] {strides = array<i32>} : memref<80x128xf32, #tpu.memory_space<vmem>>, vector<1x16xf32>,
          %parallel_loop3A_361 = vector.shape_cast %parallel_loop3A_360 : vector<1x16xf32> to vector<16xf32>
          %parallel_loop3A_362 = arith.addf %parallel_loop3A_353, %parallel_loop3A_361 : vector<16xf32>
          %parallel_loop3A_363 = arith.constant 0 : i32
          %parallel_loop3A_364 = arith.constant 0 : i32
          %parallel_loop3A_365 = tpu.memref_slice %arg12[%parallel_loop3A_174, %parallel_loop3A_363, %parallel_loop3A_364] : memref<2x80x128xf32, #tpu.memory_space<vmem>> -> memref<1x80x128xf32, #tpu.memory_space<vmem>>
          %parallel_loop3A_366 = tpu.memref_squeeze %parallel_loop3A_365 : memref<1x80x128xf32, #tpu.memory_space<vmem>> -> memref<80x128xf32, #tpu.memory_space<vmem>>
          %parallel_loop3A_367 = arith.index_cast %parallel_loop3A_189 : i32 to index
          %parallel_loop3A_368 = arith.constant 96 : index
          %parallel_loop3A_369 = tpu.vector_load %parallel_loop3A_366[%parallel_loop3A_367, %parallel_loop3A_368] {strides = array<i32>} : memref<80x128xf32, #tpu.memory_space<vmem>>, vector<1x16xf32>,
          %parallel_loop3A_370 = vector.shape_cast %parallel_loop3A_369 : vector<1x16xf32> to vector<16xf32>
          %parallel_loop3A_371 = vector.shape_cast %parallel_loop3A_362 : vector<16xf32> to vector<1x16xf32>
          tpu.vector_store %parallel_loop3A_366[%parallel_loop3A_367, %parallel_loop3A_368], %parallel_loop3A_371 {strides = array<i32>} : memref<80x128xf32, #tpu.memory_space<vmem>>, vector<1x16xf32>,
          %parallel_loop3A_372 = arith.constant 0 : i32
          %parallel_loop3A_373 = arith.constant 0 : i32
          %parallel_loop3A_374 = tpu.memref_slice %arg12[%parallel_loop3A_174, %parallel_loop3A_372, %parallel_loop3A_373] : memref<2x80x128xf32, #tpu.memory_space<vmem>> -> memref<1x80x128xf32, #tpu.memory_space<vmem>>
          %parallel_loop3A_375 = tpu.memref_squeeze %parallel_loop3A_374 : memref<1x80x128xf32, #tpu.memory_space<vmem>> -> memref<80x128xf32, #tpu.memory_space<vmem>>
          %parallel_loop3A_376 = arith.index_cast %parallel_loop3A_189 : i32 to index
          %parallel_loop3A_377 = arith.constant 112 : index
          %parallel_loop3A_378 = tpu.vector_load %parallel_loop3A_375[%parallel_loop3A_376, %parallel_loop3A_377] {strides = array<i32>} : memref<80x128xf32, #tpu.memory_space<vmem>>, vector<1x16xf32>,
          %parallel_loop3A_379 = vector.shape_cast %parallel_loop3A_378 : vector<1x16xf32> to vector<16xf32>
          %parallel_loop3A_380 = arith.constant 0 : i32
          %parallel_loop3A_381 = arith.constant 0 : i32
          %parallel_loop3A_382 = tpu.memref_slice %arg13[%parallel_loop3A_175, %parallel_loop3A_380, %parallel_loop3A_381] : memref<2x80x128xf32, #tpu.memory_space<vmem>> -> memref<1x80x128xf32, #tpu.memory_space<vmem>>
          %parallel_loop3A_383 = tpu.memref_squeeze %parallel_loop3A_382 : memref<1x80x128xf32, #tpu.memory_space<vmem>> -> memref<80x128xf32, #tpu.memory_space<vmem>>
          %parallel_loop3A_384 = arith.index_cast %parallel_loop3A_189 : i32 to index
          %parallel_loop3A_385 = arith.constant 112 : index
          %parallel_loop3A_386 = tpu.vector_load %parallel_loop3A_383[%parallel_loop3A_384, %parallel_loop3A_385] {strides = array<i32>} : memref<80x128xf32, #tpu.memory_space<vmem>>, vector<1x16xf32>,
          %parallel_loop3A_387 = vector.shape_cast %parallel_loop3A_386 : vector<1x16xf32> to vector<16xf32>
          %parallel_loop3A_388 = arith.addf %parallel_loop3A_379, %parallel_loop3A_387 : vector<16xf32>
          %parallel_loop3A_389 = arith.constant 0 : i32
          %parallel_loop3A_390 = arith.constant 0 : i32
          %parallel_loop3A_391 = tpu.memref_slice %arg12[%parallel_loop3A_174, %parallel_loop3A_389, %parallel_loop3A_390] : memref<2x80x128xf32, #tpu.memory_space<vmem>> -> memref<1x80x128xf32, #tpu.memory_space<vmem>>
          %parallel_loop3A_392 = tpu.memref_squeeze %parallel_loop3A_391 : memref<1x80x128xf32, #tpu.memory_space<vmem>> -> memref<80x128xf32, #tpu.memory_space<vmem>>
          %parallel_loop3A_393 = arith.index_cast %parallel_loop3A_189 : i32 to index
          %parallel_loop3A_394 = arith.constant 112 : index
          %parallel_loop3A_395 = tpu.vector_load %parallel_loop3A_392[%parallel_loop3A_393, %parallel_loop3A_394] {strides = array<i32>} : memref<80x128xf32, #tpu.memory_space<vmem>>, vector<1x16xf32>,
          %parallel_loop3A_396 = vector.shape_cast %parallel_loop3A_395 : vector<1x16xf32> to vector<16xf32>
          %parallel_loop3A_397 = vector.shape_cast %parallel_loop3A_388 : vector<16xf32> to vector<1x16xf32>
          tpu.vector_store %parallel_loop3A_392[%parallel_loop3A_393, %parallel_loop3A_394], %parallel_loop3A_397 {strides = array<i32>} : memref<80x128xf32, #tpu.memory_space<vmem>>, vector<1x16xf32>,
        } {sc.loop_unroll_factor = 4 : i64, sc.parallel_access}
        %dma_start3A_176 = arith.constant 1 : i32
        %dma_start3A_177 = arith.constant 0 : i32
        %dma_start3A_178 = arith.constant 0 : i32
        %dma_start3A_179 = tpu.memref_slice %arg12[%dma_start3A_176, %dma_start3A_177, %dma_start3A_178] : memref<2x80x128xf32, #tpu.memory_space<vmem>> -> memref<1x80x128xf32, #tpu.memory_space<vmem>>
        %dma_start3A_180 = tpu.memref_squeeze %dma_start3A_179 : memref<1x80x128xf32, #tpu.memory_space<vmem>> -> memref<80x128xf32, #tpu.memory_space<vmem>>
        %dma_start3A_181 = arith.constant 0 : i32
        %dma_start3A_182 = tpu.memref_slice %arg9[%add3A_133, %dma_start3A_181] : memref<320000x128xf32, #tpu.memory_space<hbm>> -> memref<80x128xf32, #tpu.memory_space<hbm>>
        %dma_start3A_183 = arith.constant 0 : i32
        %dma_start3A_184 = tpu.memref_slice %arg9[%add3A_133, %dma_start3A_183] : memref<320000x128xf32, #tpu.memory_space<hbm>> -> memref<80x128xf32, #tpu.memory_space<hbm>>
        %dma_start3A_185 = arith.constant 0 : i32
        %dma_start3A_186 = arith.constant 0 : i32
        %dma_start3A_187 = tpu.memref_slice %arg12[%dma_start3A_176, %dma_start3A_185, %dma_start3A_186] : memref<2x80x128xf32, #tpu.memory_space<vmem>> -> memref<1x80x128xf32, #tpu.memory_space<vmem>>
        %dma_start3A_188 = tpu.memref_squeeze %dma_start3A_187 : memref<1x80x128xf32, #tpu.memory_space<vmem>> -> memref<80x128xf32, #tpu.memory_space<vmem>>
        tpu.enqueue_dma source(%dma_start3A_188 : memref<80x128xf32, #tpu.memory_space<vmem>>) target(%dma_start3A_184 : memref<80x128xf32, #tpu.memory_space<hbm>>) target_semaphore(%arg15 : memref<!tpu.dma_semaphore, #tpu.memory_space<semaphore_mem>>)
      }
      %scan3A_34 = arith.constant 125 : i32
      %dma_wait3A = arith.constant 0 : i32
      %dma_wait3A_35 = arith.constant 0 : i32
      %dma_wait3A_36 = arith.constant 0 : i32
      %dma_wait3A_37 = tpu.memref_slice %arg12[%dma_wait3A, %dma_wait3A_35, %dma_wait3A_36] : memref<2x80x128xf32, #tpu.memory_space<vmem>> -> memref<1x80x128xf32, #tpu.memory_space<vmem>>
      %dma_wait3A_38 = tpu.memref_squeeze %dma_wait3A_37 : memref<1x80x128xf32, #tpu.memory_space<vmem>> -> memref<80x128xf32, #tpu.memory_space<vmem>>
      %dma_wait3A_39 = arith.constant 0 : i32
      %dma_wait3A_40 = arith.constant 0 : i32
      %dma_wait3A_41 = tpu.memref_slice %arg9[%dma_wait3A_39, %dma_wait3A_40] : memref<320000x128xf32, #tpu.memory_space<hbm>> -> memref<80x128xf32, #tpu.memory_space<hbm>>
      %dma_wait3A_42 = arith.constant 0 : i32
      %dma_wait3A_43 = arith.constant 0 : i32
      %dma_wait3A_44 = tpu.memref_slice %arg12[%dma_wait3A, %dma_wait3A_42, %dma_wait3A_43] : memref<2x80x128xf32, #tpu.memory_space<vmem>> -> memref<1x80x128xf32, #tpu.memory_space<vmem>>
      %dma_wait3A_45 = tpu.memref_squeeze %dma_wait3A_44 : memref<1x80x128xf32, #tpu.memory_space<vmem>> -> memref<80x128xf32, #tpu.memory_space<vmem>>
      %dma_wait3A_46 = arith.constant 0 : i32
      %dma_wait3A_47 = arith.constant 0 : i32
      %dma_wait3A_48 = tpu.memref_slice %arg9[%dma_wait3A_46, %dma_wait3A_47] : memref<320000x128xf32, #tpu.memory_space<hbm>> -> memref<80x128xf32, #tpu.memory_space<hbm>>
      tpu.wait_dma2 semaphore(%arg15 : memref<!tpu.dma_semaphore, #tpu.memory_space<semaphore_mem>>) src(%dma_wait3A_48 : memref<80x128xf32, #tpu.memory_space<hbm>>) dst(%dma_wait3A_45 : memref<80x128xf32, #tpu.memory_space<vmem>>)
      %dma_wait3A_49 = arith.constant 0 : i32
      %dma_wait3A_50 = arith.constant 0 : i32
      %dma_wait3A_51 = arith.constant 0 : i32
      %dma_wait3A_52 = tpu.memref_slice %arg12[%dma_wait3A_49, %dma_wait3A_50, %dma_wait3A_51] : memref<2x80x128xf32, #tpu.memory_space<vmem>> -> memref<1x80x128xf32, #tpu.memory_space<vmem>>
      %dma_wait3A_53 = tpu.memref_squeeze %dma_wait3A_52 : memref<1x80x128xf32, #tpu.memory_space<vmem>> -> memref<80x128xf32, #tpu.memory_space<vmem>>
      %dma_wait3A_54 = arith.constant 0 : i32
      %dma_wait3A_55 = arith.constant 0 : i32
      %dma_wait3A_56 = tpu.memref_slice %arg9[%dma_wait3A_54, %dma_wait3A_55] : memref<320000x128xf32, #tpu.memory_space<hbm>> -> memref<80x128xf32, #tpu.memory_space<hbm>>
      %dma_wait3A_57 = arith.constant 0 : i32
      %dma_wait3A_58 = arith.constant 0 : i32
      %dma_wait3A_59 = tpu.memref_slice %arg12[%dma_wait3A_49, %dma_wait3A_57, %dma_wait3A_58] : memref<2x80x128xf32, #tpu.memory_space<vmem>> -> memref<1x80x128xf32, #tpu.memory_space<vmem>>
      %dma_wait3A_60 = tpu.memref_squeeze %dma_wait3A_59 : memref<1x80x128xf32, #tpu.memory_space<vmem>> -> memref<80x128xf32, #tpu.memory_space<vmem>>
      %dma_wait3A_61 = arith.constant 0 : i32
      %dma_wait3A_62 = arith.constant 0 : i32
      %dma_wait3A_63 = tpu.memref_slice %arg9[%dma_wait3A_61, %dma_wait3A_62] : memref<320000x128xf32, #tpu.memory_space<hbm>> -> memref<80x128xf32, #tpu.memory_space<hbm>>
      tpu.wait_dma2 semaphore(%arg15 : memref<!tpu.dma_semaphore, #tpu.memory_space<semaphore_mem>>) src(%dma_wait3A_63 : memref<80x128xf32, #tpu.memory_space<hbm>>) dst(%dma_wait3A_60 : memref<80x128xf32, #tpu.memory_space<vmem>>)
    } else {
    }
    return
  }
}

module attributes {stable_mosaic.version = 14 : i64} {
  func.func @_enc_body(%arg0: i32, %arg1: memref<1x50x128xf32, #tpu.memory_space<vmem>>, %arg2: memref<1x50x128xi32, #tpu.memory_space<vmem>>, %arg3: memref<6400x50xf32, #tpu.memory_space<vmem>>, %arg4: memref<6400x128xf32, #tpu.memory_space<vmem>>, %arg5: memref<1x128xf32, #tpu.memory_space<vmem>>, %arg6: memref<1x128xf32, #tpu.memory_space<vmem>>, %arg7: memref<128x128xf32, #tpu.memory_space<vmem>>, %arg8: memref<1x128xf32, #tpu.memory_space<vmem>>, %arg9: memref<100x128xf32, #tpu.memory_space<vmem>>, %arg10: memref<1x128xf32, #tpu.memory_space<vmem>>, %arg11: memref<1x128xf32, #tpu.memory_space<vmem>>, %arg12: memref<128x128xf32, #tpu.memory_space<vmem>>, %arg13: memref<1x128xf32, #tpu.memory_space<vmem>>, %arg14: memref<100x128xf32, #tpu.memory_space<vmem>>, %arg15: memref<6400x128xf32, #tpu.memory_space<vmem>>, %arg16: memref<6400x128xf32, #tpu.memory_space<vmem>>) attributes {dimension_semantics = [#tpu.dimension_semantics<arbitrary>], iteration_bounds = array<i64: 50>, scalar_prefetch = 0 : i64, scratch_operands = 0 : i64, tpu.core_type = #tpu.core_type<tc>, window_params = [{transform_indices = @transform_0, window_bounds = array<i64: 1, 50, 128>}, {transform_indices = @transform_1, window_bounds = array<i64: 1, 50, 128>}, {pipeline_mode = #tpu.pipeline_mode<synchronous>, transform_indices = @transform_2, window_bounds = array<i64: 6400, 50>}, {pipeline_mode = #tpu.pipeline_mode<synchronous>, transform_indices = @transform_3, window_bounds = array<i64: 6400, 128>}, {pipeline_mode = #tpu.pipeline_mode<synchronous>, transform_indices = @transform_4, window_bounds = array<i64: 1, 128>}, {pipeline_mode = #tpu.pipeline_mode<synchronous>, transform_indices = @transform_5, window_bounds = array<i64: 1, 128>}, {pipeline_mode = #tpu.pipeline_mode<synchronous>, transform_indices = @transform_6, window_bounds = array<i64: 128, 128>}, {pipeline_mode = #tpu.pipeline_mode<synchronous>, transform_indices = @transform_7, window_bounds = array<i64: 1, 128>}, {pipeline_mode = #tpu.pipeline_mode<synchronous>, transform_indices = @transform_8, window_bounds = array<i64: 100, 128>}, {pipeline_mode = #tpu.pipeline_mode<synchronous>, transform_indices = @transform_9, window_bounds = array<i64: 1, 128>}, {pipeline_mode = #tpu.pipeline_mode<synchronous>, transform_indices = @transform_10, window_bounds = array<i64: 1, 128>}, {pipeline_mode = #tpu.pipeline_mode<synchronous>, transform_indices = @transform_11, window_bounds = array<i64: 128, 128>}, {pipeline_mode = #tpu.pipeline_mode<synchronous>, transform_indices = @transform_12, window_bounds = array<i64: 1, 128>}, {pipeline_mode = #tpu.pipeline_mode<synchronous>, transform_indices = @transform_13, window_bounds = array<i64: 100, 128>}, {transform_indices = @transform_14, window_bounds = array<i64: 6400, 128>}, {transform_indices = @transform_15, window_bounds = array<i64: 6400, 128>}]} {
    %get3A = arith.constant 0 : index
    %get3A_0 = arith.constant 0 : index
    %get3A_1 = arith.constant 0 : index
    %get3A_2 = vector.load %arg1[%get3A, %get3A_0, %get3A_1] : memref<1x50x128xf32, #tpu.memory_space<vmem>>, vector<1x50x128xf32>
    %get3A_3 = vector.shape_cast %get3A_2 : vector<1x50x128xf32> to vector<50x128xf32>
    %get3A_4 = arith.constant 0 : index
    %get3A_5 = arith.constant 0 : index
    %get3A_6 = arith.constant 0 : index
    %get3A_7 = vector.load %arg2[%get3A_4, %get3A_5, %get3A_6] : memref<1x50x128xi32, #tpu.memory_space<vmem>>, vector<1x50x128xi32>
    %get3A_8 = vector.shape_cast %get3A_7 : vector<1x50x128xi32> to vector<50x128xi32>
    %convert_element_type3A = arith.sitofp %get3A_8 : vector<50x128xi32> to vector<50x128xf32>
    %get3A_9 = arith.constant 0 : index
    %get3A_10 = arith.constant 0 : index
    %get3A_11 = vector.load %arg3[%get3A_9, %get3A_10] : memref<6400x50xf32, #tpu.memory_space<vmem>>, vector<6400x50xf32>
    %get3A_12 = arith.constant 0 : index
    %get3A_13 = arith.constant 0 : index
    %get3A_14 = vector.load %arg4[%get3A_12, %get3A_13] : memref<6400x128xf32, #tpu.memory_space<vmem>>, vector<6400x128xf32>
    %dot_general3A = arith.constant dense<0.000000e+00> : vector<6400x128xf32>
    %dot_general3A_15 = tpu.matmul %get3A_11, %get3A_3, %dot_general3A {dimension_numbers = #tpu.dot_dimension_numbers<[1], [0], [0], [1], [0, 0, 1, 1], [], []>, transpose_lhs_hint = false} : vector<6400x50xf32>, vector<50x128xf32>, vector<6400x128xf32> -> vector<6400x128xf32>
    %mul3A = arith.mulf %dot_general3A_15, %get3A_14 : vector<6400x128xf32>
    %reduce_sum3A = arith.constant dense<0.000000e+00> : vector<6400xf32>
    %reduce_sum3A_16 = vector.multi_reduction <add>, %mul3A, %reduce_sum3A [1] : vector<6400x128xf32> to vector<6400xf32>
    %broadcast_in_dim3A = vector.shape_cast %reduce_sum3A_16 : vector<6400xf32> to vector<6400x1xf32>
    %dot_general3A_17 = arith.constant dense<0.000000e+00> : vector<6400x128xf32>
    %dot_general3A_18 = tpu.matmul %get3A_11, %convert_element_type3A, %dot_general3A_17 {dimension_numbers = #tpu.dot_dimension_numbers<[1], [0], [0], [1], [0, 0, 1, 1], [], []>, transpose_lhs_hint = false} : vector<6400x50xf32>, vector<50x128xf32>, vector<6400x128xf32> -> vector<6400x128xf32>
    %mul3A_19 = arith.mulf %dot_general3A_18, %get3A_14 : vector<6400x128xf32>
    %reduce_sum3A_20 = arith.constant dense<0.000000e+00> : vector<6400xf32>
    %reduce_sum3A_21 = vector.multi_reduction <add>, %mul3A_19, %reduce_sum3A_20 [1] : vector<6400x128xf32> to vector<6400xf32>
    %broadcast_in_dim3A_22 = vector.shape_cast %reduce_sum3A_21 : vector<6400xf32> to vector<6400x1xf32>
    %iota3A = tpu.iota {dimensions = array<i32: 1>} : vector<6400x100xi32>
    %convert_element_type3A_23 = arith.sitofp %iota3A : vector<6400x100xi32> to vector<6400x100xf32>
    %eq3A = vector.broadcast %broadcast_in_dim3A_22 : vector<6400x1xf32> to vector<6400x100xf32>
    %eq3A_24 = arith.cmpf oeq, %eq3A, %convert_element_type3A_23 : vector<6400x100xf32>
    %convert_element_type3A_25 = arith.extui %eq3A_24 : vector<6400x100xi1> to vector<6400x100xi32>
    %convert_element_type3A_26 = arith.sitofp %convert_element_type3A_25 : vector<6400x100xi32> to vector<6400x100xf32>
    %get3A_27 = arith.constant 0 : index
    %get3A_28 = arith.constant 0 : index
    %get3A_29 = vector.load %arg5[%get3A_27, %get3A_28] : memref<1x128xf32, #tpu.memory_space<vmem>>, vector<1x128xf32>
    %get3A_30 = arith.constant 0 : index
    %get3A_31 = arith.constant 0 : index
    %get3A_32 = vector.load %arg6[%get3A_30, %get3A_31] : memref<1x128xf32, #tpu.memory_space<vmem>>, vector<1x128xf32>
    %get3A_33 = arith.constant 0 : index
    %get3A_34 = arith.constant 0 : index
    %get3A_35 = vector.load %arg7[%get3A_33, %get3A_34] : memref<128x128xf32, #tpu.memory_space<vmem>>, vector<128x128xf32>
    %get3A_36 = arith.constant 0 : index
    %get3A_37 = arith.constant 0 : index
    %get3A_38 = vector.load %arg8[%get3A_36, %get3A_37] : memref<1x128xf32, #tpu.memory_space<vmem>>, vector<1x128xf32>
    %get3A_39 = arith.constant 0 : index
    %get3A_40 = arith.constant 0 : index
    %get3A_41 = vector.load %arg9[%get3A_39, %get3A_40] : memref<100x128xf32, #tpu.memory_space<vmem>>, vector<100x128xf32>
    %mul3A_42 = vector.broadcast %broadcast_in_dim3A : vector<6400x1xf32> to vector<6400x128xf32>
    %mul3A_43 = vector.broadcast %get3A_29 : vector<1x128xf32> to vector<6400x128xf32>
    %mul3A_44 = arith.mulf %mul3A_42, %mul3A_43 : vector<6400x128xf32>
    %add3A = vector.broadcast %get3A_32 : vector<1x128xf32> to vector<6400x128xf32>
    %add3A_45 = arith.addf %mul3A_44, %add3A : vector<6400x128xf32>
    %max3A = arith.constant 0.000000e+00 : f32
    %max3A_46 = vector.broadcast %max3A : f32 to vector<6400x128xf32>
    %max3A_47 = arith.maximumf %add3A_45, %max3A_46 : vector<6400x128xf32>
    %dot_general3A_48 = arith.constant dense<0.000000e+00> : vector<6400x128xf32>
    %dot_general3A_49 = tpu.matmul %max3A_47, %get3A_35, %dot_general3A_48 {dimension_numbers = #tpu.dot_dimension_numbers<[1], [0], [0], [1], [0, 0, 1, 1], [], []>, transpose_lhs_hint = false} : vector<6400x128xf32>, vector<128x128xf32>, vector<6400x128xf32> -> vector<6400x128xf32>
    %add3A_50 = vector.broadcast %get3A_38 : vector<1x128xf32> to vector<6400x128xf32>
    %add3A_51 = arith.addf %dot_general3A_49, %add3A_50 : vector<6400x128xf32>
    %dot_general3A_52 = arith.constant dense<0.000000e+00> : vector<6400x128xf32>
    %dot_general3A_53 = tpu.matmul %convert_element_type3A_26, %get3A_41, %dot_general3A_52 {dimension_numbers = #tpu.dot_dimension_numbers<[1], [0], [0], [1], [0, 0, 1, 1], [], []>, transpose_lhs_hint = false} : vector<6400x100xf32>, vector<100x128xf32>, vector<6400x128xf32> -> vector<6400x128xf32>
    %mul3A_54 = arith.mulf %add3A_51, %dot_general3A_53 : vector<6400x128xf32>
    %swap3A = arith.constant 0 : index
    %swap3A_55 = arith.constant 0 : index
    %swap3A_56 = vector.load %arg15[%swap3A, %swap3A_55] : memref<6400x128xf32, #tpu.memory_space<vmem>>, vector<6400x128xf32>
    tpu.vector_store %arg15[%swap3A, %swap3A_55], %mul3A_54 {strides = array<i32>} : memref<6400x128xf32, #tpu.memory_space<vmem>>, vector<6400x128xf32>,
    %get3A_57 = arith.constant 0 : index
    %get3A_58 = arith.constant 0 : index
    %get3A_59 = vector.load %arg10[%get3A_57, %get3A_58] : memref<1x128xf32, #tpu.memory_space<vmem>>, vector<1x128xf32>
    %get3A_60 = arith.constant 0 : index
    %get3A_61 = arith.constant 0 : index
    %get3A_62 = vector.load %arg11[%get3A_60, %get3A_61] : memref<1x128xf32, #tpu.memory_space<vmem>>, vector<1x128xf32>
    %get3A_63 = arith.constant 0 : index
    %get3A_64 = arith.constant 0 : index
    %get3A_65 = vector.load %arg12[%get3A_63, %get3A_64] : memref<128x128xf32, #tpu.memory_space<vmem>>, vector<128x128xf32>
    %get3A_66 = arith.constant 0 : index
    %get3A_67 = arith.constant 0 : index
    %get3A_68 = vector.load %arg13[%get3A_66, %get3A_67] : memref<1x128xf32, #tpu.memory_space<vmem>>, vector<1x128xf32>
    %get3A_69 = arith.constant 0 : index
    %get3A_70 = arith.constant 0 : index
    %get3A_71 = vector.load %arg14[%get3A_69, %get3A_70] : memref<100x128xf32, #tpu.memory_space<vmem>>, vector<100x128xf32>
    %mul3A_72 = vector.broadcast %broadcast_in_dim3A : vector<6400x1xf32> to vector<6400x128xf32>
    %mul3A_73 = vector.broadcast %get3A_59 : vector<1x128xf32> to vector<6400x128xf32>
    %mul3A_74 = arith.mulf %mul3A_72, %mul3A_73 : vector<6400x128xf32>
    %add3A_75 = vector.broadcast %get3A_62 : vector<1x128xf32> to vector<6400x128xf32>
    %add3A_76 = arith.addf %mul3A_74, %add3A_75 : vector<6400x128xf32>
    %max3A_77 = arith.constant 0.000000e+00 : f32
    %max3A_78 = vector.broadcast %max3A_77 : f32 to vector<6400x128xf32>
    %max3A_79 = arith.maximumf %add3A_76, %max3A_78 : vector<6400x128xf32>
    %dot_general3A_80 = arith.constant dense<0.000000e+00> : vector<6400x128xf32>
    %dot_general3A_81 = tpu.matmul %max3A_79, %get3A_65, %dot_general3A_80 {dimension_numbers = #tpu.dot_dimension_numbers<[1], [0], [0], [1], [0, 0, 1, 1], [], []>, transpose_lhs_hint = false} : vector<6400x128xf32>, vector<128x128xf32>, vector<6400x128xf32> -> vector<6400x128xf32>
    %add3A_82 = vector.broadcast %get3A_68 : vector<1x128xf32> to vector<6400x128xf32>
    %add3A_83 = arith.addf %dot_general3A_81, %add3A_82 : vector<6400x128xf32>
    %dot_general3A_84 = arith.constant dense<0.000000e+00> : vector<6400x128xf32>
    %dot_general3A_85 = tpu.matmul %convert_element_type3A_26, %get3A_71, %dot_general3A_84 {dimension_numbers = #tpu.dot_dimension_numbers<[1], [0], [0], [1], [0, 0, 1, 1], [], []>, transpose_lhs_hint = false} : vector<6400x100xf32>, vector<100x128xf32>, vector<6400x128xf32> -> vector<6400x128xf32>
    %mul3A_86 = arith.mulf %add3A_83, %dot_general3A_85 : vector<6400x128xf32>
    %swap3A_87 = arith.constant 0 : index
    %swap3A_88 = arith.constant 0 : index
    %swap3A_89 = vector.load %arg16[%swap3A_87, %swap3A_88] : memref<6400x128xf32, #tpu.memory_space<vmem>>, vector<6400x128xf32>
    tpu.vector_store %arg16[%swap3A_87, %swap3A_88], %mul3A_86 {strides = array<i32>} : memref<6400x128xf32, #tpu.memory_space<vmem>>, vector<6400x128xf32>,
    return
  }
  func.func @transform_0(%arg0: i32) -> (i32, i32, i32) {
    %c0_i32 = arith.constant 0 : i32
    %c0_i32_0 = arith.constant 0 : i32
    %c0_i32_1 = arith.constant 0 : i32
    return %arg0, %c0_i32, %c0_i32_0 : i32, i32, i32
  }
  func.func @transform_1(%arg0: i32) -> (i32, i32, i32) {
    %c0_i32 = arith.constant 0 : i32
    %c0_i32_0 = arith.constant 0 : i32
    %c0_i32_1 = arith.constant 0 : i32
    return %arg0, %c0_i32, %c0_i32_0 : i32, i32, i32
  }
  func.func @transform_2(%arg0: i32) -> (i32, i32) {
    %c0_i32 = arith.constant 0 : i32
    %c0_i32_0 = arith.constant 0 : i32
    %c0_i32_1 = arith.constant 0 : i32
    return %c0_i32, %c0_i32_0 : i32, i32
  }
  func.func @transform_3(%arg0: i32) -> (i32, i32) {
    %c0_i32 = arith.constant 0 : i32
    %c0_i32_0 = arith.constant 0 : i32
    %c0_i32_1 = arith.constant 0 : i32
    return %c0_i32, %c0_i32_0 : i32, i32
  }
  func.func @transform_4(%arg0: i32) -> (i32, i32) {
    %c0_i32 = arith.constant 0 : i32
    %c0_i32_0 = arith.constant 0 : i32
    %c0_i32_1 = arith.constant 0 : i32
    return %c0_i32, %c0_i32_0 : i32, i32
  }
  func.func @transform_5(%arg0: i32) -> (i32, i32) {
    %c0_i32 = arith.constant 0 : i32
    %c0_i32_0 = arith.constant 0 : i32
    %c0_i32_1 = arith.constant 0 : i32
    return %c0_i32, %c0_i32_0 : i32, i32
  }
  func.func @transform_6(%arg0: i32) -> (i32, i32) {
    %c0_i32 = arith.constant 0 : i32
    %c0_i32_0 = arith.constant 0 : i32
    %c0_i32_1 = arith.constant 0 : i32
    return %c0_i32, %c0_i32_0 : i32, i32
  }
  func.func @transform_7(%arg0: i32) -> (i32, i32) {
    %c0_i32 = arith.constant 0 : i32
    %c0_i32_0 = arith.constant 0 : i32
    %c0_i32_1 = arith.constant 0 : i32
    return %c0_i32, %c0_i32_0 : i32, i32
  }
  func.func @transform_8(%arg0: i32) -> (i32, i32) {
    %c0_i32 = arith.constant 0 : i32
    %c0_i32_0 = arith.constant 0 : i32
    %c0_i32_1 = arith.constant 0 : i32
    return %c0_i32, %c0_i32_0 : i32, i32
  }
  func.func @transform_9(%arg0: i32) -> (i32, i32) {
    %c0_i32 = arith.constant 0 : i32
    %c0_i32_0 = arith.constant 0 : i32
    %c0_i32_1 = arith.constant 0 : i32
    return %c0_i32, %c0_i32_0 : i32, i32
  }
  func.func @transform_10(%arg0: i32) -> (i32, i32) {
    %c0_i32 = arith.constant 0 : i32
    %c0_i32_0 = arith.constant 0 : i32
    %c0_i32_1 = arith.constant 0 : i32
    return %c0_i32, %c0_i32_0 : i32, i32
  }
  func.func @transform_11(%arg0: i32) -> (i32, i32) {
    %c0_i32 = arith.constant 0 : i32
    %c0_i32_0 = arith.constant 0 : i32
    %c0_i32_1 = arith.constant 0 : i32
    return %c0_i32, %c0_i32_0 : i32, i32
  }
  func.func @transform_12(%arg0: i32) -> (i32, i32) {
    %c0_i32 = arith.constant 0 : i32
    %c0_i32_0 = arith.constant 0 : i32
    %c0_i32_1 = arith.constant 0 : i32
    return %c0_i32, %c0_i32_0 : i32, i32
  }
  func.func @transform_13(%arg0: i32) -> (i32, i32) {
    %c0_i32 = arith.constant 0 : i32
    %c0_i32_0 = arith.constant 0 : i32
    %c0_i32_1 = arith.constant 0 : i32
    return %c0_i32, %c0_i32_0 : i32, i32
  }
  func.func @transform_14(%arg0: i32) -> (i32, i32) {
    %c0_i32 = arith.constant 0 : i32
    %c0_i32_0 = arith.constant 0 : i32
    return %arg0, %c0_i32 : i32, i32
  }
  func.func @transform_15(%arg0: i32) -> (i32, i32) {
    %c0_i32 = arith.constant 0 : i32
    %c0_i32_0 = arith.constant 0 : i32
    return %arg0, %c0_i32 : i32, i32
  }
}

module attributes {stable_mosaic.version = 14 : i64} {
  func.func @_nt_body(%arg0: i32, %arg1: memref<2000x128xf32, #tpu.memory_space<vmem>>, %arg2: memref<2000x128xf32, #tpu.memory_space<vmem>>, %arg3: memref<128x128xf32, #tpu.memory_space<vmem>>, %arg4: memref<128x128xf32, #tpu.memory_space<vmem>>, %arg5: memref<1x128xf32, #tpu.memory_space<vmem>>, %arg6: memref<128x128xf32, #tpu.memory_space<vmem>>, %arg7: memref<128x128xf32, #tpu.memory_space<vmem>>, %arg8: memref<1x128xf32, #tpu.memory_space<vmem>>, %arg9: memref<10000x1xi32, #tpu.memory_space<vmem>>, %arg10: memref<64x1xi32, #tpu.memory_space<vmem>>, %arg11: memref<5000x1xf32, #tpu.memory_space<vmem>>, %arg12: memref<2000x128xf32, #tpu.memory_space<vmem>>, %arg13: memref<2000x128xf32, #tpu.memory_space<vmem>>, %arg14: memref<2000x128xf32, #tpu.memory_space<vmem>>, %arg15: memref<2000x128xf32, #tpu.memory_space<vmem>>, %arg16: memref<1x64xf32, #tpu.memory_space<vmem>>, %arg17: memref<64x1xf32, #tpu.memory_space<vmem>>) attributes {dimension_semantics = [#tpu.dimension_semantics<arbitrary>], iteration_bounds = array<i64: 5>, scalar_prefetch = 0 : i64, scratch_operands = 0 : i64, tpu.core_type = #tpu.core_type<tc>, window_params = [{transform_indices = @transform_0, window_bounds = array<i64: 2000, 128>}, {transform_indices = @transform_1, window_bounds = array<i64: 2000, 128>}, {pipeline_mode = #tpu.pipeline_mode<synchronous>, transform_indices = @transform_2, window_bounds = array<i64: 128, 128>}, {pipeline_mode = #tpu.pipeline_mode<synchronous>, transform_indices = @transform_3, window_bounds = array<i64: 128, 128>}, {pipeline_mode = #tpu.pipeline_mode<synchronous>, transform_indices = @transform_4, window_bounds = array<i64: 1, 128>}, {pipeline_mode = #tpu.pipeline_mode<synchronous>, transform_indices = @transform_5, window_bounds = array<i64: 128, 128>}, {pipeline_mode = #tpu.pipeline_mode<synchronous>, transform_indices = @transform_6, window_bounds = array<i64: 128, 128>}, {pipeline_mode = #tpu.pipeline_mode<synchronous>, transform_indices = @transform_7, window_bounds = array<i64: 1, 128>}, {pipeline_mode = #tpu.pipeline_mode<synchronous>, transform_indices = @transform_8, window_bounds = array<i64: 10000, 1>}, {pipeline_mode = #tpu.pipeline_mode<synchronous>, transform_indices = @transform_9, window_bounds = array<i64: 64, 1>}, {pipeline_mode = #tpu.pipeline_mode<synchronous>, transform_indices = @transform_10, window_bounds = array<i64: 5000, 1>}, {transform_indices = @transform_11, window_bounds = array<i64: 2000, 128>}, {transform_indices = @transform_12, window_bounds = array<i64: 2000, 128>}, {transform_indices = @transform_13, window_bounds = array<i64: 2000, 128>}, {transform_indices = @transform_14, window_bounds = array<i64: 2000, 128>}, {pipeline_mode = #tpu.pipeline_mode<synchronous>, transform_indices = @transform_15, window_bounds = array<i64: 1, 64>}, {pipeline_mode = #tpu.pipeline_mode<synchronous>, transform_indices = @transform_16, window_bounds = array<i64: 64, 1>}]} {
    %get3A = arith.constant 0 : index
    %get3A_0 = arith.constant 0 : index
    %get3A_1 = vector.load %arg1[%get3A, %get3A_0] : memref<2000x128xf32, #tpu.memory_space<vmem>>, vector<2000x128xf32>
    %get3A_2 = arith.constant 0 : index
    %get3A_3 = arith.constant 0 : index
    %get3A_4 = vector.load %arg2[%get3A_2, %get3A_3] : memref<2000x128xf32, #tpu.memory_space<vmem>>, vector<2000x128xf32>
    %get3A_5 = arith.constant 0 : index
    %get3A_6 = arith.constant 0 : index
    %get3A_7 = vector.load %arg3[%get3A_5, %get3A_6] : memref<128x128xf32, #tpu.memory_space<vmem>>, vector<128x128xf32>
    %dot_general3A = arith.constant dense<0.000000e+00> : vector<2000x128xf32>
    %dot_general3A_8 = tpu.matmul %get3A_1, %get3A_7, %dot_general3A {dimension_numbers = #tpu.dot_dimension_numbers<[1], [0], [0], [1], [0, 0, 1, 1], [], []>, transpose_lhs_hint = false} : vector<2000x128xf32>, vector<128x128xf32>, vector<2000x128xf32> -> vector<2000x128xf32>
    %get3A_9 = arith.constant 0 : index
    %get3A_10 = arith.constant 0 : index
    %get3A_11 = vector.load %arg5[%get3A_9, %get3A_10] : memref<1x128xf32, #tpu.memory_space<vmem>>, vector<1x128xf32>
    %add3A = vector.broadcast %get3A_11 : vector<1x128xf32> to vector<2000x128xf32>
    %add3A_12 = arith.addf %dot_general3A_8, %add3A : vector<2000x128xf32>
    %swap3A = arith.constant 0 : index
    %swap3A_13 = arith.constant 0 : index
    %swap3A_14 = vector.load %arg12[%swap3A, %swap3A_13] : memref<2000x128xf32, #tpu.memory_space<vmem>>, vector<2000x128xf32>
    tpu.vector_store %arg12[%swap3A, %swap3A_13], %add3A_12 {strides = array<i32>} : memref<2000x128xf32, #tpu.memory_space<vmem>>, vector<2000x128xf32>,
    %get3A_15 = arith.constant 0 : index
    %get3A_16 = arith.constant 0 : index
    %get3A_17 = vector.load %arg4[%get3A_15, %get3A_16] : memref<128x128xf32, #tpu.memory_space<vmem>>, vector<128x128xf32>
    %dot_general3A_18 = arith.constant dense<0.000000e+00> : vector<2000x128xf32>
    %dot_general3A_19 = tpu.matmul %get3A_1, %get3A_17, %dot_general3A_18 {dimension_numbers = #tpu.dot_dimension_numbers<[1], [0], [0], [1], [0, 0, 1, 1], [], []>, transpose_lhs_hint = false} : vector<2000x128xf32>, vector<128x128xf32>, vector<2000x128xf32> -> vector<2000x128xf32>
    %swap3A_20 = arith.constant 0 : index
    %swap3A_21 = arith.constant 0 : index
    %swap3A_22 = vector.load %arg13[%swap3A_20, %swap3A_21] : memref<2000x128xf32, #tpu.memory_space<vmem>>, vector<2000x128xf32>
    tpu.vector_store %arg13[%swap3A_20, %swap3A_21], %dot_general3A_19 {strides = array<i32>} : memref<2000x128xf32, #tpu.memory_space<vmem>>, vector<2000x128xf32>,
    %get3A_23 = arith.constant 0 : index
    %get3A_24 = arith.constant 0 : index
    %get3A_25 = vector.load %arg6[%get3A_23, %get3A_24] : memref<128x128xf32, #tpu.memory_space<vmem>>, vector<128x128xf32>
    %dot_general3A_26 = arith.constant dense<0.000000e+00> : vector<2000x128xf32>
    %dot_general3A_27 = tpu.matmul %get3A_4, %get3A_25, %dot_general3A_26 {dimension_numbers = #tpu.dot_dimension_numbers<[1], [0], [0], [1], [0, 0, 1, 1], [], []>, transpose_lhs_hint = false} : vector<2000x128xf32>, vector<128x128xf32>, vector<2000x128xf32> -> vector<2000x128xf32>
    %get3A_28 = arith.constant 0 : index
    %get3A_29 = arith.constant 0 : index
    %get3A_30 = vector.load %arg8[%get3A_28, %get3A_29] : memref<1x128xf32, #tpu.memory_space<vmem>>, vector<1x128xf32>
    %add3A_31 = vector.broadcast %get3A_30 : vector<1x128xf32> to vector<2000x128xf32>
    %add3A_32 = arith.addf %dot_general3A_27, %add3A_31 : vector<2000x128xf32>
    %swap3A_33 = arith.constant 0 : index
    %swap3A_34 = arith.constant 0 : index
    %swap3A_35 = vector.load %arg14[%swap3A_33, %swap3A_34] : memref<2000x128xf32, #tpu.memory_space<vmem>>, vector<2000x128xf32>
    tpu.vector_store %arg14[%swap3A_33, %swap3A_34], %add3A_32 {strides = array<i32>} : memref<2000x128xf32, #tpu.memory_space<vmem>>, vector<2000x128xf32>,
    %get3A_36 = arith.constant 0 : index
    %get3A_37 = arith.constant 0 : index
    %get3A_38 = vector.load %arg7[%get3A_36, %get3A_37] : memref<128x128xf32, #tpu.memory_space<vmem>>, vector<128x128xf32>
    %dot_general3A_39 = arith.constant dense<0.000000e+00> : vector<2000x128xf32>
    %dot_general3A_40 = tpu.matmul %get3A_4, %get3A_38, %dot_general3A_39 {dimension_numbers = #tpu.dot_dimension_numbers<[1], [0], [0], [1], [0, 0, 1, 1], [], []>, transpose_lhs_hint = false} : vector<2000x128xf32>, vector<128x128xf32>, vector<2000x128xf32> -> vector<2000x128xf32>
    %swap3A_41 = arith.constant 0 : index
    %swap3A_42 = arith.constant 0 : index
    %swap3A_43 = vector.load %arg15[%swap3A_41, %swap3A_42] : memref<2000x128xf32, #tpu.memory_space<vmem>>, vector<2000x128xf32>
    tpu.vector_store %arg15[%swap3A_41, %swap3A_42], %dot_general3A_40 {strides = array<i32>} : memref<2000x128xf32, #tpu.memory_space<vmem>>, vector<2000x128xf32>,
    %eq3A = arith.constant 0 : i32
    %eq3A_44 = arith.cmpi eq, %arg0, %eq3A : i32
    %convert_element_type3A = arith.extui %eq3A_44 : i1 to i32
    %cond3A = arith.constant 0 : i32
    %cond3A_45 = arith.cmpi ne, %convert_element_type3A, %cond3A : i32
    scf.if %cond3A_45 {
      %get3A_46 = arith.constant 0 : index
      %get3A_47 = arith.constant 0 : index
      %get3A_48 = vector.load %arg9[%get3A_46, %get3A_47] : memref<10000x1xi32, #tpu.memory_space<vmem>>, vector<10000x1xi32>
      %iota3A = tpu.iota {dimensions = array<i32: 1>} : vector<10000x64xi32>
      %lt3A = vector.broadcast %get3A_48 : vector<10000x1xi32> to vector<10000x64xi32>
      %lt3A_49 = arith.cmpi slt, %lt3A, %iota3A : vector<10000x64xi32>
      %convert_element_type3A_50 = arith.extui %lt3A_49 : vector<10000x64xi1> to vector<10000x64xi32>
      %convert_element_type3A_51 = arith.sitofp %convert_element_type3A_50 : vector<10000x64xi32> to vector<10000x64xf32>
      %reduce_sum3A = arith.constant dense<0.000000e+00> : vector<64xf32>
      %reduce_sum3A_52 = vector.multi_reduction <add>, %convert_element_type3A_51, %reduce_sum3A [0] : vector<10000x64xf32> to vector<64xf32>
      %broadcast_in_dim3A = vector.shape_cast %reduce_sum3A_52 : vector<64xf32> to vector<1x64xf32>
      %swap3A_53 = arith.constant 0 : index
      %swap3A_54 = arith.constant 0 : index
      %swap3A_55 = vector.load %arg16[%swap3A_53, %swap3A_54] : memref<1x64xf32, #tpu.memory_space<vmem>>, vector<1x64xf32>
      tpu.vector_store %arg16[%swap3A_53, %swap3A_54], %broadcast_in_dim3A {strides = array<i32>} : memref<1x64xf32, #tpu.memory_space<vmem>>, vector<1x64xf32>,
      %get3A_56 = arith.constant 0 : index
      %get3A_57 = arith.constant 0 : index
      %get3A_58 = vector.load %arg10[%get3A_56, %get3A_57] : memref<64x1xi32, #tpu.memory_space<vmem>>, vector<64x1xi32>
      %iota3A_59 = tpu.iota {dimensions = array<i32: 1>} : vector<64x5000xi32>
      %eq3A_60 = vector.broadcast %get3A_58 : vector<64x1xi32> to vector<64x5000xi32>
      %eq3A_61 = arith.cmpi eq, %eq3A_60, %iota3A_59 : vector<64x5000xi32>
      %convert_element_type3A_62 = arith.extui %eq3A_61 : vector<64x5000xi1> to vector<64x5000xi32>
      %convert_element_type3A_63 = arith.sitofp %convert_element_type3A_62 : vector<64x5000xi32> to vector<64x5000xf32>
      %get3A_64 = arith.constant 0 : index
      %get3A_65 = arith.constant 0 : index
      %get3A_66 = vector.load %arg11[%get3A_64, %get3A_65] : memref<5000x1xf32, #tpu.memory_space<vmem>>, vector<5000x1xf32>
      %dot_general3A_67 = arith.constant dense<0.000000e+00> : vector<64x1xf32>
      %dot_general3A_68 = tpu.matmul %convert_element_type3A_63, %get3A_66, %dot_general3A_67 {dimension_numbers = #tpu.dot_dimension_numbers<[1], [0], [0], [1], [0, 0, 1, 1], [], []>, transpose_lhs_hint = false} : vector<64x5000xf32>, vector<5000x1xf32>, vector<64x1xf32> -> vector<64x1xf32>
      %sqrt3A = math.sqrt %dot_general3A_68 : vector<64x1xf32>
      %sub3A = arith.constant 1.000000e+00 : f32
      %sub3A_69 = vector.broadcast %sub3A : f32 to vector<64x1xf32>
      %sub3A_70 = arith.subf %sub3A_69, %dot_general3A_68 : vector<64x1xf32>
      %sqrt3A_71 = math.sqrt %sub3A_70 : vector<64x1xf32>
      %div3A = arith.divf %sqrt3A, %sqrt3A_71 : vector<64x1xf32>
      %broadcast_in_dim3A_72 = arith.constant 0.000000e+00 : f32
      %broadcast_in_dim3A_73 = vector.broadcast %broadcast_in_dim3A_72 : f32 to vector<1x1xf32>
      %slice3A = vector.extract_strided_slice %div3A {offsets = [0, 0], sizes = [63, 1], strides = [1, 1]} : vector<64x1xf32> to vector<63x1xf32>
      %concatenate3A = tpu.concatenate %broadcast_in_dim3A_73, %slice3A in 0 : vector<1x1xf32>, vector<63x1xf32> -> vector<64x1xf32>
      %sub3A_74 = arith.subf %div3A, %concatenate3A : vector<64x1xf32>
      %swap3A_75 = arith.constant 0 : index
      %swap3A_76 = arith.constant 0 : index
      %swap3A_77 = vector.load %arg17[%swap3A_75, %swap3A_76] : memref<64x1xf32, #tpu.memory_space<vmem>>, vector<64x1xf32>
      tpu.vector_store %arg17[%swap3A_75, %swap3A_76], %sub3A_74 {strides = array<i32>} : memref<64x1xf32, #tpu.memory_space<vmem>>, vector<64x1xf32>,
    } else {
    }
    return
  }
  func.func @transform_0(%arg0: i32) -> (i32, i32) {
    %c0_i32 = arith.constant 0 : i32
    %c0_i32_0 = arith.constant 0 : i32
    return %arg0, %c0_i32 : i32, i32
  }
  func.func @transform_1(%arg0: i32) -> (i32, i32) {
    %c0_i32 = arith.constant 0 : i32
    %c0_i32_0 = arith.constant 0 : i32
    return %arg0, %c0_i32 : i32, i32
  }
  func.func @transform_2(%arg0: i32) -> (i32, i32) {
    %c0_i32 = arith.constant 0 : i32
    %c0_i32_0 = arith.constant 0 : i32
    %c0_i32_1 = arith.constant 0 : i32
    return %c0_i32, %c0_i32_0 : i32, i32
  }
  func.func @transform_3(%arg0: i32) -> (i32, i32) {
    %c0_i32 = arith.constant 0 : i32
    %c0_i32_0 = arith.constant 0 : i32
    %c0_i32_1 = arith.constant 0 : i32
    return %c0_i32, %c0_i32_0 : i32, i32
  }
  func.func @transform_4(%arg0: i32) -> (i32, i32) {
    %c0_i32 = arith.constant 0 : i32
    %c0_i32_0 = arith.constant 0 : i32
    %c0_i32_1 = arith.constant 0 : i32
    return %c0_i32, %c0_i32_0 : i32, i32
  }
  func.func @transform_5(%arg0: i32) -> (i32, i32) {
    %c0_i32 = arith.constant 0 : i32
    %c0_i32_0 = arith.constant 0 : i32
    %c0_i32_1 = arith.constant 0 : i32
    return %c0_i32, %c0_i32_0 : i32, i32
  }
  func.func @transform_6(%arg0: i32) -> (i32, i32) {
    %c0_i32 = arith.constant 0 : i32
    %c0_i32_0 = arith.constant 0 : i32
    %c0_i32_1 = arith.constant 0 : i32
    return %c0_i32, %c0_i32_0 : i32, i32
  }
  func.func @transform_7(%arg0: i32) -> (i32, i32) {
    %c0_i32 = arith.constant 0 : i32
    %c0_i32_0 = arith.constant 0 : i32
    %c0_i32_1 = arith.constant 0 : i32
    return %c0_i32, %c0_i32_0 : i32, i32
  }
  func.func @transform_8(%arg0: i32) -> (i32, i32) {
    %c0_i32 = arith.constant 0 : i32
    %c0_i32_0 = arith.constant 0 : i32
    %c0_i32_1 = arith.constant 0 : i32
    return %c0_i32, %c0_i32_0 : i32, i32
  }
  func.func @transform_9(%arg0: i32) -> (i32, i32) {
    %c0_i32 = arith.constant 0 : i32
    %c0_i32_0 = arith.constant 0 : i32
    %c0_i32_1 = arith.constant 0 : i32
    return %c0_i32, %c0_i32_0 : i32, i32
  }
  func.func @transform_10(%arg0: i32) -> (i32, i32) {
    %c0_i32 = arith.constant 0 : i32
    %c0_i32_0 = arith.constant 0 : i32
    %c0_i32_1 = arith.constant 0 : i32
    return %c0_i32, %c0_i32_0 : i32, i32
  }
  func.func @transform_11(%arg0: i32) -> (i32, i32) {
    %c0_i32 = arith.constant 0 : i32
    %c0_i32_0 = arith.constant 0 : i32
    return %arg0, %c0_i32 : i32, i32
  }
  func.func @transform_12(%arg0: i32) -> (i32, i32) {
    %c0_i32 = arith.constant 0 : i32
    %c0_i32_0 = arith.constant 0 : i32
    return %arg0, %c0_i32 : i32, i32
  }
  func.func @transform_13(%arg0: i32) -> (i32, i32) {
    %c0_i32 = arith.constant 0 : i32
    %c0_i32_0 = arith.constant 0 : i32
    return %arg0, %c0_i32 : i32, i32
  }
  func.func @transform_14(%arg0: i32) -> (i32, i32) {
    %c0_i32 = arith.constant 0 : i32
    %c0_i32_0 = arith.constant 0 : i32
    return %arg0, %c0_i32 : i32, i32
  }
  func.func @transform_15(%arg0: i32) -> (i32, i32) {
    %c0_i32 = arith.constant 0 : i32
    %c0_i32_0 = arith.constant 0 : i32
    %c0_i32_1 = arith.constant 0 : i32
    return %c0_i32, %c0_i32_0 : i32, i32
  }
  func.func @transform_16(%arg0: i32) -> (i32, i32) {
    %c0_i32 = arith.constant 0 : i32
    %c0_i32_0 = arith.constant 0 : i32
    %c0_i32_1 = arith.constant 0 : i32
    return %c0_i32, %c0_i32_0 : i32, i32
  }
}

module attributes {stable_mosaic.version = 14 : i64} {
  func.func @_mlp_body(%arg0: i32, %arg1: memref<6400x128xf32, #tpu.memory_space<vmem>>, %arg2: memref<6400x128xf32, #tpu.memory_space<vmem>>, %arg3: memref<1x50x128xi32, #tpu.memory_space<vmem>>, %arg4: memref<1x50x128xi32, #tpu.memory_space<vmem>>, %arg5: memref<6400x50xf32, #tpu.memory_space<vmem>>, %arg6: memref<50x6400xf32, #tpu.memory_space<vmem>>, %arg7: memref<6400x128xf32, #tpu.memory_space<vmem>>, %arg8: memref<1x64xf32, #tpu.memory_space<vmem>>, %arg9: memref<64x1xf32, #tpu.memory_space<vmem>>, %arg10: memref<128x64xf32, #tpu.memory_space<vmem>>, %arg11: memref<1x64xf32, #tpu.memory_space<vmem>>, %arg12: memref<128x64xf32, #tpu.memory_space<vmem>>, %arg13: memref<1x64xf32, #tpu.memory_space<vmem>>, %arg14: memref<128x2xf32, #tpu.memory_space<vmem>>, %arg15: memref<1x2xf32, #tpu.memory_space<vmem>>, %arg16: memref<1x50x128xf32, #tpu.memory_space<vmem>>, %arg17: memref<1x50x128xf32, #tpu.memory_space<vmem>>) attributes {dimension_semantics = [#tpu.dimension_semantics<arbitrary>], iteration_bounds = array<i64: 50>, scalar_prefetch = 0 : i64, scratch_operands = 0 : i64, tpu.core_type = #tpu.core_type<tc>, window_params = [{transform_indices = @transform_0, window_bounds = array<i64: 6400, 128>}, {transform_indices = @transform_1, window_bounds = array<i64: 6400, 128>}, {transform_indices = @transform_2, window_bounds = array<i64: 1, 50, 128>}, {transform_indices = @transform_3, window_bounds = array<i64: 1, 50, 128>}, {pipeline_mode = #tpu.pipeline_mode<synchronous>, transform_indices = @transform_4, window_bounds = array<i64: 6400, 50>}, {pipeline_mode = #tpu.pipeline_mode<synchronous>, transform_indices = @transform_5, window_bounds = array<i64: 50, 6400>}, {pipeline_mode = #tpu.pipeline_mode<synchronous>, transform_indices = @transform_6, window_bounds = array<i64: 6400, 128>}, {pipeline_mode = #tpu.pipeline_mode<synchronous>, transform_indices = @transform_7, window_bounds = array<i64: 1, 64>}, {pipeline_mode = #tpu.pipeline_mode<synchronous>, transform_indices = @transform_8, window_bounds = array<i64: 64, 1>}, {pipeline_mode = #tpu.pipeline_mode<synchronous>, transform_indices = @transform_9, window_bounds = array<i64: 128, 64>}, {pipeline_mode = #tpu.pipeline_mode<synchronous>, transform_indices = @transform_10, window_bounds = array<i64: 1, 64>}, {pipeline_mode = #tpu.pipeline_mode<synchronous>, transform_indices = @transform_11, window_bounds = array<i64: 128, 64>}, {pipeline_mode = #tpu.pipeline_mode<synchronous>, transform_indices = @transform_12, window_bounds = array<i64: 1, 64>}, {pipeline_mode = #tpu.pipeline_mode<synchronous>, transform_indices = @transform_13, window_bounds = array<i64: 128, 2>}, {pipeline_mode = #tpu.pipeline_mode<synchronous>, transform_indices = @transform_14, window_bounds = array<i64: 1, 2>}, {transform_indices = @transform_15, window_bounds = array<i64: 1, 50, 128>}, {transform_indices = @transform_16, window_bounds = array<i64: 1, 50, 128>}]} {
    %get3A = arith.constant 0 : index
    %get3A_0 = arith.constant 0 : index
    %get3A_1 = vector.load %arg1[%get3A, %get3A_0] : memref<6400x128xf32, #tpu.memory_space<vmem>>, vector<6400x128xf32>
    %max3A = arith.constant 0.000000e+00 : f32
    %max3A_2 = vector.broadcast %max3A : f32 to vector<6400x128xf32>
    %max3A_3 = arith.maximumf %get3A_1, %max3A_2 : vector<6400x128xf32>
    %get3A_4 = arith.constant 0 : index
    %get3A_5 = arith.constant 0 : index
    %get3A_6 = vector.load %arg10[%get3A_4, %get3A_5] : memref<128x64xf32, #tpu.memory_space<vmem>>, vector<128x64xf32>
    %dot_general3A = arith.constant dense<0.000000e+00> : vector<6400x64xf32>
    %dot_general3A_7 = tpu.matmul %max3A_3, %get3A_6, %dot_general3A {dimension_numbers = #tpu.dot_dimension_numbers<[1], [0], [0], [1], [0, 0, 1, 1], [], []>, transpose_lhs_hint = false} : vector<6400x128xf32>, vector<128x64xf32>, vector<6400x64xf32> -> vector<6400x64xf32>
    %get3A_8 = arith.constant 0 : index
    %get3A_9 = arith.constant 0 : index
    %get3A_10 = vector.load %arg11[%get3A_8, %get3A_9] : memref<1x64xf32, #tpu.memory_space<vmem>>, vector<1x64xf32>
    %add3A = vector.broadcast %get3A_10 : vector<1x64xf32> to vector<6400x64xf32>
    %add3A_11 = arith.addf %dot_general3A_7, %add3A : vector<6400x64xf32>
    %max3A_12 = arith.constant 0.000000e+00 : f32
    %max3A_13 = vector.broadcast %max3A_12 : f32 to vector<6400x64xf32>
    %max3A_14 = arith.maximumf %add3A_11, %max3A_13 : vector<6400x64xf32>
    %get3A_15 = arith.constant 0 : index
    %get3A_16 = arith.constant 0 : index
    %get3A_17 = vector.load %arg2[%get3A_15, %get3A_16] : memref<6400x128xf32, #tpu.memory_space<vmem>>, vector<6400x128xf32>
    %max3A_18 = arith.constant 0.000000e+00 : f32
    %max3A_19 = vector.broadcast %max3A_18 : f32 to vector<6400x128xf32>
    %max3A_20 = arith.maximumf %get3A_17, %max3A_19 : vector<6400x128xf32>
    %get3A_21 = arith.constant 0 : index
    %get3A_22 = arith.constant 0 : index
    %get3A_23 = vector.load %arg12[%get3A_21, %get3A_22] : memref<128x64xf32, #tpu.memory_space<vmem>>, vector<128x64xf32>
    %dot_general3A_24 = arith.constant dense<0.000000e+00> : vector<6400x64xf32>
    %dot_general3A_25 = tpu.matmul %max3A_20, %get3A_23, %dot_general3A_24 {dimension_numbers = #tpu.dot_dimension_numbers<[1], [0], [0], [1], [0, 0, 1, 1], [], []>, transpose_lhs_hint = false} : vector<6400x128xf32>, vector<128x64xf32>, vector<6400x64xf32> -> vector<6400x64xf32>
    %get3A_26 = arith.constant 0 : index
    %get3A_27 = arith.constant 0 : index
    %get3A_28 = vector.load %arg13[%get3A_26, %get3A_27] : memref<1x64xf32, #tpu.memory_space<vmem>>, vector<1x64xf32>
    %add3A_29 = vector.broadcast %get3A_28 : vector<1x64xf32> to vector<6400x64xf32>
    %add3A_30 = arith.addf %dot_general3A_25, %add3A_29 : vector<6400x64xf32>
    %max3A_31 = arith.constant 0.000000e+00 : f32
    %max3A_32 = vector.broadcast %max3A_31 : f32 to vector<6400x64xf32>
    %max3A_33 = arith.maximumf %add3A_30, %max3A_32 : vector<6400x64xf32>
    %concatenate3A = tpu.concatenate %max3A_14, %max3A_33 in 1 : vector<6400x64xf32>, vector<6400x64xf32> -> vector<6400x128xf32>
    %get3A_34 = arith.constant 0 : index
    %get3A_35 = arith.constant 0 : index
    %get3A_36 = vector.load %arg14[%get3A_34, %get3A_35] : memref<128x2xf32, #tpu.memory_space<vmem>>, vector<128x2xf32>
    %dot_general3A_37 = arith.constant dense<0.000000e+00> : vector<6400x2xf32>
    %dot_general3A_38 = tpu.matmul %concatenate3A, %get3A_36, %dot_general3A_37 {dimension_numbers = #tpu.dot_dimension_numbers<[1], [0], [0], [1], [0, 0, 1, 1], [], []>, transpose_lhs_hint = false} : vector<6400x128xf32>, vector<128x2xf32>, vector<6400x2xf32> -> vector<6400x2xf32>
    %get3A_39 = arith.constant 0 : index
    %get3A_40 = arith.constant 0 : index
    %get3A_41 = vector.load %arg15[%get3A_39, %get3A_40] : memref<1x2xf32, #tpu.memory_space<vmem>>, vector<1x2xf32>
    %add3A_42 = vector.broadcast %get3A_41 : vector<1x2xf32> to vector<6400x2xf32>
    %add3A_43 = arith.addf %dot_general3A_38, %add3A_42 : vector<6400x2xf32>
    %slice3A = vector.extract_strided_slice %add3A_43 {offsets = [0, 0], sizes = [6400, 1], strides = [1, 1]} : vector<6400x2xf32> to vector<6400x1xf32>
    %slice3A_44 = vector.extract_strided_slice %add3A_43 {offsets = [0, 1], sizes = [6400, 1], strides = [1, 1]} : vector<6400x2xf32> to vector<6400x1xf32>
    %get3A_45 = arith.constant 0 : index
    %get3A_46 = arith.constant 0 : index
    %get3A_47 = arith.constant 0 : index
    %get3A_48 = vector.load %arg3[%get3A_45, %get3A_46, %get3A_47] : memref<1x50x128xi32, #tpu.memory_space<vmem>>, vector<1x50x128xi32>
    %get3A_49 = vector.shape_cast %get3A_48 : vector<1x50x128xi32> to vector<50x128xi32>
    %convert_element_type3A = arith.sitofp %get3A_49 : vector<50x128xi32> to vector<50x128xf32>
    %get3A_50 = arith.constant 0 : index
    %get3A_51 = arith.constant 0 : index
    %get3A_52 = arith.constant 0 : index
    %get3A_53 = vector.load %arg4[%get3A_50, %get3A_51, %get3A_52] : memref<1x50x128xi32, #tpu.memory_space<vmem>>, vector<1x50x128xi32>
    %get3A_54 = vector.shape_cast %get3A_53 : vector<1x50x128xi32> to vector<50x128xi32>
    %get3A_55 = arith.constant 0 : index
    %get3A_56 = arith.constant 0 : index
    %get3A_57 = vector.load %arg5[%get3A_55, %get3A_56] : memref<6400x50xf32, #tpu.memory_space<vmem>>, vector<6400x50xf32>
    %get3A_58 = arith.constant 0 : index
    %get3A_59 = arith.constant 0 : index
    %get3A_60 = vector.load %arg6[%get3A_58, %get3A_59] : memref<50x6400xf32, #tpu.memory_space<vmem>>, vector<50x6400xf32>
    %get3A_61 = arith.constant 0 : index
    %get3A_62 = arith.constant 0 : index
    %get3A_63 = vector.load %arg7[%get3A_61, %get3A_62] : memref<6400x128xf32, #tpu.memory_space<vmem>>, vector<6400x128xf32>
    %dot_general3A_64 = arith.constant dense<0.000000e+00> : vector<6400x128xf32>
    %dot_general3A_65 = tpu.matmul %get3A_57, %convert_element_type3A, %dot_general3A_64 {dimension_numbers = #tpu.dot_dimension_numbers<[1], [0], [0], [1], [0, 0, 1, 1], [], []>, transpose_lhs_hint = false} : vector<6400x50xf32>, vector<50x128xf32>, vector<6400x128xf32> -> vector<6400x128xf32>
    %mul3A = arith.mulf %dot_general3A_65, %get3A_63 : vector<6400x128xf32>
    %reduce_sum3A = arith.constant dense<0.000000e+00> : vector<6400xf32>
    %reduce_sum3A_66 = vector.multi_reduction <add>, %mul3A, %reduce_sum3A [1] : vector<6400x128xf32> to vector<6400xf32>
    %broadcast_in_dim3A = vector.shape_cast %reduce_sum3A_66 : vector<6400xf32> to vector<6400x1xf32>
    %get3A_67 = arith.constant 0 : index
    %get3A_68 = arith.constant 0 : index
    %get3A_69 = vector.load %arg8[%get3A_67, %get3A_68] : memref<1x64xf32, #tpu.memory_space<vmem>>, vector<1x64xf32>
    %ge3A = vector.broadcast %broadcast_in_dim3A : vector<6400x1xf32> to vector<6400x64xf32>
    %ge3A_70 = vector.broadcast %get3A_69 : vector<1x64xf32> to vector<6400x64xf32>
    %ge3A_71 = arith.cmpf oge, %ge3A, %ge3A_70 : vector<6400x64xf32>
    %convert_element_type3A_72 = arith.extui %ge3A_71 : vector<6400x64xi1> to vector<6400x64xi32>
    %convert_element_type3A_73 = arith.sitofp %convert_element_type3A_72 : vector<6400x64xi32> to vector<6400x64xf32>
    %get3A_74 = arith.constant 0 : index
    %get3A_75 = arith.constant 0 : index
    %get3A_76 = vector.load %arg9[%get3A_74, %get3A_75] : memref<64x1xf32, #tpu.memory_space<vmem>>, vector<64x1xf32>
    %dot_general3A_77 = arith.constant dense<0.000000e+00> : vector<6400x1xf32>
    %dot_general3A_78 = tpu.matmul %convert_element_type3A_73, %get3A_76, %dot_general3A_77 {dimension_numbers = #tpu.dot_dimension_numbers<[1], [0], [0], [1], [0, 0, 1, 1], [], []>, transpose_lhs_hint = false} : vector<6400x64xf32>, vector<64x1xf32>, vector<6400x1xf32> -> vector<6400x1xf32>
    %gt3A = arith.constant 0 : i32
    %gt3A_79 = vector.broadcast %gt3A : i32 to vector<50x128xi32>
    %gt3A_80 = arith.cmpi sgt, %get3A_54, %gt3A_79 : vector<50x128xi32>
    %convert_element_type3A_81 = arith.extui %gt3A_80 : vector<50x128xi1> to vector<50x128xi32>
    %convert_element_type3A_82 = arith.sitofp %convert_element_type3A_81 : vector<50x128xi32> to vector<50x128xf32>
    %mul3A_83 = arith.mulf %slice3A, %dot_general3A_78 : vector<6400x1xf32>
    %mul3A_84 = vector.broadcast %mul3A_83 : vector<6400x1xf32> to vector<6400x128xf32>
    %mul3A_85 = arith.mulf %mul3A_84, %get3A_63 : vector<6400x128xf32>
    %dot_general3A_86 = arith.constant dense<0.000000e+00> : vector<50x128xf32>
    %dot_general3A_87 = tpu.matmul %get3A_60, %mul3A_85, %dot_general3A_86 {dimension_numbers = #tpu.dot_dimension_numbers<[1], [0], [0], [1], [0, 0, 1, 1], [], []>, transpose_lhs_hint = false} : vector<50x6400xf32>, vector<6400x128xf32>, vector<50x128xf32> -> vector<50x128xf32>
    %swap3A = arith.constant 0 : index
    %swap3A_88 = arith.constant 0 : index
    %swap3A_89 = arith.constant 0 : index
    %swap3A_90 = vector.load %arg16[%swap3A, %swap3A_88, %swap3A_89] : memref<1x50x128xf32, #tpu.memory_space<vmem>>, vector<1x50x128xf32>
    %swap3A_91 = vector.shape_cast %swap3A_90 : vector<1x50x128xf32> to vector<50x128xf32>
    %swap3A_92 = vector.shape_cast %dot_general3A_87 : vector<50x128xf32> to vector<1x50x128xf32>
    tpu.vector_store %arg16[%swap3A, %swap3A_88, %swap3A_89], %swap3A_92 {strides = array<i32>} : memref<1x50x128xf32, #tpu.memory_space<vmem>>, vector<1x50x128xf32>,
    %mul3A_93 = vector.broadcast %slice3A_44 : vector<6400x1xf32> to vector<6400x128xf32>
    %mul3A_94 = arith.mulf %mul3A_93, %get3A_63 : vector<6400x128xf32>
    %dot_general3A_95 = arith.constant dense<0.000000e+00> : vector<50x128xf32>
    %dot_general3A_96 = tpu.matmul %get3A_60, %mul3A_94, %dot_general3A_95 {dimension_numbers = #tpu.dot_dimension_numbers<[1], [0], [0], [1], [0, 0, 1, 1], [], []>, transpose_lhs_hint = false} : vector<50x6400xf32>, vector<6400x128xf32>, vector<50x128xf32> -> vector<50x128xf32>
    %mul3A_97 = arith.mulf %dot_general3A_96, %convert_element_type3A_82 : vector<50x128xf32>
    %swap3A_98 = arith.constant 0 : index
    %swap3A_99 = arith.constant 0 : index
    %swap3A_100 = arith.constant 0 : index
    %swap3A_101 = vector.load %arg17[%swap3A_98, %swap3A_99, %swap3A_100] : memref<1x50x128xf32, #tpu.memory_space<vmem>>, vector<1x50x128xf32>
    %swap3A_102 = vector.shape_cast %swap3A_101 : vector<1x50x128xf32> to vector<50x128xf32>
    %swap3A_103 = vector.shape_cast %mul3A_97 : vector<50x128xf32> to vector<1x50x128xf32>
    tpu.vector_store %arg17[%swap3A_98, %swap3A_99, %swap3A_100], %swap3A_103 {strides = array<i32>} : memref<1x50x128xf32, #tpu.memory_space<vmem>>, vector<1x50x128xf32>,
    return
  }
  func.func @transform_0(%arg0: i32) -> (i32, i32) {
    %c0_i32 = arith.constant 0 : i32
    %c0_i32_0 = arith.constant 0 : i32
    return %arg0, %c0_i32 : i32, i32
  }
  func.func @transform_1(%arg0: i32) -> (i32, i32) {
    %c0_i32 = arith.constant 0 : i32
    %c0_i32_0 = arith.constant 0 : i32
    return %arg0, %c0_i32 : i32, i32
  }
  func.func @transform_2(%arg0: i32) -> (i32, i32, i32) {
    %c0_i32 = arith.constant 0 : i32
    %c0_i32_0 = arith.constant 0 : i32
    %c0_i32_1 = arith.constant 0 : i32
    return %arg0, %c0_i32, %c0_i32_0 : i32, i32, i32
  }
  func.func @transform_3(%arg0: i32) -> (i32, i32, i32) {
    %c0_i32 = arith.constant 0 : i32
    %c0_i32_0 = arith.constant 0 : i32
    %c0_i32_1 = arith.constant 0 : i32
    return %arg0, %c0_i32, %c0_i32_0 : i32, i32, i32
  }
  func.func @transform_4(%arg0: i32) -> (i32, i32) {
    %c0_i32 = arith.constant 0 : i32
    %c0_i32_0 = arith.constant 0 : i32
    %c0_i32_1 = arith.constant 0 : i32
    return %c0_i32, %c0_i32_0 : i32, i32
  }
  func.func @transform_5(%arg0: i32) -> (i32, i32) {
    %c0_i32 = arith.constant 0 : i32
    %c0_i32_0 = arith.constant 0 : i32
    %c0_i32_1 = arith.constant 0 : i32
    return %c0_i32, %c0_i32_0 : i32, i32
  }
  func.func @transform_6(%arg0: i32) -> (i32, i32) {
    %c0_i32 = arith.constant 0 : i32
    %c0_i32_0 = arith.constant 0 : i32
    %c0_i32_1 = arith.constant 0 : i32
    return %c0_i32, %c0_i32_0 : i32, i32
  }
  func.func @transform_7(%arg0: i32) -> (i32, i32) {
    %c0_i32 = arith.constant 0 : i32
    %c0_i32_0 = arith.constant 0 : i32
    %c0_i32_1 = arith.constant 0 : i32
    return %c0_i32, %c0_i32_0 : i32, i32
  }
  func.func @transform_8(%arg0: i32) -> (i32, i32) {
    %c0_i32 = arith.constant 0 : i32
    %c0_i32_0 = arith.constant 0 : i32
    %c0_i32_1 = arith.constant 0 : i32
    return %c0_i32, %c0_i32_0 : i32, i32
  }
  func.func @transform_9(%arg0: i32) -> (i32, i32) {
    %c0_i32 = arith.constant 0 : i32
    %c0_i32_0 = arith.constant 0 : i32
    %c0_i32_1 = arith.constant 0 : i32
    return %c0_i32, %c0_i32_0 : i32, i32
  }
  func.func @transform_10(%arg0: i32) -> (i32, i32) {
    %c0_i32 = arith.constant 0 : i32
    %c0_i32_0 = arith.constant 0 : i32
    %c0_i32_1 = arith.constant 0 : i32
    return %c0_i32, %c0_i32_0 : i32, i32
  }
  func.func @transform_11(%arg0: i32) -> (i32, i32) {
    %c0_i32 = arith.constant 0 : i32
    %c0_i32_0 = arith.constant 0 : i32
    %c0_i32_1 = arith.constant 0 : i32
    return %c0_i32, %c0_i32_0 : i32, i32
  }
  func.func @transform_12(%arg0: i32) -> (i32, i32) {
    %c0_i32 = arith.constant 0 : i32
    %c0_i32_0 = arith.constant 0 : i32
    %c0_i32_1 = arith.constant 0 : i32
    return %c0_i32, %c0_i32_0 : i32, i32
  }
  func.func @transform_13(%arg0: i32) -> (i32, i32) {
    %c0_i32 = arith.constant 0 : i32
    %c0_i32_0 = arith.constant 0 : i32
    %c0_i32_1 = arith.constant 0 : i32
    return %c0_i32, %c0_i32_0 : i32, i32
  }
  func.func @transform_14(%arg0: i32) -> (i32, i32) {
    %c0_i32 = arith.constant 0 : i32
    %c0_i32_0 = arith.constant 0 : i32
    %c0_i32_1 = arith.constant 0 : i32
    return %c0_i32, %c0_i32_0 : i32, i32
  }
  func.func @transform_15(%arg0: i32) -> (i32, i32, i32) {
    %c0_i32 = arith.constant 0 : i32
    %c0_i32_0 = arith.constant 0 : i32
    %c0_i32_1 = arith.constant 0 : i32
    return %arg0, %c0_i32, %c0_i32_0 : i32, i32, i32
  }
  func.func @transform_16(%arg0: i32) -> (i32, i32, i32) {
    %c0_i32 = arith.constant 0 : i32
    %c0_i32_0 = arith.constant 0 : i32
    %c0_i32_1 = arith.constant 0 : i32
    return %arg0, %c0_i32, %c0_i32_0 : i32, i32, i32
  }
}

</mosaic_0001>

<sc_bundles>
// kernel: kernel.10.cloned.1.call-start
scs
__scs_entry_jumppad:
0x0: {  	(pc) =	sbr.rel $0x88, $3  }
0x1: {  	(tag) =	ssettag $0x0;
	lr =	simm.s32 $0x1  }
0x2: {  	[smem:$0x3F85] =	sst lr;
	_ =	strace $0xD0000000  }
0x3: {  	_ = 	snop  }
0x4: {  	_ = 	snop  }
0x5: {  	_ = 	snop  }
0x6: {  	_ = 	snop  }
0x7: {  	_ = 	snop  }
__scs_overlays_trampoline_lowered:
0x8: {  	[smem:$0x3F94] =	sst s0  }
0x9: {  	[smem:$0x3F95] =	sst s1  }
0xa: {  	[smem:$0x3F96] =	sst s2  }
0xb: {  	[smem:$0x3F97] =	sst s3  }
0xc: {  	[smem:$0x3F98] =	sst s4  }
0xd: {  	[smem:$0x3F99] =	sst s5  }
0xe: {  	[smem:$0x3F9A] =	sst s6  }
0xf: {  	[smem:$0x3F9B] =	sst s7  }
0x10: {  	[smem:$0x3F9C] =	sst s8  }
0x11: {  	[smem:$0x3F9D] =	sst s9;
	s0 =	simm.s32 @!p0 $0x0  }
0x12: {  	s1 =	sld [smem:$0x3F83];
	s0 =	simm.s32 @p0 $0x1  }
0x13: {  	[smem:$0x3F9E] =	sst s0;
	s0 =	simm.s32 @!p1 $0x0  }
0x14: {  	s2 =	sld [smem:$0x3F82];
	s0 =	simm.s32 @p1 $0x1  }
0x15: {  	[smem:$0x3F9F] =	sst s0;
	s0 =	simm.s32 @!p2 $0x0  }
0x16: {  	s3 =	sld [smem:$0x3FDB];
	s0 =	simm.s32 @p2 $0x1  }
0x17: {  	s4 =	simm.s32 $0x1BF5;
	[smem:$0x3FA1] =	sst s0  }
0x18: {  	s0 =	sld [smem:$0x3F84];
	_ =	swait.ge [sflag:s4], $0x0  }
0x19: {  	s7 =	sld [smem:$0x3F85]  }
0x1a: {  	s8 =	sadd.s32 $0xFFFFE003, lr  }
0x1b: {  	s9 =	sadd.s32 $0xFFFFFEF7, lr;
	s5 =	simm.s32 $0xFFFFFFFF;
	p2 =	slt.u32 s8, $0xFFFFF086  }
0x1c: {  	p1 =	slt.u32 s9, $0xF7A;
	s5 =	simm.s32 @!p2 $0x0  }
0x1d: {  	s5 =	simm.s32 @p1 $0x1;
	p0 =	seq.s32 s7, s2  }
0x1e: {  	s7 =	smul.u32 @!p0 $0xF7A, s2;
	p2 =	seq.s32 @!p0 s5, $0x0  }
0x1f: {  	s9 =	smul.u32 $0xF7A, s1;
	s8 =	simm.s32 @!p0 $0x1BF5;
	p2 =	por !p2, p0  }
0x20: {  	[sflag:s8] =	ssyncset.s32 @!p0 $0xFFFFF086;
	s6 =	sadd.s32 @!p0 s3, s7;
	s7 =	simm.s32 @!p0 $0x108  }
0x21: {  	s3 =	sadd.s32 s3, s9;
	s6 =	sadd.s32 @!p0 $0x88, s6;
	s7 =	simm.s32 @p2 $0x1082  }
0x22: {  	[simem:s7], [sflag:s8] =	dma.local @!p0 [hbm:s6], $0xF7A  }
0x23: {  	s9 =	sor.u32 $0xD0000000, s2;
	s6 =	simm.s32 $0x108;
	_ =	swait.ge @!p0 [sflag:s8], $0x0  }
0x24: {  	s3 =	sadd.s32 $0x88, s3;
	s6 =	simm.s32 @!p1 $0x1082;
	[sflag:s4] =	ssyncset.s32 $0xFFFFF086  }
0x25: {  	[simem:s6], [sflag:s4] =	dma.local [hbm:s3], $0xF7A  }
0x26: {  	[smem:$0x3F85] =	sst s1;
	(tag) =	ssettag s2;
	_ =	strace s9  }
0x27: {  	s1 =	sld [smem:$0x3F95]  }
0x28: {  	s2 =	sld [smem:$0x3F96]  }
0x29: {  	s4 =	sld [smem:$0x3F98]  }
0x2a: {  	p0 =	seq.s32 s5, $0x0;
	s5 =	sld [smem:$0x3F99]  }
0x2b: {  	s6 =	sld [smem:$0x3F9A]  }
0x2c: {  	s7 =	sld [smem:$0x3F9B]  }
0x2d: {  	s3 =	simm.s32 $0x108;
	s8 =	sld [smem:$0x3F9C]  }
0x2e: {  	s3 =	simm.s32 @!p0 $0x1082;
	s9 =	sld [smem:$0x3F9D]  }
0x2f: {  	lr =	sadd.s32 s0, s3;
	s0 =	sld [smem:$0x3F94]  }
0x30: {  	s3 =	sld [smem:$0x3F97]  }
0x31: {  	[smem:$0x3FA0] =	sst s10  }
0x32: {  	s10 =	sld [smem:$0x3F9E];
	_ =	sdelay $0x3  }
0x33: {  	p0 =	seq.s32 s10, $0x1;
	s10 =	sld [smem:$0x3FA0];
	_ =	sdelay $0x3  }
0x34: {  	[smem:$0x3FA0] =	sst s10  }
0x35: {  	s10 =	sld [smem:$0x3F9F];
	_ =	sdelay $0x3  }
0x36: {  	p1 =	seq.s32 s10, $0x1;
	s10 =	sld [smem:$0x3FA0];
	_ =	sdelay $0x3  }
0x37: {  	[smem:$0x3FA0] =	sst s10  }
0x38: {  	s10 =	sld [smem:$0x3FA1]  }
0x39: {  	_ = 	snop;
	(pc) =	sbr.ind lr, $3  }
0x3a: {  	_ = 	snop  }
0x3b: {  	_ = 	snop  }
0x3c: {  	p2 =	seq.s32 s10, $0x1;
	s10 =	sld [smem:$0x3FA0]  }
0x3d: {  	_ =	shalt  }
0x3e: {  	_ =	shalt  }
0x3f: {  	_ =	shalt  }
0x40: {  	_ =	shalt  }
0x41: {  	_ =	shalt  }
0x42: {  	_ =	shalt  }
0x43: {  	_ =	shalt  }
0x44: {  	_ =	shalt  }
0x45: {  	_ =	shalt  }
0x46: {  	_ =	shalt  }
0x47: {  	_ =	shalt  }
0x48: {  	_ =	shalt  }
0x49: {  	_ =	shalt  }
0x4a: {  	_ =	shalt  }
0x4b: {  	_ =	shalt  }
0x4c: {  	_ =	shalt  }
0x4d: {  	_ =	shalt  }
0x4e: {  	_ =	shalt  }
0x4f: {  	_ =	shalt  }
0x50: {  	_ =	shalt  }
0x51: {  	_ =	shalt  }
0x52: {  	_ =	shalt  }
0x53: {  	_ =	shalt  }
0x54: {  	_ =	shalt  }
0x55: {  	_ =	shalt  }
0x56: {  	_ =	shalt  }
0x57: {  	_ =	shalt  }
0x58: {  	_ =	shalt  }
0x59: {  	_ =	shalt  }
0x5a: {  	_ =	shalt  }
0x5b: {  	_ =	shalt  }
0x5c: {  	_ =	shalt  }
0x5d: {  	_ =	shalt  }
0x5e: {  	_ =	shalt  }
0x5f: {  	_ =	shalt  }
0x60: {  	_ =	shalt  }
0x61: {  	_ =	shalt  }
0x62: {  	_ =	shalt  }
0x63: {  	_ =	shalt  }
0x64: {  	_ =	shalt  }
0x65: {  	_ =	shalt  }
0x66: {  	_ =	shalt  }
0x67: {  	_ =	shalt  }
0x68: {  	_ =	shalt  }
0x69: {  	_ =	shalt  }
0x6a: {  	_ =	shalt  }
0x6b: {  	_ =	shalt  }
0x6c: {  	_ =	shalt  }
0x6d: {  	_ =	shalt  }
0x6e: {  	_ =	shalt  }
0x6f: {  	_ =	shalt  }
0x70: {  	_ =	shalt  }
0x71: {  	_ =	shalt  }
0x72: {  	_ =	shalt  }
0x73: {  	_ =	shalt  }
0x74: {  	_ =	shalt  }
0x75: {  	_ =	shalt  }
0x76: {  	_ =	shalt  }
0x77: {  	_ =	shalt  }
0x78: {  	_ =	shalt  }
0x79: {  	_ =	shalt  }
0x7a: {  	_ =	shalt  }
0x7b: {  	_ =	shalt  }
0x7c: {  	_ =	shalt  }
0x7d: {  	_ =	shalt  }
0x7e: {  	_ =	shalt  }
0x7f: {  	_ =	shalt  }
0x80: {  	_ =	shalt  }
0x81: {  	_ =	shalt  }
0x82: {  	_ =	shalt  }
0x83: {  	_ =	shalt  }
0x84: {  	_ =	shalt  }
0x85: {  	_ =	shalt  }
0x86: {  	_ =	shalt  }
0x87: {  	_ =	shalt  }
.Lfunc_end0:
.L_simem_size_0:
called_computation.1_lowered:
.L_overlay_start_0:
0x88: {  	s2 =	sld [smem:$0x3FD9]  }
0x89: {  	s3 =	sld [smem:$0x3FFE];
	_ =	sdelay $0x1  }
0x8a: {  	s1 =	srdreg.scid  }
0x8b: {  	s0 =	sand.u32 $0x1, s1  }
0x8c: {  	s17 =	sshll.u32 s0, $0xA;
	s2 =	sadd.s32 s3, s2  }
0x8d: {  	s2 =	sadd.s32 s2, s17  }
0x8e: {  	[smem:$0x3FAC] =	sst s2  }
0x8f: {  	_ = 	snop  }
0x90: {  	s2 =	sld [smem:$0x3FD0];
	(tm) =	ssettm $0x1  }
0x91: {  	s18 =	sld [smem:$0x3FFB];
	_ =	sdelay $0x3  }
0x92: {  	_ =	strace s18  }
0x93: {  	s3 =	sld [smem:$0x3FFC];
	_ =	sdelay $0x3  }
0x94: {  	_ =	strace s3  }
0x95: {  	s3 =	sld [smem:$0x3FFD];
	_ =	sdelay $0x3  }
0x96: {  	_ =	strace s3  }
0x97: {  	_ =	strace $0x8FFFFFFF  }
0x98: {  	s19 =	sld [smem:$0x3FDB];
	_ =	sdelay $0x1  }
0x99: {  	s4 =	simm.s32 $_scs_section_size  }
0x9a: {  	s5 =	simm.s32 $_size__tile_overlayer_lowered;
	s6 =	simm.s32 $_tile_overlayer_lowered  }
0x9b: {  	s22 =	simm.s32 $0x1BFF;
	s21 =	sshll.u32 s6, $0x1;
	s3 =	sadd.s32 s4, s19  }
0x9c: {  	s7 =	simm.s32 $0x0;
	s20 =	sshll.u32 s5, $0x1;
	s5 =	sadd.s32 s21, s3  }
0x9d: {  	[timem:s7], [sflag:s22] =	dma.local [hbm:s5], s20  }
0x9e: {  	_ =	swait.ge [sflag:s22], s20  }
0x9f: {  	s4 =	ssub.s32 $0x0, s20;
	[sflag:s22] =	ssyncset.done $0x0  }
0xa0: {  	[sflag:s22] =	ssyncadd.s32 s4;
	_ =	sdelay $0x1  }
0xa1: {  	s23 =	simm.s32 $0x1B8B  }
0xa2: {  	_ =	swait.ge [sflag:s23], $0x1  }
0xa3: {  	[sflag:s23] =	ssyncset.done $0x0  }
0xa4: {  	s25 =	simm.s32 $0x1B8E;
	s24 =	sld [smem:$0x3FFE];
	[sflag:s23] =	ssyncadd.s32 $0xFFFFFFFF  }
0xa5: {  	s26 =	simm.s32 $execute0_lowered;
	[smem:$0x3FD2] =	sst s25  }
0xa6: {  	s5 =	sshll.u32 s26, $0x1;
	_ =	strace $0x80000049;
	[dreg:$0x1] =	wrdreg $0xFFFFFFFF  }
0xa7: {  	s28 =	simm.s32 $_size_execute0_lowered;
	s3 =	sadd.s32 s3, s5;
	[dreg:$0x0] =	wrdreg $0x0  }
0xa8: {  	s5 =	sshll.u32 s28, $0x1;
	[dreg:$0x2] =	wrdreg s3  }
0xa9: {  	[dreg:$0x3] =	wrdreg s5  }
0xaa: {  	[dreg:$0x4] =	wrdreg $0xC0  }
0xab: {  	_ =	task [dreg:s7], $0x5FFFF  }
0xac: {  	[dreg:$0x1] =	wrdreg $0xFFFFFFFF  }
0xad: {  	[dreg:$0x0] =	wrdreg $0x60  }
0xae: {  	[dreg:$0x2] =	wrdreg s24  }
0xaf: {  	[dreg:$0x3] =	wrdreg s2  }
0xb0: {  	[dreg:$0x4] =	wrdreg $0x9  }
0xb1: {  	_ =	task.clear_ibuf [dreg:s7], $0x5FFFF;
	_ =	strace $0x90000049  }
0xb2: {  	s29 =	simm.s32 $0x9;
	_ =	strace $0x8000004B  }
0xb3: {  	_ =	swait.ge [sflag:s29], $0x1  }
0xb4: {  	[sflag:s29] =	ssyncadd.s32 $0xFFFFFFFF  }
0xb5: {  	_ =	strace $0x9000004B  }
0xb6: {  	_ =	sfence  }
0xb7: {  	s30 =	sld [smem:$0x0];
	_ =	sdelay $0x2  }
0xb8: {  	s31 =	sshll.u32 s1, $0xD;
	s1 =	sshrl.u32 s1, $0x2  }
0xb9: {  	s3 =	sand.u32 $0x4000, s31;
	s1 =	sadd.s32 s1, s30  }
0xba: {  	s0 =	sor.u32 s3, s0;
	s1 =	sshll.u32 s1, $0x11  }
0xbb: {  	s0 =	sor.u32 s1, s0  }
0xbc: {  	s0 =	sadd.s32 $0x8F2B, s0  }
0xbd: {  	[sflag:s0] =	ssyncadd.remote.s32 $0x1  }
0xbe: {  	_ =	sfence.sel $0xFFFF  }
0xbf: {  	[dreg:$0x0] =	wrdreg $0xFFFFFFFF;
	(pc) =	sbr.abs _section_cstart, $3  }
0xc0: {  	[dreg:$0x1] =	wrdreg $0xFFFFFFFF  }
0xc1: {  	_ =	task.clear_ibuf [dreg:s7], $0x2FFFF;
	_ =	strace $0x9FFFFFFF  }
0xc2: {  	(tm) =	ssettm $0x7FFFFFFF  }
0xc3: {  	_ =	shalt  }
tec
execute0_lowered:
.L_overlay_start_1:
0x0: {  	(tag) =	ssettag $0x1  }
0x1: {  	s8 =	rddreg [dreg:$0x0]  }
0x2: {  	s9 =	rddreg [dreg:$0x1]  }
0x3: {  	s0 =	rddreg [dreg:$0x2]  }
0x4: {  	s1 =	simm.s32 $0x0;
	s5 =	srdreg.scid;
	s2 =	stileid.u32  }
0x5: {  	s15 =	simm.s32 $0x50;
	s16 =	simm.s32 $0x10000;
	s17 =	simm.s32 $0x15000  }
0x6: {  	s18 =	simm.s32 $0x1;
	s19 =	simm.s32 $0x12800;
	s20 =	simm.s32 $0x17800  }
0x7: {  	s21 =	simm.s32 $0x2;
	s22 =	simm.s32 $0x0;
	[smem:$0x7FF] =	sst s1  }
0x8: {  	s3 =	sadd.s32 $0x69E00, s8;
	s4 =	sadd.s32 $0x91000, s8;
	s10 =	sand.u32 $0x1, s5  }
0x9: {  	s5 =	sadd.s32 $0xB8200, s8;
	s11 =	sshll.u32 s2, $0xC;
	s6 =	sadd.s32 $0x42C00, s8  }
.Ltmp0:
0xa: {  	s7 =	sadd.s32 $0xDF400, s8;
	_ =	strace $0x8000004A;
	(pc) =	sbr.rel .LBB2_1-.Ltmp0, $4  }
0xb: {  	s12 =	ssub.s32 $0x2, s10;
	s13 =	sadd.s32 s11, s8;
	s8 =	sadd.s32 $0xA6EE00, s8  }
0xc: {  	p0 =	seq.s32 s10, $0x1;
	s9 =	sadd.s32 s9, s11;
	s14 =	sshrl.u32 s12, $0x1  }
0xd: {  	s11 =	smul.u32 $0x4E20, s2;
	s10 =	sadd.s32 $0xA5EE00, s13;
	s12 =	ssub.s32 s12, s14  }
0xe: {  	s13 =	simm.s32 $0x3;
	s14 =	simm.s32 $0x8000;
	s12 =	smax.u32 s12, $0x1  }
.LBB2_14:
0xf: {  	s22 =	sadd.s32 $0x1, s22  }
0x10: {  	_ =	swait.ge [sflag:s21], $0x2800;
	p1 =	sne.s32 s22, s12  }
.Ltmp1:
0x11: {  	[sflag:s21] =	ssyncset.done $0x0;
	(pc) =	sbr.rel @!p1 .LBB2_15-.Ltmp1, $4  }
0x12: {  	[sflag:s21] =	ssyncadd.s32 $0xFFFFD800  }
0x13: {  	_ =	swait.ge [sflag:s21], $0x2800  }
0x14: {  	[sflag:s21] =	ssyncset.done $0x0  }
0x15: {  	[sflag:s21] =	ssyncadd.s32 $0xFFFFD800  }
.LBB2_1:
0x16: {  	[tilespmem:s1], [sflag:$0x3] =	stream.linear.gather [hbm4b:s9+s1], $0x7D00, $0x38;
	[tilespmem:$0x1A000] =	vst v63  }
0x17: {  	_ =	swait.ge [sflag:s13], $0x7D00  }
0x18: {  	[sflag:s13] =	ssyncset.done $0x0  }
.Ltmp2:
0x19: {  	[sflag:s13] =	ssyncadd.s32 $0xFFFF8300;
	(pc) =	sbr.rel @!p0 .LBB2_2-.Ltmp2, $4  }
0x1a: {  	[tilespmem:s14], [sflag:$0x3] =	stream.linear.gather [hbm4b:s10+s1], $0x7D00, $0x38;
	[tilespmem:$0x1A000] =	vst v63  }
0x1b: {  	_ =	swait.ge [sflag:s13], $0x7D00  }
0x1c: {  	[sflag:s13] =	ssyncset.done $0x0  }
0x1d: {  	s23 =	simm.s32 $0x0;
	[sflag:s13] =	ssyncadd.s32 $0xFFFF8300  }
0x1e: {  	[tilespmem:s16], [sflag:$0x1] =	stream.indirect.gather [hbm4b:s5+s15], $0x80, s23, s15, $0xb8;
	[tilespmem:$0x1A000] =	vst v63  }
0x1f: {  	_ = 	snop  }
0x20: {  	[tilespmem:s17], [sflag:$0x1] =	stream.indirect.gather [hbm4b:s6+s15], $0x80, s14, s15, $0xb8;
	[tilespmem:$0x1A000] =	vst v63  }
.LBB2_9:
0x21: {  	_ =	swait.ge [sflag:s18], $0x2800  }
0x22: {  	[sflag:s18] =	ssyncset.done $0x0  }
0x23: {  	[sflag:s18] =	ssyncadd.s32 $0xFFFFD800  }
0x24: {  	_ =	swait.ge [sflag:s18], $0x2800  }
0x25: {  	p1 =	seq.s32 s23, $0x0;
	[sflag:s18] =	ssyncset.done $0x0  }
0x26: {  	s25 =	simm.s32 @!p1 $0x2;
	[sflag:s18] =	ssyncadd.s32 $0xFFFFD800  }
0x27: {  	_ =	swait.ge @!p1 [sflag:s25], $0x2800  }
0x28: {  	s24 =	sshllo.u32 s23, $0x1;
	[sflag:s25] =	ssyncset.done @!p1 $0x0  }
0x29: {  	s31 =	sshll.u32 s24, $0x7;
	[sflag:s25] =	ssyncadd.s32 @!p1 $0xFFFFD800  }
0x2a: {  	[tilespmem:s19], [sflag:$0x1] =	stream.indirect.gather [hbm4b:s5+s15], $0x80, s31, s15, $0xb8;
	[tilespmem:$0x1A000] =	vst v63  }
0x2b: {  	s25 =	sadd.s32 $0x8000, s31  }
0x2c: {  	[tilespmem:s20], [sflag:$0x1] =	stream.indirect.gather [hbm4b:s6+s15], $0x80, s25, s15, $0xb8;
	[tilespmem:$0x1A000] =	vst v63  }
0x2d: {  	s25 =	simm.s32 $0x10100  }
0x2e: {  	s26 =	simm.s32 $0x15100;
	v0 =	vld [tilespmem:s25+$0x80]  }
0x2f: {  	v1 =	vld [tilespmem:s26+$0x80]  }
0x30: {  	v2 =	vld [tilespmem:s25+$0xFFFFFF80]  }
0x31: {  	v3 =	vld [tilespmem:s26+$0xFFFFFF80]  }
0x32: {  	v4 =	vld [tilespmem:s25+$0x0]  }
0x33: {  	v5 =	vld [tilespmem:s26+$0x0]  }
0x34: {  	v6 =	vld [tilespmem:s25+$0xFFFFFF00];
	v0 =	vadd.f32 v1, v0  }
0x35: {  	v1 =	vld [tilespmem:s26+$0xFFFFFF00]  }
0x36: {  	[tilespmem:s25+$0x80] =	vst v0;
	v0 =	vld [tilespmem:s25+$0x90]  }
0x37: {  	v2 =	vadd.f32 v3, v2;
	v3 =	vld [tilespmem:s26+$0x90]  }
0x38: {  	v7 =	vld [tilespmem:s25+$0xFFFFFF10]  }
0x39: {  	[tilespmem:s25+$0xFFFFFF80] =	vst v2;
	v2 =	vadd.f32 v5, v4;
	v4 =	vld [tilespmem:s25+$0xFFFFFF90]  }
0x3a: {  	v5 =	vld [tilespmem:s26+$0xFFFFFF90];
	v1 =	vadd.f32 v1, v6  }
0x3b: {  	[tilespmem:s25+$0x0] =	vst v2;
	v2 =	vld [tilespmem:s25+$0x10]  }
0x3c: {  	v6 =	vld [tilespmem:s26+$0x10];
	[tilespmem:s25+$0xFFFFFF00] =	vst v1;
	v0 =	vadd.f32 v3, v0  }
0x3d: {  	v1 =	vld [tilespmem:s26+$0xFFFFFF10]  }
0x3e: {  	[tilespmem:s25+$0x90] =	vst v0;
	v0 =	vld [tilespmem:s25+$0xA0]  }
0x3f: {  	v3 =	vadd.f32 v5, v4;
	v4 =	vld [tilespmem:s26+$0xA0]  }
0x40: {  	v5 =	vld [tilespmem:s25+$0xFFFFFF20]  }
0x41: {  	[tilespmem:s25+$0xFFFFFF90] =	vst v3;
	v2 =	vadd.f32 v6, v2;
	v3 =	vld [tilespmem:s25+$0xFFFFFFA0]  }
0x42: {  	v6 =	vld [tilespmem:s26+$0xFFFFFFA0];
	v1 =	vadd.f32 v1, v7  }
0x43: {  	[tilespmem:s25+$0x10] =	vst v2;
	v2 =	vld [tilespmem:s25+$0x20]  }
0x44: {  	v7 =	vld [tilespmem:s26+$0x20];
	[tilespmem:s25+$0xFFFFFF10] =	vst v1;
	v0 =	vadd.f32 v4, v0  }
0x45: {  	v1 =	vld [tilespmem:s26+$0xFFFFFF20]  }
0x46: {  	[tilespmem:s25+$0xA0] =	vst v0;
	v0 =	vld [tilespmem:s25+$0xB0]  }
0x47: {  	v3 =	vadd.f32 v6, v3;
	v4 =	vld [tilespmem:s26+$0xB0]  }
0x48: {  	v6 =	vld [tilespmem:s25+$0xFFFFFF30]  }
0x49: {  	[tilespmem:s25+$0xFFFFFFA0] =	vst v3;
	v2 =	vadd.f32 v7, v2;
	v3 =	vld [tilespmem:s25+$0xFFFFFFB0]  }
0x4a: {  	v7 =	vld [tilespmem:s26+$0xFFFFFFB0];
	v1 =	vadd.f32 v1, v5  }
0x4b: {  	[tilespmem:s25+$0x20] =	vst v2;
	v2 =	vld [tilespmem:s25+$0x30]  }
0x4c: {  	v5 =	vld [tilespmem:s26+$0x30];
	[tilespmem:s25+$0xFFFFFF20] =	vst v1;
	v0 =	vadd.f32 v4, v0  }
0x4d: {  	v1 =	vld [tilespmem:s26+$0xFFFFFF30]  }
0x4e: {  	[tilespmem:s25+$0xB0] =	vst v0;
	v0 =	vld [tilespmem:s25+$0xC0]  }
0x4f: {  	v3 =	vadd.f32 v7, v3;
	v4 =	vld [tilespmem:s26+$0xC0]  }
0x50: {  	v7 =	vld [tilespmem:s25+$0xFFFFFF40]  }
0x51: {  	[tilespmem:s25+$0xFFFFFFB0] =	vst v3;
	v2 =	vadd.f32 v5, v2;
	v3 =	vld [tilespmem:s25+$0xFFFFFFC0]  }
0x52: {  	v5 =	vld [tilespmem:s26+$0xFFFFFFC0];
	v1 =	vadd.f32 v1, v6  }
0x53: {  	[tilespmem:s25+$0x30] =	vst v2;
	v2 =	vld [tilespmem:s25+$0x40]  }
0x54: {  	v6 =	vld [tilespmem:s26+$0x40];
	[tilespmem:s25+$0xFFFFFF30] =	vst v1;
	v0 =	vadd.f32 v4, v0  }
0x55: {  	v1 =	vld [tilespmem:s26+$0xFFFFFF40]  }
0x56: {  	[tilespmem:s25+$0xC0] =	vst v0;
	v0 =	vld [tilespmem:s25+$0xD0]  }
0x57: {  	v3 =	vadd.f32 v5, v3;
	v4 =	vld [tilespmem:s26+$0xD0]  }
0x58: {  	v5 =	vld [tilespmem:s25+$0xFFFFFF50]  }
0x59: {  	[tilespmem:s25+$0xFFFFFFC0] =	vst v3;
	v2 =	vadd.f32 v6, v2;
	v3 =	vld [tilespmem:s25+$0xFFFFFFD0]  }
0x5a: {  	v6 =	vld [tilespmem:s26+$0xFFFFFFD0];
	v1 =	vadd.f32 v1, v7  }
0x5b: {  	[tilespmem:s25+$0x40] =	vst v2;
	v2 =	vld [tilespmem:s25+$0x50]  }
0x5c: {  	v7 =	vld [tilespmem:s26+$0x50];
	[tilespmem:s25+$0xFFFFFF40] =	vst v1;
	v0 =	vadd.f32 v4, v0  }
0x5d: {  	v1 =	vld [tilespmem:s26+$0xFFFFFF50]  }
0x5e: {  	[tilespmem:s25+$0xD0] =	vst v0;
	v0 =	vld [tilespmem:s25+$0xE0]  }
0x5f: {  	v3 =	vadd.f32 v6, v3;
	v4 =	vld [tilespmem:s26+$0xE0]  }
0x60: {  	v6 =	vld [tilespmem:s25+$0xFFFFFF60]  }
0x61: {  	[tilespmem:s25+$0xFFFFFFD0] =	vst v3;
	v2 =	vadd.f32 v7, v2;
	v3 =	vld [tilespmem:s25+$0xFFFFFFE0]  }
0x62: {  	v7 =	vld [tilespmem:s26+$0xFFFFFFE0];
	v1 =	vadd.f32 v1, v5  }
0x63: {  	[tilespmem:s25+$0x50] =	vst v2;
	v2 =	vld [tilespmem:s25+$0x60]  }
0x64: {  	v5 =	vld [tilespmem:s26+$0x60];
	[tilespmem:s25+$0xFFFFFF50] =	vst v1;
	v0 =	vadd.f32 v4, v0  }
0x65: {  	v4 =	vld [tilespmem:s26+$0xFFFFFF60]  }
0x66: {  	v8 =	vld [tilespmem:s25+$0xF0];
	[tilespmem:s25+$0xE0] =	vst v0  }
0x67: {  	v1 =	vadd.f32 v7, v3;
	v7 =	vld [tilespmem:s26+$0xF0]  }
0x68: {  	v0 =	vld [tilespmem:s25+$0xFFFFFF70]  }
0x69: {  	[tilespmem:s25+$0xFFFFFFE0] =	vst v1;
	v2 =	vadd.f32 v5, v2;
	v1 =	vld [tilespmem:s25+$0xFFFFFFF0]  }
0x6a: {  	v3 =	vld [tilespmem:s26+$0xFFFFFFF0];
	v4 =	vadd.f32 v4, v6  }
0x6b: {  	s28 =	smul.u32 $0xA0, s23;
	[tilespmem:s25+$0x60] =	vst v2;
	v2 =	vld [tilespmem:s25+$0x70]  }
0x6c: {  	[tilespmem:s25+$0xFFFFFF60] =	vst v4;
	v4 =	vld [tilespmem:s26+$0x70];
	v6 =	vadd.f32 v7, v8  }
0x6d: {  	s29 =	simm.s32 $0x0;
	s30 =	simm.s32 $0x10300;
	s28 =	sadd.s32 s11, s28;
	v5 =	vld [tilespmem:s26+$0xFFFFFF70]  }
.LBB2_10:
0x6e: {  	v7 =	vld [tilespmem:s30+$0x80];
	[tilespmem:s25+$0xF0] =	vst v6;
	s26 =	sadd.s32 $0x200, s26  }
0x6f: {  	s29 =	sadd.s32 $0x4, s29;
	v6 =	vld [tilespmem:s26+$0x80];
	v1 =	vadd.f32 v3, v1  }
0x70: {  	p1 =	slt.u32 s29, $0x4C;
	v3 =	vld [tilespmem:s26+$0xFFFFFF00]  }
0x71: {  	v8 =	vld [tilespmem:s30+$0xFFFFFF80];
	[tilespmem:s25+$0xFFFFFFF0] =	vst v1;
	v1 =	vadd.f32 v4, v2  }
0x72: {  	v2 =	vld [tilespmem:s26+$0xFFFFFF80];
	v0 =	vadd.f32 v5, v0  }
0x73: {  	v4 =	vld [tilespmem:s30+$0x0];
	[tilespmem:s25+$0x70] =	vst v1  }
0x74: {  	v1 =	vld [tilespmem:s26+$0x0];
	v5 =	vadd.f32 v6, v7;
	[tilespmem:s25+$0xFFFFFF70] =	vst v0;
	s25 =	smov.u32 s30  }
0x75: {  	v0 =	vld [tilespmem:s30+$0xFFFFFF00]  }
0x76: {  	[tilespmem:s30+$0x80] =	vst v5;
	v5 =	vld [tilespmem:s30+$0x90]  }
0x77: {  	v2 =	vadd.f32 v2, v8;
	v6 =	vld [tilespmem:s26+$0x90]  }
0x78: {  	v7 =	vld [tilespmem:s30+$0xFFFFFF10]  }
0x79: {  	[tilespmem:s30+$0xFFFFFF80] =	vst v2;
	v2 =	vld [tilespmem:s30+$0xFFFFFF90];
	v1 =	vadd.f32 v1, v4  }
0x7a: {  	v0 =	vadd.f32 v3, v0;
	v3 =	vld [tilespmem:s26+$0xFFFFFF90]  }
0x7b: {  	[tilespmem:s30+$0x0] =	vst v1;
	v1 =	vld [tilespmem:s30+$0x10]  }
0x7c: {  	[tilespmem:s30+$0xFFFFFF00] =	vst v0;
	v0 =	vld [tilespmem:s26+$0x10];
	v4 =	vadd.f32 v6, v5  }
0x7d: {  	v5 =	vld [tilespmem:s26+$0xFFFFFF10]  }
0x7e: {  	[tilespmem:s30+$0x90] =	vst v4;
	v4 =	vld [tilespmem:s30+$0xA0]  }
0x7f: {  	v2 =	vadd.f32 v3, v2;
	v3 =	vld [tilespmem:s26+$0xA0]  }
0x80: {  	v6 =	vld [tilespmem:s30+$0xFFFFFF20]  }
0x81: {  	[tilespmem:s30+$0xFFFFFF90] =	vst v2;
	v2 =	vld [tilespmem:s30+$0xFFFFFFA0];
	v0 =	vadd.f32 v0, v1  }
0x82: {  	v1 =	vadd.f32 v5, v7;
	v5 =	vld [tilespmem:s26+$0xFFFFFFA0]  }
0x83: {  	[tilespmem:s30+$0x10] =	vst v0;
	v0 =	vld [tilespmem:s30+$0x20]  }
0x84: {  	[tilespmem:s30+$0xFFFFFF10] =	vst v1;
	v1 =	vld [tilespmem:s26+$0x20];
	v3 =	vadd.f32 v3, v4  }
0x85: {  	v4 =	vld [tilespmem:s26+$0xFFFFFF20]  }
0x86: {  	[tilespmem:s30+$0xA0] =	vst v3;
	v3 =	vld [tilespmem:s30+$0xB0]  }
0x87: {  	v2 =	vadd.f32 v5, v2;
	v5 =	vld [tilespmem:s26+$0xB0]  }
0x88: {  	v7 =	vld [tilespmem:s30+$0xFFFFFF30]  }
0x89: {  	[tilespmem:s30+$0xFFFFFFA0] =	vst v2;
	v2 =	vld [tilespmem:s30+$0xFFFFFFB0];
	v0 =	vadd.f32 v1, v0  }
0x8a: {  	v1 =	vadd.f32 v4, v6;
	v4 =	vld [tilespmem:s26+$0xFFFFFFB0]  }
0x8b: {  	[tilespmem:s30+$0x20] =	vst v0;
	v0 =	vld [tilespmem:s30+$0x30]  }
0x8c: {  	[tilespmem:s30+$0xFFFFFF20] =	vst v1;
	v1 =	vld [tilespmem:s26+$0x30];
	v3 =	vadd.f32 v5, v3  }
0x8d: {  	v5 =	vld [tilespmem:s26+$0xFFFFFF30]  }
0x8e: {  	[tilespmem:s30+$0xB0] =	vst v3;
	v3 =	vld [tilespmem:s30+$0xC0]  }
0x8f: {  	v2 =	vadd.f32 v4, v2;
	v4 =	vld [tilespmem:s26+$0xC0]  }
0x90: {  	v6 =	vld [tilespmem:s30+$0xFFFFFF40]  }
0x91: {  	[tilespmem:s30+$0xFFFFFFB0] =	vst v2;
	v2 =	vld [tilespmem:s30+$0xFFFFFFC0];
	v0 =	vadd.f32 v1, v0  }
0x92: {  	v1 =	vadd.f32 v5, v7;
	v5 =	vld [tilespmem:s26+$0xFFFFFFC0]  }
0x93: {  	[tilespmem:s30+$0x30] =	vst v0;
	v0 =	vld [tilespmem:s30+$0x40]  }
0x94: {  	[tilespmem:s30+$0xFFFFFF30] =	vst v1;
	v1 =	vld [tilespmem:s26+$0x40];
	v3 =	vadd.f32 v4, v3  }
0x95: {  	v4 =	vld [tilespmem:s26+$0xFFFFFF40]  }
0x96: {  	[tilespmem:s30+$0xC0] =	vst v3;
	v3 =	vld [tilespmem:s30+$0xD0]  }
0x97: {  	v2 =	vadd.f32 v5, v2;
	v5 =	vld [tilespmem:s26+$0xD0]  }
0x98: {  	v7 =	vld [tilespmem:s30+$0xFFFFFF50]  }
0x99: {  	[tilespmem:s30+$0xFFFFFFC0] =	vst v2;
	v2 =	vld [tilespmem:s30+$0xFFFFFFD0];
	v0 =	vadd.f32 v1, v0  }
0x9a: {  	v1 =	vadd.f32 v4, v6;
	v4 =	vld [tilespmem:s26+$0xFFFFFFD0]  }
0x9b: {  	[tilespmem:s30+$0x40] =	vst v0;
	v0 =	vld [tilespmem:s30+$0x50]  }
0x9c: {  	[tilespmem:s30+$0xFFFFFF40] =	vst v1;
	v1 =	vld [tilespmem:s26+$0x50];
	v3 =	vadd.f32 v5, v3  }
0x9d: {  	v5 =	vld [tilespmem:s26+$0xFFFFFF50]  }
0x9e: {  	[tilespmem:s30+$0xD0] =	vst v3;
	v3 =	vld [tilespmem:s30+$0xE0]  }
0x9f: {  	v2 =	vadd.f32 v4, v2;
	v4 =	vld [tilespmem:s26+$0xE0]  }
0xa0: {  	v6 =	vld [tilespmem:s30+$0xFFFFFF60]  }
0xa1: {  	[tilespmem:s30+$0xFFFFFFD0] =	vst v2;
	v2 =	vld [tilespmem:s30+$0xFFFFFFE0];
	v0 =	vadd.f32 v1, v0  }
0xa2: {  	v1 =	vadd.f32 v5, v7;
	v5 =	vld [tilespmem:s26+$0xFFFFFFE0]  }
0xa3: {  	[tilespmem:s30+$0x50] =	vst v0;
	v7 =	vld [tilespmem:s30+$0x60]  }
0xa4: {  	[tilespmem:s30+$0xFFFFFF50] =	vst v1;
	v8 =	vld [tilespmem:s26+$0x60];
	v0 =	vadd.f32 v4, v3  }
0xa5: {  	v3 =	vld [tilespmem:s26+$0xFFFFFF60]  }
0xa6: {  	[tilespmem:s30+$0xE0] =	vst v0;
	v9 =	vld [tilespmem:s30+$0xF0]  }
0xa7: {  	v1 =	vadd.f32 v5, v2;
	v5 =	vld [tilespmem:s26+$0xF0]  }
0xa8: {  	v0 =	vld [tilespmem:s30+$0xFFFFFF70]  }
.Ltmp3:
0xa9: {  	[tilespmem:s30+$0xFFFFFFE0] =	vst v1;
	v1 =	vld [tilespmem:s30+$0xFFFFFFF0];
	v2 =	vadd.f32 v8, v7;
	(pc) =	sbr.rel @p1 .LBB2_10-.Ltmp3, $4  }
0xaa: {  	v4 =	vadd.f32 v3, v6;
	v3 =	vld [tilespmem:s26+$0xFFFFFFF0]  }
0xab: {  	[tilespmem:s30+$0x60] =	vst v2;
	v2 =	vld [tilespmem:s30+$0x70]  }
0xac: {  	[tilespmem:s30+$0xFFFFFF60] =	vst v4;
	v4 =	vld [tilespmem:s26+$0x70];
	v6 =	vadd.f32 v5, v9  }
0xad: {  	s30 =	sadd.s32 $0x200, s30;
	v5 =	vld [tilespmem:s26+$0xFFFFFF70]  }
0xae: {  	_ =	sdelay $0x1  }
0xaf: {  	v1 =	vadd.f32 v3, v1  }
0xb0: {  	[tilespmem:s25+$0xF0] =	vst v6;
	v2 =	vadd.f32 v4, v2  }
0xb1: {  	[tilespmem:s25+$0xFFFFFFF0] =	vst v1;
	v0 =	vadd.f32 v5, v0  }
0xb2: {  	s26 =	sshll.u32 s28, $0x4;
	[tilespmem:s25+$0x70] =	vst v2  }
0xb3: {  	s31 =	sadd.s32 s8, s26;
	[tilespmem:s25+$0xFFFFFF70] =	vst v0  }
0xb4: {  	[hbm4b:s31+s1] =	stream.linear.scatter [tilespmem:s16], [sflag:$0x2], $0x2800, $0x38;
	[tilespmem:$0x1A000] =	vst v63  }
0xb5: {  	_ =	swait.ge [sflag:s18], $0x2800  }
0xb6: {  	[sflag:s18] =	ssyncset.done $0x0  }
0xb7: {  	[sflag:s18] =	ssyncadd.s32 $0xFFFFD800  }
0xb8: {  	_ =	swait.ge [sflag:s18], $0x2800  }
0xb9: {  	p1 =	seq.s32 s23, $0x7C;
	[sflag:s18] =	ssyncset.done $0x0  }
0xba: {  	s25 =	simm.s32 @!p1 $0x2;
	[sflag:s18] =	ssyncadd.s32 $0xFFFFD800  }
0xbb: {  	_ =	swait.ge @!p1 [sflag:s25], $0x2800  }
0xbc: {  	[sflag:s25] =	ssyncset.done @!p1 $0x0  }
0xbd: {  	[sflag:s25] =	ssyncadd.s32 @!p1 $0xFFFFD800;
	s25 =	sshll.u32 @!p1 s23, $0x8  }
0xbe: {  	s28 =	simm.s32 @!p1 $0x50;
	s29 =	simm.s32 @!p1 $0x10000;
	s26 =	sadd.s32 @!p1 $0x100, s25  }
0xbf: {  	[tilespmem:s29], [sflag:$0x1] =	stream.indirect.gather @!p1 [hbm4b:s5+s28], $0x80, s26, s28, $0xb8;
	[tilespmem:$0x1A000] =	vst v63  }
0xc0: {  	s25 =	sadd.s32 @!p1 $0x8100, s25;
	s26 =	simm.s32 @!p1 $0x15000  }
0xc1: {  	[tilespmem:s26], [sflag:$0x1] =	stream.indirect.gather @!p1 [hbm4b:s6+s28], $0x80, s25, s28, $0xb8;
	[tilespmem:$0x1A000] =	vst v63  }
0xc2: {  	s25 =	simm.s32 $0x129F0  }
0xc3: {  	s26 =	simm.s32 $0x179F0;
	v0 =	vld [tilespmem:s25+$0xFFFFFF90]  }
0xc4: {  	v1 =	vld [tilespmem:s26+$0xFFFFFF90]  }
0xc5: {  	v2 =	vld [tilespmem:s25+$0xFFFFFE90]  }
0xc6: {  	v3 =	vld [tilespmem:s26+$0xFFFFFE90]  }
0xc7: {  	v4 =	vld [tilespmem:s25+$0xFFFFFF10]  }
0xc8: {  	v5 =	vld [tilespmem:s26+$0xFFFFFF10]  }
0xc9: {  	v6 =	vld [tilespmem:s25+$0xFFFFFE10];
	v0 =	vadd.f32 v1, v0  }
0xca: {  	v1 =	vld [tilespmem:s26+$0xFFFFFE10]  }
0xcb: {  	[tilespmem:s25+$0xFFFFFF90] =	vst v0;
	v0 =	vld [tilespmem:s25+$0xFFFFFFA0]  }
0xcc: {  	v2 =	vadd.f32 v3, v2;
	v3 =	vld [tilespmem:s26+$0xFFFFFFA0]  }
0xcd: {  	v7 =	vld [tilespmem:s25+$0xFFFFFE20]  }
0xce: {  	[tilespmem:s25+$0xFFFFFE90] =	vst v2;
	v2 =	vadd.f32 v5, v4;
	v4 =	vld [tilespmem:s25+$0xFFFFFEA0]  }
0xcf: {  	v5 =	vld [tilespmem:s26+$0xFFFFFEA0];
	v1 =	vadd.f32 v1, v6  }
0xd0: {  	[tilespmem:s25+$0xFFFFFF10] =	vst v2;
	v2 =	vld [tilespmem:s25+$0xFFFFFF20]  }
0xd1: {  	v6 =	vld [tilespmem:s26+$0xFFFFFF20];
	[tilespmem:s25+$0xFFFFFE10] =	vst v1;
	v0 =	vadd.f32 v3, v0  }
0xd2: {  	v1 =	vld [tilespmem:s26+$0xFFFFFE20]  }
0xd3: {  	[tilespmem:s25+$0xFFFFFFA0] =	vst v0;
	v0 =	vld [tilespmem:s25+$0xFFFFFFB0]  }
0xd4: {  	v3 =	vadd.f32 v5, v4;
	v4 =	vld [tilespmem:s26+$0xFFFFFFB0]  }
0xd5: {  	v5 =	vld [tilespmem:s25+$0xFFFFFE30]  }
0xd6: {  	[tilespmem:s25+$0xFFFFFEA0] =	vst v3;
	v2 =	vadd.f32 v6, v2;
	v3 =	vld [tilespmem:s25+$0xFFFFFEB0]  }
0xd7: {  	v6 =	vld [tilespmem:s26+$0xFFFFFEB0];
	v1 =	vadd.f32 v1, v7  }
0xd8: {  	[tilespmem:s25+$0xFFFFFF20] =	vst v2;
	v2 =	vld [tilespmem:s25+$0xFFFFFF30]  }
0xd9: {  	v7 =	vld [tilespmem:s26+$0xFFFFFF30];
	[tilespmem:s25+$0xFFFFFE20] =	vst v1;
	v0 =	vadd.f32 v4, v0  }
0xda: {  	v1 =	vld [tilespmem:s26+$0xFFFFFE30]  }
0xdb: {  	[tilespmem:s25+$0xFFFFFFB0] =	vst v0;
	v0 =	vld [tilespmem:s25+$0xFFFFFFC0]  }
0xdc: {  	v3 =	vadd.f32 v6, v3;
	v4 =	vld [tilespmem:s26+$0xFFFFFFC0]  }
0xdd: {  	v6 =	vld [tilespmem:s25+$0xFFFFFE40]  }
0xde: {  	[tilespmem:s25+$0xFFFFFEB0] =	vst v3;
	v2 =	vadd.f32 v7, v2;
	v3 =	vld [tilespmem:s25+$0xFFFFFEC0]  }
0xdf: {  	v7 =	vld [tilespmem:s26+$0xFFFFFEC0];
	v1 =	vadd.f32 v1, v5  }
0xe0: {  	[tilespmem:s25+$0xFFFFFF30] =	vst v2;
	v2 =	vld [tilespmem:s25+$0xFFFFFF40]  }
0xe1: {  	v5 =	vld [tilespmem:s26+$0xFFFFFF40];
	[tilespmem:s25+$0xFFFFFE30] =	vst v1;
	v0 =	vadd.f32 v4, v0  }
0xe2: {  	v1 =	vld [tilespmem:s26+$0xFFFFFE40]  }
0xe3: {  	[tilespmem:s25+$0xFFFFFFC0] =	vst v0;
	v0 =	vld [tilespmem:s25+$0xFFFFFFD0]  }
0xe4: {  	v3 =	vadd.f32 v7, v3;
	v4 =	vld [tilespmem:s26+$0xFFFFFFD0]  }
0xe5: {  	v7 =	vld [tilespmem:s25+$0xFFFFFE50]  }
0xe6: {  	[tilespmem:s25+$0xFFFFFEC0] =	vst v3;
	v2 =	vadd.f32 v5, v2;
	v3 =	vld [tilespmem:s25+$0xFFFFFED0]  }
0xe7: {  	v5 =	vld [tilespmem:s26+$0xFFFFFED0];
	v1 =	vadd.f32 v1, v6  }
0xe8: {  	[tilespmem:s25+$0xFFFFFF40] =	vst v2;
	v2 =	vld [tilespmem:s25+$0xFFFFFF50]  }
0xe9: {  	v6 =	vld [tilespmem:s26+$0xFFFFFF50];
	[tilespmem:s25+$0xFFFFFE40] =	vst v1;
	v0 =	vadd.f32 v4, v0  }
0xea: {  	v1 =	vld [tilespmem:s26+$0xFFFFFE50]  }
0xeb: {  	[tilespmem:s25+$0xFFFFFFD0] =	vst v0;
	v0 =	vld [tilespmem:s25+$0xFFFFFFE0]  }
0xec: {  	v3 =	vadd.f32 v5, v3;
	v4 =	vld [tilespmem:s26+$0xFFFFFFE0]  }
0xed: {  	v5 =	vld [tilespmem:s25+$0xFFFFFE60]  }
0xee: {  	[tilespmem:s25+$0xFFFFFED0] =	vst v3;
	v2 =	vadd.f32 v6, v2;
	v3 =	vld [tilespmem:s25+$0xFFFFFEE0]  }
0xef: {  	v6 =	vld [tilespmem:s26+$0xFFFFFEE0];
	v1 =	vadd.f32 v1, v7  }
0xf0: {  	[tilespmem:s25+$0xFFFFFF50] =	vst v2;
	v2 =	vld [tilespmem:s25+$0xFFFFFF60]  }
0xf1: {  	v7 =	vld [tilespmem:s26+$0xFFFFFF60];
	[tilespmem:s25+$0xFFFFFE50] =	vst v1;
	v0 =	vadd.f32 v4, v0  }
0xf2: {  	v1 =	vld [tilespmem:s26+$0xFFFFFE60]  }
0xf3: {  	[tilespmem:s25+$0xFFFFFFE0] =	vst v0;
	v0 =	vld [tilespmem:s25+$0xFFFFFFF0]  }
0xf4: {  	v3 =	vadd.f32 v6, v3;
	v4 =	vld [tilespmem:s26+$0xFFFFFFF0]  }
0xf5: {  	v6 =	vld [tilespmem:s25+$0xFFFFFE70]  }
0xf6: {  	[tilespmem:s25+$0xFFFFFEE0] =	vst v3;
	v2 =	vadd.f32 v7, v2;
	v3 =	vld [tilespmem:s25+$0xFFFFFEF0]  }
0xf7: {  	v7 =	vld [tilespmem:s26+$0xFFFFFEF0];
	v1 =	vadd.f32 v1, v5  }
0xf8: {  	[tilespmem:s25+$0xFFFFFF60] =	vst v2;
	v2 =	vld [tilespmem:s25+$0xFFFFFF70]  }
0xf9: {  	v5 =	vld [tilespmem:s26+$0xFFFFFF70];
	[tilespmem:s25+$0xFFFFFE60] =	vst v1;
	v0 =	vadd.f32 v4, v0  }
0xfa: {  	v4 =	vld [tilespmem:s26+$0xFFFFFE70]  }
0xfb: {  	v8 =	vld [tilespmem:s25+$0x0];
	[tilespmem:s25+$0xFFFFFFF0] =	vst v0  }
0xfc: {  	v1 =	vadd.f32 v7, v3;
	v7 =	vld [tilespmem:s26+$0x0]  }
0xfd: {  	v0 =	vld [tilespmem:s25+$0xFFFFFE80]  }
0xfe: {  	[tilespmem:s25+$0xFFFFFEF0] =	vst v1;
	v2 =	vadd.f32 v5, v2;
	v1 =	vld [tilespmem:s25+$0xFFFFFF00]  }
0xff: {  	v3 =	vld [tilespmem:s26+$0xFFFFFF00];
	v4 =	vadd.f32 v4, v6  }
0x100: {  	s24 =	smul.u32 $0x50, s24;
	[tilespmem:s25+$0xFFFFFF70] =	vst v2;
	v2 =	vld [tilespmem:s25+$0xFFFFFF80]  }
0x101: {  	[tilespmem:s25+$0xFFFFFE70] =	vst v4;
	v4 =	vld [tilespmem:s26+$0xFFFFFF80];
	v6 =	vadd.f32 v7, v8  }
0x102: {  	s24 =	sadd.s32 s11, s24;
	s29 =	simm.s32 $0x12BF0;
	s28 =	simm.s32 $0x0;
	v5 =	vld [tilespmem:s26+$0xFFFFFE80]  }
.LBB2_12:
0x103: {  	v7 =	vld [tilespmem:s29+$0xFFFFFF90];
	[tilespmem:s25+$0x0] =	vst v6;
	s26 =	sadd.s32 $0x200, s26  }
0x104: {  	s28 =	sadd.s32 $0x4, s28;
	v6 =	vld [tilespmem:s26+$0xFFFFFF90];
	v1 =	vadd.f32 v3, v1  }
0x105: {  	p1 =	slt.u32 s28, $0x4C;
	v3 =	vld [tilespmem:s26+$0xFFFFFE10]  }
0x106: {  	v8 =	vld [tilespmem:s29+$0xFFFFFE90];
	[tilespmem:s25+$0xFFFFFF00] =	vst v1;
	v1 =	vadd.f32 v4, v2  }
0x107: {  	v2 =	vld [tilespmem:s26+$0xFFFFFE90];
	v0 =	vadd.f32 v5, v0  }
0x108: {  	v4 =	vld [tilespmem:s29+$0xFFFFFF10];
	[tilespmem:s25+$0xFFFFFF80] =	vst v1  }
0x109: {  	v1 =	vld [tilespmem:s26+$0xFFFFFF10];
	v5 =	vadd.f32 v6, v7;
	[tilespmem:s25+$0xFFFFFE80] =	vst v0;
	s25 =	smov.u32 s29  }
0x10a: {  	v0 =	vld [tilespmem:s29+$0xFFFFFE10]  }
0x10b: {  	[tilespmem:s29+$0xFFFFFF90] =	vst v5;
	v5 =	vld [tilespmem:s29+$0xFFFFFFA0]  }
0x10c: {  	v2 =	vadd.f32 v2, v8;
	v6 =	vld [tilespmem:s26+$0xFFFFFFA0]  }
0x10d: {  	v7 =	vld [tilespmem:s29+$0xFFFFFE20]  }
0x10e: {  	[tilespmem:s29+$0xFFFFFE90] =	vst v2;
	v2 =	vld [tilespmem:s29+$0xFFFFFEA0];
	v1 =	vadd.f32 v1, v4  }
0x10f: {  	v0 =	vadd.f32 v3, v0;
	v3 =	vld [tilespmem:s26+$0xFFFFFEA0]  }
0x110: {  	[tilespmem:s29+$0xFFFFFF10] =	vst v1;
	v1 =	vld [tilespmem:s29+$0xFFFFFF20]  }
0x111: {  	[tilespmem:s29+$0xFFFFFE10] =	vst v0;
	v0 =	vld [tilespmem:s26+$0xFFFFFF20];
	v4 =	vadd.f32 v6, v5  }
0x112: {  	v5 =	vld [tilespmem:s26+$0xFFFFFE20]  }
0x113: {  	[tilespmem:s29+$0xFFFFFFA0] =	vst v4;
	v4 =	vld [tilespmem:s29+$0xFFFFFFB0]  }
0x114: {  	v2 =	vadd.f32 v3, v2;
	v3 =	vld [tilespmem:s26+$0xFFFFFFB0]  }
0x115: {  	v6 =	vld [tilespmem:s29+$0xFFFFFE30]  }
0x116: {  	[tilespmem:s29+$0xFFFFFEA0] =	vst v2;
	v2 =	vld [tilespmem:s29+$0xFFFFFEB0];
	v0 =	vadd.f32 v0, v1  }
0x117: {  	v1 =	vadd.f32 v5, v7;
	v5 =	vld [tilespmem:s26+$0xFFFFFEB0]  }
0x118: {  	[tilespmem:s29+$0xFFFFFF20] =	vst v0;
	v0 =	vld [tilespmem:s29+$0xFFFFFF30]  }
0x119: {  	[tilespmem:s29+$0xFFFFFE20] =	vst v1;
	v1 =	vld [tilespmem:s26+$0xFFFFFF30];
	v3 =	vadd.f32 v3, v4  }
0x11a: {  	v4 =	vld [tilespmem:s26+$0xFFFFFE30]  }
0x11b: {  	[tilespmem:s29+$0xFFFFFFB0] =	vst v3;
	v3 =	vld [tilespmem:s29+$0xFFFFFFC0]  }
0x11c: {  	v2 =	vadd.f32 v5, v2;
	v5 =	vld [tilespmem:s26+$0xFFFFFFC0]  }
0x11d: {  	v7 =	vld [tilespmem:s29+$0xFFFFFE40]  }
0x11e: {  	[tilespmem:s29+$0xFFFFFEB0] =	vst v2;
	v2 =	vld [tilespmem:s29+$0xFFFFFEC0];
	v0 =	vadd.f32 v1, v0  }
0x11f: {  	v1 =	vadd.f32 v4, v6;
	v4 =	vld [tilespmem:s26+$0xFFFFFEC0]  }
0x120: {  	[tilespmem:s29+$0xFFFFFF30] =	vst v0;
	v0 =	vld [tilespmem:s29+$0xFFFFFF40]  }
0x121: {  	[tilespmem:s29+$0xFFFFFE30] =	vst v1;
	v1 =	vld [tilespmem:s26+$0xFFFFFF40];
	v3 =	vadd.f32 v5, v3  }
0x122: {  	v5 =	vld [tilespmem:s26+$0xFFFFFE40]  }
0x123: {  	[tilespmem:s29+$0xFFFFFFC0] =	vst v3;
	v3 =	vld [tilespmem:s29+$0xFFFFFFD0]  }
0x124: {  	v2 =	vadd.f32 v4, v2;
	v4 =	vld [tilespmem:s26+$0xFFFFFFD0]  }
0x125: {  	v6 =	vld [tilespmem:s29+$0xFFFFFE50]  }
0x126: {  	[tilespmem:s29+$0xFFFFFEC0] =	vst v2;
	v2 =	vld [tilespmem:s29+$0xFFFFFED0];
	v0 =	vadd.f32 v1, v0  }
0x127: {  	v1 =	vadd.f32 v5, v7;
	v5 =	vld [tilespmem:s26+$0xFFFFFED0]  }
0x128: {  	[tilespmem:s29+$0xFFFFFF40] =	vst v0;
	v0 =	vld [tilespmem:s29+$0xFFFFFF50]  }
0x129: {  	[tilespmem:s29+$0xFFFFFE40] =	vst v1;
	v1 =	vld [tilespmem:s26+$0xFFFFFF50];
	v3 =	vadd.f32 v4, v3  }
0x12a: {  	v4 =	vld [tilespmem:s26+$0xFFFFFE50]  }
0x12b: {  	[tilespmem:s29+$0xFFFFFFD0] =	vst v3;
	v3 =	vld [tilespmem:s29+$0xFFFFFFE0]  }
0x12c: {  	v2 =	vadd.f32 v5, v2;
	v5 =	vld [tilespmem:s26+$0xFFFFFFE0]  }
0x12d: {  	v7 =	vld [tilespmem:s29+$0xFFFFFE60]  }
0x12e: {  	[tilespmem:s29+$0xFFFFFED0] =	vst v2;
	v2 =	vld [tilespmem:s29+$0xFFFFFEE0];
	v0 =	vadd.f32 v1, v0  }
0x12f: {  	v1 =	vadd.f32 v4, v6;
	v4 =	vld [tilespmem:s26+$0xFFFFFEE0]  }
0x130: {  	[tilespmem:s29+$0xFFFFFF50] =	vst v0;
	v0 =	vld [tilespmem:s29+$0xFFFFFF60]  }
0x131: {  	[tilespmem:s29+$0xFFFFFE50] =	vst v1;
	v1 =	vld [tilespmem:s26+$0xFFFFFF60];
	v3 =	vadd.f32 v5, v3  }
0x132: {  	v5 =	vld [tilespmem:s26+$0xFFFFFE60]  }
0x133: {  	[tilespmem:s29+$0xFFFFFFE0] =	vst v3;
	v3 =	vld [tilespmem:s29+$0xFFFFFFF0]  }
0x134: {  	v2 =	vadd.f32 v4, v2;
	v4 =	vld [tilespmem:s26+$0xFFFFFFF0]  }
0x135: {  	v6 =	vld [tilespmem:s29+$0xFFFFFE70]  }
0x136: {  	[tilespmem:s29+$0xFFFFFEE0] =	vst v2;
	v2 =	vld [tilespmem:s29+$0xFFFFFEF0];
	v0 =	vadd.f32 v1, v0  }
0x137: {  	v1 =	vadd.f32 v5, v7;
	v5 =	vld [tilespmem:s26+$0xFFFFFEF0]  }
0x138: {  	[tilespmem:s29+$0xFFFFFF60] =	vst v0;
	v7 =	vld [tilespmem:s29+$0xFFFFFF70]  }
0x139: {  	[tilespmem:s29+$0xFFFFFE60] =	vst v1;
	v8 =	vld [tilespmem:s26+$0xFFFFFF70];
	v0 =	vadd.f32 v4, v3  }
0x13a: {  	v3 =	vld [tilespmem:s26+$0xFFFFFE70]  }
0x13b: {  	[tilespmem:s29+$0xFFFFFFF0] =	vst v0;
	v9 =	vld [tilespmem:s29+$0x0]  }
0x13c: {  	v1 =	vadd.f32 v5, v2;
	v5 =	vld [tilespmem:s26+$0x0]  }
0x13d: {  	v0 =	vld [tilespmem:s29+$0xFFFFFE80]  }
.Ltmp4:
0x13e: {  	[tilespmem:s29+$0xFFFFFEF0] =	vst v1;
	v1 =	vld [tilespmem:s29+$0xFFFFFF00];
	v2 =	vadd.f32 v8, v7;
	(pc) =	sbr.rel @p1 .LBB2_12-.Ltmp4, $4  }
0x13f: {  	v4 =	vadd.f32 v3, v6;
	v3 =	vld [tilespmem:s26+$0xFFFFFF00]  }
0x140: {  	[tilespmem:s29+$0xFFFFFF70] =	vst v2;
	v2 =	vld [tilespmem:s29+$0xFFFFFF80]  }
0x141: {  	[tilespmem:s29+$0xFFFFFE70] =	vst v4;
	v4 =	vld [tilespmem:s26+$0xFFFFFF80];
	v6 =	vadd.f32 v5, v9  }
0x142: {  	s29 =	sadd.s32 $0x200, s29;
	v5 =	vld [tilespmem:s26+$0xFFFFFE80]  }
0x143: {  	_ = 	snop  }
0x144: {  	s23 =	sadd.s32 $0x1, s23  }
0x145: {  	v1 =	vadd.f32 v3, v1;
	p1 =	sne.s32 s23, $0x7D  }
.Ltmp5:
0x146: {  	[tilespmem:s25+$0x0] =	vst v6;
	v2 =	vadd.f32 v4, v2;
	(pc) =	sbr.rel @p1 .LBB2_9-.Ltmp5, $4  }
.Ltmp6:
0x147: {  	[tilespmem:s25+$0xFFFFFF00] =	vst v1;
	v0 =	vadd.f32 v5, v0;
	(pc) =	sbr.rel @!p1 .LBB2_14-.Ltmp6, $4  }
0x148: {  	s24 =	sshll.u32 s24, $0x4;
	[tilespmem:s25+$0xFFFFFF80] =	vst v2  }
0x149: {  	s24 =	sadd.s32 s8, s24;
	[tilespmem:s25+$0xFFFFFE80] =	vst v0  }
0x14a: {  	[hbm4b:s24+s1] =	stream.linear.scatter [tilespmem:s19], [sflag:$0x2], $0x2800, $0x38;
	[tilespmem:$0x1A000] =	vst v63  }
0x14b: {  	_ = 	snop  }
.LBB2_2:
0x14c: {  	[tilespmem:s16], [sflag:$0x1] =	stream.indirect.gather [hbm4b:s3+s15], $0x80, s23, s15, $0xb8;
	[tilespmem:$0x1A000] =	vst v63  }
0x14d: {  	_ = 	snop  }
0x14e: {  	[tilespmem:s17], [sflag:$0x1] =	stream.indirect.gather [hbm4b:s4+s15], $0x80, s14, s15, $0xb8;
	[tilespmem:$0x1A000] =	vst v63  }
.LBB2_3:
0x14f: {  	_ =	swait.ge [sflag:s18], $0x2800  }
0x150: {  	[sflag:s18] =	ssyncset.done $0x0  }
0x151: {  	[sflag:s18] =	ssyncadd.s32 $0xFFFFD800  }
0x152: {  	_ =	swait.ge [sflag:s18], $0x2800  }
0x153: {  	p1 =	seq.s32 s23, $0x0;
	[sflag:s18] =	ssyncset.done $0x0  }
0x154: {  	s25 =	simm.s32 @!p1 $0x2;
	[sflag:s18] =	ssyncadd.s32 $0xFFFFD800  }
0x155: {  	_ =	swait.ge @!p1 [sflag:s25], $0x2800  }
0x156: {  	s24 =	sshllo.u32 s23, $0x1;
	[sflag:s25] =	ssyncset.done @!p1 $0x0  }
0x157: {  	s31 =	sshll.u32 s24, $0x7;
	[sflag:s25] =	ssyncadd.s32 @!p1 $0xFFFFD800  }
0x158: {  	[tilespmem:s19], [sflag:$0x1] =	stream.indirect.gather [hbm4b:s3+s15], $0x80, s31, s15, $0xb8;
	[tilespmem:$0x1A000] =	vst v63  }
0x159: {  	s25 =	sadd.s32 $0x8000, s31  }
0x15a: {  	[tilespmem:s20], [sflag:$0x1] =	stream.indirect.gather [hbm4b:s4+s15], $0x80, s25, s15, $0xb8;
	[tilespmem:$0x1A000] =	vst v63  }
0x15b: {  	s25 =	simm.s32 $0x10100  }
0x15c: {  	s26 =	simm.s32 $0x15100;
	v0 =	vld [tilespmem:s25+$0x80]  }
0x15d: {  	v1 =	vld [tilespmem:s26+$0x80]  }
0x15e: {  	v2 =	vld [tilespmem:s25+$0xFFFFFF80]  }
0x15f: {  	v3 =	vld [tilespmem:s26+$0xFFFFFF80]  }
0x160: {  	v4 =	vld [tilespmem:s25+$0x0]  }
0x161: {  	v5 =	vld [tilespmem:s26+$0x0]  }
0x162: {  	v6 =	vld [tilespmem:s25+$0xFFFFFF00];
	v0 =	vadd.f32 v1, v0  }
0x163: {  	v1 =	vld [tilespmem:s26+$0xFFFFFF00]  }
0x164: {  	[tilespmem:s25+$0x80] =	vst v0;
	v0 =	vld [tilespmem:s25+$0x90]  }
0x165: {  	v2 =	vadd.f32 v3, v2;
	v3 =	vld [tilespmem:s26+$0x90]  }
0x166: {  	v7 =	vld [tilespmem:s25+$0xFFFFFF10]  }
0x167: {  	[tilespmem:s25+$0xFFFFFF80] =	vst v2;
	v2 =	vadd.f32 v5, v4;
	v4 =	vld [tilespmem:s25+$0xFFFFFF90]  }
0x168: {  	v5 =	vld [tilespmem:s26+$0xFFFFFF90];
	v1 =	vadd.f32 v1, v6  }
0x169: {  	[tilespmem:s25+$0x0] =	vst v2;
	v2 =	vld [tilespmem:s25+$0x10]  }
0x16a: {  	v6 =	vld [tilespmem:s26+$0x10];
	[tilespmem:s25+$0xFFFFFF00] =	vst v1;
	v0 =	vadd.f32 v3, v0  }
0x16b: {  	v1 =	vld [tilespmem:s26+$0xFFFFFF10]  }
0x16c: {  	[tilespmem:s25+$0x90] =	vst v0;
	v0 =	vld [tilespmem:s25+$0xA0]  }
0x16d: {  	v3 =	vadd.f32 v5, v4;
	v4 =	vld [tilespmem:s26+$0xA0]  }
0x16e: {  	v5 =	vld [tilespmem:s25+$0xFFFFFF20]  }
0x16f: {  	[tilespmem:s25+$0xFFFFFF90] =	vst v3;
	v2 =	vadd.f32 v6, v2;
	v3 =	vld [tilespmem:s25+$0xFFFFFFA0]  }
0x170: {  	v6 =	vld [tilespmem:s26+$0xFFFFFFA0];
	v1 =	vadd.f32 v1, v7  }
0x171: {  	[tilespmem:s25+$0x10] =	vst v2;
	v2 =	vld [tilespmem:s25+$0x20]  }
0x172: {  	v7 =	vld [tilespmem:s26+$0x20];
	[tilespmem:s25+$0xFFFFFF10] =	vst v1;
	v0 =	vadd.f32 v4, v0  }
0x173: {  	v1 =	vld [tilespmem:s26+$0xFFFFFF20]  }
0x174: {  	[tilespmem:s25+$0xA0] =	vst v0;
	v0 =	vld [tilespmem:s25+$0xB0]  }
0x175: {  	v3 =	vadd.f32 v6, v3;
	v4 =	vld [tilespmem:s26+$0xB0]  }
0x176: {  	v6 =	vld [tilespmem:s25+$0xFFFFFF30]  }
0x177: {  	[tilespmem:s25+$0xFFFFFFA0] =	vst v3;
	v2 =	vadd.f32 v7, v2;
	v3 =	vld [tilespmem:s25+$0xFFFFFFB0]  }
0x178: {  	v7 =	vld [tilespmem:s26+$0xFFFFFFB0];
	v1 =	vadd.f32 v1, v5  }
0x179: {  	[tilespmem:s25+$0x20] =	vst v2;
	v2 =	vld [tilespmem:s25+$0x30]  }
0x17a: {  	v5 =	vld [tilespmem:s26+$0x30];
	[tilespmem:s25+$0xFFFFFF20] =	vst v1;
	v0 =	vadd.f32 v4, v0  }
0x17b: {  	v1 =	vld [tilespmem:s26+$0xFFFFFF30]  }
0x17c: {  	[tilespmem:s25+$0xB0] =	vst v0;
	v0 =	vld [tilespmem:s25+$0xC0]  }
0x17d: {  	v3 =	vadd.f32 v7, v3;
	v4 =	vld [tilespmem:s26+$0xC0]  }
0x17e: {  	v7 =	vld [tilespmem:s25+$0xFFFFFF40]  }
0x17f: {  	[tilespmem:s25+$0xFFFFFFB0] =	vst v3;
	v2 =	vadd.f32 v5, v2;
	v3 =	vld [tilespmem:s25+$0xFFFFFFC0]  }
0x180: {  	v5 =	vld [tilespmem:s26+$0xFFFFFFC0];
	v1 =	vadd.f32 v1, v6  }
0x181: {  	[tilespmem:s25+$0x30] =	vst v2;
	v2 =	vld [tilespmem:s25+$0x40]  }
0x182: {  	v6 =	vld [tilespmem:s26+$0x40];
	[tilespmem:s25+$0xFFFFFF30] =	vst v1;
	v0 =	vadd.f32 v4, v0  }
0x183: {  	v1 =	vld [tilespmem:s26+$0xFFFFFF40]  }
0x184: {  	[tilespmem:s25+$0xC0] =	vst v0;
	v0 =	vld [tilespmem:s25+$0xD0]  }
0x185: {  	v3 =	vadd.f32 v5, v3;
	v4 =	vld [tilespmem:s26+$0xD0]  }
0x186: {  	v5 =	vld [tilespmem:s25+$0xFFFFFF50]  }
0x187: {  	[tilespmem:s25+$0xFFFFFFC0] =	vst v3;
	v2 =	vadd.f32 v6, v2;
	v3 =	vld [tilespmem:s25+$0xFFFFFFD0]  }
0x188: {  	v6 =	vld [tilespmem:s26+$0xFFFFFFD0];
	v1 =	vadd.f32 v1, v7  }
0x189: {  	[tilespmem:s25+$0x40] =	vst v2;
	v2 =	vld [tilespmem:s25+$0x50]  }
0x18a: {  	v7 =	vld [tilespmem:s26+$0x50];
	[tilespmem:s25+$0xFFFFFF40] =	vst v1;
	v0 =	vadd.f32 v4, v0  }
0x18b: {  	v1 =	vld [tilespmem:s26+$0xFFFFFF50]  }
0x18c: {  	[tilespmem:s25+$0xD0] =	vst v0;
	v0 =	vld [tilespmem:s25+$0xE0]  }
0x18d: {  	v3 =	vadd.f32 v6, v3;
	v4 =	vld [tilespmem:s26+$0xE0]  }
0x18e: {  	v6 =	vld [tilespmem:s25+$0xFFFFFF60]  }
0x18f: {  	[tilespmem:s25+$0xFFFFFFD0] =	vst v3;
	v2 =	vadd.f32 v7, v2;
	v3 =	vld [tilespmem:s25+$0xFFFFFFE0]  }
0x190: {  	v7 =	vld [tilespmem:s26+$0xFFFFFFE0];
	v1 =	vadd.f32 v1, v5  }
0x191: {  	[tilespmem:s25+$0x50] =	vst v2;
	v2 =	vld [tilespmem:s25+$0x60]  }
0x192: {  	v5 =	vld [tilespmem:s26+$0x60];
	[tilespmem:s25+$0xFFFFFF50] =	vst v1;
	v0 =	vadd.f32 v4, v0  }
0x193: {  	v4 =	vld [tilespmem:s26+$0xFFFFFF60]  }
0x194: {  	v8 =	vld [tilespmem:s25+$0xF0];
	[tilespmem:s25+$0xE0] =	vst v0  }
0x195: {  	v1 =	vadd.f32 v7, v3;
	v7 =	vld [tilespmem:s26+$0xF0]  }
0x196: {  	v0 =	vld [tilespmem:s25+$0xFFFFFF70]  }
0x197: {  	[tilespmem:s25+$0xFFFFFFE0] =	vst v1;
	v2 =	vadd.f32 v5, v2;
	v1 =	vld [tilespmem:s25+$0xFFFFFFF0]  }
0x198: {  	v3 =	vld [tilespmem:s26+$0xFFFFFFF0];
	v4 =	vadd.f32 v4, v6  }
0x199: {  	s28 =	smul.u32 $0xA0, s23;
	[tilespmem:s25+$0x60] =	vst v2;
	v2 =	vld [tilespmem:s25+$0x70]  }
0x19a: {  	[tilespmem:s25+$0xFFFFFF60] =	vst v4;
	v4 =	vld [tilespmem:s26+$0x70];
	v6 =	vadd.f32 v7, v8  }
0x19b: {  	s29 =	simm.s32 $0x0;
	s30 =	simm.s32 $0x10300;
	s28 =	sadd.s32 s11, s28;
	v5 =	vld [tilespmem:s26+$0xFFFFFF70]  }
.LBB2_4:
0x19c: {  	v7 =	vld [tilespmem:s30+$0x80];
	[tilespmem:s25+$0xF0] =	vst v6;
	s26 =	sadd.s32 $0x200, s26  }
0x19d: {  	s29 =	sadd.s32 $0x4, s29;
	v6 =	vld [tilespmem:s26+$0x80];
	v1 =	vadd.f32 v3, v1  }
0x19e: {  	p1 =	slt.u32 s29, $0x4C;
	v3 =	vld [tilespmem:s26+$0xFFFFFF00]  }
0x19f: {  	v8 =	vld [tilespmem:s30+$0xFFFFFF80];
	[tilespmem:s25+$0xFFFFFFF0] =	vst v1;
	v1 =	vadd.f32 v4, v2  }
0x1a0: {  	v2 =	vld [tilespmem:s26+$0xFFFFFF80];
	v0 =	vadd.f32 v5, v0  }
0x1a1: {  	v4 =	vld [tilespmem:s30+$0x0];
	[tilespmem:s25+$0x70] =	vst v1  }
0x1a2: {  	v1 =	vld [tilespmem:s26+$0x0];
	v5 =	vadd.f32 v6, v7;
	[tilespmem:s25+$0xFFFFFF70] =	vst v0;
	s25 =	smov.u32 s30  }
0x1a3: {  	v0 =	vld [tilespmem:s30+$0xFFFFFF00]  }
0x1a4: {  	[tilespmem:s30+$0x80] =	vst v5;
	v5 =	vld [tilespmem:s30+$0x90]  }
0x1a5: {  	v2 =	vadd.f32 v2, v8;
	v6 =	vld [tilespmem:s26+$0x90]  }
0x1a6: {  	v7 =	vld [tilespmem:s30+$0xFFFFFF10]  }
0x1a7: {  	[tilespmem:s30+$0xFFFFFF80] =	vst v2;
	v2 =	vld [tilespmem:s30+$0xFFFFFF90];
	v1 =	vadd.f32 v1, v4  }
0x1a8: {  	v0 =	vadd.f32 v3, v0;
	v3 =	vld [tilespmem:s26+$0xFFFFFF90]  }
0x1a9: {  	[tilespmem:s30+$0x0] =	vst v1;
	v1 =	vld [tilespmem:s30+$0x10]  }
0x1aa: {  	[tilespmem:s30+$0xFFFFFF00] =	vst v0;
	v0 =	vld [tilespmem:s26+$0x10];
	v4 =	vadd.f32 v6, v5  }
0x1ab: {  	v5 =	vld [tilespmem:s26+$0xFFFFFF10]  }
0x1ac: {  	[tilespmem:s30+$0x90] =	vst v4;
	v4 =	vld [tilespmem:s30+$0xA0]  }
0x1ad: {  	v2 =	vadd.f32 v3, v2;
	v3 =	vld [tilespmem:s26+$0xA0]  }
0x1ae: {  	v6 =	vld [tilespmem:s30+$0xFFFFFF20]  }
0x1af: {  	[tilespmem:s30+$0xFFFFFF90] =	vst v2;
	v2 =	vld [tilespmem:s30+$0xFFFFFFA0];
	v0 =	vadd.f32 v0, v1  }
0x1b0: {  	v1 =	vadd.f32 v5, v7;
	v5 =	vld [tilespmem:s26+$0xFFFFFFA0]  }
0x1b1: {  	[tilespmem:s30+$0x10] =	vst v0;
	v0 =	vld [tilespmem:s30+$0x20]  }
0x1b2: {  	[tilespmem:s30+$0xFFFFFF10] =	vst v1;
	v1 =	vld [tilespmem:s26+$0x20];
	v3 =	vadd.f32 v3, v4  }
0x1b3: {  	v4 =	vld [tilespmem:s26+$0xFFFFFF20]  }
0x1b4: {  	[tilespmem:s30+$0xA0] =	vst v3;
	v3 =	vld [tilespmem:s30+$0xB0]  }
0x1b5: {  	v2 =	vadd.f32 v5, v2;
	v5 =	vld [tilespmem:s26+$0xB0]  }
0x1b6: {  	v7 =	vld [tilespmem:s30+$0xFFFFFF30]  }
0x1b7: {  	[tilespmem:s30+$0xFFFFFFA0] =	vst v2;
	v2 =	vld [tilespmem:s30+$0xFFFFFFB0];
	v0 =	vadd.f32 v1, v0  }
0x1b8: {  	v1 =	vadd.f32 v4, v6;
	v4 =	vld [tilespmem:s26+$0xFFFFFFB0]  }
0x1b9: {  	[tilespmem:s30+$0x20] =	vst v0;
	v0 =	vld [tilespmem:s30+$0x30]  }
0x1ba: {  	[tilespmem:s30+$0xFFFFFF20] =	vst v1;
	v1 =	vld [tilespmem:s26+$0x30];
	v3 =	vadd.f32 v5, v3  }
0x1bb: {  	v5 =	vld [tilespmem:s26+$0xFFFFFF30]  }
0x1bc: {  	[tilespmem:s30+$0xB0] =	vst v3;
	v3 =	vld [tilespmem:s30+$0xC0]  }
0x1bd: {  	v2 =	vadd.f32 v4, v2;
	v4 =	vld [tilespmem:s26+$0xC0]  }
0x1be: {  	v6 =	vld [tilespmem:s30+$0xFFFFFF40]  }
0x1bf: {  	[tilespmem:s30+$0xFFFFFFB0] =	vst v2;
	v2 =	vld [tilespmem:s30+$0xFFFFFFC0];
	v0 =	vadd.f32 v1, v0  }
0x1c0: {  	v1 =	vadd.f32 v5, v7;
	v5 =	vld [tilespmem:s26+$0xFFFFFFC0]  }
0x1c1: {  	[tilespmem:s30+$0x30] =	vst v0;
	v0 =	vld [tilespmem:s30+$0x40]  }
0x1c2: {  	[tilespmem:s30+$0xFFFFFF30] =	vst v1;
	v1 =	vld [tilespmem:s26+$0x40];
	v3 =	vadd.f32 v4, v3  }
0x1c3: {  	v4 =	vld [tilespmem:s26+$0xFFFFFF40]  }
0x1c4: {  	[tilespmem:s30+$0xC0] =	vst v3;
	v3 =	vld [tilespmem:s30+$0xD0]  }
0x1c5: {  	v2 =	vadd.f32 v5, v2;
	v5 =	vld [tilespmem:s26+$0xD0]  }
0x1c6: {  	v7 =	vld [tilespmem:s30+$0xFFFFFF50]  }
0x1c7: {  	[tilespmem:s30+$0xFFFFFFC0] =	vst v2;
	v2 =	vld [tilespmem:s30+$0xFFFFFFD0];
	v0 =	vadd.f32 v1, v0  }
0x1c8: {  	v1 =	vadd.f32 v4, v6;
	v4 =	vld [tilespmem:s26+$0xFFFFFFD0]  }
0x1c9: {  	[tilespmem:s30+$0x40] =	vst v0;
	v0 =	vld [tilespmem:s30+$0x50]  }
0x1ca: {  	[tilespmem:s30+$0xFFFFFF40] =	vst v1;
	v1 =	vld [tilespmem:s26+$0x50];
	v3 =	vadd.f32 v5, v3  }
0x1cb: {  	v5 =	vld [tilespmem:s26+$0xFFFFFF50]  }
0x1cc: {  	[tilespmem:s30+$0xD0] =	vst v3;
	v3 =	vld [tilespmem:s30+$0xE0]  }
0x1cd: {  	v2 =	vadd.f32 v4, v2;
	v4 =	vld [tilespmem:s26+$0xE0]  }
0x1ce: {  	v6 =	vld [tilespmem:s30+$0xFFFFFF60]  }
0x1cf: {  	[tilespmem:s30+$0xFFFFFFD0] =	vst v2;
	v2 =	vld [tilespmem:s30+$0xFFFFFFE0];
	v0 =	vadd.f32 v1, v0  }
0x1d0: {  	v1 =	vadd.f32 v5, v7;
	v5 =	vld [tilespmem:s26+$0xFFFFFFE0]  }
0x1d1: {  	[tilespmem:s30+$0x50] =	vst v0;
	v7 =	vld [tilespmem:s30+$0x60]  }
0x1d2: {  	[tilespmem:s30+$0xFFFFFF50] =	vst v1;
	v8 =	vld [tilespmem:s26+$0x60];
	v0 =	vadd.f32 v4, v3  }
0x1d3: {  	v3 =	vld [tilespmem:s26+$0xFFFFFF60]  }
0x1d4: {  	[tilespmem:s30+$0xE0] =	vst v0;
	v9 =	vld [tilespmem:s30+$0xF0]  }
0x1d5: {  	v1 =	vadd.f32 v5, v2;
	v5 =	vld [tilespmem:s26+$0xF0]  }
0x1d6: {  	v0 =	vld [tilespmem:s30+$0xFFFFFF70]  }
.Ltmp7:
0x1d7: {  	[tilespmem:s30+$0xFFFFFFE0] =	vst v1;
	v1 =	vld [tilespmem:s30+$0xFFFFFFF0];
	v2 =	vadd.f32 v8, v7;
	(pc) =	sbr.rel @p1 .LBB2_4-.Ltmp7, $4  }
0x1d8: {  	v4 =	vadd.f32 v3, v6;
	v3 =	vld [tilespmem:s26+$0xFFFFFFF0]  }
0x1d9: {  	[tilespmem:s30+$0x60] =	vst v2;
	v2 =	vld [tilespmem:s30+$0x70]  }
0x1da: {  	[tilespmem:s30+$0xFFFFFF60] =	vst v4;
	v4 =	vld [tilespmem:s26+$0x70];
	v6 =	vadd.f32 v5, v9  }
0x1db: {  	s30 =	sadd.s32 $0x200, s30;
	v5 =	vld [tilespmem:s26+$0xFFFFFF70]  }
0x1dc: {  	_ =	sdelay $0x1  }
0x1dd: {  	v1 =	vadd.f32 v3, v1  }
0x1de: {  	[tilespmem:s25+$0xF0] =	vst v6;
	v2 =	vadd.f32 v4, v2  }
0x1df: {  	[tilespmem:s25+$0xFFFFFFF0] =	vst v1;
	v0 =	vadd.f32 v5, v0  }
0x1e0: {  	s26 =	sshll.u32 s28, $0x4;
	[tilespmem:s25+$0x70] =	vst v2  }
0x1e1: {  	s31 =	sadd.s32 s7, s26;
	[tilespmem:s25+$0xFFFFFF70] =	vst v0  }
0x1e2: {  	[hbm4b:s31+s1] =	stream.linear.scatter [tilespmem:s16], [sflag:$0x2], $0x2800, $0x38;
	[tilespmem:$0x1A000] =	vst v63  }
0x1e3: {  	_ =	swait.ge [sflag:s18], $0x2800  }
0x1e4: {  	[sflag:s18] =	ssyncset.done $0x0  }
0x1e5: {  	[sflag:s18] =	ssyncadd.s32 $0xFFFFD800  }
0x1e6: {  	_ =	swait.ge [sflag:s18], $0x2800  }
0x1e7: {  	p1 =	seq.s32 s23, $0x7C;
	[sflag:s18] =	ssyncset.done $0x0  }
0x1e8: {  	s25 =	simm.s32 @!p1 $0x2;
	[sflag:s18] =	ssyncadd.s32 $0xFFFFD800  }
0x1e9: {  	_ =	swait.ge @!p1 [sflag:s25], $0x2800  }
0x1ea: {  	[sflag:s25] =	ssyncset.done @!p1 $0x0  }
0x1eb: {  	[sflag:s25] =	ssyncadd.s32 @!p1 $0xFFFFD800;
	s25 =	sshll.u32 @!p1 s23, $0x8  }
0x1ec: {  	s28 =	simm.s32 @!p1 $0x50;
	s29 =	simm.s32 @!p1 $0x10000;
	s26 =	sadd.s32 @!p1 $0x100, s25  }
0x1ed: {  	[tilespmem:s29], [sflag:$0x1] =	stream.indirect.gather @!p1 [hbm4b:s3+s28], $0x80, s26, s28, $0xb8;
	[tilespmem:$0x1A000] =	vst v63  }
0x1ee: {  	s25 =	sadd.s32 @!p1 $0x8100, s25;
	s26 =	simm.s32 @!p1 $0x15000  }
0x1ef: {  	[tilespmem:s26], [sflag:$0x1] =	stream.indirect.gather @!p1 [hbm4b:s4+s28], $0x80, s25, s28, $0xb8;
	[tilespmem:$0x1A000] =	vst v63  }
0x1f0: {  	s25 =	simm.s32 $0x129F0  }
0x1f1: {  	s26 =	simm.s32 $0x179F0;
	v0 =	vld [tilespmem:s25+$0xFFFFFF90]  }
0x1f2: {  	v1 =	vld [tilespmem:s26+$0xFFFFFF90]  }
0x1f3: {  	v2 =	vld [tilespmem:s25+$0xFFFFFE90]  }
0x1f4: {  	v3 =	vld [tilespmem:s26+$0xFFFFFE90]  }
0x1f5: {  	v4 =	vld [tilespmem:s25+$0xFFFFFF10]  }
0x1f6: {  	v5 =	vld [tilespmem:s26+$0xFFFFFF10]  }
0x1f7: {  	v6 =	vld [tilespmem:s25+$0xFFFFFE10];
	v0 =	vadd.f32 v1, v0  }
0x1f8: {  	v1 =	vld [tilespmem:s26+$0xFFFFFE10]  }
0x1f9: {  	[tilespmem:s25+$0xFFFFFF90] =	vst v0;
	v0 =	vld [tilespmem:s25+$0xFFFFFFA0]  }
0x1fa: {  	v2 =	vadd.f32 v3, v2;
	v3 =	vld [tilespmem:s26+$0xFFFFFFA0]  }
0x1fb: {  	v7 =	vld [tilespmem:s25+$0xFFFFFE20]  }
0x1fc: {  	[tilespmem:s25+$0xFFFFFE90] =	vst v2;
	v2 =	vadd.f32 v5, v4;
	v4 =	vld [tilespmem:s25+$0xFFFFFEA0]  }
0x1fd: {  	v5 =	vld [tilespmem:s26+$0xFFFFFEA0];
	v1 =	vadd.f32 v1, v6  }
0x1fe: {  	[tilespmem:s25+$0xFFFFFF10] =	vst v2;
	v2 =	vld [tilespmem:s25+$0xFFFFFF20]  }
0x1ff: {  	v6 =	vld [tilespmem:s26+$0xFFFFFF20];
	[tilespmem:s25+$0xFFFFFE10] =	vst v1;
	v0 =	vadd.f32 v3, v0  }
0x200: {  	v1 =	vld [tilespmem:s26+$0xFFFFFE20]  }
0x201: {  	[tilespmem:s25+$0xFFFFFFA0] =	vst v0;
	v0 =	vld [tilespmem:s25+$0xFFFFFFB0]  }
0x202: {  	v3 =	vadd.f32 v5, v4;
	v4 =	vld [tilespmem:s26+$0xFFFFFFB0]  }
0x203: {  	v5 =	vld [tilespmem:s25+$0xFFFFFE30]  }
0x204: {  	[tilespmem:s25+$0xFFFFFEA0] =	vst v3;
	v2 =	vadd.f32 v6, v2;
	v3 =	vld [tilespmem:s25+$0xFFFFFEB0]  }
0x205: {  	v6 =	vld [tilespmem:s26+$0xFFFFFEB0];
	v1 =	vadd.f32 v1, v7  }
0x206: {  	[tilespmem:s25+$0xFFFFFF20] =	vst v2;
	v2 =	vld [tilespmem:s25+$0xFFFFFF30]  }
0x207: {  	v7 =	vld [tilespmem:s26+$0xFFFFFF30];
	[tilespmem:s25+$0xFFFFFE20] =	vst v1;
	v0 =	vadd.f32 v4, v0  }
0x208: {  	v1 =	vld [tilespmem:s26+$0xFFFFFE30]  }
0x209: {  	[tilespmem:s25+$0xFFFFFFB0] =	vst v0;
	v0 =	vld [tilespmem:s25+$0xFFFFFFC0]  }
0x20a: {  	v3 =	vadd.f32 v6, v3;
	v4 =	vld [tilespmem:s26+$0xFFFFFFC0]  }
0x20b: {  	v6 =	vld [tilespmem:s25+$0xFFFFFE40]  }
0x20c: {  	[tilespmem:s25+$0xFFFFFEB0] =	vst v3;
	v2 =	vadd.f32 v7, v2;
	v3 =	vld [tilespmem:s25+$0xFFFFFEC0]  }
0x20d: {  	v7 =	vld [tilespmem:s26+$0xFFFFFEC0];
	v1 =	vadd.f32 v1, v5  }
0x20e: {  	[tilespmem:s25+$0xFFFFFF30] =	vst v2;
	v2 =	vld [tilespmem:s25+$0xFFFFFF40]  }
0x20f: {  	v5 =	vld [tilespmem:s26+$0xFFFFFF40];
	[tilespmem:s25+$0xFFFFFE30] =	vst v1;
	v0 =	vadd.f32 v4, v0  }
0x210: {  	v1 =	vld [tilespmem:s26+$0xFFFFFE40]  }
0x211: {  	[tilespmem:s25+$0xFFFFFFC0] =	vst v0;
	v0 =	vld [tilespmem:s25+$0xFFFFFFD0]  }
0x212: {  	v3 =	vadd.f32 v7, v3;
	v4 =	vld [tilespmem:s26+$0xFFFFFFD0]  }
0x213: {  	v7 =	vld [tilespmem:s25+$0xFFFFFE50]  }
0x214: {  	[tilespmem:s25+$0xFFFFFEC0] =	vst v3;
	v2 =	vadd.f32 v5, v2;
	v3 =	vld [tilespmem:s25+$0xFFFFFED0]  }
0x215: {  	v5 =	vld [tilespmem:s26+$0xFFFFFED0];
	v1 =	vadd.f32 v1, v6  }
0x216: {  	[tilespmem:s25+$0xFFFFFF40] =	vst v2;
	v2 =	vld [tilespmem:s25+$0xFFFFFF50]  }
0x217: {  	v6 =	vld [tilespmem:s26+$0xFFFFFF50];
	[tilespmem:s25+$0xFFFFFE40] =	vst v1;
	v0 =	vadd.f32 v4, v0  }
0x218: {  	v1 =	vld [tilespmem:s26+$0xFFFFFE50]  }
0x219: {  	[tilespmem:s25+$0xFFFFFFD0] =	vst v0;
	v0 =	vld [tilespmem:s25+$0xFFFFFFE0]  }
0x21a: {  	v3 =	vadd.f32 v5, v3;
	v4 =	vld [tilespmem:s26+$0xFFFFFFE0]  }
0x21b: {  	v5 =	vld [tilespmem:s25+$0xFFFFFE60]  }
0x21c: {  	[tilespmem:s25+$0xFFFFFED0] =	vst v3;
	v2 =	vadd.f32 v6, v2;
	v3 =	vld [tilespmem:s25+$0xFFFFFEE0]  }
0x21d: {  	v6 =	vld [tilespmem:s26+$0xFFFFFEE0];
	v1 =	vadd.f32 v1, v7  }
0x21e: {  	[tilespmem:s25+$0xFFFFFF50] =	vst v2;
	v2 =	vld [tilespmem:s25+$0xFFFFFF60]  }
0x21f: {  	v7 =	vld [tilespmem:s26+$0xFFFFFF60];
	[tilespmem:s25+$0xFFFFFE50] =	vst v1;
	v0 =	vadd.f32 v4, v0  }
0x220: {  	v1 =	vld [tilespmem:s26+$0xFFFFFE60]  }
0x221: {  	[tilespmem:s25+$0xFFFFFFE0] =	vst v0;
	v0 =	vld [tilespmem:s25+$0xFFFFFFF0]  }
0x222: {  	v3 =	vadd.f32 v6, v3;
	v4 =	vld [tilespmem:s26+$0xFFFFFFF0]  }
0x223: {  	v6 =	vld [tilespmem:s25+$0xFFFFFE70]  }
0x224: {  	[tilespmem:s25+$0xFFFFFEE0] =	vst v3;
	v2 =	vadd.f32 v7, v2;
	v3 =	vld [tilespmem:s25+$0xFFFFFEF0]  }
0x225: {  	v7 =	vld [tilespmem:s26+$0xFFFFFEF0];
	v1 =	vadd.f32 v1, v5  }
0x226: {  	[tilespmem:s25+$0xFFFFFF60] =	vst v2;
	v2 =	vld [tilespmem:s25+$0xFFFFFF70]  }
0x227: {  	v5 =	vld [tilespmem:s26+$0xFFFFFF70];
	[tilespmem:s25+$0xFFFFFE60] =	vst v1;
	v0 =	vadd.f32 v4, v0  }
0x228: {  	v4 =	vld [tilespmem:s26+$0xFFFFFE70]  }
0x229: {  	v8 =	vld [tilespmem:s25+$0x0];
	[tilespmem:s25+$0xFFFFFFF0] =	vst v0  }
0x22a: {  	v1 =	vadd.f32 v7, v3;
	v7 =	vld [tilespmem:s26+$0x0]  }
0x22b: {  	v0 =	vld [tilespmem:s25+$0xFFFFFE80]  }
0x22c: {  	[tilespmem:s25+$0xFFFFFEF0] =	vst v1;
	v2 =	vadd.f32 v5, v2;
	v1 =	vld [tilespmem:s25+$0xFFFFFF00]  }
0x22d: {  	v3 =	vld [tilespmem:s26+$0xFFFFFF00];
	v4 =	vadd.f32 v4, v6  }
0x22e: {  	s24 =	smul.u32 $0x50, s24;
	[tilespmem:s25+$0xFFFFFF70] =	vst v2;
	v2 =	vld [tilespmem:s25+$0xFFFFFF80]  }
0x22f: {  	[tilespmem:s25+$0xFFFFFE70] =	vst v4;
	v4 =	vld [tilespmem:s26+$0xFFFFFF80];
	v6 =	vadd.f32 v7, v8  }
0x230: {  	s24 =	sadd.s32 s11, s24;
	s29 =	simm.s32 $0x12BF0;
	s28 =	simm.s32 $0x0;
	v5 =	vld [tilespmem:s26+$0xFFFFFE80]  }
.LBB2_6:
0x231: {  	v7 =	vld [tilespmem:s29+$0xFFFFFF90];
	[tilespmem:s25+$0x0] =	vst v6;
	s26 =	sadd.s32 $0x200, s26  }
0x232: {  	s28 =	sadd.s32 $0x4, s28;
	v6 =	vld [tilespmem:s26+$0xFFFFFF90];
	v1 =	vadd.f32 v3, v1  }
0x233: {  	p1 =	slt.u32 s28, $0x4C;
	v3 =	vld [tilespmem:s26+$0xFFFFFE10]  }
0x234: {  	v8 =	vld [tilespmem:s29+$0xFFFFFE90];
	[tilespmem:s25+$0xFFFFFF00] =	vst v1;
	v1 =	vadd.f32 v4, v2  }
0x235: {  	v2 =	vld [tilespmem:s26+$0xFFFFFE90];
	v0 =	vadd.f32 v5, v0  }
0x236: {  	v4 =	vld [tilespmem:s29+$0xFFFFFF10];
	[tilespmem:s25+$0xFFFFFF80] =	vst v1  }
0x237: {  	v1 =	vld [tilespmem:s26+$0xFFFFFF10];
	v5 =	vadd.f32 v6, v7;
	[tilespmem:s25+$0xFFFFFE80] =	vst v0;
	s25 =	smov.u32 s29  }
0x238: {  	v0 =	vld [tilespmem:s29+$0xFFFFFE10]  }
0x239: {  	[tilespmem:s29+$0xFFFFFF90] =	vst v5;
	v5 =	vld [tilespmem:s29+$0xFFFFFFA0]  }
0x23a: {  	v2 =	vadd.f32 v2, v8;
	v6 =	vld [tilespmem:s26+$0xFFFFFFA0]  }
0x23b: {  	v7 =	vld [tilespmem:s29+$0xFFFFFE20]  }
0x23c: {  	[tilespmem:s29+$0xFFFFFE90] =	vst v2;
	v2 =	vld [tilespmem:s29+$0xFFFFFEA0];
	v1 =	vadd.f32 v1, v4  }
0x23d: {  	v0 =	vadd.f32 v3, v0;
	v3 =	vld [tilespmem:s26+$0xFFFFFEA0]  }
0x23e: {  	[tilespmem:s29+$0xFFFFFF10] =	vst v1;
	v1 =	vld [tilespmem:s29+$0xFFFFFF20]  }
0x23f: {  	[tilespmem:s29+$0xFFFFFE10] =	vst v0;
	v0 =	vld [tilespmem:s26+$0xFFFFFF20];
	v4 =	vadd.f32 v6, v5  }
0x240: {  	v5 =	vld [tilespmem:s26+$0xFFFFFE20]  }
0x241: {  	[tilespmem:s29+$0xFFFFFFA0] =	vst v4;
	v4 =	vld [tilespmem:s29+$0xFFFFFFB0]  }
0x242: {  	v2 =	vadd.f32 v3, v2;
	v3 =	vld [tilespmem:s26+$0xFFFFFFB0]  }
0x243: {  	v6 =	vld [tilespmem:s29+$0xFFFFFE30]  }
0x244: {  	[tilespmem:s29+$0xFFFFFEA0] =	vst v2;
	v2 =	vld [tilespmem:s29+$0xFFFFFEB0];
	v0 =	vadd.f32 v0, v1  }
0x245: {  	v1 =	vadd.f32 v5, v7;
	v5 =	vld [tilespmem:s26+$0xFFFFFEB0]  }
0x246: {  	[tilespmem:s29+$0xFFFFFF20] =	vst v0;
	v0 =	vld [tilespmem:s29+$0xFFFFFF30]  }
0x247: {  	[tilespmem:s29+$0xFFFFFE20] =	vst v1;
	v1 =	vld [tilespmem:s26+$0xFFFFFF30];
	v3 =	vadd.f32 v3, v4  }
0x248: {  	v4 =	vld [tilespmem:s26+$0xFFFFFE30]  }
0x249: {  	[tilespmem:s29+$0xFFFFFFB0] =	vst v3;
	v3 =	vld [tilespmem:s29+$0xFFFFFFC0]  }
0x24a: {  	v2 =	vadd.f32 v5, v2;
	v5 =	vld [tilespmem:s26+$0xFFFFFFC0]  }
0x24b: {  	v7 =	vld [tilespmem:s29+$0xFFFFFE40]  }
0x24c: {  	[tilespmem:s29+$0xFFFFFEB0] =	vst v2;
	v2 =	vld [tilespmem:s29+$0xFFFFFEC0];
	v0 =	vadd.f32 v1, v0  }
0x24d: {  	v1 =	vadd.f32 v4, v6;
	v4 =	vld [tilespmem:s26+$0xFFFFFEC0]  }
0x24e: {  	[tilespmem:s29+$0xFFFFFF30] =	vst v0;
	v0 =	vld [tilespmem:s29+$0xFFFFFF40]  }
0x24f: {  	[tilespmem:s29+$0xFFFFFE30] =	vst v1;
	v1 =	vld [tilespmem:s26+$0xFFFFFF40];
	v3 =	vadd.f32 v5, v3  }
0x250: {  	v5 =	vld [tilespmem:s26+$0xFFFFFE40]  }
0x251: {  	[tilespmem:s29+$0xFFFFFFC0] =	vst v3;
	v3 =	vld [tilespmem:s29+$0xFFFFFFD0]  }
0x252: {  	v2 =	vadd.f32 v4, v2;
	v4 =	vld [tilespmem:s26+$0xFFFFFFD0]  }
0x253: {  	v6 =	vld [tilespmem:s29+$0xFFFFFE50]  }
0x254: {  	[tilespmem:s29+$0xFFFFFEC0] =	vst v2;
	v2 =	vld [tilespmem:s29+$0xFFFFFED0];
	v0 =	vadd.f32 v1, v0  }
0x255: {  	v1 =	vadd.f32 v5, v7;
	v5 =	vld [tilespmem:s26+$0xFFFFFED0]  }
0x256: {  	[tilespmem:s29+$0xFFFFFF40] =	vst v0;
	v0 =	vld [tilespmem:s29+$0xFFFFFF50]  }
0x257: {  	[tilespmem:s29+$0xFFFFFE40] =	vst v1;
	v1 =	vld [tilespmem:s26+$0xFFFFFF50];
	v3 =	vadd.f32 v4, v3  }
0x258: {  	v4 =	vld [tilespmem:s26+$0xFFFFFE50]  }
0x259: {  	[tilespmem:s29+$0xFFFFFFD0] =	vst v3;
	v3 =	vld [tilespmem:s29+$0xFFFFFFE0]  }
0x25a: {  	v2 =	vadd.f32 v5, v2;
	v5 =	vld [tilespmem:s26+$0xFFFFFFE0]  }
0x25b: {  	v7 =	vld [tilespmem:s29+$0xFFFFFE60]  }
0x25c: {  	[tilespmem:s29+$0xFFFFFED0] =	vst v2;
	v2 =	vld [tilespmem:s29+$0xFFFFFEE0];
	v0 =	vadd.f32 v1, v0  }
0x25d: {  	v1 =	vadd.f32 v4, v6;
	v4 =	vld [tilespmem:s26+$0xFFFFFEE0]  }
0x25e: {  	[tilespmem:s29+$0xFFFFFF50] =	vst v0;
	v0 =	vld [tilespmem:s29+$0xFFFFFF60]  }
0x25f: {  	[tilespmem:s29+$0xFFFFFE50] =	vst v1;
	v1 =	vld [tilespmem:s26+$0xFFFFFF60];
	v3 =	vadd.f32 v5, v3  }
0x260: {  	v5 =	vld [tilespmem:s26+$0xFFFFFE60]  }
0x261: {  	[tilespmem:s29+$0xFFFFFFE0] =	vst v3;
	v3 =	vld [tilespmem:s29+$0xFFFFFFF0]  }
0x262: {  	v2 =	vadd.f32 v4, v2;
	v4 =	vld [tilespmem:s26+$0xFFFFFFF0]  }
0x263: {  	v6 =	vld [tilespmem:s29+$0xFFFFFE70]  }
0x264: {  	[tilespmem:s29+$0xFFFFFEE0] =	vst v2;
	v2 =	vld [tilespmem:s29+$0xFFFFFEF0];
	v0 =	vadd.f32 v1, v0  }
0x265: {  	v1 =	vadd.f32 v5, v7;
	v5 =	vld [tilespmem:s26+$0xFFFFFEF0]  }
0x266: {  	[tilespmem:s29+$0xFFFFFF60] =	vst v0;
	v7 =	vld [tilespmem:s29+$0xFFFFFF70]  }
0x267: {  	[tilespmem:s29+$0xFFFFFE60] =	vst v1;
	v8 =	vld [tilespmem:s26+$0xFFFFFF70];
	v0 =	vadd.f32 v4, v3  }
0x268: {  	v3 =	vld [tilespmem:s26+$0xFFFFFE70]  }
0x269: {  	[tilespmem:s29+$0xFFFFFFF0] =	vst v0;
	v9 =	vld [tilespmem:s29+$0x0]  }
0x26a: {  	v1 =	vadd.f32 v5, v2;
	v5 =	vld [tilespmem:s26+$0x0]  }
0x26b: {  	v0 =	vld [tilespmem:s29+$0xFFFFFE80]  }
.Ltmp8:
0x26c: {  	[tilespmem:s29+$0xFFFFFEF0] =	vst v1;
	v1 =	vld [tilespmem:s29+$0xFFFFFF00];
	v2 =	vadd.f32 v8, v7;
	(pc) =	sbr.rel @p1 .LBB2_6-.Ltmp8, $4  }
0x26d: {  	v4 =	vadd.f32 v3, v6;
	v3 =	vld [tilespmem:s26+$0xFFFFFF00]  }
0x26e: {  	[tilespmem:s29+$0xFFFFFF70] =	vst v2;
	v2 =	vld [tilespmem:s29+$0xFFFFFF80]  }
0x26f: {  	[tilespmem:s29+$0xFFFFFE70] =	vst v4;
	v4 =	vld [tilespmem:s26+$0xFFFFFF80];
	v6 =	vadd.f32 v5, v9  }
0x270: {  	s29 =	sadd.s32 $0x200, s29;
	v5 =	vld [tilespmem:s26+$0xFFFFFE80]  }
0x271: {  	_ = 	snop  }
0x272: {  	s23 =	sadd.s32 $0x1, s23  }
0x273: {  	v1 =	vadd.f32 v3, v1;
	p1 =	seq.s32 s23, $0x7D  }
.Ltmp9:
0x274: {  	[tilespmem:s25+$0x0] =	vst v6;
	v2 =	vadd.f32 v4, v2;
	(pc) =	sbr.rel @!p1 .LBB2_3-.Ltmp9, $4  }
.Ltmp10:
0x275: {  	[tilespmem:s25+$0xFFFFFF00] =	vst v1;
	v0 =	vadd.f32 v5, v0;
	(pc) =	sbr.rel @p1 .LBB2_14-.Ltmp10, $4  }
0x276: {  	s24 =	sshll.u32 s24, $0x4;
	[tilespmem:s25+$0xFFFFFF80] =	vst v2  }
0x277: {  	s24 =	sadd.s32 s7, s24;
	[tilespmem:s25+$0xFFFFFE80] =	vst v0  }
0x278: {  	[hbm4b:s24+s1] =	stream.linear.scatter [tilespmem:s19], [sflag:$0x2], $0x2800, $0x38;
	[tilespmem:$0x1A000] =	vst v63  }
0x279: {  	_ = 	snop  }
.LBB2_15:
0x27a: {  	_ =	sfence.sel $0x180000  }
0x27b: {  	[bflag:$0x0] =	sbarrier.arrive $0xFFFF  }
0x27c: {  	p0 =	sne.s32 s2, $0x0;
	_ =	strace $0x9000004A  }
0x27d: {  	s0 =	sadd.s32 @!p0 $0x100000, s0;
	[bflag:$0x2] =	sbarrier.arrive $0xFFFF  }
0x27e: {  	[sflag:s0] =	ssyncadd.tile.s32 @!p0 $0x1;
	_ =	shalt  }
.Lfunc_end2:
_tile_overlayer_lowered:
.L_overlay_start_2:
0x27f: {  	(tag) =	ssettag $0x2  }
0x280: {  	s0 =	rddreg [dreg:$0x0];
	s2 =	stileid.u32  }
0x281: {  	s1 =	rddreg [dreg:$0x1];
	p0 =	sne.s32 s2, $0x0  }
0x282: {  	s3 =	rddreg [dreg:$0x2];
	[bflag:$0x3] =	sbarrier.arrive $0xFFFF;
	s2 =	simm.s32 @!p0 $0x1C03  }
0x283: {  	[timem:s3], [sflag:s2] =	dma.local @!p0 [hbm:s0], s1  }
0x284: {  	s0 =	simm.s32 @!p0 $0x3  }
0x285: {  	_ =	swait.ge @!p0 [sflag:s0], s1  }
0x286: {  	s1 =	ssub.s32 @!p0 $0x0, s1;
	[sflag:s0] =	ssyncset.done @!p0 $0x0  }
0x287: {  	[sflag:s0] =	ssyncadd.s32 @!p0 s1  }
0x288: {  	[bflag:$0x3] =	sbarrier.arrive $0xFFFF  }
0x289: {  	_ =	shalt  }

// kernel: kernel.7.cloned.1.call-start
scs
__scs_entry_jumppad:
0x0: {  	(pc) =	sbr.rel $0x88, $3  }
0x1: {  	(tag) =	ssettag $0x0;
	lr =	simm.s32 $0x1  }
0x2: {  	[smem:$0x3F85] =	sst lr;
	_ =	strace $0xD0000000  }
0x3: {  	_ = 	snop  }
0x4: {  	_ = 	snop  }
0x5: {  	_ = 	snop  }
0x6: {  	_ = 	snop  }
0x7: {  	_ = 	snop  }
__scs_overlays_trampoline_lowered:
0x8: {  	[smem:$0x3F94] =	sst s0  }
0x9: {  	[smem:$0x3F95] =	sst s1  }
0xa: {  	[smem:$0x3F96] =	sst s2  }
0xb: {  	[smem:$0x3F97] =	sst s3  }
0xc: {  	[smem:$0x3F98] =	sst s4  }
0xd: {  	[smem:$0x3F99] =	sst s5  }
0xe: {  	[smem:$0x3F9A] =	sst s6  }
0xf: {  	[smem:$0x3F9B] =	sst s7  }
0x10: {  	[smem:$0x3F9C] =	sst s8  }
0x11: {  	[smem:$0x3F9D] =	sst s9;
	s0 =	simm.s32 @!p0 $0x0  }
0x12: {  	s1 =	sld [smem:$0x3F83];
	s0 =	simm.s32 @p0 $0x1  }
0x13: {  	[smem:$0x3F9E] =	sst s0;
	s0 =	simm.s32 @!p1 $0x0  }
0x14: {  	s2 =	sld [smem:$0x3F82];
	s0 =	simm.s32 @p1 $0x1  }
0x15: {  	[smem:$0x3F9F] =	sst s0;
	s0 =	simm.s32 @!p2 $0x0  }
0x16: {  	s3 =	sld [smem:$0x3FDB];
	s0 =	simm.s32 @p2 $0x1  }
0x17: {  	s4 =	simm.s32 $0x1BF5;
	[smem:$0x3FA1] =	sst s0  }
0x18: {  	s0 =	sld [smem:$0x3F84];
	_ =	swait.ge [sflag:s4], $0x0  }
0x19: {  	s7 =	sld [smem:$0x3F85]  }
0x1a: {  	s8 =	sadd.s32 $0xFFFFE003, lr  }
0x1b: {  	s9 =	sadd.s32 $0xFFFFFEF7, lr;
	s5 =	simm.s32 $0xFFFFFFFF;
	p2 =	slt.u32 s8, $0xFFFFF086  }
0x1c: {  	p1 =	slt.u32 s9, $0xF7A;
	s5 =	simm.s32 @!p2 $0x0  }
0x1d: {  	s5 =	simm.s32 @p1 $0x1;
	p0 =	seq.s32 s7, s2  }
0x1e: {  	s7 =	smul.u32 @!p0 $0xF7A, s2;
	p2 =	seq.s32 @!p0 s5, $0x0  }
0x1f: {  	s9 =	smul.u32 $0xF7A, s1;
	s8 =	simm.s32 @!p0 $0x1BF5;
	p2 =	por !p2, p0  }
0x20: {  	[sflag:s8] =	ssyncset.s32 @!p0 $0xFFFFF086;
	s6 =	sadd.s32 @!p0 s3, s7;
	s7 =	simm.s32 @!p0 $0x108  }
0x21: {  	s3 =	sadd.s32 s3, s9;
	s6 =	sadd.s32 @!p0 $0x88, s6;
	s7 =	simm.s32 @p2 $0x1082  }
0x22: {  	[simem:s7], [sflag:s8] =	dma.local @!p0 [hbm:s6], $0xF7A  }
0x23: {  	s9 =	sor.u32 $0xD0000000, s2;
	s6 =	simm.s32 $0x108;
	_ =	swait.ge @!p0 [sflag:s8], $0x0  }
0x24: {  	s3 =	sadd.s32 $0x88, s3;
	s6 =	simm.s32 @!p1 $0x1082;
	[sflag:s4] =	ssyncset.s32 $0xFFFFF086  }
0x25: {  	[simem:s6], [sflag:s4] =	dma.local [hbm:s3], $0xF7A  }
0x26: {  	[smem:$0x3F85] =	sst s1;
	(tag) =	ssettag s2;
	_ =	strace s9  }
0x27: {  	s1 =	sld [smem:$0x3F95]  }
0x28: {  	s2 =	sld [smem:$0x3F96]  }
0x29: {  	s4 =	sld [smem:$0x3F98]  }
0x2a: {  	p0 =	seq.s32 s5, $0x0;
	s5 =	sld [smem:$0x3F99]  }
0x2b: {  	s6 =	sld [smem:$0x3F9A]  }
0x2c: {  	s7 =	sld [smem:$0x3F9B]  }
0x2d: {  	s3 =	simm.s32 $0x108;
	s8 =	sld [smem:$0x3F9C]  }
0x2e: {  	s3 =	simm.s32 @!p0 $0x1082;
	s9 =	sld [smem:$0x3F9D]  }
0x2f: {  	lr =	sadd.s32 s0, s3;
	s0 =	sld [smem:$0x3F94]  }
0x30: {  	s3 =	sld [smem:$0x3F97]  }
0x31: {  	[smem:$0x3FA0] =	sst s10  }
0x32: {  	s10 =	sld [smem:$0x3F9E];
	_ =	sdelay $0x3  }
0x33: {  	p0 =	seq.s32 s10, $0x1;
	s10 =	sld [smem:$0x3FA0];
	_ =	sdelay $0x3  }
0x34: {  	[smem:$0x3FA0] =	sst s10  }
0x35: {  	s10 =	sld [smem:$0x3F9F];
	_ =	sdelay $0x3  }
0x36: {  	p1 =	seq.s32 s10, $0x1;
	s10 =	sld [smem:$0x3FA0];
	_ =	sdelay $0x3  }
0x37: {  	[smem:$0x3FA0] =	sst s10  }
0x38: {  	s10 =	sld [smem:$0x3FA1]  }
0x39: {  	_ = 	snop;
	(pc) =	sbr.ind lr, $3  }
0x3a: {  	_ = 	snop  }
0x3b: {  	_ = 	snop  }
0x3c: {  	p2 =	seq.s32 s10, $0x1;
	s10 =	sld [smem:$0x3FA0]  }
0x3d: {  	_ =	shalt  }
0x3e: {  	_ =	shalt  }
0x3f: {  	_ =	shalt  }
0x40: {  	_ =	shalt  }
0x41: {  	_ =	shalt  }
0x42: {  	_ =	shalt  }
0x43: {  	_ =	shalt  }
0x44: {  	_ =	shalt  }
0x45: {  	_ =	shalt  }
0x46: {  	_ =	shalt  }
0x47: {  	_ =	shalt  }
0x48: {  	_ =	shalt  }
0x49: {  	_ =	shalt  }
0x4a: {  	_ =	shalt  }
0x4b: {  	_ =	shalt  }
0x4c: {  	_ =	shalt  }
0x4d: {  	_ =	shalt  }
0x4e: {  	_ =	shalt  }
0x4f: {  	_ =	shalt  }
0x50: {  	_ =	shalt  }
0x51: {  	_ =	shalt  }
0x52: {  	_ =	shalt  }
0x53: {  	_ =	shalt  }
0x54: {  	_ =	shalt  }
0x55: {  	_ =	shalt  }
0x56: {  	_ =	shalt  }
0x57: {  	_ =	shalt  }
0x58: {  	_ =	shalt  }
0x59: {  	_ =	shalt  }
0x5a: {  	_ =	shalt  }
0x5b: {  	_ =	shalt  }
0x5c: {  	_ =	shalt  }
0x5d: {  	_ =	shalt  }
0x5e: {  	_ =	shalt  }
0x5f: {  	_ =	shalt  }
0x60: {  	_ =	shalt  }
0x61: {  	_ =	shalt  }
0x62: {  	_ =	shalt  }
0x63: {  	_ =	shalt  }
0x64: {  	_ =	shalt  }
0x65: {  	_ =	shalt  }
0x66: {  	_ =	shalt  }
0x67: {  	_ =	shalt  }
0x68: {  	_ =	shalt  }
0x69: {  	_ =	shalt  }
0x6a: {  	_ =	shalt  }
0x6b: {  	_ =	shalt  }
0x6c: {  	_ =	shalt  }
0x6d: {  	_ =	shalt  }
0x6e: {  	_ =	shalt  }
0x6f: {  	_ =	shalt  }
0x70: {  	_ =	shalt  }
0x71: {  	_ =	shalt  }
0x72: {  	_ =	shalt  }
0x73: {  	_ =	shalt  }
0x74: {  	_ =	shalt  }
0x75: {  	_ =	shalt  }
0x76: {  	_ =	shalt  }
0x77: {  	_ =	shalt  }
0x78: {  	_ =	shalt  }
0x79: {  	_ =	shalt  }
0x7a: {  	_ =	shalt  }
0x7b: {  	_ =	shalt  }
0x7c: {  	_ =	shalt  }
0x7d: {  	_ =	shalt  }
0x7e: {  	_ =	shalt  }
0x7f: {  	_ =	shalt  }
0x80: {  	_ =	shalt  }
0x81: {  	_ =	shalt  }
0x82: {  	_ =	shalt  }
0x83: {  	_ =	shalt  }
0x84: {  	_ =	shalt  }
0x85: {  	_ =	shalt  }
0x86: {  	_ =	shalt  }
0x87: {  	_ =	shalt  }
.Lfunc_end0:
.L_simem_size_0:
called_computation_lowered:
.L_overlay_start_0:
0x88: {  	s2 =	sld [smem:$0x3FD9]  }
0x89: {  	s3 =	sld [smem:$0x3FFE];
	_ =	sdelay $0x1  }
0x8a: {  	s1 =	srdreg.scid  }
0x8b: {  	s0 =	sand.u32 $0x1, s1  }
0x8c: {  	s16 =	sshll.u32 s0, $0xA;
	s2 =	sadd.s32 s3, s2  }
0x8d: {  	s2 =	sadd.s32 s2, s16  }
0x8e: {  	[smem:$0x3FAC] =	sst s2  }
0x8f: {  	_ = 	snop  }
0x90: {  	(tm) =	ssettm $0x1  }
0x91: {  	s17 =	sld [smem:$0x3FFB];
	_ =	sdelay $0x3  }
0x92: {  	_ =	strace s17  }
0x93: {  	s2 =	sld [smem:$0x3FFC];
	_ =	sdelay $0x3  }
0x94: {  	_ =	strace s2  }
0x95: {  	s2 =	sld [smem:$0x3FFD];
	_ =	sdelay $0x3  }
0x96: {  	_ =	strace s2  }
0x97: {  	_ =	strace $0x8FFFFFFF  }
0x98: {  	s18 =	sld [smem:$0x3FDB];
	_ =	sdelay $0x1  }
0x99: {  	s19 =	simm.s32 $_scs_section_size  }
0x9a: {  	s4 =	simm.s32 $_size__tile_overlayer_lowered;
	s5 =	simm.s32 $_tile_overlayer_lowered  }
0x9b: {  	s22 =	simm.s32 $0x1BFF;
	s21 =	sshll.u32 s5, $0x1;
	s2 =	sadd.s32 s19, s18  }
0x9c: {  	s6 =	simm.s32 $0x0;
	s20 =	sshll.u32 s4, $0x1;
	s4 =	sadd.s32 s21, s2  }
0x9d: {  	[timem:s6], [sflag:s22] =	dma.local [hbm:s4], s20  }
0x9e: {  	_ =	swait.ge [sflag:s22], s20  }
0x9f: {  	s3 =	ssub.s32 $0x0, s20;
	[sflag:s22] =	ssyncset.done $0x0  }
0xa0: {  	[sflag:s22] =	ssyncadd.s32 s3;
	_ =	sdelay $0x1  }
0xa1: {  	s23 =	simm.s32 $0x1B8B  }
0xa2: {  	_ =	swait.ge [sflag:s23], $0x1  }
0xa3: {  	[sflag:s23] =	ssyncset.done $0x0  }
0xa4: {  	s25 =	simm.s32 $0x1B8E;
	s24 =	sld [smem:$0x3FFE];
	[sflag:s23] =	ssyncadd.s32 $0xFFFFFFFF  }
0xa5: {  	s26 =	simm.s32 $execute0_lowered;
	[smem:$0x3FD2] =	sst s25  }
0xa6: {  	s4 =	sshll.u32 s26, $0x1;
	_ =	strace $0x80000046;
	[dreg:$0x1] =	wrdreg $0xFFFFFFFF  }
0xa7: {  	s28 =	simm.s32 $_size_execute0_lowered;
	s2 =	sadd.s32 s2, s4;
	[dreg:$0x0] =	wrdreg $0x0  }
0xa8: {  	s4 =	sshll.u32 s28, $0x1;
	[dreg:$0x2] =	wrdreg s2  }
0xa9: {  	[dreg:$0x3] =	wrdreg s4  }
0xaa: {  	[dreg:$0x4] =	wrdreg $0xC0  }
0xab: {  	_ =	task [dreg:s6], $0x5FFFF  }
0xac: {  	[dreg:$0x1] =	wrdreg $0xFFFFFFFF  }
0xad: {  	[dreg:$0x0] =	wrdreg $0x60  }
0xae: {  	[dreg:$0x2] =	wrdreg s24  }
0xaf: {  	[dreg:$0x3] =	wrdreg $0x51000  }
0xb0: {  	[dreg:$0x4] =	wrdreg $0x9  }
0xb1: {  	_ =	task.clear_ibuf [dreg:s6], $0x5FFFF;
	_ =	strace $0x90000046  }
0xb2: {  	s29 =	simm.s32 $0x9;
	_ =	strace $0x80000048  }
0xb3: {  	_ =	swait.ge [sflag:s29], $0x1  }
0xb4: {  	[sflag:s29] =	ssyncadd.s32 $0xFFFFFFFF  }
0xb5: {  	_ =	strace $0x90000048  }
0xb6: {  	_ =	sfence  }
0xb7: {  	s30 =	sld [smem:$0x0];
	_ =	sdelay $0x2  }
0xb8: {  	s31 =	sshll.u32 s1, $0xD;
	s1 =	sshrl.u32 s1, $0x2  }
0xb9: {  	s3 =	sand.u32 $0x4000, s31;
	s1 =	sadd.s32 s1, s30  }
0xba: {  	s0 =	sor.u32 s3, s0;
	s1 =	sshll.u32 s1, $0x11  }
0xbb: {  	s0 =	sor.u32 s1, s0  }
0xbc: {  	s0 =	sadd.s32 $0x8F2B, s0  }
0xbd: {  	[sflag:s0] =	ssyncadd.remote.s32 $0x1  }
0xbe: {  	_ =	sfence.sel $0xFFFF  }
0xbf: {  	[dreg:$0x0] =	wrdreg $0xFFFFFFFF;
	(pc) =	sbr.abs _section_cstart, $3  }
0xc0: {  	[dreg:$0x1] =	wrdreg $0xFFFFFFFF  }
0xc1: {  	_ =	task.clear_ibuf [dreg:s6], $0x2FFFF;
	_ =	strace $0x9FFFFFFF  }
0xc2: {  	(tm) =	ssettm $0x7FFFFFFF  }
0xc3: {  	_ =	shalt  }
tec
execute0_lowered:
.L_overlay_start_1:
0x0: {  	(tag) =	ssettag $0x1  }
0x1: {  	s0 =	rddreg [dreg:$0x0]  }
0x2: {  	s1 =	rddreg [dreg:$0x1];
	s3 =	simm.s32 $0x0;
	s2 =	stileid.u32  }
0x3: {  	s5 =	srdreg.scid;
	s29 =	simm.s32 $0x100;
	s30 =	simm.s32 $0x4  }
0x4: {  	s31 =	simm.s32 $0x80;
	[smem:$0x7FF] =	sst s3;
	s4 =	sadd.s32 $0x4CA00, s0  }
0x5: {  	s11 =	sadd.s32 $0x52EA00, s0;
	s6 =	smul.u32 $0x4E000, s2;
	s13 =	sadd.s32 $0x42C00, s0  }
0x6: {  	s19 =	sadd.s32 $0xA10A00, s0;
	s16 =	sand.u32 $0x1, s5;
	s12 =	smul.u32 $0x4E20, s2  }
0x7: {  	s23 =	sadd.s32 $0xA37C00, s0;
	s14 =	smul.u32 $0x4E200, s2;
	s8 =	sadd.s32 $0x138000, s1  }
0x8: {  	s15 =	smul.u32 $0x2700, s2;
	p1 =	sne.s32 s2, $0xF;
	p2 =	seq.s32 s2, $0xF  }
0x9: {  	_ =	strace $0x80000047;
	s24 =	ssub.s32 $0x2, s16;
	[dreg:$0x4] =	wrdreg s23  }
0xa: {  	[dreg:$0x3] =	wrdreg s19;
	p0 =	sne.s32 s16, $0x0;
	s16 =	simm.s32 $0x50  }
0xb: {  	s6 =	sshrl.u32 s6, $0x2;
	s7 =	sshrl.u32 s24, $0x1;
	s9 =	sshrl.u32 s12, $0x3  }
0xc: {  	s10 =	sadd.s32 s11, s14;
	s17 =	sadd.s32 $0x50, s12;
	s18 =	sadd.s32 $0xA0, s12  }
0xd: {  	s5 =	sadd.s32 s23, s15;
	s12 =	sadd.s32 s4, s14;
	s25 =	sadd.s32 s19, s15  }
0xe: {  	s6 =	sadd.s32 s6, s1;
	s0 =	ssub.s32 s24, s7;
	[dreg:$0x5] =	wrdreg s5  }
0xf: {  	s9 =	sadd.s32 s13, s9;
	[dreg:$0x6] =	wrdreg s25;
	s26 =	sshrl.u32 s17, $0x3  }
0x10: {  	s17 =	sshll.u32 s17, $0x4;
	s21 =	sshll.u32 s18, $0x4;
	s18 =	sshrl.u32 s18, $0x3  }
0x11: {  	s25 =	smul.u32 $0x9C4, s2;
	s7 =	sadd.s32 $0x11800, s6;
	s14 =	smax.u32 s0, $0x1  }
0x12: {  	s15 =	sadd.s32 $0x2800, s6;
	s22 =	sadd.s32 s11, s17;
	s23 =	sadd.s32 s11, s21  }
0x13: {  	s24 =	sadd.s32 s4, s17;
	s4 =	sadd.s32 s4, s21;
	s20 =	sadd.s32 $0x5000, s6  }
0x14: {  	s21 =	sadd.s32 s13, s26;
	s28 =	sadd.s32 $0xF000, s6;
	[dreg:$0x7] =	wrdreg s22  }
.Ltmp0:
0x15: {  	s0 =	simm.s32 $0x2900;
	[dreg:$0x8] =	wrdreg s23;
	(pc) =	sbr.rel .LBB2_1-.Ltmp0, $4  }
0x16: {  	s11 =	simm.s32 $0x2;
	s17 =	simm.s32 $0x3;
	[dreg:$0x9] =	wrdreg s24  }
0x17: {  	[dreg:$0xa] =	wrdreg s4;
	s22 =	sadd.s32 s13, s18;
	s26 =	sadd.s32 s25, s13  }
0x18: {  	s23 =	sadd.s32 $0x7800, s6;
	s24 =	sadd.s32 $0xA000, s6;
	s13 =	simm.s32 $0x1  }
0x19: {  	v0 =	vimm.f32 $0.0e+00;
	s18 =	simm.s32 $0x0;
	s25 =	sadd.s32 $0x1E, s26;
	s26 =	sadd.s32 $0xC800, s6  }
.LBB2_10:
0x1a: {  	s2 =	sadd.s32 $0x27000, s19;
	s5 =	sshrl.u32 s8, $0x3  }
0x1b: {  	[hbm:s2], [sflag:s4] =	dma.local [spmem:s5], $0x100  }
0x1c: {  	_ =	swait.ge [sflag:s30], $0x100  }
0x1d: {  	[sflag:s30] =	ssyncset.done $0x0  }
0x1e: {  	[sflag:s30] =	ssyncadd.s32 $0xFFFFFF00  }
.LBB2_11:
0x1f: {  	s18 =	sadd.s32 $0x1, s18  }
0x20: {  	p3 =	sne.s32 s18, s14  }
.Ltmp1:
0x21: {  	_ = 	snop;
	(pc) =	sbr.rel @!p3 .LBB2_12-.Ltmp1, $1  }
0x22: {  	_ =	sdelay $0x3  }
.LBB2_1:
0x23: {  	s4 =	simm.s32 $0x0;
	s19 =	simm.s32 $0x200  }
.LBB2_2:
0x24: {  	p3 =	sne.s32 s19, $0x9E00;
	[tilespmem:s4+$0x170] =	vst v0  }
0x25: {  	[tilespmem:s4+$0x100] =	vst v0  }
0x26: {  	[tilespmem:s4+$0x110] =	vst v0  }
.Ltmp2:
0x27: {  	[tilespmem:s4+$0x120] =	vst v0;
	(pc) =	sbr.rel @p3 .LBB2_2-.Ltmp2, $4  }
0x28: {  	[tilespmem:s4+$0x130] =	vst v0  }
0x29: {  	[tilespmem:s4+$0x140] =	vst v0  }
0x2a: {  	[tilespmem:s4+$0x150] =	vst v0  }
0x2b: {  	[tilespmem:s4+$0x160] =	vst v0;
	s4 =	sshra.s32 s19, $0x2;
	s19 =	sadd.s32 $0x200, s19  }
0x2c: {  	[tilespmem:s4+$0x170] =	vst v0  }
0x2d: {  	[tilespmem:s4+$0x100] =	vst v0  }
0x2e: {  	[tilespmem:s4+$0x110] =	vst v0  }
0x2f: {  	[tilespmem:s4+$0x120] =	vst v0  }
0x30: {  	[tilespmem:s4+$0x130] =	vst v0  }
0x31: {  	[tilespmem:s4+$0x140] =	vst v0  }
0x32: {  	[tilespmem:s4+$0x150] =	vst v0  }
0x33: {  	[tilespmem:s4+$0x160] =	vst v0  }
0x34: {  	[spmem:s6] =	stream.linear.scatter [tilespmem:s29], [sflag:$0x4], $0x2800, $0x38;
	[tilespmem:$0x18980] =	vst v63  }
0x35: {  	_ =	swait.ge [sflag:s30], $0x2800  }
0x36: {  	[sflag:s30] =	ssyncset.done $0x0  }
0x37: {  	[sflag:s30] =	ssyncadd.s32 $0xFFFFD800  }
0x38: {  	[spmem:s15] =	stream.linear.scatter [tilespmem:s29], [sflag:$0x4], $0x2800, $0x38;
	[tilespmem:$0x18980] =	vst v63  }
0x39: {  	_ =	swait.ge [sflag:s30], $0x2800  }
0x3a: {  	[sflag:s30] =	ssyncset.done $0x0  }
0x3b: {  	[sflag:s30] =	ssyncadd.s32 $0xFFFFD800  }
0x3c: {  	[spmem:s20] =	stream.linear.scatter [tilespmem:s29], [sflag:$0x4], $0x2800, $0x38;
	[tilespmem:$0x18980] =	vst v63  }
0x3d: {  	_ =	swait.ge [sflag:s30], $0x2800  }
0x3e: {  	[sflag:s30] =	ssyncset.done $0x0  }
0x3f: {  	[sflag:s30] =	ssyncadd.s32 $0xFFFFD800  }
0x40: {  	[spmem:s23] =	stream.linear.scatter [tilespmem:s29], [sflag:$0x4], $0x2800, $0x38;
	[tilespmem:$0x18980] =	vst v63  }
0x41: {  	_ =	swait.ge [sflag:s30], $0x2800  }
0x42: {  	[sflag:s30] =	ssyncset.done $0x0  }
0x43: {  	[sflag:s30] =	ssyncadd.s32 $0xFFFFD800  }
0x44: {  	[spmem:s24] =	stream.linear.scatter [tilespmem:s29], [sflag:$0x4], $0x2800, $0x38;
	[tilespmem:$0x18980] =	vst v63  }
0x45: {  	_ =	swait.ge [sflag:s30], $0x2800  }
0x46: {  	[sflag:s30] =	ssyncset.done $0x0  }
0x47: {  	[sflag:s30] =	ssyncadd.s32 $0xFFFFD800  }
0x48: {  	[spmem:s26] =	stream.linear.scatter [tilespmem:s29], [sflag:$0x4], $0x2800, $0x38;
	[tilespmem:$0x18980] =	vst v63  }
0x49: {  	_ =	swait.ge [sflag:s30], $0x2800  }
0x4a: {  	[sflag:s30] =	ssyncset.done $0x0  }
0x4b: {  	[sflag:s30] =	ssyncadd.s32 $0xFFFFD800  }
0x4c: {  	[spmem:s28] =	stream.linear.scatter [tilespmem:s29], [sflag:$0x4], $0x2800, $0x38;
	[tilespmem:$0x18980] =	vst v63  }
0x4d: {  	_ =	swait.ge [sflag:s30], $0x2800  }
0x4e: {  	[sflag:s30] =	ssyncset.done $0x0  }
0x4f: {  	[sflag:s30] =	ssyncadd.s32 $0xFFFFD800  }
0x50: {  	[spmem:s7] =	stream.linear.scatter [tilespmem:s29], [sflag:$0x4], $0x2000, $0x38;
	[tilespmem:$0x18980] =	vst v63  }
0x51: {  	_ =	swait.ge [sflag:s30], $0x2000  }
0x52: {  	[sflag:s30] =	ssyncset.done $0x0  }
0x53: {  	s4 =	simm.s32 @!p1 $0x100;
	[sflag:s30] =	ssyncadd.s32 $0xFFFFE000  }
0x54: {  	[spmem:s8] =	stream.linear.scatter @!p1 [tilespmem:s4], [sflag:$0x4], $0x800, $0x38;
	[tilespmem:$0x18980] =	vst v63  }
0x55: {  	s4 =	simm.s32 @!p1 $0x4  }
.Ltmp3:
0x56: {  	_ =	swait.ge @!p1 [sflag:s4], $0x800;
	(pc) =	sbr.rel @p0 .LBB2_7-.Ltmp3, $4  }
0x57: {  	[sflag:s4] =	ssyncset.done @!p1 $0x0  }
0x58: {  	[sflag:s4] =	ssyncadd.s32 @!p1 $0xFFFFF800  }
0x59: {  	[bflag:$0x0] =	sbarrier.arrive $0xFFFF  }
0x5a: {  	[tilespmem:s3], [sflag:$0x2] =	stream.linear.gather [hbm4b:s9+s3], $0x50, $0x38;
	[tilespmem:$0x18980] =	vst v63  }
0x5b: {  	s4 =	simm.s32 $0x0  }
0x5c: {  	[tilespmem:s29], [sflag:$0x1] =	stream.linear.gather [hbm4b:s12+s4], $0x2800, $0x38;
	[tilespmem:$0x18980] =	vst v63  }
0x5d: {  	_ = 	snop  }
0x5e: {  	[tilespmem:s31], [sflag:$0x2] =	stream.linear.gather [hbm4b:s21+s4], $0x50, $0x38;
	[tilespmem:$0x18980] =	vst v63  }
0x5f: {  	s2 =	rddreg [dreg:$0x9]  }
0x60: {  	[tilespmem:s0], [sflag:$0x1] =	stream.linear.gather [hbm4b:s2+s4], $0x2800, $0x38;
	[tilespmem:$0x18980] =	vst v63  }
0x61: {  	_ =	swait.ge [sflag:s11], $0x50  }
0x62: {  	[sflag:s11] =	ssyncset.done $0x0  }
0x63: {  	[sflag:s11] =	ssyncadd.s32 $0xFFFFFFB0  }
0x64: {  	_ =	swait.ge [sflag:s13], $0x2800  }
0x65: {  	[sflag:s13] =	ssyncset.done $0x0  }
0x66: {  	[sflag:s13] =	ssyncadd.s32 $0xFFFFD800  }
0x67: {  	[spmem:s1] =	stream.indirect.scatter.add.f32 [tilespmem:s29], [sflag:$0x3], $0x80, s4, s16, $0xb8;
	[tilespmem:$0x18980] =	vst v63  }
0x68: {  	_ =	swait.ge [sflag:s17], $0x2800  }
0x69: {  	[sflag:s17] =	ssyncset.done $0x0  }
0x6a: {  	[sflag:s17] =	ssyncadd.s32 $0xFFFFD800  }
0x6b: {  	[tilespmem:s4], [sflag:$0x2] =	stream.linear.gather [hbm4b:s22+s4], $0x50, $0x38;
	[tilespmem:$0x18980] =	vst v63  }
0x6c: {  	s19 =	rddreg [dreg:$0xa]  }
0x6d: {  	[tilespmem:s29], [sflag:$0x1] =	stream.linear.gather [hbm4b:s19+s4], $0x2800, $0x38;
	[tilespmem:$0x18980] =	vst v63  }
0x6e: {  	_ =	swait.ge [sflag:s11], $0x50  }
0x6f: {  	[sflag:s11] =	ssyncset.done $0x0  }
0x70: {  	[sflag:s11] =	ssyncadd.s32 $0xFFFFFFB0  }
0x71: {  	_ =	swait.ge [sflag:s13], $0x2800  }
0x72: {  	[sflag:s13] =	ssyncset.done $0x0  }
0x73: {  	[sflag:s13] =	ssyncadd.s32 $0xFFFFD800  }
0x74: {  	[spmem:s1] =	stream.indirect.scatter.add.f32 [tilespmem:s0], [sflag:$0x3], $0x80, s31, s16, $0xb8;
	[tilespmem:$0x18980] =	vst v63  }
0x75: {  	_ =	swait.ge [sflag:s17], $0x2800  }
0x76: {  	[sflag:s17] =	ssyncset.done $0x0  }
0x77: {  	s2 =	sadd.s32 $0x0, s12;
	[sflag:s17] =	ssyncadd.s32 $0xFFFFD800  }
0x78: {  	[tilespmem:s31], [sflag:$0x2] =	stream.linear.gather [hbm4b:s25+s3], $0x50, $0x38;
	[tilespmem:$0x18980] =	vst v63  }
0x79: {  	s19 =	sadd.s32 $0xF00, s2  }
0x7a: {  	[tilespmem:s0], [sflag:$0x1] =	stream.linear.gather [hbm4b:s19+s3], $0x2800, $0x38;
	[tilespmem:$0x18980] =	vst v63  }
0x7b: {  	_ =	swait.ge [sflag:s11], $0x50  }
0x7c: {  	[sflag:s11] =	ssyncset.done $0x0  }
0x7d: {  	[sflag:s11] =	ssyncadd.s32 $0xFFFFFFB0  }
0x7e: {  	_ =	swait.ge [sflag:s13], $0x2800  }
0x7f: {  	[sflag:s13] =	ssyncset.done $0x0  }
0x80: {  	[sflag:s13] =	ssyncadd.s32 $0xFFFFD800  }
0x81: {  	[spmem:s1] =	stream.indirect.scatter.add.f32 [tilespmem:s29], [sflag:$0x3], $0x80, s3, s16, $0xb8;
	[tilespmem:$0x18980] =	vst v63  }
0x82: {  	_ =	swait.ge [sflag:s17], $0x2800  }
0x83: {  	[sflag:s17] =	ssyncset.done $0x0  }
0x84: {  	s5 =	sadd.s32 $0xA, s25;
	[sflag:s17] =	ssyncadd.s32 $0xFFFFD800  }
0x85: {  	[tilespmem:s3], [sflag:$0x2] =	stream.linear.gather [hbm4b:s5+s3], $0x50, $0x38;
	[tilespmem:$0x18980] =	vst v63  }
0x86: {  	s4 =	sadd.s32 $0x1400, s2  }
0x87: {  	[tilespmem:s29], [sflag:$0x1] =	stream.linear.gather [hbm4b:s4+s3], $0x2800, $0x38;
	[tilespmem:$0x18980] =	vst v63  }
0x88: {  	_ =	swait.ge [sflag:s11], $0x50  }
0x89: {  	[sflag:s11] =	ssyncset.done $0x0  }
0x8a: {  	[sflag:s11] =	ssyncadd.s32 $0xFFFFFFB0  }
0x8b: {  	_ =	swait.ge [sflag:s13], $0x2800  }
0x8c: {  	[sflag:s13] =	ssyncset.done $0x0  }
0x8d: {  	s19 =	simm.s32 $0xA00;
	s4 =	sadd.s32 $0x14, s25;
	[sflag:s13] =	ssyncadd.s32 $0xFFFFD800  }
.LBB2_5:
0x8e: {  	[spmem:s1] =	stream.indirect.scatter.add.f32 [tilespmem:s0], [sflag:$0x3], $0x80, s31, s16, $0xb8;
	[tilespmem:$0x18980] =	vst v63  }
0x8f: {  	s5 =	smov.u32 s19;
	s19 =	sadd.s32 $0xA00, s19;
	_ =	swait.ge [sflag:s17], $0x2800  }
0x90: {  	p3 =	sne.s32 s19, $0x4CE00;
	[sflag:s17] =	ssyncset.done $0x0  }
0x91: {  	s5 =	sadd.s32 s5, s12;
	[sflag:s17] =	ssyncadd.s32 $0xFFFFD800  }
0x92: {  	[tilespmem:s31], [sflag:$0x2] =	stream.linear.gather [hbm4b:s4+s3], $0x50, $0x38;
	[tilespmem:$0x18980] =	vst v63  }
0x93: {  	s2 =	sadd.s32 $0xF00, s5  }
0x94: {  	[tilespmem:s0], [sflag:$0x1] =	stream.linear.gather [hbm4b:s2+s3], $0x2800, $0x38;
	[tilespmem:$0x18980] =	vst v63  }
0x95: {  	_ =	swait.ge [sflag:s11], $0x50  }
0x96: {  	[sflag:s11] =	ssyncset.done $0x0  }
0x97: {  	[sflag:s11] =	ssyncadd.s32 $0xFFFFFFB0  }
0x98: {  	_ =	swait.ge [sflag:s13], $0x2800  }
0x99: {  	[sflag:s13] =	ssyncset.done $0x0  }
0x9a: {  	[sflag:s13] =	ssyncadd.s32 $0xFFFFD800  }
0x9b: {  	[spmem:s1] =	stream.indirect.scatter.add.f32 [tilespmem:s29], [sflag:$0x3], $0x80, s3, s16, $0xb8;
	[tilespmem:$0x18980] =	vst v63  }
0x9c: {  	_ =	swait.ge [sflag:s17], $0x2800  }
0x9d: {  	[sflag:s17] =	ssyncset.done $0x0  }
0x9e: {  	s2 =	sadd.s32 $0xA, s4;
	[sflag:s17] =	ssyncadd.s32 $0xFFFFD800  }
0x9f: {  	[tilespmem:s3], [sflag:$0x2] =	stream.linear.gather [hbm4b:s2+s3], $0x50, $0x38;
	[tilespmem:$0x18980] =	vst v63  }
0xa0: {  	s2 =	sadd.s32 $0x1400, s5  }
0xa1: {  	[tilespmem:s29], [sflag:$0x1] =	stream.linear.gather [hbm4b:s2+s3], $0x2800, $0x38;
	[tilespmem:$0x18980] =	vst v63  }
0xa2: {  	_ =	swait.ge [sflag:s11], $0x50  }
.Ltmp4:
0xa3: {  	[sflag:s11] =	ssyncset.done $0x0;
	(pc) =	sbr.rel @p3 .LBB2_5-.Ltmp4, $4  }
0xa4: {  	[sflag:s11] =	ssyncadd.s32 $0xFFFFFFB0  }
0xa5: {  	_ =	swait.ge [sflag:s13], $0x2800  }
0xa6: {  	[sflag:s13] =	ssyncset.done $0x0  }
0xa7: {  	s4 =	sadd.s32 $0x14, s4;
	[sflag:s13] =	ssyncadd.s32 $0xFFFFD800  }
0xa8: {  	[spmem:s1] =	stream.indirect.scatter.add.f32 [tilespmem:s0], [sflag:$0x3], $0x80, s31, s16, $0xb8;
	[tilespmem:$0x18980] =	vst v63  }
0xa9: {  	_ =	swait.ge [sflag:s17], $0x2800  }
0xaa: {  	[sflag:s17] =	ssyncset.done $0x0  }
0xab: {  	s2 =	sadd.s32 s19, s12;
	[sflag:s17] =	ssyncadd.s32 $0xFFFFD800  }
0xac: {  	[tilespmem:s31], [sflag:$0x2] =	stream.linear.gather [hbm4b:s4+s3], $0x50, $0x38;
	[tilespmem:$0x18980] =	vst v63  }
0xad: {  	s2 =	sadd.s32 $0xF00, s2  }
0xae: {  	[tilespmem:s0], [sflag:$0x1] =	stream.linear.gather [hbm4b:s2+s3], $0x2800, $0x38;
	[tilespmem:$0x18980] =	vst v63  }
0xaf: {  	_ =	swait.ge [sflag:s11], $0x50  }
0xb0: {  	[sflag:s11] =	ssyncset.done $0x0  }
0xb1: {  	[sflag:s11] =	ssyncadd.s32 $0xFFFFFFB0  }
0xb2: {  	_ =	swait.ge [sflag:s13], $0x2800  }
0xb3: {  	[sflag:s13] =	ssyncset.done $0x0  }
0xb4: {  	[sflag:s13] =	ssyncadd.s32 $0xFFFFD800  }
0xb5: {  	[spmem:s1] =	stream.indirect.scatter.add.f32 [tilespmem:s29], [sflag:$0x3], $0x80, s3, s16, $0xb8;
	[tilespmem:$0x18980] =	vst v63  }
0xb6: {  	_ =	swait.ge [sflag:s17], $0x2800  }
0xb7: {  	[sflag:s17] =	ssyncset.done $0x0  }
0xb8: {  	[sflag:s17] =	ssyncadd.s32 $0xFFFFD800  }
0xb9: {  	_ =	swait.ge [sflag:s11], $0x50  }
0xba: {  	[sflag:s11] =	ssyncset.done $0x0  }
0xbb: {  	[sflag:s11] =	ssyncadd.s32 $0xFFFFFFB0  }
0xbc: {  	_ =	swait.ge [sflag:s13], $0x2800  }
0xbd: {  	[sflag:s13] =	ssyncset.done $0x0  }
0xbe: {  	[sflag:s13] =	ssyncadd.s32 $0xFFFFD800  }
0xbf: {  	[spmem:s1] =	stream.indirect.scatter.add.f32 [tilespmem:s0], [sflag:$0x3], $0x80, s31, s16, $0xb8;
	[tilespmem:$0x18980] =	vst v63  }
0xc0: {  	_ =	swait.ge [sflag:s17], $0x2800  }
0xc1: {  	[sflag:s17] =	ssyncset.done $0x0  }
0xc2: {  	s5 =	stileid.u32;
	[sflag:s17] =	ssyncadd.s32 $0xFFFFD800  }
0xc3: {  	s2 =	sshll.u32 s5, $0x6;
	[bflag:$0x0] =	sbarrier.arrive $0xFFFF  }
0xc4: {  	s19 =	sshrl.u32 s6, $0x3;
	s4 =	sor.u32 $0x1C04, s2;
	s5 =	rddreg [dreg:$0x6]  }
0xc5: {  	[hbm:s5], [sflag:s4] =	dma.local [spmem:s19], $0x2700  }
.Ltmp5:
0xc6: {  	_ = 	snop;
	(pc) =	sbr.rel @p2 .LBB2_10-.Ltmp5, $4  }
.Ltmp6:
0xc7: {  	_ = 	snop;
	(pc) =	sbr.rel @!p2 .LBB2_11-.Ltmp6, $4  }
0xc8: {  	_ =	swait.ge [sflag:s30], $0x2700  }
0xc9: {  	[sflag:s30] =	ssyncset.done $0x0  }
0xca: {  	s19 =	rddreg [dreg:$0x3];
	[sflag:s30] =	ssyncadd.s32 $0xFFFFD900  }
0xcb: {  	_ = 	snop  }
.LBB2_7:
0xcc: {  	s2 =	simm.s32 $0x0  }
0xcd: {  	[tilespmem:s29], [sflag:$0x1] =	stream.linear.gather [hbm4b:s10+s2], $0x2800, $0x38;
	[tilespmem:$0x18980] =	vst v63  }
0xce: {  	_ = 	snop  }
0xcf: {  	[tilespmem:s31], [sflag:$0x2] =	stream.linear.gather [hbm4b:s21+s2], $0x50, $0x38;
	[tilespmem:$0x18980] =	vst v63  }
0xd0: {  	s4 =	rddreg [dreg:$0x7]  }
0xd1: {  	[tilespmem:s0], [sflag:$0x1] =	stream.linear.gather [hbm4b:s4+s2], $0x2800, $0x38;
	[tilespmem:$0x18980] =	vst v63  }
0xd2: {  	_ =	swait.ge [sflag:s11], $0x50  }
0xd3: {  	[sflag:s11] =	ssyncset.done $0x0  }
0xd4: {  	[sflag:s11] =	ssyncadd.s32 $0xFFFFFFB0  }
0xd5: {  	_ =	swait.ge [sflag:s13], $0x2800  }
0xd6: {  	[sflag:s13] =	ssyncset.done $0x0  }
0xd7: {  	[sflag:s13] =	ssyncadd.s32 $0xFFFFD800  }
0xd8: {  	[spmem:s1] =	stream.indirect.scatter.add.f32 [tilespmem:s29], [sflag:$0x3], $0x80, s2, s16, $0xb8;
	[tilespmem:$0x18980] =	vst v63  }
0xd9: {  	_ =	swait.ge [sflag:s17], $0x2800  }
0xda: {  	[sflag:s17] =	ssyncset.done $0x0  }
0xdb: {  	[sflag:s17] =	ssyncadd.s32 $0xFFFFD800  }
0xdc: {  	[tilespmem:s2], [sflag:$0x2] =	stream.linear.gather [hbm4b:s22+s2], $0x50, $0x38;
	[tilespmem:$0x18980] =	vst v63  }
0xdd: {  	s19 =	rddreg [dreg:$0x8]  }
0xde: {  	[tilespmem:s29], [sflag:$0x1] =	stream.linear.gather [hbm4b:s19+s2], $0x2800, $0x38;
	[tilespmem:$0x18980] =	vst v63  }
0xdf: {  	_ =	swait.ge [sflag:s11], $0x50  }
0xe0: {  	[sflag:s11] =	ssyncset.done $0x0  }
0xe1: {  	[sflag:s11] =	ssyncadd.s32 $0xFFFFFFB0  }
0xe2: {  	_ =	swait.ge [sflag:s13], $0x2800  }
0xe3: {  	[sflag:s13] =	ssyncset.done $0x0  }
0xe4: {  	[sflag:s13] =	ssyncadd.s32 $0xFFFFD800  }
0xe5: {  	[spmem:s1] =	stream.indirect.scatter.add.f32 [tilespmem:s0], [sflag:$0x3], $0x80, s31, s16, $0xb8;
	[tilespmem:$0x18980] =	vst v63  }
0xe6: {  	_ =	swait.ge [sflag:s17], $0x2800  }
0xe7: {  	[sflag:s17] =	ssyncset.done $0x0  }
0xe8: {  	s2 =	sadd.s32 $0x0, s10;
	[sflag:s17] =	ssyncadd.s32 $0xFFFFD800  }
0xe9: {  	[tilespmem:s31], [sflag:$0x2] =	stream.linear.gather [hbm4b:s25+s3], $0x50, $0x38;
	[tilespmem:$0x18980] =	vst v63  }
0xea: {  	s5 =	sadd.s32 $0xF00, s2  }
0xeb: {  	[tilespmem:s0], [sflag:$0x1] =	stream.linear.gather [hbm4b:s5+s3], $0x2800, $0x38;
	[tilespmem:$0x18980] =	vst v63  }
0xec: {  	_ =	swait.ge [sflag:s11], $0x50  }
0xed: {  	[sflag:s11] =	ssyncset.done $0x0  }
0xee: {  	[sflag:s11] =	ssyncadd.s32 $0xFFFFFFB0  }
0xef: {  	_ =	swait.ge [sflag:s13], $0x2800  }
0xf0: {  	[sflag:s13] =	ssyncset.done $0x0  }
0xf1: {  	[sflag:s13] =	ssyncadd.s32 $0xFFFFD800  }
0xf2: {  	[spmem:s1] =	stream.indirect.scatter.add.f32 [tilespmem:s29], [sflag:$0x3], $0x80, s3, s16, $0xb8;
	[tilespmem:$0x18980] =	vst v63  }
0xf3: {  	_ =	swait.ge [sflag:s17], $0x2800  }
0xf4: {  	[sflag:s17] =	ssyncset.done $0x0  }
0xf5: {  	s19 =	sadd.s32 $0xA, s25;
	[sflag:s17] =	ssyncadd.s32 $0xFFFFD800  }
0xf6: {  	[tilespmem:s3], [sflag:$0x2] =	stream.linear.gather [hbm4b:s19+s3], $0x50, $0x38;
	[tilespmem:$0x18980] =	vst v63  }
0xf7: {  	s2 =	sadd.s32 $0x1400, s2  }
0xf8: {  	[tilespmem:s29], [sflag:$0x1] =	stream.linear.gather [hbm4b:s2+s3], $0x2800, $0x38;
	[tilespmem:$0x18980] =	vst v63  }
0xf9: {  	_ =	swait.ge [sflag:s11], $0x50  }
0xfa: {  	[sflag:s11] =	ssyncset.done $0x0  }
0xfb: {  	[sflag:s11] =	ssyncadd.s32 $0xFFFFFFB0  }
0xfc: {  	_ =	swait.ge [sflag:s13], $0x2800  }
0xfd: {  	[sflag:s13] =	ssyncset.done $0x0  }
0xfe: {  	s4 =	sadd.s32 $0x14, s25;
	s19 =	simm.s32 $0xA00;
	[sflag:s13] =	ssyncadd.s32 $0xFFFFD800  }
.LBB2_8:
0xff: {  	[spmem:s1] =	stream.indirect.scatter.add.f32 [tilespmem:s0], [sflag:$0x3], $0x80, s31, s16, $0xb8;
	[tilespmem:$0x18980] =	vst v63  }
0x100: {  	s2 =	smov.u32 s19;
	s19 =	sadd.s32 $0xA00, s19;
	_ =	swait.ge [sflag:s17], $0x2800  }
0x101: {  	p3 =	sne.s32 s19, $0x4CE00;
	[sflag:s17] =	ssyncset.done $0x0  }
0x102: {  	s2 =	sadd.s32 s2, s10;
	[sflag:s17] =	ssyncadd.s32 $0xFFFFD800  }
0x103: {  	[tilespmem:s31], [sflag:$0x2] =	stream.linear.gather [hbm4b:s4+s3], $0x50, $0x38;
	[tilespmem:$0x18980] =	vst v63  }
0x104: {  	s5 =	sadd.s32 $0xF00, s2  }
0x105: {  	[tilespmem:s0], [sflag:$0x1] =	stream.linear.gather [hbm4b:s5+s3], $0x2800, $0x38;
	[tilespmem:$0x18980] =	vst v63  }
0x106: {  	_ =	swait.ge [sflag:s11], $0x50  }
0x107: {  	[sflag:s11] =	ssyncset.done $0x0  }
0x108: {  	[sflag:s11] =	ssyncadd.s32 $0xFFFFFFB0  }
0x109: {  	_ =	swait.ge [sflag:s13], $0x2800  }
0x10a: {  	[sflag:s13] =	ssyncset.done $0x0  }
0x10b: {  	[sflag:s13] =	ssyncadd.s32 $0xFFFFD800  }
0x10c: {  	[spmem:s1] =	stream.indirect.scatter.add.f32 [tilespmem:s29], [sflag:$0x3], $0x80, s3, s16, $0xb8;
	[tilespmem:$0x18980] =	vst v63  }
0x10d: {  	_ =	swait.ge [sflag:s17], $0x2800  }
0x10e: {  	[sflag:s17] =	ssyncset.done $0x0  }
0x10f: {  	s5 =	sadd.s32 $0xA, s4;
	[sflag:s17] =	ssyncadd.s32 $0xFFFFD800  }
0x110: {  	[tilespmem:s3], [sflag:$0x2] =	stream.linear.gather [hbm4b:s5+s3], $0x50, $0x38;
	[tilespmem:$0x18980] =	vst v63  }
0x111: {  	s2 =	sadd.s32 $0x1400, s2  }
0x112: {  	[tilespmem:s29], [sflag:$0x1] =	stream.linear.gather [hbm4b:s2+s3], $0x2800, $0x38;
	[tilespmem:$0x18980] =	vst v63  }
0x113: {  	_ =	swait.ge [sflag:s11], $0x50  }
.Ltmp7:
0x114: {  	[sflag:s11] =	ssyncset.done $0x0;
	(pc) =	sbr.rel @p3 .LBB2_8-.Ltmp7, $4  }
0x115: {  	[sflag:s11] =	ssyncadd.s32 $0xFFFFFFB0  }
0x116: {  	_ =	swait.ge [sflag:s13], $0x2800  }
0x117: {  	[sflag:s13] =	ssyncset.done $0x0  }
0x118: {  	s4 =	sadd.s32 $0x14, s4;
	[sflag:s13] =	ssyncadd.s32 $0xFFFFD800  }
0x119: {  	[spmem:s1] =	stream.indirect.scatter.add.f32 [tilespmem:s0], [sflag:$0x3], $0x80, s31, s16, $0xb8;
	[tilespmem:$0x18980] =	vst v63  }
0x11a: {  	_ =	swait.ge [sflag:s17], $0x2800  }
0x11b: {  	[sflag:s17] =	ssyncset.done $0x0  }
0x11c: {  	s2 =	sadd.s32 s19, s10;
	[sflag:s17] =	ssyncadd.s32 $0xFFFFD800  }
0x11d: {  	[tilespmem:s31], [sflag:$0x2] =	stream.linear.gather [hbm4b:s4+s3], $0x50, $0x38;
	[tilespmem:$0x18980] =	vst v63  }
0x11e: {  	s2 =	sadd.s32 $0xF00, s2  }
0x11f: {  	[tilespmem:s0], [sflag:$0x1] =	stream.linear.gather [hbm4b:s2+s3], $0x2800, $0x38;
	[tilespmem:$0x18980] =	vst v63  }
0x120: {  	_ =	swait.ge [sflag:s11], $0x50  }
0x121: {  	[sflag:s11] =	ssyncset.done $0x0  }
0x122: {  	[sflag:s11] =	ssyncadd.s32 $0xFFFFFFB0  }
0x123: {  	_ =	swait.ge [sflag:s13], $0x2800  }
0x124: {  	[sflag:s13] =	ssyncset.done $0x0  }
0x125: {  	[sflag:s13] =	ssyncadd.s32 $0xFFFFD800  }
0x126: {  	[spmem:s1] =	stream.indirect.scatter.add.f32 [tilespmem:s29], [sflag:$0x3], $0x80, s3, s16, $0xb8;
	[tilespmem:$0x18980] =	vst v63  }
0x127: {  	_ =	swait.ge [sflag:s17], $0x2800  }
0x128: {  	[sflag:s17] =	ssyncset.done $0x0  }
0x129: {  	[sflag:s17] =	ssyncadd.s32 $0xFFFFD800  }
0x12a: {  	_ =	swait.ge [sflag:s11], $0x50  }
0x12b: {  	[sflag:s11] =	ssyncset.done $0x0  }
0x12c: {  	[sflag:s11] =	ssyncadd.s32 $0xFFFFFFB0  }
0x12d: {  	_ =	swait.ge [sflag:s13], $0x2800  }
0x12e: {  	[sflag:s13] =	ssyncset.done $0x0  }
0x12f: {  	[sflag:s13] =	ssyncadd.s32 $0xFFFFD800  }
0x130: {  	[spmem:s1] =	stream.indirect.scatter.add.f32 [tilespmem:s0], [sflag:$0x3], $0x80, s31, s16, $0xb8;
	[tilespmem:$0x18980] =	vst v63  }
0x131: {  	_ =	swait.ge [sflag:s17], $0x2800  }
0x132: {  	[sflag:s17] =	ssyncset.done $0x0  }
0x133: {  	s5 =	stileid.u32;
	[sflag:s17] =	ssyncadd.s32 $0xFFFFD800  }
0x134: {  	s2 =	sshll.u32 s5, $0x6;
	[bflag:$0x0] =	sbarrier.arrive $0xFFFF  }
0x135: {  	s19 =	sshrl.u32 s6, $0x3;
	s4 =	sor.u32 $0x1C04, s2;
	s5 =	rddreg [dreg:$0x5]  }
0x136: {  	[hbm:s5], [sflag:s4] =	dma.local [spmem:s19], $0x2700  }
.Ltmp8:
0x137: {  	_ = 	snop;
	(pc) =	sbr.rel @p1 .LBB2_11-.Ltmp8, $4  }
.Ltmp9:
0x138: {  	_ = 	snop;
	(pc) =	sbr.rel @!p1 .LBB2_10-.Ltmp9, $4  }
0x139: {  	_ =	swait.ge [sflag:s30], $0x2700  }
0x13a: {  	[sflag:s30] =	ssyncset.done $0x0  }
0x13b: {  	s19 =	rddreg [dreg:$0x4];
	[sflag:s30] =	ssyncadd.s32 $0xFFFFD900  }
0x13c: {  	_ = 	snop  }
.LBB2_12:
0x13d: {  	_ =	sfence.sel $0x180000  }
0x13e: {  	[bflag:$0x0] =	sbarrier.arrive $0xFFFF  }
0x13f: {  	_ =	strace $0x90000047  }
0x140: {  	s0 =	stileid.u32;
	[bflag:$0x2] =	sbarrier.arrive $0xFFFF  }
0x141: {  	p0 =	sne.s32 s0, $0x0;
	s0 =	rddreg [dreg:$0x2]  }
0x142: {  	s0 =	sadd.s32 @!p0 $0x100000, s0  }
0x143: {  	[sflag:s0] =	ssyncadd.tile.s32 @!p0 $0x1;
	_ =	shalt  }
.Lfunc_end2:
_tile_overlayer_lowered:
.L_overlay_start_2:
0x144: {  	(tag) =	ssettag $0x2  }
0x145: {  	s0 =	rddreg [dreg:$0x0];
	s2 =	stileid.u32  }
0x146: {  	s1 =	rddreg [dreg:$0x1];
	p0 =	sne.s32 s2, $0x0  }
0x147: {  	s3 =	rddreg [dreg:$0x2];
	[bflag:$0x3] =	sbarrier.arrive $0xFFFF;
	s2 =	simm.s32 @!p0 $0x1C04  }
0x148: {  	[timem:s3], [sflag:s2] =	dma.local @!p0 [hbm:s0], s1  }
0x149: {  	s0 =	simm.s32 @!p0 $0x4  }
0x14a: {  	_ =	swait.ge @!p0 [sflag:s0], s1  }
0x14b: {  	s1 =	ssub.s32 @!p0 $0x0, s1;
	[sflag:s0] =	ssyncset.done @!p0 $0x0  }
0x14c: {  	[sflag:s0] =	ssyncadd.s32 @!p0 s1  }
0x14d: {  	[bflag:$0x3] =	sbarrier.arrive $0xFFFF  }
0x14e: {  	_ =	shalt  }

</sc_bundles>
